<compile_context>
chip_gen: v7x
topology: tpu7x:2x2x1
jax: 0.10.2.dev20260603
libtpu: 0.0.44.dev20260713+nightly
codegen_flags: <defaults>
</compile_context>

<pallas_src>
import functools

import jax
import jax.numpy as jnp
from jax import lax
from jax.experimental import pallas as pl
from jax.experimental.pallas import tpu as pltpu
from jax.experimental.pallas import tpu_sc as plsc

N, D, H, NB = 10000, 128, 128, 32
DEPTH = 6

_info = plsc.get_sparse_core_info()
NC, NS, L = _info.num_cores, _info.num_subcores, _info.num_lanes
NW = NC * NS
NPAD = 10240
G = 64
NP0 = 5
CHUNK0 = NP0 * G
NSLOT = 4


def _sc_gather_sum(idx_r, msg):
    mesh = plsc.VectorSubcoreMesh(core_axis_name="c", subcore_axis_name="s")

    @functools.partial(
        pl.kernel,
        out_type=jax.ShapeDtypeStruct((NPAD, D), jnp.float32),
        mesh=mesh,
        scratch_types=[
            pltpu.VMEM((NB, NP0, G), jnp.int32),
            pltpu.VMEM((NSLOT, G, D), jnp.float32),
            pltpu.VMEM((1, G), jnp.int32),
            pltpu.VMEM_SHARED((NS * G, D), jnp.float32),
            [pltpu.SemaphoreType.DMA] * NSLOT,
            [pltpu.SemaphoreType.DMA] * NSLOT,
        ],
    )
    def body(idx_hbm, msg_hbm, out_hbm, idx_v, buf_v, lin_v, acc_s,
             gsem, ssem):
        ss = lax.axis_index("s")
        cc = lax.axis_index("c")
        wid = cc * NS + ss
        obase = wid * CHUNK0
        abase = ss * G
        for t in range(G // L):
            lin_v[0, pl.ds(t * L, L)] = (
                jnp.arange(L, dtype=jnp.int32) + abase + t * L
            )
        pltpu.sync_copy(idx_hbm.at[wid], idx_v)

        def g_start(j, p, slot):
            pltpu.async_copy(
                msg_hbm.at[idx_v.at[j, p]], buf_v.at[slot], gsem[slot]
            )

        def g_wait(slot):
            pltpu.make_async_copy(
                msg_hbm.at[idx_v.at[0, 0]], buf_v.at[slot], gsem[slot]
            ).wait()

        def s_start(slot):
            pltpu.async_copy(
                buf_v.at[slot], acc_s.at[lin_v.at[0]], ssem[slot], add=True
            )

        def s_wait(slot):
            pltpu.make_async_copy(
                buf_v.at[slot], acc_s.at[lin_v.at[0]], ssem[slot]
            ).wait()

        def run_pass(p, _):
            for b in range(NSLOT):
                g_start(b, p, b)
            g_wait(0)
            pltpu.async_copy(buf_v.at[0], acc_s.at[pl.ds(abase, G)], ssem[0])
            pltpu.make_async_copy(
                buf_v.at[0], acc_s.at[pl.ds(abase, G)], ssem[0]
            ).wait()
            g_start(NSLOT, p, 0)
            for b in range(1, NSLOT):
                g_wait(b)
                s_start(b)
                s_wait(b)
                g_start(b + NSLOT, p, b)

            def group_step(jj, _):
                for b in range(NSLOT):
                    j = NSLOT * jj + b
                    g_wait(b)
                    s_start(b)
                    s_wait(b)

                    @pl.when(j + NSLOT < NB)
                    def _():
                        g_start(j + NSLOT, p, b)

                return 0

            lax.fori_loop(1, NB // NSLOT, group_step, 0)
            pltpu.sync_copy(
                acc_s.at[pl.ds(abase, G)],
                out_hbm.at[pl.ds(obase + p * G, G)],
            )
            return 0

        lax.fori_loop(0, NP0, run_pass, 0)


    return body(idx_r, msg)


def _tc_matmul_relu(x, wt):
    bm = 1024

    def body(x_ref, w_ref, o_ref):
        o_ref[...] = jnp.maximum(
            jnp.dot(x_ref[...], w_ref[...], preferred_element_type=jnp.float32),
            0.0,
        )

    return pl.pallas_call(
        body,
        grid=(NPAD // bm,),
        in_specs=[
            pl.BlockSpec((bm, D), lambda i: (i, 0)),
            pl.BlockSpec((D, H), lambda i: (0, 0)),
        ],
        out_specs=pl.BlockSpec((bm, H), lambda i: (i, 0)),
        out_shape=jax.ShapeDtypeStruct((NPAD, H), jnp.float32),
    )(x, wt)


def kernel(init_messages, init_attached_features, a2nei, a2attached, W_i, W_h):
    del init_attached_features, a2attached
    fill = (
        jnp.arange(NPAD - N, dtype=jnp.int32)[:, None] * NB
        + jnp.arange(NB, dtype=jnp.int32)[None, :]
    ) % N
    idx = jnp.concatenate([a2nei.astype(jnp.int32), fill], axis=0)
    idx_t = idx.T
    idx_r = (
        idx_t.reshape(NB, NW, NP0, G).transpose(1, 0, 2, 3)
    )

    x = jnp.pad(init_messages, ((0, NPAD - N), (0, 0)))
    msg = _tc_matmul_relu(x, W_i.T)
    for _ in range(DEPTH - 1):
        s = _sc_gather_sum(idx_r, msg)
        msg = _tc_matmul_relu(s, W_h.T)
    return msg[:N]

# --- scband reference (transcript-rebuilt; emitter-appended) ---
"""Pipeline reference for scband-mpnencoder-24824910971089 (READ-ONLY COPY).

The authoritative reference and input builder live on the scoring server;
editing this copy changes nothing except your own understanding.
"""

import jax, jax.numpy as jnp
import numpy as np

DEPTH = 6
N, D, H, NB = 10000, 128, 128, 32


def setup_inputs(seed: int = 0) -> dict:
    key = jax.random.key(seed)
    k1, k2, k3, k4, k5, k6 = jax.random.split(key, 6)
    init_messages = jax.random.normal(k1, (N, D), dtype=jnp.float32)
    init_attached_features = jax.random.normal(k2, (N, D), dtype=jnp.float32)
    a2nei = jax.random.randint(k3, (N, NB), 0, N)
    a2attached = jax.random.randint(k4, (N, NB), 0, N)
    W_i = jax.random.normal(k5, (H, D), dtype=jnp.float32) * 0.05
    W_h = jax.random.normal(k6, (H, H), dtype=jnp.float32) * 0.05
    return {"init_messages": init_messages, "init_attached_features": init_attached_features,
            "a2nei": a2nei, "a2attached": a2attached, "W_i": W_i, "W_h": W_h}


def reference(init_messages, init_attached_features, a2nei, a2attached, W_i, W_h):
    # input_layer == 'fc': W_i (bias=False) then activation
    inp = init_messages @ W_i.T
    message = jax.nn.relu(inp)
    # atom_messages=True, attach_fea=False, undirected=False, dense=True
    # dynamic_depth='none' and eval mode -> ndepth = DEPTH; dropout p=0 is identity
    for _ in range(DEPTH - 1):
        # select_neighbor_and_aggregate: gather neighbor messages and sum over neighbor axis
        nei_message = jnp.take(message, a2nei, axis=0).sum(axis=1)
        a_message = nei_message
        message = a_message @ W_h.T
        message = jax.nn.relu(message)  # dense=True: act(message)
    return message

if __name__ == "__main__":
    import jax
    _d = setup_inputs()
    print(jax.jit(kernel)(*tuple(_d.values())))

</pallas_src>

<mosaic_0001>
#map = affine_map<(d0, d1) -> (0, 0, 0, 0)>
#map1 = affine_map<(d0, d1) -> (0, 0)>
module attributes {stable_mosaic.version = 14 : i64} {
  func.func @body(%arg0: i32, %arg1: i32, %arg2: memref<32x32x5x64xi32, #tpu.memory_space<hbm>>, %arg3: memref<10240x128xf32, #tpu.memory_space<hbm>>, %arg4: memref<10240x128xf32, #tpu.memory_space<hbm>>, %arg5: memref<32x5x64xi32, #tpu.memory_space<vmem>>, %arg6: memref<4x64x128xf32, #tpu.memory_space<vmem>>, %arg7: memref<1x64xi32, #tpu.memory_space<vmem>>, %arg8: memref<1024x128xf32, #tpu.memory_space<vmem_shared>>, %arg9: memref<!tpu.dma_semaphore, #tpu.memory_space<semaphore_mem>>, %arg10: memref<!tpu.dma_semaphore, #tpu.memory_space<semaphore_mem>>, %arg11: memref<!tpu.dma_semaphore, #tpu.memory_space<semaphore_mem>>, %arg12: memref<!tpu.dma_semaphore, #tpu.memory_space<semaphore_mem>>, %arg13: memref<!tpu.dma_semaphore, #tpu.memory_space<semaphore_mem>>, %arg14: memref<!tpu.dma_semaphore, #tpu.memory_space<semaphore_mem>>, %arg15: memref<!tpu.dma_semaphore, #tpu.memory_space<semaphore_mem>>, %arg16: memref<!tpu.dma_semaphore, #tpu.memory_space<semaphore_mem>>) attributes {dimension_semantics = [#tpu.dimension_semantics<core_parallel>, #tpu.dimension_semantics<subcore_parallel>], iteration_bounds = array<i64: 2, 16>, scalar_prefetch = 0 : i64, scratch_operands = 12 : i64, tpu.core_type = #tpu.core_type<sc_vector_subcore>, window_params = [{transform_indices = #map}, {transform_indices = #map1}, {transform_indices = #map1}]} {
    %mul3A = arith.constant 16 : i32
    %mul3A_0 = arith.muli %arg0, %mul3A : i32
    %add3A = arith.addi %mul3A_0, %arg1 : i32
    %mul3A_1 = arith.constant 320 : i32
    %mul3A_2 = arith.muli %add3A, %mul3A_1 : i32
    %mul3A_3 = arith.constant 64 : i32
    %mul3A_4 = arith.muli %arg1, %mul3A_3 : i32
    %iota3A = tpu.iota {dimensions = array<i32: 0>} : vector<16xi32>
    %add3A_5 = vector.broadcast %mul3A_4 : i32 to vector<16xi32>
    %add3A_6 = arith.addi %iota3A, %add3A_5 : vector<16xi32>
    %add3A_7 = arith.constant 0 : i32
    %add3A_8 = vector.broadcast %add3A_7 : i32 to vector<16xi32>
    %add3A_9 = arith.addi %add3A_6, %add3A_8 : vector<16xi32>
    %swap3A = arith.constant 0 : i32
    %swap3A_10 = arith.index_cast %swap3A : i32 to index
    %swap3A_11 = arith.constant 0 : index
    %swap3A_12 = tpu.vector_load %arg7[%swap3A_10, %swap3A_11] {strides = array<i32>} : memref<1x64xi32, #tpu.memory_space<vmem>>, vector<1x16xi32>,
    %swap3A_13 = vector.shape_cast %swap3A_12 : vector<1x16xi32> to vector<16xi32>
    %swap3A_14 = vector.shape_cast %add3A_9 : vector<16xi32> to vector<1x16xi32>
    tpu.vector_store %arg7[%swap3A_10, %swap3A_11], %swap3A_14 {strides = array<i32>} : memref<1x64xi32, #tpu.memory_space<vmem>>, vector<1x16xi32>,
    %iota3A_15 = tpu.iota {dimensions = array<i32: 0>} : vector<16xi32>
    %add3A_16 = vector.broadcast %mul3A_4 : i32 to vector<16xi32>
    %add3A_17 = arith.addi %iota3A_15, %add3A_16 : vector<16xi32>
    %add3A_18 = arith.constant 16 : i32
    %add3A_19 = vector.broadcast %add3A_18 : i32 to vector<16xi32>
    %add3A_20 = arith.addi %add3A_17, %add3A_19 : vector<16xi32>
    %swap3A_21 = arith.constant 0 : i32
    %swap3A_22 = arith.index_cast %swap3A_21 : i32 to index
    %swap3A_23 = arith.constant 16 : index
    %swap3A_24 = tpu.vector_load %arg7[%swap3A_22, %swap3A_23] {strides = array<i32>} : memref<1x64xi32, #tpu.memory_space<vmem>>, vector<1x16xi32>,
    %swap3A_25 = vector.shape_cast %swap3A_24 : vector<1x16xi32> to vector<16xi32>
    %swap3A_26 = vector.shape_cast %add3A_20 : vector<16xi32> to vector<1x16xi32>
    tpu.vector_store %arg7[%swap3A_22, %swap3A_23], %swap3A_26 {strides = array<i32>} : memref<1x64xi32, #tpu.memory_space<vmem>>, vector<1x16xi32>,
    %iota3A_27 = tpu.iota {dimensions = array<i32: 0>} : vector<16xi32>
    %add3A_28 = vector.broadcast %mul3A_4 : i32 to vector<16xi32>
    %add3A_29 = arith.addi %iota3A_27, %add3A_28 : vector<16xi32>
    %add3A_30 = arith.constant 32 : i32
    %add3A_31 = vector.broadcast %add3A_30 : i32 to vector<16xi32>
    %add3A_32 = arith.addi %add3A_29, %add3A_31 : vector<16xi32>
    %swap3A_33 = arith.constant 0 : i32
    %swap3A_34 = arith.index_cast %swap3A_33 : i32 to index
    %swap3A_35 = arith.constant 32 : index
    %swap3A_36 = tpu.vector_load %arg7[%swap3A_34, %swap3A_35] {strides = array<i32>} : memref<1x64xi32, #tpu.memory_space<vmem>>, vector<1x16xi32>,
    %swap3A_37 = vector.shape_cast %swap3A_36 : vector<1x16xi32> to vector<16xi32>
    %swap3A_38 = vector.shape_cast %add3A_32 : vector<16xi32> to vector<1x16xi32>
    tpu.vector_store %arg7[%swap3A_34, %swap3A_35], %swap3A_38 {strides = array<i32>} : memref<1x64xi32, #tpu.memory_space<vmem>>, vector<1x16xi32>,
    %iota3A_39 = tpu.iota {dimensions = array<i32: 0>} : vector<16xi32>
    %add3A_40 = vector.broadcast %mul3A_4 : i32 to vector<16xi32>
    %add3A_41 = arith.addi %iota3A_39, %add3A_40 : vector<16xi32>
    %add3A_42 = arith.constant 48 : i32
    %add3A_43 = vector.broadcast %add3A_42 : i32 to vector<16xi32>
    %add3A_44 = arith.addi %add3A_41, %add3A_43 : vector<16xi32>
    %swap3A_45 = arith.constant 0 : i32
    %swap3A_46 = arith.index_cast %swap3A_45 : i32 to index
    %swap3A_47 = arith.constant 48 : index
    %swap3A_48 = tpu.vector_load %arg7[%swap3A_46, %swap3A_47] {strides = array<i32>} : memref<1x64xi32, #tpu.memory_space<vmem>>, vector<1x16xi32>,
    %swap3A_49 = vector.shape_cast %swap3A_48 : vector<1x16xi32> to vector<16xi32>
    %swap3A_50 = vector.shape_cast %add3A_44 : vector<16xi32> to vector<1x16xi32>
    tpu.vector_store %arg7[%swap3A_46, %swap3A_47], %swap3A_50 {strides = array<i32>} : memref<1x64xi32, #tpu.memory_space<vmem>>, vector<1x16xi32>,
    "tpu.region"() ({
      %run_scoped3A = tpu.sem_alloc : memref<!tpu.dma_semaphore, #tpu.memory_space<semaphore_mem>>
      %dma_start3A = arith.constant 0 : i32
      %dma_start3A_57 = arith.constant 0 : i32
      %dma_start3A_58 = arith.constant 0 : i32
      %dma_start3A_59 = tpu.memref_slice %arg2[%add3A, %dma_start3A, %dma_start3A_57, %dma_start3A_58] : memref<32x32x5x64xi32, #tpu.memory_space<hbm>> -> memref<1x32x5x64xi32, #tpu.memory_space<hbm>>
      %dma_start3A_60 = tpu.memref_squeeze %dma_start3A_59 : memref<1x32x5x64xi32, #tpu.memory_space<hbm>> -> memref<32x5x64xi32, #tpu.memory_space<hbm>>
      %dma_start3A_61 = arith.constant 0 : i32
      %dma_start3A_62 = arith.constant 0 : i32
      %dma_start3A_63 = arith.constant 0 : i32
      %dma_start3A_64 = tpu.memref_slice %arg2[%add3A, %dma_start3A_61, %dma_start3A_62, %dma_start3A_63] : memref<32x32x5x64xi32, #tpu.memory_space<hbm>> -> memref<1x32x5x64xi32, #tpu.memory_space<hbm>>
      %dma_start3A_65 = tpu.memref_squeeze %dma_start3A_64 : memref<1x32x5x64xi32, #tpu.memory_space<hbm>> -> memref<32x5x64xi32, #tpu.memory_space<hbm>>
      tpu.enqueue_dma source(%dma_start3A_65 : memref<32x5x64xi32, #tpu.memory_space<hbm>>) target(%arg5 : memref<32x5x64xi32, #tpu.memory_space<vmem>>) target_semaphore(%run_scoped3A : memref<!tpu.dma_semaphore, #tpu.memory_space<semaphore_mem>>)
      %dma_wait3A = arith.constant 0 : i32
      %dma_wait3A_66 = arith.constant 0 : i32
      %dma_wait3A_67 = arith.constant 0 : i32
      %dma_wait3A_68 = tpu.memref_slice %arg2[%add3A, %dma_wait3A, %dma_wait3A_66, %dma_wait3A_67] : memref<32x32x5x64xi32, #tpu.memory_space<hbm>> -> memref<1x32x5x64xi32, #tpu.memory_space<hbm>>
      %dma_wait3A_69 = tpu.memref_squeeze %dma_wait3A_68 : memref<1x32x5x64xi32, #tpu.memory_space<hbm>> -> memref<32x5x64xi32, #tpu.memory_space<hbm>>
      %dma_wait3A_70 = arith.constant 0 : i32
      %dma_wait3A_71 = arith.constant 0 : i32
      %dma_wait3A_72 = arith.constant 0 : i32
      %dma_wait3A_73 = tpu.memref_slice %arg2[%add3A, %dma_wait3A_70, %dma_wait3A_71, %dma_wait3A_72] : memref<32x32x5x64xi32, #tpu.memory_space<hbm>> -> memref<1x32x5x64xi32, #tpu.memory_space<hbm>>
      %dma_wait3A_74 = tpu.memref_squeeze %dma_wait3A_73 : memref<1x32x5x64xi32, #tpu.memory_space<hbm>> -> memref<32x5x64xi32, #tpu.memory_space<hbm>>
      tpu.wait_dma2 semaphore(%run_scoped3A : memref<!tpu.dma_semaphore, #tpu.memory_space<semaphore_mem>>) src(%dma_wait3A_74 : memref<32x5x64xi32, #tpu.memory_space<hbm>>) dst(%arg5 : memref<32x5x64xi32, #tpu.memory_space<vmem>>)
      tpu.yield
    }) : () -> ()
    %scan3A = arith.constant 0 : i32
    %scan3A_51 = arith.constant 0 : i32
    %scan3A_52 = arith.constant 5 : i32
    %scan3A_53 = arith.addi %scan3A_51, %scan3A_52 : i32
    %scan3A_54 = arith.constant 1 : i32
    %scan3A_55 = scf.for %scan3A_57 = %scan3A_51 to %scan3A_53 step %scan3A_54 iter_args(%scan3A_58 = %scan3A) -> (i32)  : i32 {
      %dma_start3A = arith.constant 0 : i32
      %dma_start3A_59 = arith.constant 0 : i32
      %dma_start3A_60 = arith.constant 0 : i32
      %dma_start3A_61 = arith.constant 0 : i32
      %dma_start3A_62 = tpu.memref_slice %arg6[%dma_start3A_59, %dma_start3A_60, %dma_start3A_61] : memref<4x64x128xf32, #tpu.memory_space<vmem>> -> memref<1x64x128xf32, #tpu.memory_space<vmem>>
      %dma_start3A_63 = tpu.memref_squeeze %dma_start3A_62 : memref<1x64x128xf32, #tpu.memory_space<vmem>> -> memref<64x128xf32, #tpu.memory_space<vmem>>
      %dma_start3A_64 = arith.constant 0 : i32
      %dma_start3A_65 = tpu.memref_slice %arg5[%dma_start3A, %scan3A_57, %dma_start3A_64] : memref<32x5x64xi32, #tpu.memory_space<vmem>> -> memref<1x1x64xi32, #tpu.memory_space<vmem>>
      %dma_start3A_66 = tpu.memref_squeeze %dma_start3A_65 : memref<1x1x64xi32, #tpu.memory_space<vmem>> -> memref<64xi32, #tpu.memory_space<vmem>>
      %dma_start3A_67 = arith.constant 0 : i32
      %dma_start3A_68 = arith.constant 0 : i32
      %dma_start3A_69 = tpu.memref_slice %arg3[%dma_start3A_67, %dma_start3A_68] : memref<10240x128xf32, #tpu.memory_space<hbm>> -> memref<10240x128xf32, #tpu.memory_space<hbm>>
      tpu.enqueue_indirect_dma source(%dma_start3A_69 : memref<10240x128xf32, #tpu.memory_space<hbm>>) target(%dma_start3A_63 : memref<64x128xf32, #tpu.memory_space<vmem>>) offsets(%dma_start3A_66 : memref<64xi32, #tpu.memory_space<vmem>>) semaphore(%arg9 : memref<!tpu.dma_semaphore, #tpu.memory_space<semaphore_mem>>)
      %dma_start3A_70 = arith.constant 1 : i32
      %dma_start3A_71 = arith.constant 1 : i32
      %dma_start3A_72 = arith.constant 0 : i32
      %dma_start3A_73 = arith.constant 0 : i32
      %dma_start3A_74 = tpu.memref_slice %arg6[%dma_start3A_71, %dma_start3A_72, %dma_start3A_73] : memref<4x64x128xf32, #tpu.memory_space<vmem>> -> memref<1x64x128xf32, #tpu.memory_space<vmem>>
      %dma_start3A_75 = tpu.memref_squeeze %dma_start3A_74 : memref<1x64x128xf32, #tpu.memory_space<vmem>> -> memref<64x128xf32, #tpu.memory_space<vmem>>
      %dma_start3A_76 = arith.constant 0 : i32
      %dma_start3A_77 = tpu.memref_slice %arg5[%dma_start3A_70, %scan3A_57, %dma_start3A_76] : memref<32x5x64xi32, #tpu.memory_space<vmem>> -> memref<1x1x64xi32, #tpu.memory_space<vmem>>
      %dma_start3A_78 = tpu.memref_squeeze %dma_start3A_77 : memref<1x1x64xi32, #tpu.memory_space<vmem>> -> memref<64xi32, #tpu.memory_space<vmem>>
      %dma_start3A_79 = arith.constant 0 : i32
      %dma_start3A_80 = arith.constant 0 : i32
      %dma_start3A_81 = tpu.memref_slice %arg3[%dma_start3A_79, %dma_start3A_80] : memref<10240x128xf32, #tpu.memory_space<hbm>> -> memref<10240x128xf32, #tpu.memory_space<hbm>>
      tpu.enqueue_indirect_dma source(%dma_start3A_81 : memref<10240x128xf32, #tpu.memory_space<hbm>>) target(%dma_start3A_75 : memref<64x128xf32, #tpu.memory_space<vmem>>) offsets(%dma_start3A_78 : memref<64xi32, #tpu.memory_space<vmem>>) semaphore(%arg10 : memref<!tpu.dma_semaphore, #tpu.memory_space<semaphore_mem>>)
      %dma_start3A_82 = arith.constant 2 : i32
      %dma_start3A_83 = arith.constant 2 : i32
      %dma_start3A_84 = arith.constant 0 : i32
      %dma_start3A_85 = arith.constant 0 : i32
      %dma_start3A_86 = tpu.memref_slice %arg6[%dma_start3A_83, %dma_start3A_84, %dma_start3A_85] : memref<4x64x128xf32, #tpu.memory_space<vmem>> -> memref<1x64x128xf32, #tpu.memory_space<vmem>>
      %dma_start3A_87 = tpu.memref_squeeze %dma_start3A_86 : memref<1x64x128xf32, #tpu.memory_space<vmem>> -> memref<64x128xf32, #tpu.memory_space<vmem>>
      %dma_start3A_88 = arith.constant 0 : i32
      %dma_start3A_89 = tpu.memref_slice %arg5[%dma_start3A_82, %scan3A_57, %dma_start3A_88] : memref<32x5x64xi32, #tpu.memory_space<vmem>> -> memref<1x1x64xi32, #tpu.memory_space<vmem>>
      %dma_start3A_90 = tpu.memref_squeeze %dma_start3A_89 : memref<1x1x64xi32, #tpu.memory_space<vmem>> -> memref<64xi32, #tpu.memory_space<vmem>>
      %dma_start3A_91 = arith.constant 0 : i32
      %dma_start3A_92 = arith.constant 0 : i32
      %dma_start3A_93 = tpu.memref_slice %arg3[%dma_start3A_91, %dma_start3A_92] : memref<10240x128xf32, #tpu.memory_space<hbm>> -> memref<10240x128xf32, #tpu.memory_space<hbm>>
      tpu.enqueue_indirect_dma source(%dma_start3A_93 : memref<10240x128xf32, #tpu.memory_space<hbm>>) target(%dma_start3A_87 : memref<64x128xf32, #tpu.memory_space<vmem>>) offsets(%dma_start3A_90 : memref<64xi32, #tpu.memory_space<vmem>>) semaphore(%arg11 : memref<!tpu.dma_semaphore, #tpu.memory_space<semaphore_mem>>)
      %dma_start3A_94 = arith.constant 3 : i32
      %dma_start3A_95 = arith.constant 3 : i32
      %dma_start3A_96 = arith.constant 0 : i32
      %dma_start3A_97 = arith.constant 0 : i32
      %dma_start3A_98 = tpu.memref_slice %arg6[%dma_start3A_95, %dma_start3A_96, %dma_start3A_97] : memref<4x64x128xf32, #tpu.memory_space<vmem>> -> memref<1x64x128xf32, #tpu.memory_space<vmem>>
      %dma_start3A_99 = tpu.memref_squeeze %dma_start3A_98 : memref<1x64x128xf32, #tpu.memory_space<vmem>> -> memref<64x128xf32, #tpu.memory_space<vmem>>
      %dma_start3A_100 = arith.constant 0 : i32
      %dma_start3A_101 = tpu.memref_slice %arg5[%dma_start3A_94, %scan3A_57, %dma_start3A_100] : memref<32x5x64xi32, #tpu.memory_space<vmem>> -> memref<1x1x64xi32, #tpu.memory_space<vmem>>
      %dma_start3A_102 = tpu.memref_squeeze %dma_start3A_101 : memref<1x1x64xi32, #tpu.memory_space<vmem>> -> memref<64xi32, #tpu.memory_space<vmem>>
      %dma_start3A_103 = arith.constant 0 : i32
      %dma_start3A_104 = arith.constant 0 : i32
      %dma_start3A_105 = tpu.memref_slice %arg3[%dma_start3A_103, %dma_start3A_104] : memref<10240x128xf32, #tpu.memory_space<hbm>> -> memref<10240x128xf32, #tpu.memory_space<hbm>>
      tpu.enqueue_indirect_dma source(%dma_start3A_105 : memref<10240x128xf32, #tpu.memory_space<hbm>>) target(%dma_start3A_99 : memref<64x128xf32, #tpu.memory_space<vmem>>) offsets(%dma_start3A_102 : memref<64xi32, #tpu.memory_space<vmem>>) semaphore(%arg12 : memref<!tpu.dma_semaphore, #tpu.memory_space<semaphore_mem>>)
      %dma_wait3A = arith.constant 0 : i32
      %dma_wait3A_106 = arith.constant 0 : i32
      %dma_wait3A_107 = arith.constant 0 : i32
      %dma_wait3A_108 = arith.constant 0 : i32
      %dma_wait3A_109 = arith.constant 0 : i32
      %dma_wait3A_110 = tpu.memref_slice %arg6[%dma_wait3A_107, %dma_wait3A_108, %dma_wait3A_109] : memref<4x64x128xf32, #tpu.memory_space<vmem>> -> memref<1x64x128xf32, #tpu.memory_space<vmem>>
      %dma_wait3A_111 = tpu.memref_squeeze %dma_wait3A_110 : memref<1x64x128xf32, #tpu.memory_space<vmem>> -> memref<64x128xf32, #tpu.memory_space<vmem>>
      %dma_wait3A_112 = arith.constant 0 : i32
      %dma_wait3A_113 = tpu.memref_slice %arg5[%dma_wait3A, %dma_wait3A_106, %dma_wait3A_112] : memref<32x5x64xi32, #tpu.memory_space<vmem>> -> memref<1x1x64xi32, #tpu.memory_space<vmem>>
      %dma_wait3A_114 = tpu.memref_squeeze %dma_wait3A_113 : memref<1x1x64xi32, #tpu.memory_space<vmem>> -> memref<64xi32, #tpu.memory_space<vmem>>
      %dma_wait3A_115 = arith.constant 0 : i32
      %dma_wait3A_116 = arith.constant 0 : i32
      %dma_wait3A_117 = tpu.memref_slice %arg3[%dma_wait3A_115, %dma_wait3A_116] : memref<10240x128xf32, #tpu.memory_space<hbm>> -> memref<10240x128xf32, #tpu.memory_space<hbm>>
      tpu.wait_indirect_dma semaphore(%arg9 : memref<!tpu.dma_semaphore, #tpu.memory_space<semaphore_mem>>) src(%dma_wait3A_117 : memref<10240x128xf32, #tpu.memory_space<hbm>>) dst(%dma_wait3A_111 : memref<64x128xf32, #tpu.memory_space<vmem>>)
      %dma_start3A_118 = arith.constant 0 : i32
      %dma_start3A_119 = arith.constant 0 : i32
      %dma_start3A_120 = arith.constant 0 : i32
      %dma_start3A_121 = tpu.memref_slice %arg6[%dma_start3A_118, %dma_start3A_119, %dma_start3A_120] : memref<4x64x128xf32, #tpu.memory_space<vmem>> -> memref<1x64x128xf32, #tpu.memory_space<vmem>>
      %dma_start3A_122 = tpu.memref_squeeze %dma_start3A_121 : memref<1x64x128xf32, #tpu.memory_space<vmem>> -> memref<64x128xf32, #tpu.memory_space<vmem>>
      %dma_start3A_123 = arith.constant 0 : i32
      %dma_start3A_124 = tpu.memref_slice %arg8[%mul3A_4, %dma_start3A_123] : memref<1024x128xf32, #tpu.memory_space<vmem_shared>> -> memref<64x128xf32, #tpu.memory_space<vmem_shared>>
      %dma_start3A_125 = arith.constant 0 : i32
      %dma_start3A_126 = tpu.memref_slice %arg8[%mul3A_4, %dma_start3A_125] : memref<1024x128xf32, #tpu.memory_space<vmem_shared>> -> memref<64x128xf32, #tpu.memory_space<vmem_shared>>
      %dma_start3A_127 = arith.constant 0 : i32
      %dma_start3A_128 = arith.constant 0 : i32
      %dma_start3A_129 = tpu.memref_slice %arg6[%dma_start3A_118, %dma_start3A_127, %dma_start3A_128] : memref<4x64x128xf32, #tpu.memory_space<vmem>> -> memref<1x64x128xf32, #tpu.memory_space<vmem>>
      %dma_start3A_130 = tpu.memref_squeeze %dma_start3A_129 : memref<1x64x128xf32, #tpu.memory_space<vmem>> -> memref<64x128xf32, #tpu.memory_space<vmem>>
      tpu.enqueue_dma source(%dma_start3A_130 : memref<64x128xf32, #tpu.memory_space<vmem>>) target(%dma_start3A_126 : memref<64x128xf32, #tpu.memory_space<vmem_shared>>) target_semaphore(%arg13 : memref<!tpu.dma_semaphore, #tpu.memory_space<semaphore_mem>>)
      %dma_wait3A_131 = arith.constant 0 : i32
      %dma_wait3A_132 = arith.constant 0 : i32
      %dma_wait3A_133 = arith.constant 0 : i32
      %dma_wait3A_134 = tpu.memref_slice %arg6[%dma_wait3A_131, %dma_wait3A_132, %dma_wait3A_133] : memref<4x64x128xf32, #tpu.memory_space<vmem>> -> memref<1x64x128xf32, #tpu.memory_space<vmem>>
      %dma_wait3A_135 = tpu.memref_squeeze %dma_wait3A_134 : memref<1x64x128xf32, #tpu.memory_space<vmem>> -> memref<64x128xf32, #tpu.memory_space<vmem>>
      %dma_wait3A_136 = arith.constant 0 : i32
      %dma_wait3A_137 = tpu.memref_slice %arg8[%mul3A_4, %dma_wait3A_136] : memref<1024x128xf32, #tpu.memory_space<vmem_shared>> -> memref<64x128xf32, #tpu.memory_space<vmem_shared>>
      %dma_wait3A_138 = arith.constant 0 : i32
      %dma_wait3A_139 = tpu.memref_slice %arg8[%mul3A_4, %dma_wait3A_138] : memref<1024x128xf32, #tpu.memory_space<vmem_shared>> -> memref<64x128xf32, #tpu.memory_space<vmem_shared>>
      %dma_wait3A_140 = arith.constant 0 : i32
      %dma_wait3A_141 = arith.constant 0 : i32
      %dma_wait3A_142 = tpu.memref_slice %arg6[%dma_wait3A_131, %dma_wait3A_140, %dma_wait3A_141] : memref<4x64x128xf32, #tpu.memory_space<vmem>> -> memref<1x64x128xf32, #tpu.memory_space<vmem>>
      %dma_wait3A_143 = tpu.memref_squeeze %dma_wait3A_142 : memref<1x64x128xf32, #tpu.memory_space<vmem>> -> memref<64x128xf32, #tpu.memory_space<vmem>>
      tpu.wait_dma2 semaphore(%arg13 : memref<!tpu.dma_semaphore, #tpu.memory_space<semaphore_mem>>) src(%dma_wait3A_143 : memref<64x128xf32, #tpu.memory_space<vmem>>) dst(%dma_wait3A_139 : memref<64x128xf32, #tpu.memory_space<vmem_shared>>)
      %dma_start3A_144 = arith.constant 4 : i32
      %dma_start3A_145 = arith.constant 0 : i32
      %dma_start3A_146 = arith.constant 0 : i32
      %dma_start3A_147 = arith.constant 0 : i32
      %dma_start3A_148 = tpu.memref_slice %arg6[%dma_start3A_145, %dma_start3A_146, %dma_start3A_147] : memref<4x64x128xf32, #tpu.memory_space<vmem>> -> memref<1x64x128xf32, #tpu.memory_space<vmem>>
      %dma_start3A_149 = tpu.memref_squeeze %dma_start3A_148 : memref<1x64x128xf32, #tpu.memory_space<vmem>> -> memref<64x128xf32, #tpu.memory_space<vmem>>
      %dma_start3A_150 = arith.constant 0 : i32
      %dma_start3A_151 = tpu.memref_slice %arg5[%dma_start3A_144, %scan3A_57, %dma_start3A_150] : memref<32x5x64xi32, #tpu.memory_space<vmem>> -> memref<1x1x64xi32, #tpu.memory_space<vmem>>
      %dma_start3A_152 = tpu.memref_squeeze %dma_start3A_151 : memref<1x1x64xi32, #tpu.memory_space<vmem>> -> memref<64xi32, #tpu.memory_space<vmem>>
      %dma_start3A_153 = arith.constant 0 : i32
      %dma_start3A_154 = arith.constant 0 : i32
      %dma_start3A_155 = tpu.memref_slice %arg3[%dma_start3A_153, %dma_start3A_154] : memref<10240x128xf32, #tpu.memory_space<hbm>> -> memref<10240x128xf32, #tpu.memory_space<hbm>>
      tpu.enqueue_indirect_dma source(%dma_start3A_155 : memref<10240x128xf32, #tpu.memory_space<hbm>>) target(%dma_start3A_149 : memref<64x128xf32, #tpu.memory_space<vmem>>) offsets(%dma_start3A_152 : memref<64xi32, #tpu.memory_space<vmem>>) semaphore(%arg9 : memref<!tpu.dma_semaphore, #tpu.memory_space<semaphore_mem>>)
      %dma_wait3A_156 = arith.constant 0 : i32
      %dma_wait3A_157 = arith.constant 0 : i32
      %dma_wait3A_158 = arith.constant 1 : i32
      %dma_wait3A_159 = arith.constant 0 : i32
      %dma_wait3A_160 = arith.constant 0 : i32
      %dma_wait3A_161 = tpu.memref_slice %arg6[%dma_wait3A_158, %dma_wait3A_159, %dma_wait3A_160] : memref<4x64x128xf32, #tpu.memory_space<vmem>> -> memref<1x64x128xf32, #tpu.memory_space<vmem>>
      %dma_wait3A_162 = tpu.memref_squeeze %dma_wait3A_161 : memref<1x64x128xf32, #tpu.memory_space<vmem>> -> memref<64x128xf32, #tpu.memory_space<vmem>>
      %dma_wait3A_163 = arith.constant 0 : i32
      %dma_wait3A_164 = tpu.memref_slice %arg5[%dma_wait3A_156, %dma_wait3A_157, %dma_wait3A_163] : memref<32x5x64xi32, #tpu.memory_space<vmem>> -> memref<1x1x64xi32, #tpu.memory_space<vmem>>
      %dma_wait3A_165 = tpu.memref_squeeze %dma_wait3A_164 : memref<1x1x64xi32, #tpu.memory_space<vmem>> -> memref<64xi32, #tpu.memory_space<vmem>>
      %dma_wait3A_166 = arith.constant 0 : i32
      %dma_wait3A_167 = arith.constant 0 : i32
      %dma_wait3A_168 = tpu.memref_slice %arg3[%dma_wait3A_166, %dma_wait3A_167] : memref<10240x128xf32, #tpu.memory_space<hbm>> -> memref<10240x128xf32, #tpu.memory_space<hbm>>
      tpu.wait_indirect_dma semaphore(%arg10 : memref<!tpu.dma_semaphore, #tpu.memory_space<semaphore_mem>>) src(%dma_wait3A_168 : memref<10240x128xf32, #tpu.memory_space<hbm>>) dst(%dma_wait3A_162 : memref<64x128xf32, #tpu.memory_space<vmem>>)
      %dma_start3A_169 = arith.constant 1 : i32
      %dma_start3A_170 = arith.constant 0 : i32
      %dma_start3A_171 = arith.constant 0 : i32
      %dma_start3A_172 = arith.constant 0 : i32
      %dma_start3A_173 = tpu.memref_slice %arg6[%dma_start3A_169, %dma_start3A_171, %dma_start3A_172] : memref<4x64x128xf32, #tpu.memory_space<vmem>> -> memref<1x64x128xf32, #tpu.memory_space<vmem>>
      %dma_start3A_174 = tpu.memref_squeeze %dma_start3A_173 : memref<1x64x128xf32, #tpu.memory_space<vmem>> -> memref<64x128xf32, #tpu.memory_space<vmem>>
      %dma_start3A_175 = arith.constant 0 : i32
      %dma_start3A_176 = tpu.memref_slice %arg7[%dma_start3A_170, %dma_start3A_175] : memref<1x64xi32, #tpu.memory_space<vmem>> -> memref<1x64xi32, #tpu.memory_space<vmem>>
      %dma_start3A_177 = tpu.memref_squeeze %dma_start3A_176 : memref<1x64xi32, #tpu.memory_space<vmem>> -> memref<64xi32, #tpu.memory_space<vmem>>
      %dma_start3A_178 = arith.constant 0 : i32
      %dma_start3A_179 = arith.constant 0 : i32
      %dma_start3A_180 = tpu.memref_slice %arg8[%dma_start3A_178, %dma_start3A_179] : memref<1024x128xf32, #tpu.memory_space<vmem_shared>> -> memref<1024x128xf32, #tpu.memory_space<vmem_shared>>
      tpu.enqueue_indirect_dma source(%dma_start3A_174 : memref<64x128xf32, #tpu.memory_space<vmem>>) target(%dma_start3A_180 : memref<1024x128xf32, #tpu.memory_space<vmem_shared>>) offsets(%dma_start3A_177 : memref<64xi32, #tpu.memory_space<vmem>>) semaphore(%arg14 : memref<!tpu.dma_semaphore, #tpu.memory_space<semaphore_mem>>) {add = true}
      %dma_wait3A_181 = arith.constant 1 : i32
      %dma_wait3A_182 = arith.constant 0 : i32
      %dma_wait3A_183 = arith.constant 0 : i32
      %dma_wait3A_184 = arith.constant 0 : i32
      %dma_wait3A_185 = tpu.memref_slice %arg6[%dma_wait3A_181, %dma_wait3A_183, %dma_wait3A_184] : memref<4x64x128xf32, #tpu.memory_space<vmem>> -> memref<1x64x128xf32, #tpu.memory_space<vmem>>
      %dma_wait3A_186 = tpu.memref_squeeze %dma_wait3A_185 : memref<1x64x128xf32, #tpu.memory_space<vmem>> -> memref<64x128xf32, #tpu.memory_space<vmem>>
      %dma_wait3A_187 = arith.constant 0 : i32
      %dma_wait3A_188 = tpu.memref_slice %arg7[%dma_wait3A_182, %dma_wait3A_187] : memref<1x64xi32, #tpu.memory_space<vmem>> -> memref<1x64xi32, #tpu.memory_space<vmem>>
      %dma_wait3A_189 = tpu.memref_squeeze %dma_wait3A_188 : memref<1x64xi32, #tpu.memory_space<vmem>> -> memref<64xi32, #tpu.memory_space<vmem>>
      %dma_wait3A_190 = arith.constant 0 : i32
      %dma_wait3A_191 = arith.constant 0 : i32
      %dma_wait3A_192 = tpu.memref_slice %arg8[%dma_wait3A_190, %dma_wait3A_191] : memref<1024x128xf32, #tpu.memory_space<vmem_shared>> -> memref<1024x128xf32, #tpu.memory_space<vmem_shared>>
      tpu.wait_indirect_dma semaphore(%arg14 : memref<!tpu.dma_semaphore, #tpu.memory_space<semaphore_mem>>) src(%dma_wait3A_186 : memref<64x128xf32, #tpu.memory_space<vmem>>) dst(%dma_wait3A_192 : memref<1024x128xf32, #tpu.memory_space<vmem_shared>>)
      %dma_start3A_193 = arith.constant 5 : i32
      %dma_start3A_194 = arith.constant 1 : i32
      %dma_start3A_195 = arith.constant 0 : i32
      %dma_start3A_196 = arith.constant 0 : i32
      %dma_start3A_197 = tpu.memref_slice %arg6[%dma_start3A_194, %dma_start3A_195, %dma_start3A_196] : memref<4x64x128xf32, #tpu.memory_space<vmem>> -> memref<1x64x128xf32, #tpu.memory_space<vmem>>
      %dma_start3A_198 = tpu.memref_squeeze %dma_start3A_197 : memref<1x64x128xf32, #tpu.memory_space<vmem>> -> memref<64x128xf32, #tpu.memory_space<vmem>>
      %dma_start3A_199 = arith.constant 0 : i32
      %dma_start3A_200 = tpu.memref_slice %arg5[%dma_start3A_193, %scan3A_57, %dma_start3A_199] : memref<32x5x64xi32, #tpu.memory_space<vmem>> -> memref<1x1x64xi32, #tpu.memory_space<vmem>>
      %dma_start3A_201 = tpu.memref_squeeze %dma_start3A_200 : memref<1x1x64xi32, #tpu.memory_space<vmem>> -> memref<64xi32, #tpu.memory_space<vmem>>
      %dma_start3A_202 = arith.constant 0 : i32
      %dma_start3A_203 = arith.constant 0 : i32
      %dma_start3A_204 = tpu.memref_slice %arg3[%dma_start3A_202, %dma_start3A_203] : memref<10240x128xf32, #tpu.memory_space<hbm>> -> memref<10240x128xf32, #tpu.memory_space<hbm>>
      tpu.enqueue_indirect_dma source(%dma_start3A_204 : memref<10240x128xf32, #tpu.memory_space<hbm>>) target(%dma_start3A_198 : memref<64x128xf32, #tpu.memory_space<vmem>>) offsets(%dma_start3A_201 : memref<64xi32, #tpu.memory_space<vmem>>) semaphore(%arg10 : memref<!tpu.dma_semaphore, #tpu.memory_space<semaphore_mem>>)
      %dma_wait3A_205 = arith.constant 0 : i32
      %dma_wait3A_206 = arith.constant 0 : i32
      %dma_wait3A_207 = arith.constant 2 : i32
      %dma_wait3A_208 = arith.constant 0 : i32
      %dma_wait3A_209 = arith.constant 0 : i32
      %dma_wait3A_210 = tpu.memref_slice %arg6[%dma_wait3A_207, %dma_wait3A_208, %dma_wait3A_209] : memref<4x64x128xf32, #tpu.memory_space<vmem>> -> memref<1x64x128xf32, #tpu.memory_space<vmem>>
      %dma_wait3A_211 = tpu.memref_squeeze %dma_wait3A_210 : memref<1x64x128xf32, #tpu.memory_space<vmem>> -> memref<64x128xf32, #tpu.memory_space<vmem>>
      %dma_wait3A_212 = arith.constant 0 : i32
      %dma_wait3A_213 = tpu.memref_slice %arg5[%dma_wait3A_205, %dma_wait3A_206, %dma_wait3A_212] : memref<32x5x64xi32, #tpu.memory_space<vmem>> -> memref<1x1x64xi32, #tpu.memory_space<vmem>>
      %dma_wait3A_214 = tpu.memref_squeeze %dma_wait3A_213 : memref<1x1x64xi32, #tpu.memory_space<vmem>> -> memref<64xi32, #tpu.memory_space<vmem>>
      %dma_wait3A_215 = arith.constant 0 : i32
      %dma_wait3A_216 = arith.constant 0 : i32
      %dma_wait3A_217 = tpu.memref_slice %arg3[%dma_wait3A_215, %dma_wait3A_216] : memref<10240x128xf32, #tpu.memory_space<hbm>> -> memref<10240x128xf32, #tpu.memory_space<hbm>>
      tpu.wait_indirect_dma semaphore(%arg11 : memref<!tpu.dma_semaphore, #tpu.memory_space<semaphore_mem>>) src(%dma_wait3A_217 : memref<10240x128xf32, #tpu.memory_space<hbm>>) dst(%dma_wait3A_211 : memref<64x128xf32, #tpu.memory_space<vmem>>)
      %dma_start3A_218 = arith.constant 2 : i32
      %dma_start3A_219 = arith.constant 0 : i32
      %dma_start3A_220 = arith.constant 0 : i32
      %dma_start3A_221 = arith.constant 0 : i32
      %dma_start3A_222 = tpu.memref_slice %arg6[%dma_start3A_218, %dma_start3A_220, %dma_start3A_221] : memref<4x64x128xf32, #tpu.memory_space<vmem>> -> memref<1x64x128xf32, #tpu.memory_space<vmem>>
      %dma_start3A_223 = tpu.memref_squeeze %dma_start3A_222 : memref<1x64x128xf32, #tpu.memory_space<vmem>> -> memref<64x128xf32, #tpu.memory_space<vmem>>
      %dma_start3A_224 = arith.constant 0 : i32
      %dma_start3A_225 = tpu.memref_slice %arg7[%dma_start3A_219, %dma_start3A_224] : memref<1x64xi32, #tpu.memory_space<vmem>> -> memref<1x64xi32, #tpu.memory_space<vmem>>
      %dma_start3A_226 = tpu.memref_squeeze %dma_start3A_225 : memref<1x64xi32, #tpu.memory_space<vmem>> -> memref<64xi32, #tpu.memory_space<vmem>>
      %dma_start3A_227 = arith.constant 0 : i32
      %dma_start3A_228 = arith.constant 0 : i32
      %dma_start3A_229 = tpu.memref_slice %arg8[%dma_start3A_227, %dma_start3A_228] : memref<1024x128xf32, #tpu.memory_space<vmem_shared>> -> memref<1024x128xf32, #tpu.memory_space<vmem_shared>>
      tpu.enqueue_indirect_dma source(%dma_start3A_223 : memref<64x128xf32, #tpu.memory_space<vmem>>) target(%dma_start3A_229 : memref<1024x128xf32, #tpu.memory_space<vmem_shared>>) offsets(%dma_start3A_226 : memref<64xi32, #tpu.memory_space<vmem>>) semaphore(%arg15 : memref<!tpu.dma_semaphore, #tpu.memory_space<semaphore_mem>>) {add = true}
      %dma_wait3A_230 = arith.constant 2 : i32
      %dma_wait3A_231 = arith.constant 0 : i32
      %dma_wait3A_232 = arith.constant 0 : i32
      %dma_wait3A_233 = arith.constant 0 : i32
      %dma_wait3A_234 = tpu.memref_slice %arg6[%dma_wait3A_230, %dma_wait3A_232, %dma_wait3A_233] : memref<4x64x128xf32, #tpu.memory_space<vmem>> -> memref<1x64x128xf32, #tpu.memory_space<vmem>>
      %dma_wait3A_235 = tpu.memref_squeeze %dma_wait3A_234 : memref<1x64x128xf32, #tpu.memory_space<vmem>> -> memref<64x128xf32, #tpu.memory_space<vmem>>
      %dma_wait3A_236 = arith.constant 0 : i32
      %dma_wait3A_237 = tpu.memref_slice %arg7[%dma_wait3A_231, %dma_wait3A_236] : memref<1x64xi32, #tpu.memory_space<vmem>> -> memref<1x64xi32, #tpu.memory_space<vmem>>
      %dma_wait3A_238 = tpu.memref_squeeze %dma_wait3A_237 : memref<1x64xi32, #tpu.memory_space<vmem>> -> memref<64xi32, #tpu.memory_space<vmem>>
      %dma_wait3A_239 = arith.constant 0 : i32
      %dma_wait3A_240 = arith.constant 0 : i32
      %dma_wait3A_241 = tpu.memref_slice %arg8[%dma_wait3A_239, %dma_wait3A_240] : memref<1024x128xf32, #tpu.memory_space<vmem_shared>> -> memref<1024x128xf32, #tpu.memory_space<vmem_shared>>
      tpu.wait_indirect_dma semaphore(%arg15 : memref<!tpu.dma_semaphore, #tpu.memory_space<semaphore_mem>>) src(%dma_wait3A_235 : memref<64x128xf32, #tpu.memory_space<vmem>>) dst(%dma_wait3A_241 : memref<1024x128xf32, #tpu.memory_space<vmem_shared>>)
      %dma_start3A_242 = arith.constant 6 : i32
      %dma_start3A_243 = arith.constant 2 : i32
      %dma_start3A_244 = arith.constant 0 : i32
      %dma_start3A_245 = arith.constant 0 : i32
      %dma_start3A_246 = tpu.memref_slice %arg6[%dma_start3A_243, %dma_start3A_244, %dma_start3A_245] : memref<4x64x128xf32, #tpu.memory_space<vmem>> -> memref<1x64x128xf32, #tpu.memory_space<vmem>>
      %dma_start3A_247 = tpu.memref_squeeze %dma_start3A_246 : memref<1x64x128xf32, #tpu.memory_space<vmem>> -> memref<64x128xf32, #tpu.memory_space<vmem>>
      %dma_start3A_248 = arith.constant 0 : i32
      %dma_start3A_249 = tpu.memref_slice %arg5[%dma_start3A_242, %scan3A_57, %dma_start3A_248] : memref<32x5x64xi32, #tpu.memory_space<vmem>> -> memref<1x1x64xi32, #tpu.memory_space<vmem>>
      %dma_start3A_250 = tpu.memref_squeeze %dma_start3A_249 : memref<1x1x64xi32, #tpu.memory_space<vmem>> -> memref<64xi32, #tpu.memory_space<vmem>>
      %dma_start3A_251 = arith.constant 0 : i32
      %dma_start3A_252 = arith.constant 0 : i32
      %dma_start3A_253 = tpu.memref_slice %arg3[%dma_start3A_251, %dma_start3A_252] : memref<10240x128xf32, #tpu.memory_space<hbm>> -> memref<10240x128xf32, #tpu.memory_space<hbm>>
      tpu.enqueue_indirect_dma source(%dma_start3A_253 : memref<10240x128xf32, #tpu.memory_space<hbm>>) target(%dma_start3A_247 : memref<64x128xf32, #tpu.memory_space<vmem>>) offsets(%dma_start3A_250 : memref<64xi32, #tpu.memory_space<vmem>>) semaphore(%arg11 : memref<!tpu.dma_semaphore, #tpu.memory_space<semaphore_mem>>)
      %dma_wait3A_254 = arith.constant 0 : i32
      %dma_wait3A_255 = arith.constant 0 : i32
      %dma_wait3A_256 = arith.constant 3 : i32
      %dma_wait3A_257 = arith.constant 0 : i32
      %dma_wait3A_258 = arith.constant 0 : i32
      %dma_wait3A_259 = tpu.memref_slice %arg6[%dma_wait3A_256, %dma_wait3A_257, %dma_wait3A_258] : memref<4x64x128xf32, #tpu.memory_space<vmem>> -> memref<1x64x128xf32, #tpu.memory_space<vmem>>
      %dma_wait3A_260 = tpu.memref_squeeze %dma_wait3A_259 : memref<1x64x128xf32, #tpu.memory_space<vmem>> -> memref<64x128xf32, #tpu.memory_space<vmem>>
      %dma_wait3A_261 = arith.constant 0 : i32
      %dma_wait3A_262 = tpu.memref_slice %arg5[%dma_wait3A_254, %dma_wait3A_255, %dma_wait3A_261] : memref<32x5x64xi32, #tpu.memory_space<vmem>> -> memref<1x1x64xi32, #tpu.memory_space<vmem>>
      %dma_wait3A_263 = tpu.memref_squeeze %dma_wait3A_262 : memref<1x1x64xi32, #tpu.memory_space<vmem>> -> memref<64xi32, #tpu.memory_space<vmem>>
      %dma_wait3A_264 = arith.constant 0 : i32
      %dma_wait3A_265 = arith.constant 0 : i32
      %dma_wait3A_266 = tpu.memref_slice %arg3[%dma_wait3A_264, %dma_wait3A_265] : memref<10240x128xf32, #tpu.memory_space<hbm>> -> memref<10240x128xf32, #tpu.memory_space<hbm>>
      tpu.wait_indirect_dma semaphore(%arg12 : memref<!tpu.dma_semaphore, #tpu.memory_space<semaphore_mem>>) src(%dma_wait3A_266 : memref<10240x128xf32, #tpu.memory_space<hbm>>) dst(%dma_wait3A_260 : memref<64x128xf32, #tpu.memory_space<vmem>>)
      %dma_start3A_267 = arith.constant 3 : i32
      %dma_start3A_268 = arith.constant 0 : i32
      %dma_start3A_269 = arith.constant 0 : i32
      %dma_start3A_270 = arith.constant 0 : i32
      %dma_start3A_271 = tpu.memref_slice %arg6[%dma_start3A_267, %dma_start3A_269, %dma_start3A_270] : memref<4x64x128xf32, #tpu.memory_space<vmem>> -> memref<1x64x128xf32, #tpu.memory_space<vmem>>
      %dma_start3A_272 = tpu.memref_squeeze %dma_start3A_271 : memref<1x64x128xf32, #tpu.memory_space<vmem>> -> memref<64x128xf32, #tpu.memory_space<vmem>>
      %dma_start3A_273 = arith.constant 0 : i32
      %dma_start3A_274 = tpu.memref_slice %arg7[%dma_start3A_268, %dma_start3A_273] : memref<1x64xi32, #tpu.memory_space<vmem>> -> memref<1x64xi32, #tpu.memory_space<vmem>>
      %dma_start3A_275 = tpu.memref_squeeze %dma_start3A_274 : memref<1x64xi32, #tpu.memory_space<vmem>> -> memref<64xi32, #tpu.memory_space<vmem>>
      %dma_start3A_276 = arith.constant 0 : i32
      %dma_start3A_277 = arith.constant 0 : i32
      %dma_start3A_278 = tpu.memref_slice %arg8[%dma_start3A_276, %dma_start3A_277] : memref<1024x128xf32, #tpu.memory_space<vmem_shared>> -> memref<1024x128xf32, #tpu.memory_space<vmem_shared>>
      tpu.enqueue_indirect_dma source(%dma_start3A_272 : memref<64x128xf32, #tpu.memory_space<vmem>>) target(%dma_start3A_278 : memref<1024x128xf32, #tpu.memory_space<vmem_shared>>) offsets(%dma_start3A_275 : memref<64xi32, #tpu.memory_space<vmem>>) semaphore(%arg16 : memref<!tpu.dma_semaphore, #tpu.memory_space<semaphore_mem>>) {add = true}
      %dma_wait3A_279 = arith.constant 3 : i32
      %dma_wait3A_280 = arith.constant 0 : i32
      %dma_wait3A_281 = arith.constant 0 : i32
      %dma_wait3A_282 = arith.constant 0 : i32
      %dma_wait3A_283 = tpu.memref_slice %arg6[%dma_wait3A_279, %dma_wait3A_281, %dma_wait3A_282] : memref<4x64x128xf32, #tpu.memory_space<vmem>> -> memref<1x64x128xf32, #tpu.memory_space<vmem>>
      %dma_wait3A_284 = tpu.memref_squeeze %dma_wait3A_283 : memref<1x64x128xf32, #tpu.memory_space<vmem>> -> memref<64x128xf32, #tpu.memory_space<vmem>>
      %dma_wait3A_285 = arith.constant 0 : i32
      %dma_wait3A_286 = tpu.memref_slice %arg7[%dma_wait3A_280, %dma_wait3A_285] : memref<1x64xi32, #tpu.memory_space<vmem>> -> memref<1x64xi32, #tpu.memory_space<vmem>>
      %dma_wait3A_287 = tpu.memref_squeeze %dma_wait3A_286 : memref<1x64xi32, #tpu.memory_space<vmem>> -> memref<64xi32, #tpu.memory_space<vmem>>
      %dma_wait3A_288 = arith.constant 0 : i32
      %dma_wait3A_289 = arith.constant 0 : i32
      %dma_wait3A_290 = tpu.memref_slice %arg8[%dma_wait3A_288, %dma_wait3A_289] : memref<1024x128xf32, #tpu.memory_space<vmem_shared>> -> memref<1024x128xf32, #tpu.memory_space<vmem_shared>>
      tpu.wait_indirect_dma semaphore(%arg16 : memref<!tpu.dma_semaphore, #tpu.memory_space<semaphore_mem>>) src(%dma_wait3A_284 : memref<64x128xf32, #tpu.memory_space<vmem>>) dst(%dma_wait3A_290 : memref<1024x128xf32, #tpu.memory_space<vmem_shared>>)
      %dma_start3A_291 = arith.constant 7 : i32
      %dma_start3A_292 = arith.constant 3 : i32
      %dma_start3A_293 = arith.constant 0 : i32
      %dma_start3A_294 = arith.constant 0 : i32
      %dma_start3A_295 = tpu.memref_slice %arg6[%dma_start3A_292, %dma_start3A_293, %dma_start3A_294] : memref<4x64x128xf32, #tpu.memory_space<vmem>> -> memref<1x64x128xf32, #tpu.memory_space<vmem>>
      %dma_start3A_296 = tpu.memref_squeeze %dma_start3A_295 : memref<1x64x128xf32, #tpu.memory_space<vmem>> -> memref<64x128xf32, #tpu.memory_space<vmem>>
      %dma_start3A_297 = arith.constant 0 : i32
      %dma_start3A_298 = tpu.memref_slice %arg5[%dma_start3A_291, %scan3A_57, %dma_start3A_297] : memref<32x5x64xi32, #tpu.memory_space<vmem>> -> memref<1x1x64xi32, #tpu.memory_space<vmem>>
      %dma_start3A_299 = tpu.memref_squeeze %dma_start3A_298 : memref<1x1x64xi32, #tpu.memory_space<vmem>> -> memref<64xi32, #tpu.memory_space<vmem>>
      %dma_start3A_300 = arith.constant 0 : i32
      %dma_start3A_301 = arith.constant 0 : i32
      %dma_start3A_302 = tpu.memref_slice %arg3[%dma_start3A_300, %dma_start3A_301] : memref<10240x128xf32, #tpu.memory_space<hbm>> -> memref<10240x128xf32, #tpu.memory_space<hbm>>
      tpu.enqueue_indirect_dma source(%dma_start3A_302 : memref<10240x128xf32, #tpu.memory_space<hbm>>) target(%dma_start3A_296 : memref<64x128xf32, #tpu.memory_space<vmem>>) offsets(%dma_start3A_299 : memref<64xi32, #tpu.memory_space<vmem>>) semaphore(%arg12 : memref<!tpu.dma_semaphore, #tpu.memory_space<semaphore_mem>>)
      %scan3A_303 = arith.constant 0 : i32
      %scan3A_304 = arith.constant 1 : i32
      %scan3A_305 = arith.constant 7 : i32
      %scan3A_306 = arith.addi %scan3A_304, %scan3A_305 : i32
      %scan3A_307 = arith.constant 1 : i32
      %scan3A_308 = scf.for %scan3A_314 = %scan3A_304 to %scan3A_306 step %scan3A_307 iter_args(%scan3A_315 = %scan3A_303) -> (i32)  : i32 {
        %mul3A_316 = arith.constant 4 : i32
        %mul3A_317 = arith.muli %mul3A_316, %scan3A_314 : i32
        %add3A_318 = arith.constant 0 : i32
        %add3A_319 = arith.addi %mul3A_317, %add3A_318 : i32
        %dma_wait3A_320 = arith.constant 0 : i32
        %dma_wait3A_321 = arith.constant 0 : i32
        %dma_wait3A_322 = arith.constant 0 : i32
        %dma_wait3A_323 = arith.constant 0 : i32
        %dma_wait3A_324 = arith.constant 0 : i32
        %dma_wait3A_325 = tpu.memref_slice %arg6[%dma_wait3A_322, %dma_wait3A_323, %dma_wait3A_324] : memref<4x64x128xf32, #tpu.memory_space<vmem>> -> memref<1x64x128xf32, #tpu.memory_space<vmem>>
        %dma_wait3A_326 = tpu.memref_squeeze %dma_wait3A_325 : memref<1x64x128xf32, #tpu.memory_space<vmem>> -> memref<64x128xf32, #tpu.memory_space<vmem>>
        %dma_wait3A_327 = arith.constant 0 : i32
        %dma_wait3A_328 = tpu.memref_slice %arg5[%dma_wait3A_320, %dma_wait3A_321, %dma_wait3A_327] : memref<32x5x64xi32, #tpu.memory_space<vmem>> -> memref<1x1x64xi32, #tpu.memory_space<vmem>>
        %dma_wait3A_329 = tpu.memref_squeeze %dma_wait3A_328 : memref<1x1x64xi32, #tpu.memory_space<vmem>> -> memref<64xi32, #tpu.memory_space<vmem>>
        %dma_wait3A_330 = arith.constant 0 : i32
        %dma_wait3A_331 = arith.constant 0 : i32
        %dma_wait3A_332 = tpu.memref_slice %arg3[%dma_wait3A_330, %dma_wait3A_331] : memref<10240x128xf32, #tpu.memory_space<hbm>> -> memref<10240x128xf32, #tpu.memory_space<hbm>>
        tpu.wait_indirect_dma semaphore(%arg9 : memref<!tpu.dma_semaphore, #tpu.memory_space<semaphore_mem>>) src(%dma_wait3A_332 : memref<10240x128xf32, #tpu.memory_space<hbm>>) dst(%dma_wait3A_326 : memref<64x128xf32, #tpu.memory_space<vmem>>)
        %dma_start3A_333 = arith.constant 0 : i32
        %dma_start3A_334 = arith.constant 0 : i32
        %dma_start3A_335 = arith.constant 0 : i32
        %dma_start3A_336 = arith.constant 0 : i32
        %dma_start3A_337 = tpu.memref_slice %arg6[%dma_start3A_333, %dma_start3A_335, %dma_start3A_336] : memref<4x64x128xf32, #tpu.memory_space<vmem>> -> memref<1x64x128xf32, #tpu.memory_space<vmem>>
        %dma_start3A_338 = tpu.memref_squeeze %dma_start3A_337 : memref<1x64x128xf32, #tpu.memory_space<vmem>> -> memref<64x128xf32, #tpu.memory_space<vmem>>
        %dma_start3A_339 = arith.constant 0 : i32
        %dma_start3A_340 = tpu.memref_slice %arg7[%dma_start3A_334, %dma_start3A_339] : memref<1x64xi32, #tpu.memory_space<vmem>> -> memref<1x64xi32, #tpu.memory_space<vmem>>
        %dma_start3A_341 = tpu.memref_squeeze %dma_start3A_340 : memref<1x64xi32, #tpu.memory_space<vmem>> -> memref<64xi32, #tpu.memory_space<vmem>>
        %dma_start3A_342 = arith.constant 0 : i32
        %dma_start3A_343 = arith.constant 0 : i32
        %dma_start3A_344 = tpu.memref_slice %arg8[%dma_start3A_342, %dma_start3A_343] : memref<1024x128xf32, #tpu.memory_space<vmem_shared>> -> memref<1024x128xf32, #tpu.memory_space<vmem_shared>>
        tpu.enqueue_indirect_dma source(%dma_start3A_338 : memref<64x128xf32, #tpu.memory_space<vmem>>) target(%dma_start3A_344 : memref<1024x128xf32, #tpu.memory_space<vmem_shared>>) offsets(%dma_start3A_341 : memref<64xi32, #tpu.memory_space<vmem>>) semaphore(%arg13 : memref<!tpu.dma_semaphore, #tpu.memory_space<semaphore_mem>>) {add = true}
        %dma_wait3A_345 = arith.constant 0 : i32
        %dma_wait3A_346 = arith.constant 0 : i32
        %dma_wait3A_347 = arith.constant 0 : i32
        %dma_wait3A_348 = arith.constant 0 : i32
        %dma_wait3A_349 = tpu.memref_slice %arg6[%dma_wait3A_345, %dma_wait3A_347, %dma_wait3A_348] : memref<4x64x128xf32, #tpu.memory_space<vmem>> -> memref<1x64x128xf32, #tpu.memory_space<vmem>>
        %dma_wait3A_350 = tpu.memref_squeeze %dma_wait3A_349 : memref<1x64x128xf32, #tpu.memory_space<vmem>> -> memref<64x128xf32, #tpu.memory_space<vmem>>
        %dma_wait3A_351 = arith.constant 0 : i32
        %dma_wait3A_352 = tpu.memref_slice %arg7[%dma_wait3A_346, %dma_wait3A_351] : memref<1x64xi32, #tpu.memory_space<vmem>> -> memref<1x64xi32, #tpu.memory_space<vmem>>
        %dma_wait3A_353 = tpu.memref_squeeze %dma_wait3A_352 : memref<1x64xi32, #tpu.memory_space<vmem>> -> memref<64xi32, #tpu.memory_space<vmem>>
        %dma_wait3A_354 = arith.constant 0 : i32
        %dma_wait3A_355 = arith.constant 0 : i32
        %dma_wait3A_356 = tpu.memref_slice %arg8[%dma_wait3A_354, %dma_wait3A_355] : memref<1024x128xf32, #tpu.memory_space<vmem_shared>> -> memref<1024x128xf32, #tpu.memory_space<vmem_shared>>
        tpu.wait_indirect_dma semaphore(%arg13 : memref<!tpu.dma_semaphore, #tpu.memory_space<semaphore_mem>>) src(%dma_wait3A_350 : memref<64x128xf32, #tpu.memory_space<vmem>>) dst(%dma_wait3A_356 : memref<1024x128xf32, #tpu.memory_space<vmem_shared>>)
        %add3A_357 = arith.constant 4 : i32
        %add3A_358 = arith.addi %add3A_319, %add3A_357 : i32
        %lt3A = arith.constant 32 : i32
        %lt3A_359 = arith.cmpi slt, %add3A_358, %lt3A : i32
        %convert_element_type3A = arith.extui %lt3A_359 : i1 to i32
        %cond3A = arith.constant 0 : i32
        %cond3A_360 = arith.cmpi ne, %convert_element_type3A, %cond3A : i32
        scf.if %cond3A_360 {
          %add3A_506 = arith.constant 4 : i32
          %add3A_507 = arith.addi %add3A_319, %add3A_506 : i32
          %dma_start3A_508 = arith.constant 0 : i32
          %dma_start3A_509 = arith.constant 0 : i32
          %dma_start3A_510 = arith.constant 0 : i32
          %dma_start3A_511 = tpu.memref_slice %arg6[%dma_start3A_508, %dma_start3A_509, %dma_start3A_510] : memref<4x64x128xf32, #tpu.memory_space<vmem>> -> memref<1x64x128xf32, #tpu.memory_space<vmem>>
          %dma_start3A_512 = tpu.memref_squeeze %dma_start3A_511 : memref<1x64x128xf32, #tpu.memory_space<vmem>> -> memref<64x128xf32, #tpu.memory_space<vmem>>
          %dma_start3A_513 = arith.constant 0 : i32
          %dma_start3A_514 = tpu.memref_slice %arg5[%add3A_507, %scan3A_57, %dma_start3A_513] : memref<32x5x64xi32, #tpu.memory_space<vmem>> -> memref<1x1x64xi32, #tpu.memory_space<vmem>>
          %dma_start3A_515 = tpu.memref_squeeze %dma_start3A_514 : memref<1x1x64xi32, #tpu.memory_space<vmem>> -> memref<64xi32, #tpu.memory_space<vmem>>
          %dma_start3A_516 = arith.constant 0 : i32
          %dma_start3A_517 = arith.constant 0 : i32
          %dma_start3A_518 = tpu.memref_slice %arg3[%dma_start3A_516, %dma_start3A_517] : memref<10240x128xf32, #tpu.memory_space<hbm>> -> memref<10240x128xf32, #tpu.memory_space<hbm>>
          tpu.enqueue_indirect_dma source(%dma_start3A_518 : memref<10240x128xf32, #tpu.memory_space<hbm>>) target(%dma_start3A_512 : memref<64x128xf32, #tpu.memory_space<vmem>>) offsets(%dma_start3A_515 : memref<64xi32, #tpu.memory_space<vmem>>) semaphore(%arg9 : memref<!tpu.dma_semaphore, #tpu.memory_space<semaphore_mem>>)
        } else {
        }
        %mul3A_361 = arith.constant 4 : i32
        %mul3A_362 = arith.muli %mul3A_361, %scan3A_314 : i32
        %add3A_363 = arith.constant 1 : i32
        %add3A_364 = arith.addi %mul3A_362, %add3A_363 : i32
        %dma_wait3A_365 = arith.constant 0 : i32
        %dma_wait3A_366 = arith.constant 0 : i32
        %dma_wait3A_367 = arith.constant 1 : i32
        %dma_wait3A_368 = arith.constant 0 : i32
        %dma_wait3A_369 = arith.constant 0 : i32
        %dma_wait3A_370 = tpu.memref_slice %arg6[%dma_wait3A_367, %dma_wait3A_368, %dma_wait3A_369] : memref<4x64x128xf32, #tpu.memory_space<vmem>> -> memref<1x64x128xf32, #tpu.memory_space<vmem>>
        %dma_wait3A_371 = tpu.memref_squeeze %dma_wait3A_370 : memref<1x64x128xf32, #tpu.memory_space<vmem>> -> memref<64x128xf32, #tpu.memory_space<vmem>>
        %dma_wait3A_372 = arith.constant 0 : i32
        %dma_wait3A_373 = tpu.memref_slice %arg5[%dma_wait3A_365, %dma_wait3A_366, %dma_wait3A_372] : memref<32x5x64xi32, #tpu.memory_space<vmem>> -> memref<1x1x64xi32, #tpu.memory_space<vmem>>
        %dma_wait3A_374 = tpu.memref_squeeze %dma_wait3A_373 : memref<1x1x64xi32, #tpu.memory_space<vmem>> -> memref<64xi32, #tpu.memory_space<vmem>>
        %dma_wait3A_375 = arith.constant 0 : i32
        %dma_wait3A_376 = arith.constant 0 : i32
        %dma_wait3A_377 = tpu.memref_slice %arg3[%dma_wait3A_375, %dma_wait3A_376] : memref<10240x128xf32, #tpu.memory_space<hbm>> -> memref<10240x128xf32, #tpu.memory_space<hbm>>
        tpu.wait_indirect_dma semaphore(%arg10 : memref<!tpu.dma_semaphore, #tpu.memory_space<semaphore_mem>>) src(%dma_wait3A_377 : memref<10240x128xf32, #tpu.memory_space<hbm>>) dst(%dma_wait3A_371 : memref<64x128xf32, #tpu.memory_space<vmem>>)
        %dma_start3A_378 = arith.constant 1 : i32
        %dma_start3A_379 = arith.constant 0 : i32
        %dma_start3A_380 = arith.constant 0 : i32
        %dma_start3A_381 = arith.constant 0 : i32
        %dma_start3A_382 = tpu.memref_slice %arg6[%dma_start3A_378, %dma_start3A_380, %dma_start3A_381] : memref<4x64x128xf32, #tpu.memory_space<vmem>> -> memref<1x64x128xf32, #tpu.memory_space<vmem>>
        %dma_start3A_383 = tpu.memref_squeeze %dma_start3A_382 : memref<1x64x128xf32, #tpu.memory_space<vmem>> -> memref<64x128xf32, #tpu.memory_space<vmem>>
        %dma_start3A_384 = arith.constant 0 : i32
        %dma_start3A_385 = tpu.memref_slice %arg7[%dma_start3A_379, %dma_start3A_384] : memref<1x64xi32, #tpu.memory_space<vmem>> -> memref<1x64xi32, #tpu.memory_space<vmem>>
        %dma_start3A_386 = tpu.memref_squeeze %dma_start3A_385 : memref<1x64xi32, #tpu.memory_space<vmem>> -> memref<64xi32, #tpu.memory_space<vmem>>
        %dma_start3A_387 = arith.constant 0 : i32
        %dma_start3A_388 = arith.constant 0 : i32
        %dma_start3A_389 = tpu.memref_slice %arg8[%dma_start3A_387, %dma_start3A_388] : memref<1024x128xf32, #tpu.memory_space<vmem_shared>> -> memref<1024x128xf32, #tpu.memory_space<vmem_shared>>
        tpu.enqueue_indirect_dma source(%dma_start3A_383 : memref<64x128xf32, #tpu.memory_space<vmem>>) target(%dma_start3A_389 : memref<1024x128xf32, #tpu.memory_space<vmem_shared>>) offsets(%dma_start3A_386 : memref<64xi32, #tpu.memory_space<vmem>>) semaphore(%arg14 : memref<!tpu.dma_semaphore, #tpu.memory_space<semaphore_mem>>) {add = true}
        %dma_wait3A_390 = arith.constant 1 : i32
        %dma_wait3A_391 = arith.constant 0 : i32
        %dma_wait3A_392 = arith.constant 0 : i32
        %dma_wait3A_393 = arith.constant 0 : i32
        %dma_wait3A_394 = tpu.memref_slice %arg6[%dma_wait3A_390, %dma_wait3A_392, %dma_wait3A_393] : memref<4x64x128xf32, #tpu.memory_space<vmem>> -> memref<1x64x128xf32, #tpu.memory_space<vmem>>
        %dma_wait3A_395 = tpu.memref_squeeze %dma_wait3A_394 : memref<1x64x128xf32, #tpu.memory_space<vmem>> -> memref<64x128xf32, #tpu.memory_space<vmem>>
        %dma_wait3A_396 = arith.constant 0 : i32
        %dma_wait3A_397 = tpu.memref_slice %arg7[%dma_wait3A_391, %dma_wait3A_396] : memref<1x64xi32, #tpu.memory_space<vmem>> -> memref<1x64xi32, #tpu.memory_space<vmem>>
        %dma_wait3A_398 = tpu.memref_squeeze %dma_wait3A_397 : memref<1x64xi32, #tpu.memory_space<vmem>> -> memref<64xi32, #tpu.memory_space<vmem>>
        %dma_wait3A_399 = arith.constant 0 : i32
        %dma_wait3A_400 = arith.constant 0 : i32
        %dma_wait3A_401 = tpu.memref_slice %arg8[%dma_wait3A_399, %dma_wait3A_400] : memref<1024x128xf32, #tpu.memory_space<vmem_shared>> -> memref<1024x128xf32, #tpu.memory_space<vmem_shared>>
        tpu.wait_indirect_dma semaphore(%arg14 : memref<!tpu.dma_semaphore, #tpu.memory_space<semaphore_mem>>) src(%dma_wait3A_395 : memref<64x128xf32, #tpu.memory_space<vmem>>) dst(%dma_wait3A_401 : memref<1024x128xf32, #tpu.memory_space<vmem_shared>>)
        %add3A_402 = arith.constant 4 : i32
        %add3A_403 = arith.addi %add3A_364, %add3A_402 : i32
        %lt3A_404 = arith.constant 32 : i32
        %lt3A_405 = arith.cmpi slt, %add3A_403, %lt3A_404 : i32
        %convert_element_type3A_406 = arith.extui %lt3A_405 : i1 to i32
        %cond3A_407 = arith.constant 0 : i32
        %cond3A_408 = arith.cmpi ne, %convert_element_type3A_406, %cond3A_407 : i32
        scf.if %cond3A_408 {
          %add3A_506 = arith.constant 4 : i32
          %add3A_507 = arith.addi %add3A_364, %add3A_506 : i32
          %dma_start3A_508 = arith.constant 1 : i32
          %dma_start3A_509 = arith.constant 0 : i32
          %dma_start3A_510 = arith.constant 0 : i32
          %dma_start3A_511 = tpu.memref_slice %arg6[%dma_start3A_508, %dma_start3A_509, %dma_start3A_510] : memref<4x64x128xf32, #tpu.memory_space<vmem>> -> memref<1x64x128xf32, #tpu.memory_space<vmem>>
          %dma_start3A_512 = tpu.memref_squeeze %dma_start3A_511 : memref<1x64x128xf32, #tpu.memory_space<vmem>> -> memref<64x128xf32, #tpu.memory_space<vmem>>
          %dma_start3A_513 = arith.constant 0 : i32
          %dma_start3A_514 = tpu.memref_slice %arg5[%add3A_507, %scan3A_57, %dma_start3A_513] : memref<32x5x64xi32, #tpu.memory_space<vmem>> -> memref<1x1x64xi32, #tpu.memory_space<vmem>>
          %dma_start3A_515 = tpu.memref_squeeze %dma_start3A_514 : memref<1x1x64xi32, #tpu.memory_space<vmem>> -> memref<64xi32, #tpu.memory_space<vmem>>
          %dma_start3A_516 = arith.constant 0 : i32
          %dma_start3A_517 = arith.constant 0 : i32
          %dma_start3A_518 = tpu.memref_slice %arg3[%dma_start3A_516, %dma_start3A_517] : memref<10240x128xf32, #tpu.memory_space<hbm>> -> memref<10240x128xf32, #tpu.memory_space<hbm>>
          tpu.enqueue_indirect_dma source(%dma_start3A_518 : memref<10240x128xf32, #tpu.memory_space<hbm>>) target(%dma_start3A_512 : memref<64x128xf32, #tpu.memory_space<vmem>>) offsets(%dma_start3A_515 : memref<64xi32, #tpu.memory_space<vmem>>) semaphore(%arg10 : memref<!tpu.dma_semaphore, #tpu.memory_space<semaphore_mem>>)
        } else {
        }
        %mul3A_409 = arith.constant 4 : i32
        %mul3A_410 = arith.muli %mul3A_409, %scan3A_314 : i32
        %add3A_411 = arith.constant 2 : i32
        %add3A_412 = arith.addi %mul3A_410, %add3A_411 : i32
        %dma_wait3A_413 = arith.constant 0 : i32
        %dma_wait3A_414 = arith.constant 0 : i32
        %dma_wait3A_415 = arith.constant 2 : i32
        %dma_wait3A_416 = arith.constant 0 : i32
        %dma_wait3A_417 = arith.constant 0 : i32
        %dma_wait3A_418 = tpu.memref_slice %arg6[%dma_wait3A_415, %dma_wait3A_416, %dma_wait3A_417] : memref<4x64x128xf32, #tpu.memory_space<vmem>> -> memref<1x64x128xf32, #tpu.memory_space<vmem>>
        %dma_wait3A_419 = tpu.memref_squeeze %dma_wait3A_418 : memref<1x64x128xf32, #tpu.memory_space<vmem>> -> memref<64x128xf32, #tpu.memory_space<vmem>>
        %dma_wait3A_420 = arith.constant 0 : i32
        %dma_wait3A_421 = tpu.memref_slice %arg5[%dma_wait3A_413, %dma_wait3A_414, %dma_wait3A_420] : memref<32x5x64xi32, #tpu.memory_space<vmem>> -> memref<1x1x64xi32, #tpu.memory_space<vmem>>
        %dma_wait3A_422 = tpu.memref_squeeze %dma_wait3A_421 : memref<1x1x64xi32, #tpu.memory_space<vmem>> -> memref<64xi32, #tpu.memory_space<vmem>>
        %dma_wait3A_423 = arith.constant 0 : i32
        %dma_wait3A_424 = arith.constant 0 : i32
        %dma_wait3A_425 = tpu.memref_slice %arg3[%dma_wait3A_423, %dma_wait3A_424] : memref<10240x128xf32, #tpu.memory_space<hbm>> -> memref<10240x128xf32, #tpu.memory_space<hbm>>
        tpu.wait_indirect_dma semaphore(%arg11 : memref<!tpu.dma_semaphore, #tpu.memory_space<semaphore_mem>>) src(%dma_wait3A_425 : memref<10240x128xf32, #tpu.memory_space<hbm>>) dst(%dma_wait3A_419 : memref<64x128xf32, #tpu.memory_space<vmem>>)
        %dma_start3A_426 = arith.constant 2 : i32
        %dma_start3A_427 = arith.constant 0 : i32
        %dma_start3A_428 = arith.constant 0 : i32
        %dma_start3A_429 = arith.constant 0 : i32
        %dma_start3A_430 = tpu.memref_slice %arg6[%dma_start3A_426, %dma_start3A_428, %dma_start3A_429] : memref<4x64x128xf32, #tpu.memory_space<vmem>> -> memref<1x64x128xf32, #tpu.memory_space<vmem>>
        %dma_start3A_431 = tpu.memref_squeeze %dma_start3A_430 : memref<1x64x128xf32, #tpu.memory_space<vmem>> -> memref<64x128xf32, #tpu.memory_space<vmem>>
        %dma_start3A_432 = arith.constant 0 : i32
        %dma_start3A_433 = tpu.memref_slice %arg7[%dma_start3A_427, %dma_start3A_432] : memref<1x64xi32, #tpu.memory_space<vmem>> -> memref<1x64xi32, #tpu.memory_space<vmem>>
        %dma_start3A_434 = tpu.memref_squeeze %dma_start3A_433 : memref<1x64xi32, #tpu.memory_space<vmem>> -> memref<64xi32, #tpu.memory_space<vmem>>
        %dma_start3A_435 = arith.constant 0 : i32
        %dma_start3A_436 = arith.constant 0 : i32
        %dma_start3A_437 = tpu.memref_slice %arg8[%dma_start3A_435, %dma_start3A_436] : memref<1024x128xf32, #tpu.memory_space<vmem_shared>> -> memref<1024x128xf32, #tpu.memory_space<vmem_shared>>
        tpu.enqueue_indirect_dma source(%dma_start3A_431 : memref<64x128xf32, #tpu.memory_space<vmem>>) target(%dma_start3A_437 : memref<1024x128xf32, #tpu.memory_space<vmem_shared>>) offsets(%dma_start3A_434 : memref<64xi32, #tpu.memory_space<vmem>>) semaphore(%arg15 : memref<!tpu.dma_semaphore, #tpu.memory_space<semaphore_mem>>) {add = true}
        %dma_wait3A_438 = arith.constant 2 : i32
        %dma_wait3A_439 = arith.constant 0 : i32
        %dma_wait3A_440 = arith.constant 0 : i32
        %dma_wait3A_441 = arith.constant 0 : i32
        %dma_wait3A_442 = tpu.memref_slice %arg6[%dma_wait3A_438, %dma_wait3A_440, %dma_wait3A_441] : memref<4x64x128xf32, #tpu.memory_space<vmem>> -> memref<1x64x128xf32, #tpu.memory_space<vmem>>
        %dma_wait3A_443 = tpu.memref_squeeze %dma_wait3A_442 : memref<1x64x128xf32, #tpu.memory_space<vmem>> -> memref<64x128xf32, #tpu.memory_space<vmem>>
        %dma_wait3A_444 = arith.constant 0 : i32
        %dma_wait3A_445 = tpu.memref_slice %arg7[%dma_wait3A_439, %dma_wait3A_444] : memref<1x64xi32, #tpu.memory_space<vmem>> -> memref<1x64xi32, #tpu.memory_space<vmem>>
        %dma_wait3A_446 = tpu.memref_squeeze %dma_wait3A_445 : memref<1x64xi32, #tpu.memory_space<vmem>> -> memref<64xi32, #tpu.memory_space<vmem>>
        %dma_wait3A_447 = arith.constant 0 : i32
        %dma_wait3A_448 = arith.constant 0 : i32
        %dma_wait3A_449 = tpu.memref_slice %arg8[%dma_wait3A_447, %dma_wait3A_448] : memref<1024x128xf32, #tpu.memory_space<vmem_shared>> -> memref<1024x128xf32, #tpu.memory_space<vmem_shared>>
        tpu.wait_indirect_dma semaphore(%arg15 : memref<!tpu.dma_semaphore, #tpu.memory_space<semaphore_mem>>) src(%dma_wait3A_443 : memref<64x128xf32, #tpu.memory_space<vmem>>) dst(%dma_wait3A_449 : memref<1024x128xf32, #tpu.memory_space<vmem_shared>>)
        %add3A_450 = arith.constant 4 : i32
        %add3A_451 = arith.addi %add3A_412, %add3A_450 : i32
        %lt3A_452 = arith.constant 32 : i32
        %lt3A_453 = arith.cmpi slt, %add3A_451, %lt3A_452 : i32
        %convert_element_type3A_454 = arith.extui %lt3A_453 : i1 to i32
        %cond3A_455 = arith.constant 0 : i32
        %cond3A_456 = arith.cmpi ne, %convert_element_type3A_454, %cond3A_455 : i32
        scf.if %cond3A_456 {
          %add3A_506 = arith.constant 4 : i32
          %add3A_507 = arith.addi %add3A_412, %add3A_506 : i32
          %dma_start3A_508 = arith.constant 2 : i32
          %dma_start3A_509 = arith.constant 0 : i32
          %dma_start3A_510 = arith.constant 0 : i32
          %dma_start3A_511 = tpu.memref_slice %arg6[%dma_start3A_508, %dma_start3A_509, %dma_start3A_510] : memref<4x64x128xf32, #tpu.memory_space<vmem>> -> memref<1x64x128xf32, #tpu.memory_space<vmem>>
          %dma_start3A_512 = tpu.memref_squeeze %dma_start3A_511 : memref<1x64x128xf32, #tpu.memory_space<vmem>> -> memref<64x128xf32, #tpu.memory_space<vmem>>
          %dma_start3A_513 = arith.constant 0 : i32
          %dma_start3A_514 = tpu.memref_slice %arg5[%add3A_507, %scan3A_57, %dma_start3A_513] : memref<32x5x64xi32, #tpu.memory_space<vmem>> -> memref<1x1x64xi32, #tpu.memory_space<vmem>>
          %dma_start3A_515 = tpu.memref_squeeze %dma_start3A_514 : memref<1x1x64xi32, #tpu.memory_space<vmem>> -> memref<64xi32, #tpu.memory_space<vmem>>
          %dma_start3A_516 = arith.constant 0 : i32
          %dma_start3A_517 = arith.constant 0 : i32
          %dma_start3A_518 = tpu.memref_slice %arg3[%dma_start3A_516, %dma_start3A_517] : memref<10240x128xf32, #tpu.memory_space<hbm>> -> memref<10240x128xf32, #tpu.memory_space<hbm>>
          tpu.enqueue_indirect_dma source(%dma_start3A_518 : memref<10240x128xf32, #tpu.memory_space<hbm>>) target(%dma_start3A_512 : memref<64x128xf32, #tpu.memory_space<vmem>>) offsets(%dma_start3A_515 : memref<64xi32, #tpu.memory_space<vmem>>) semaphore(%arg11 : memref<!tpu.dma_semaphore, #tpu.memory_space<semaphore_mem>>)
        } else {
        }
        %mul3A_457 = arith.constant 4 : i32
        %mul3A_458 = arith.muli %mul3A_457, %scan3A_314 : i32
        %add3A_459 = arith.constant 3 : i32
        %add3A_460 = arith.addi %mul3A_458, %add3A_459 : i32
        %dma_wait3A_461 = arith.constant 0 : i32
        %dma_wait3A_462 = arith.constant 0 : i32
        %dma_wait3A_463 = arith.constant 3 : i32
        %dma_wait3A_464 = arith.constant 0 : i32
        %dma_wait3A_465 = arith.constant 0 : i32
        %dma_wait3A_466 = tpu.memref_slice %arg6[%dma_wait3A_463, %dma_wait3A_464, %dma_wait3A_465] : memref<4x64x128xf32, #tpu.memory_space<vmem>> -> memref<1x64x128xf32, #tpu.memory_space<vmem>>
        %dma_wait3A_467 = tpu.memref_squeeze %dma_wait3A_466 : memref<1x64x128xf32, #tpu.memory_space<vmem>> -> memref<64x128xf32, #tpu.memory_space<vmem>>
        %dma_wait3A_468 = arith.constant 0 : i32
        %dma_wait3A_469 = tpu.memref_slice %arg5[%dma_wait3A_461, %dma_wait3A_462, %dma_wait3A_468] : memref<32x5x64xi32, #tpu.memory_space<vmem>> -> memref<1x1x64xi32, #tpu.memory_space<vmem>>
        %dma_wait3A_470 = tpu.memref_squeeze %dma_wait3A_469 : memref<1x1x64xi32, #tpu.memory_space<vmem>> -> memref<64xi32, #tpu.memory_space<vmem>>
        %dma_wait3A_471 = arith.constant 0 : i32
        %dma_wait3A_472 = arith.constant 0 : i32
        %dma_wait3A_473 = tpu.memref_slice %arg3[%dma_wait3A_471, %dma_wait3A_472] : memref<10240x128xf32, #tpu.memory_space<hbm>> -> memref<10240x128xf32, #tpu.memory_space<hbm>>
        tpu.wait_indirect_dma semaphore(%arg12 : memref<!tpu.dma_semaphore, #tpu.memory_space<semaphore_mem>>) src(%dma_wait3A_473 : memref<10240x128xf32, #tpu.memory_space<hbm>>) dst(%dma_wait3A_467 : memref<64x128xf32, #tpu.memory_space<vmem>>)
        %dma_start3A_474 = arith.constant 3 : i32
        %dma_start3A_475 = arith.constant 0 : i32
        %dma_start3A_476 = arith.constant 0 : i32
        %dma_start3A_477 = arith.constant 0 : i32
        %dma_start3A_478 = tpu.memref_slice %arg6[%dma_start3A_474, %dma_start3A_476, %dma_start3A_477] : memref<4x64x128xf32, #tpu.memory_space<vmem>> -> memref<1x64x128xf32, #tpu.memory_space<vmem>>
        %dma_start3A_479 = tpu.memref_squeeze %dma_start3A_478 : memref<1x64x128xf32, #tpu.memory_space<vmem>> -> memref<64x128xf32, #tpu.memory_space<vmem>>
        %dma_start3A_480 = arith.constant 0 : i32
        %dma_start3A_481 = tpu.memref_slice %arg7[%dma_start3A_475, %dma_start3A_480] : memref<1x64xi32, #tpu.memory_space<vmem>> -> memref<1x64xi32, #tpu.memory_space<vmem>>
        %dma_start3A_482 = tpu.memref_squeeze %dma_start3A_481 : memref<1x64xi32, #tpu.memory_space<vmem>> -> memref<64xi32, #tpu.memory_space<vmem>>
        %dma_start3A_483 = arith.constant 0 : i32
        %dma_start3A_484 = arith.constant 0 : i32
        %dma_start3A_485 = tpu.memref_slice %arg8[%dma_start3A_483, %dma_start3A_484] : memref<1024x128xf32, #tpu.memory_space<vmem_shared>> -> memref<1024x128xf32, #tpu.memory_space<vmem_shared>>
        tpu.enqueue_indirect_dma source(%dma_start3A_479 : memref<64x128xf32, #tpu.memory_space<vmem>>) target(%dma_start3A_485 : memref<1024x128xf32, #tpu.memory_space<vmem_shared>>) offsets(%dma_start3A_482 : memref<64xi32, #tpu.memory_space<vmem>>) semaphore(%arg16 : memref<!tpu.dma_semaphore, #tpu.memory_space<semaphore_mem>>) {add = true}
        %dma_wait3A_486 = arith.constant 3 : i32
        %dma_wait3A_487 = arith.constant 0 : i32
        %dma_wait3A_488 = arith.constant 0 : i32
        %dma_wait3A_489 = arith.constant 0 : i32
        %dma_wait3A_490 = tpu.memref_slice %arg6[%dma_wait3A_486, %dma_wait3A_488, %dma_wait3A_489] : memref<4x64x128xf32, #tpu.memory_space<vmem>> -> memref<1x64x128xf32, #tpu.memory_space<vmem>>
        %dma_wait3A_491 = tpu.memref_squeeze %dma_wait3A_490 : memref<1x64x128xf32, #tpu.memory_space<vmem>> -> memref<64x128xf32, #tpu.memory_space<vmem>>
        %dma_wait3A_492 = arith.constant 0 : i32
        %dma_wait3A_493 = tpu.memref_slice %arg7[%dma_wait3A_487, %dma_wait3A_492] : memref<1x64xi32, #tpu.memory_space<vmem>> -> memref<1x64xi32, #tpu.memory_space<vmem>>
        %dma_wait3A_494 = tpu.memref_squeeze %dma_wait3A_493 : memref<1x64xi32, #tpu.memory_space<vmem>> -> memref<64xi32, #tpu.memory_space<vmem>>
        %dma_wait3A_495 = arith.constant 0 : i32
        %dma_wait3A_496 = arith.constant 0 : i32
        %dma_wait3A_497 = tpu.memref_slice %arg8[%dma_wait3A_495, %dma_wait3A_496] : memref<1024x128xf32, #tpu.memory_space<vmem_shared>> -> memref<1024x128xf32, #tpu.memory_space<vmem_shared>>
        tpu.wait_indirect_dma semaphore(%arg16 : memref<!tpu.dma_semaphore, #tpu.memory_space<semaphore_mem>>) src(%dma_wait3A_491 : memref<64x128xf32, #tpu.memory_space<vmem>>) dst(%dma_wait3A_497 : memref<1024x128xf32, #tpu.memory_space<vmem_shared>>)
        %add3A_498 = arith.constant 4 : i32
        %add3A_499 = arith.addi %add3A_460, %add3A_498 : i32
        %lt3A_500 = arith.constant 32 : i32
        %lt3A_501 = arith.cmpi slt, %add3A_499, %lt3A_500 : i32
        %convert_element_type3A_502 = arith.extui %lt3A_501 : i1 to i32
        %cond3A_503 = arith.constant 0 : i32
        %cond3A_504 = arith.cmpi ne, %convert_element_type3A_502, %cond3A_503 : i32
        scf.if %cond3A_504 {
          %add3A_506 = arith.constant 4 : i32
          %add3A_507 = arith.addi %add3A_460, %add3A_506 : i32
          %dma_start3A_508 = arith.constant 3 : i32
          %dma_start3A_509 = arith.constant 0 : i32
          %dma_start3A_510 = arith.constant 0 : i32
          %dma_start3A_511 = tpu.memref_slice %arg6[%dma_start3A_508, %dma_start3A_509, %dma_start3A_510] : memref<4x64x128xf32, #tpu.memory_space<vmem>> -> memref<1x64x128xf32, #tpu.memory_space<vmem>>
          %dma_start3A_512 = tpu.memref_squeeze %dma_start3A_511 : memref<1x64x128xf32, #tpu.memory_space<vmem>> -> memref<64x128xf32, #tpu.memory_space<vmem>>
          %dma_start3A_513 = arith.constant 0 : i32
          %dma_start3A_514 = tpu.memref_slice %arg5[%add3A_507, %scan3A_57, %dma_start3A_513] : memref<32x5x64xi32, #tpu.memory_space<vmem>> -> memref<1x1x64xi32, #tpu.memory_space<vmem>>
          %dma_start3A_515 = tpu.memref_squeeze %dma_start3A_514 : memref<1x1x64xi32, #tpu.memory_space<vmem>> -> memref<64xi32, #tpu.memory_space<vmem>>
          %dma_start3A_516 = arith.constant 0 : i32
          %dma_start3A_517 = arith.constant 0 : i32
          %dma_start3A_518 = tpu.memref_slice %arg3[%dma_start3A_516, %dma_start3A_517] : memref<10240x128xf32, #tpu.memory_space<hbm>> -> memref<10240x128xf32, #tpu.memory_space<hbm>>
          tpu.enqueue_indirect_dma source(%dma_start3A_518 : memref<10240x128xf32, #tpu.memory_space<hbm>>) target(%dma_start3A_512 : memref<64x128xf32, #tpu.memory_space<vmem>>) offsets(%dma_start3A_515 : memref<64xi32, #tpu.memory_space<vmem>>) semaphore(%arg12 : memref<!tpu.dma_semaphore, #tpu.memory_space<semaphore_mem>>)
        } else {
        }
        %scan3A_505 = arith.constant 0 : i32
        scf.yield %scan3A_505 : i32
      }
      %scan3A_309 = arith.constant 7 : i32
      %mul3A_310 = arith.constant 64 : i32
      %mul3A_311 = arith.muli %scan3A_57, %mul3A_310 : i32
      %add3A_312 = arith.addi %mul3A_2, %mul3A_311 : i32
      "tpu.region"() ({
        %run_scoped3A = tpu.sem_alloc : memref<!tpu.dma_semaphore, #tpu.memory_space<semaphore_mem>>
        %dma_start3A_314 = arith.constant 0 : i32
        %dma_start3A_315 = tpu.memref_slice %arg4[%add3A_312, %dma_start3A_314] : memref<10240x128xf32, #tpu.memory_space<hbm>> -> memref<64x128xf32, #tpu.memory_space<hbm>>
        %dma_start3A_316 = arith.constant 0 : i32
        %dma_start3A_317 = tpu.memref_slice %arg8[%mul3A_4, %dma_start3A_316] : memref<1024x128xf32, #tpu.memory_space<vmem_shared>> -> memref<64x128xf32, #tpu.memory_space<vmem_shared>>
        tpu.enqueue_dma source(%dma_start3A_317 : memref<64x128xf32, #tpu.memory_space<vmem_shared>>) target(%dma_start3A_315 : memref<64x128xf32, #tpu.memory_space<hbm>>) target_semaphore(%run_scoped3A : memref<!tpu.dma_semaphore, #tpu.memory_space<semaphore_mem>>)
        %dma_wait3A_318 = arith.constant 0 : i32
        %dma_wait3A_319 = tpu.memref_slice %arg4[%add3A_312, %dma_wait3A_318] : memref<10240x128xf32, #tpu.memory_space<hbm>> -> memref<64x128xf32, #tpu.memory_space<hbm>>
        %dma_wait3A_320 = arith.constant 0 : i32
        %dma_wait3A_321 = tpu.memref_slice %arg8[%mul3A_4, %dma_wait3A_320] : memref<1024x128xf32, #tpu.memory_space<vmem_shared>> -> memref<64x128xf32, #tpu.memory_space<vmem_shared>>
        tpu.wait_dma2 semaphore(%run_scoped3A : memref<!tpu.dma_semaphore, #tpu.memory_space<semaphore_mem>>) src(%dma_wait3A_321 : memref<64x128xf32, #tpu.memory_space<vmem_shared>>) dst(%dma_wait3A_319 : memref<64x128xf32, #tpu.memory_space<hbm>>)
        tpu.yield
      }) : () -> ()
      %scan3A_313 = arith.constant 0 : i32
      scf.yield %scan3A_313 : i32
    }
    %scan3A_56 = arith.constant 5 : i32
    return
  }
}

#map = affine_map<(d0, d1) -> (0, 0, 0, 0)>
#map1 = affine_map<(d0, d1) -> (0, 0)>
module attributes {stable_mosaic.version = 14 : i64} {
  func.func @body(%arg0: i32, %arg1: i32, %arg2: memref<32x32x5x64xi32, #tpu.memory_space<hbm>>, %arg3: memref<10240x128xf32, #tpu.memory_space<hbm>>, %arg4: memref<10240x128xf32, #tpu.memory_space<hbm>>, %arg5: memref<32x5x64xi32, #tpu.memory_space<vmem>>, %arg6: memref<4x64x128xf32, #tpu.memory_space<vmem>>, %arg7: memref<1x64xi32, #tpu.memory_space<vmem>>, %arg8: memref<1024x128xf32, #tpu.memory_space<vmem_shared>>, %arg9: memref<!tpu.dma_semaphore, #tpu.memory_space<semaphore_mem>>, %arg10: memref<!tpu.dma_semaphore, #tpu.memory_space<semaphore_mem>>, %arg11: memref<!tpu.dma_semaphore, #tpu.memory_space<semaphore_mem>>, %arg12: memref<!tpu.dma_semaphore, #tpu.memory_space<semaphore_mem>>, %arg13: memref<!tpu.dma_semaphore, #tpu.memory_space<semaphore_mem>>, %arg14: memref<!tpu.dma_semaphore, #tpu.memory_space<semaphore_mem>>, %arg15: memref<!tpu.dma_semaphore, #tpu.memory_space<semaphore_mem>>, %arg16: memref<!tpu.dma_semaphore, #tpu.memory_space<semaphore_mem>>) attributes {dimension_semantics = [#tpu.dimension_semantics<core_parallel>, #tpu.dimension_semantics<subcore_parallel>], iteration_bounds = array<i64: 2, 16>, scalar_prefetch = 0 : i64, scratch_operands = 12 : i64, tpu.core_type = #tpu.core_type<sc_vector_subcore>, window_params = [{transform_indices = #map}, {transform_indices = #map1}, {transform_indices = #map1}]} {
    %mul3A = arith.constant 16 : i32
    %mul3A_0 = arith.muli %arg0, %mul3A : i32
    %add3A = arith.addi %mul3A_0, %arg1 : i32
    %mul3A_1 = arith.constant 320 : i32
    %mul3A_2 = arith.muli %add3A, %mul3A_1 : i32
    %mul3A_3 = arith.constant 64 : i32
    %mul3A_4 = arith.muli %arg1, %mul3A_3 : i32
    %iota3A = tpu.iota {dimensions = array<i32: 0>} : vector<16xi32>
    %add3A_5 = vector.broadcast %mul3A_4 : i32 to vector<16xi32>
    %add3A_6 = arith.addi %iota3A, %add3A_5 : vector<16xi32>
    %add3A_7 = arith.constant 0 : i32
    %add3A_8 = vector.broadcast %add3A_7 : i32 to vector<16xi32>
    %add3A_9 = arith.addi %add3A_6, %add3A_8 : vector<16xi32>
    %swap3A = arith.constant 0 : i32
    %swap3A_10 = arith.index_cast %swap3A : i32 to index
    %swap3A_11 = arith.constant 0 : index
    %swap3A_12 = tpu.vector_load %arg7[%swap3A_10, %swap3A_11] {strides = array<i32>} : memref<1x64xi32, #tpu.memory_space<vmem>>, vector<1x16xi32>,
    %swap3A_13 = vector.shape_cast %swap3A_12 : vector<1x16xi32> to vector<16xi32>
    %swap3A_14 = vector.shape_cast %add3A_9 : vector<16xi32> to vector<1x16xi32>
    tpu.vector_store %arg7[%swap3A_10, %swap3A_11], %swap3A_14 {strides = array<i32>} : memref<1x64xi32, #tpu.memory_space<vmem>>, vector<1x16xi32>,
    %iota3A_15 = tpu.iota {dimensions = array<i32: 0>} : vector<16xi32>
    %add3A_16 = vector.broadcast %mul3A_4 : i32 to vector<16xi32>
    %add3A_17 = arith.addi %iota3A_15, %add3A_16 : vector<16xi32>
    %add3A_18 = arith.constant 16 : i32
    %add3A_19 = vector.broadcast %add3A_18 : i32 to vector<16xi32>
    %add3A_20 = arith.addi %add3A_17, %add3A_19 : vector<16xi32>
    %swap3A_21 = arith.constant 0 : i32
    %swap3A_22 = arith.index_cast %swap3A_21 : i32 to index
    %swap3A_23 = arith.constant 16 : index
    %swap3A_24 = tpu.vector_load %arg7[%swap3A_22, %swap3A_23] {strides = array<i32>} : memref<1x64xi32, #tpu.memory_space<vmem>>, vector<1x16xi32>,
    %swap3A_25 = vector.shape_cast %swap3A_24 : vector<1x16xi32> to vector<16xi32>
    %swap3A_26 = vector.shape_cast %add3A_20 : vector<16xi32> to vector<1x16xi32>
    tpu.vector_store %arg7[%swap3A_22, %swap3A_23], %swap3A_26 {strides = array<i32>} : memref<1x64xi32, #tpu.memory_space<vmem>>, vector<1x16xi32>,
    %iota3A_27 = tpu.iota {dimensions = array<i32: 0>} : vector<16xi32>
    %add3A_28 = vector.broadcast %mul3A_4 : i32 to vector<16xi32>
    %add3A_29 = arith.addi %iota3A_27, %add3A_28 : vector<16xi32>
    %add3A_30 = arith.constant 32 : i32
    %add3A_31 = vector.broadcast %add3A_30 : i32 to vector<16xi32>
    %add3A_32 = arith.addi %add3A_29, %add3A_31 : vector<16xi32>
    %swap3A_33 = arith.constant 0 : i32
    %swap3A_34 = arith.index_cast %swap3A_33 : i32 to index
    %swap3A_35 = arith.constant 32 : index
    %swap3A_36 = tpu.vector_load %arg7[%swap3A_34, %swap3A_35] {strides = array<i32>} : memref<1x64xi32, #tpu.memory_space<vmem>>, vector<1x16xi32>,
    %swap3A_37 = vector.shape_cast %swap3A_36 : vector<1x16xi32> to vector<16xi32>
    %swap3A_38 = vector.shape_cast %add3A_32 : vector<16xi32> to vector<1x16xi32>
    tpu.vector_store %arg7[%swap3A_34, %swap3A_35], %swap3A_38 {strides = array<i32>} : memref<1x64xi32, #tpu.memory_space<vmem>>, vector<1x16xi32>,
    %iota3A_39 = tpu.iota {dimensions = array<i32: 0>} : vector<16xi32>
    %add3A_40 = vector.broadcast %mul3A_4 : i32 to vector<16xi32>
    %add3A_41 = arith.addi %iota3A_39, %add3A_40 : vector<16xi32>
    %add3A_42 = arith.constant 48 : i32
    %add3A_43 = vector.broadcast %add3A_42 : i32 to vector<16xi32>
    %add3A_44 = arith.addi %add3A_41, %add3A_43 : vector<16xi32>
    %swap3A_45 = arith.constant 0 : i32
    %swap3A_46 = arith.index_cast %swap3A_45 : i32 to index
    %swap3A_47 = arith.constant 48 : index
    %swap3A_48 = tpu.vector_load %arg7[%swap3A_46, %swap3A_47] {strides = array<i32>} : memref<1x64xi32, #tpu.memory_space<vmem>>, vector<1x16xi32>,
    %swap3A_49 = vector.shape_cast %swap3A_48 : vector<1x16xi32> to vector<16xi32>
    %swap3A_50 = vector.shape_cast %add3A_44 : vector<16xi32> to vector<1x16xi32>
    tpu.vector_store %arg7[%swap3A_46, %swap3A_47], %swap3A_50 {strides = array<i32>} : memref<1x64xi32, #tpu.memory_space<vmem>>, vector<1x16xi32>,
    "tpu.region"() ({
      %run_scoped3A = tpu.sem_alloc : memref<!tpu.dma_semaphore, #tpu.memory_space<semaphore_mem>>
      %dma_start3A = arith.constant 0 : i32
      %dma_start3A_57 = arith.constant 0 : i32
      %dma_start3A_58 = arith.constant 0 : i32
      %dma_start3A_59 = tpu.memref_slice %arg2[%add3A, %dma_start3A, %dma_start3A_57, %dma_start3A_58] : memref<32x32x5x64xi32, #tpu.memory_space<hbm>> -> memref<1x32x5x64xi32, #tpu.memory_space<hbm>>
      %dma_start3A_60 = tpu.memref_squeeze %dma_start3A_59 : memref<1x32x5x64xi32, #tpu.memory_space<hbm>> -> memref<32x5x64xi32, #tpu.memory_space<hbm>>
      %dma_start3A_61 = arith.constant 0 : i32
      %dma_start3A_62 = arith.constant 0 : i32
      %dma_start3A_63 = arith.constant 0 : i32
      %dma_start3A_64 = tpu.memref_slice %arg2[%add3A, %dma_start3A_61, %dma_start3A_62, %dma_start3A_63] : memref<32x32x5x64xi32, #tpu.memory_space<hbm>> -> memref<1x32x5x64xi32, #tpu.memory_space<hbm>>
      %dma_start3A_65 = tpu.memref_squeeze %dma_start3A_64 : memref<1x32x5x64xi32, #tpu.memory_space<hbm>> -> memref<32x5x64xi32, #tpu.memory_space<hbm>>
      tpu.enqueue_dma source(%dma_start3A_65 : memref<32x5x64xi32, #tpu.memory_space<hbm>>) target(%arg5 : memref<32x5x64xi32, #tpu.memory_space<vmem>>) target_semaphore(%run_scoped3A : memref<!tpu.dma_semaphore, #tpu.memory_space<semaphore_mem>>)
      %dma_wait3A = arith.constant 0 : i32
      %dma_wait3A_66 = arith.constant 0 : i32
      %dma_wait3A_67 = arith.constant 0 : i32
      %dma_wait3A_68 = tpu.memref_slice %arg2[%add3A, %dma_wait3A, %dma_wait3A_66, %dma_wait3A_67] : memref<32x32x5x64xi32, #tpu.memory_space<hbm>> -> memref<1x32x5x64xi32, #tpu.memory_space<hbm>>
      %dma_wait3A_69 = tpu.memref_squeeze %dma_wait3A_68 : memref<1x32x5x64xi32, #tpu.memory_space<hbm>> -> memref<32x5x64xi32, #tpu.memory_space<hbm>>
      %dma_wait3A_70 = arith.constant 0 : i32
      %dma_wait3A_71 = arith.constant 0 : i32
      %dma_wait3A_72 = arith.constant 0 : i32
      %dma_wait3A_73 = tpu.memref_slice %arg2[%add3A, %dma_wait3A_70, %dma_wait3A_71, %dma_wait3A_72] : memref<32x32x5x64xi32, #tpu.memory_space<hbm>> -> memref<1x32x5x64xi32, #tpu.memory_space<hbm>>
      %dma_wait3A_74 = tpu.memref_squeeze %dma_wait3A_73 : memref<1x32x5x64xi32, #tpu.memory_space<hbm>> -> memref<32x5x64xi32, #tpu.memory_space<hbm>>
      tpu.wait_dma2 semaphore(%run_scoped3A : memref<!tpu.dma_semaphore, #tpu.memory_space<semaphore_mem>>) src(%dma_wait3A_74 : memref<32x5x64xi32, #tpu.memory_space<hbm>>) dst(%arg5 : memref<32x5x64xi32, #tpu.memory_space<vmem>>)
      tpu.yield
    }) : () -> ()
    %scan3A = arith.constant 0 : i32
    %scan3A_51 = arith.constant 0 : i32
    %scan3A_52 = arith.constant 5 : i32
    %scan3A_53 = arith.addi %scan3A_51, %scan3A_52 : i32
    %scan3A_54 = arith.constant 1 : i32
    %scan3A_55 = scf.for %scan3A_57 = %scan3A_51 to %scan3A_53 step %scan3A_54 iter_args(%scan3A_58 = %scan3A) -> (i32)  : i32 {
      %dma_start3A = arith.constant 0 : i32
      %dma_start3A_59 = arith.constant 0 : i32
      %dma_start3A_60 = arith.constant 0 : i32
      %dma_start3A_61 = arith.constant 0 : i32
      %dma_start3A_62 = tpu.memref_slice %arg6[%dma_start3A_59, %dma_start3A_60, %dma_start3A_61] : memref<4x64x128xf32, #tpu.memory_space<vmem>> -> memref<1x64x128xf32, #tpu.memory_space<vmem>>
      %dma_start3A_63 = tpu.memref_squeeze %dma_start3A_62 : memref<1x64x128xf32, #tpu.memory_space<vmem>> -> memref<64x128xf32, #tpu.memory_space<vmem>>
      %dma_start3A_64 = arith.constant 0 : i32
      %dma_start3A_65 = tpu.memref_slice %arg5[%dma_start3A, %scan3A_57, %dma_start3A_64] : memref<32x5x64xi32, #tpu.memory_space<vmem>> -> memref<1x1x64xi32, #tpu.memory_space<vmem>>
      %dma_start3A_66 = tpu.memref_squeeze %dma_start3A_65 : memref<1x1x64xi32, #tpu.memory_space<vmem>> -> memref<64xi32, #tpu.memory_space<vmem>>
      %dma_start3A_67 = arith.constant 0 : i32
      %dma_start3A_68 = arith.constant 0 : i32
      %dma_start3A_69 = tpu.memref_slice %arg3[%dma_start3A_67, %dma_start3A_68] : memref<10240x128xf32, #tpu.memory_space<hbm>> -> memref<10240x128xf32, #tpu.memory_space<hbm>>
      tpu.enqueue_indirect_dma source(%dma_start3A_69 : memref<10240x128xf32, #tpu.memory_space<hbm>>) target(%dma_start3A_63 : memref<64x128xf32, #tpu.memory_space<vmem>>) offsets(%dma_start3A_66 : memref<64xi32, #tpu.memory_space<vmem>>) semaphore(%arg9 : memref<!tpu.dma_semaphore, #tpu.memory_space<semaphore_mem>>)
      %dma_start3A_70 = arith.constant 1 : i32
      %dma_start3A_71 = arith.constant 1 : i32
      %dma_start3A_72 = arith.constant 0 : i32
      %dma_start3A_73 = arith.constant 0 : i32
      %dma_start3A_74 = tpu.memref_slice %arg6[%dma_start3A_71, %dma_start3A_72, %dma_start3A_73] : memref<4x64x128xf32, #tpu.memory_space<vmem>> -> memref<1x64x128xf32, #tpu.memory_space<vmem>>
      %dma_start3A_75 = tpu.memref_squeeze %dma_start3A_74 : memref<1x64x128xf32, #tpu.memory_space<vmem>> -> memref<64x128xf32, #tpu.memory_space<vmem>>
      %dma_start3A_76 = arith.constant 0 : i32
      %dma_start3A_77 = tpu.memref_slice %arg5[%dma_start3A_70, %scan3A_57, %dma_start3A_76] : memref<32x5x64xi32, #tpu.memory_space<vmem>> -> memref<1x1x64xi32, #tpu.memory_space<vmem>>
      %dma_start3A_78 = tpu.memref_squeeze %dma_start3A_77 : memref<1x1x64xi32, #tpu.memory_space<vmem>> -> memref<64xi32, #tpu.memory_space<vmem>>
      %dma_start3A_79 = arith.constant 0 : i32
      %dma_start3A_80 = arith.constant 0 : i32
      %dma_start3A_81 = tpu.memref_slice %arg3[%dma_start3A_79, %dma_start3A_80] : memref<10240x128xf32, #tpu.memory_space<hbm>> -> memref<10240x128xf32, #tpu.memory_space<hbm>>
      tpu.enqueue_indirect_dma source(%dma_start3A_81 : memref<10240x128xf32, #tpu.memory_space<hbm>>) target(%dma_start3A_75 : memref<64x128xf32, #tpu.memory_space<vmem>>) offsets(%dma_start3A_78 : memref<64xi32, #tpu.memory_space<vmem>>) semaphore(%arg10 : memref<!tpu.dma_semaphore, #tpu.memory_space<semaphore_mem>>)
      %dma_start3A_82 = arith.constant 2 : i32
      %dma_start3A_83 = arith.constant 2 : i32
      %dma_start3A_84 = arith.constant 0 : i32
      %dma_start3A_85 = arith.constant 0 : i32
      %dma_start3A_86 = tpu.memref_slice %arg6[%dma_start3A_83, %dma_start3A_84, %dma_start3A_85] : memref<4x64x128xf32, #tpu.memory_space<vmem>> -> memref<1x64x128xf32, #tpu.memory_space<vmem>>
      %dma_start3A_87 = tpu.memref_squeeze %dma_start3A_86 : memref<1x64x128xf32, #tpu.memory_space<vmem>> -> memref<64x128xf32, #tpu.memory_space<vmem>>
      %dma_start3A_88 = arith.constant 0 : i32
      %dma_start3A_89 = tpu.memref_slice %arg5[%dma_start3A_82, %scan3A_57, %dma_start3A_88] : memref<32x5x64xi32, #tpu.memory_space<vmem>> -> memref<1x1x64xi32, #tpu.memory_space<vmem>>
      %dma_start3A_90 = tpu.memref_squeeze %dma_start3A_89 : memref<1x1x64xi32, #tpu.memory_space<vmem>> -> memref<64xi32, #tpu.memory_space<vmem>>
      %dma_start3A_91 = arith.constant 0 : i32
      %dma_start3A_92 = arith.constant 0 : i32
      %dma_start3A_93 = tpu.memref_slice %arg3[%dma_start3A_91, %dma_start3A_92] : memref<10240x128xf32, #tpu.memory_space<hbm>> -> memref<10240x128xf32, #tpu.memory_space<hbm>>
      tpu.enqueue_indirect_dma source(%dma_start3A_93 : memref<10240x128xf32, #tpu.memory_space<hbm>>) target(%dma_start3A_87 : memref<64x128xf32, #tpu.memory_space<vmem>>) offsets(%dma_start3A_90 : memref<64xi32, #tpu.memory_space<vmem>>) semaphore(%arg11 : memref<!tpu.dma_semaphore, #tpu.memory_space<semaphore_mem>>)
      %dma_start3A_94 = arith.constant 3 : i32
      %dma_start3A_95 = arith.constant 3 : i32
      %dma_start3A_96 = arith.constant 0 : i32
      %dma_start3A_97 = arith.constant 0 : i32
      %dma_start3A_98 = tpu.memref_slice %arg6[%dma_start3A_95, %dma_start3A_96, %dma_start3A_97] : memref<4x64x128xf32, #tpu.memory_space<vmem>> -> memref<1x64x128xf32, #tpu.memory_space<vmem>>
      %dma_start3A_99 = tpu.memref_squeeze %dma_start3A_98 : memref<1x64x128xf32, #tpu.memory_space<vmem>> -> memref<64x128xf32, #tpu.memory_space<vmem>>
      %dma_start3A_100 = arith.constant 0 : i32
      %dma_start3A_101 = tpu.memref_slice %arg5[%dma_start3A_94, %scan3A_57, %dma_start3A_100] : memref<32x5x64xi32, #tpu.memory_space<vmem>> -> memref<1x1x64xi32, #tpu.memory_space<vmem>>
      %dma_start3A_102 = tpu.memref_squeeze %dma_start3A_101 : memref<1x1x64xi32, #tpu.memory_space<vmem>> -> memref<64xi32, #tpu.memory_space<vmem>>
      %dma_start3A_103 = arith.constant 0 : i32
      %dma_start3A_104 = arith.constant 0 : i32
      %dma_start3A_105 = tpu.memref_slice %arg3[%dma_start3A_103, %dma_start3A_104] : memref<10240x128xf32, #tpu.memory_space<hbm>> -> memref<10240x128xf32, #tpu.memory_space<hbm>>
      tpu.enqueue_indirect_dma source(%dma_start3A_105 : memref<10240x128xf32, #tpu.memory_space<hbm>>) target(%dma_start3A_99 : memref<64x128xf32, #tpu.memory_space<vmem>>) offsets(%dma_start3A_102 : memref<64xi32, #tpu.memory_space<vmem>>) semaphore(%arg12 : memref<!tpu.dma_semaphore, #tpu.memory_space<semaphore_mem>>)
      %dma_wait3A = arith.constant 0 : i32
      %dma_wait3A_106 = arith.constant 0 : i32
      %dma_wait3A_107 = arith.constant 0 : i32
      %dma_wait3A_108 = arith.constant 0 : i32
      %dma_wait3A_109 = arith.constant 0 : i32
      %dma_wait3A_110 = tpu.memref_slice %arg6[%dma_wait3A_107, %dma_wait3A_108, %dma_wait3A_109] : memref<4x64x128xf32, #tpu.memory_space<vmem>> -> memref<1x64x128xf32, #tpu.memory_space<vmem>>
      %dma_wait3A_111 = tpu.memref_squeeze %dma_wait3A_110 : memref<1x64x128xf32, #tpu.memory_space<vmem>> -> memref<64x128xf32, #tpu.memory_space<vmem>>
      %dma_wait3A_112 = arith.constant 0 : i32
      %dma_wait3A_113 = tpu.memref_slice %arg5[%dma_wait3A, %dma_wait3A_106, %dma_wait3A_112] : memref<32x5x64xi32, #tpu.memory_space<vmem>> -> memref<1x1x64xi32, #tpu.memory_space<vmem>>
      %dma_wait3A_114 = tpu.memref_squeeze %dma_wait3A_113 : memref<1x1x64xi32, #tpu.memory_space<vmem>> -> memref<64xi32, #tpu.memory_space<vmem>>
      %dma_wait3A_115 = arith.constant 0 : i32
      %dma_wait3A_116 = arith.constant 0 : i32
      %dma_wait3A_117 = tpu.memref_slice %arg3[%dma_wait3A_115, %dma_wait3A_116] : memref<10240x128xf32, #tpu.memory_space<hbm>> -> memref<10240x128xf32, #tpu.memory_space<hbm>>
      tpu.wait_indirect_dma semaphore(%arg9 : memref<!tpu.dma_semaphore, #tpu.memory_space<semaphore_mem>>) src(%dma_wait3A_117 : memref<10240x128xf32, #tpu.memory_space<hbm>>) dst(%dma_wait3A_111 : memref<64x128xf32, #tpu.memory_space<vmem>>)
      %dma_start3A_118 = arith.constant 0 : i32
      %dma_start3A_119 = arith.constant 0 : i32
      %dma_start3A_120 = arith.constant 0 : i32
      %dma_start3A_121 = tpu.memref_slice %arg6[%dma_start3A_118, %dma_start3A_119, %dma_start3A_120] : memref<4x64x128xf32, #tpu.memory_space<vmem>> -> memref<1x64x128xf32, #tpu.memory_space<vmem>>
      %dma_start3A_122 = tpu.memref_squeeze %dma_start3A_121 : memref<1x64x128xf32, #tpu.memory_space<vmem>> -> memref<64x128xf32, #tpu.memory_space<vmem>>
      %dma_start3A_123 = arith.constant 0 : i32
      %dma_start3A_124 = tpu.memref_slice %arg8[%mul3A_4, %dma_start3A_123] : memref<1024x128xf32, #tpu.memory_space<vmem_shared>> -> memref<64x128xf32, #tpu.memory_space<vmem_shared>>
      %dma_start3A_125 = arith.constant 0 : i32
      %dma_start3A_126 = tpu.memref_slice %arg8[%mul3A_4, %dma_start3A_125] : memref<1024x128xf32, #tpu.memory_space<vmem_shared>> -> memref<64x128xf32, #tpu.memory_space<vmem_shared>>
      %dma_start3A_127 = arith.constant 0 : i32
      %dma_start3A_128 = arith.constant 0 : i32
      %dma_start3A_129 = tpu.memref_slice %arg6[%dma_start3A_118, %dma_start3A_127, %dma_start3A_128] : memref<4x64x128xf32, #tpu.memory_space<vmem>> -> memref<1x64x128xf32, #tpu.memory_space<vmem>>
      %dma_start3A_130 = tpu.memref_squeeze %dma_start3A_129 : memref<1x64x128xf32, #tpu.memory_space<vmem>> -> memref<64x128xf32, #tpu.memory_space<vmem>>
      tpu.enqueue_dma source(%dma_start3A_130 : memref<64x128xf32, #tpu.memory_space<vmem>>) target(%dma_start3A_126 : memref<64x128xf32, #tpu.memory_space<vmem_shared>>) target_semaphore(%arg13 : memref<!tpu.dma_semaphore, #tpu.memory_space<semaphore_mem>>)
      %dma_wait3A_131 = arith.constant 0 : i32
      %dma_wait3A_132 = arith.constant 0 : i32
      %dma_wait3A_133 = arith.constant 0 : i32
      %dma_wait3A_134 = tpu.memref_slice %arg6[%dma_wait3A_131, %dma_wait3A_132, %dma_wait3A_133] : memref<4x64x128xf32, #tpu.memory_space<vmem>> -> memref<1x64x128xf32, #tpu.memory_space<vmem>>
      %dma_wait3A_135 = tpu.memref_squeeze %dma_wait3A_134 : memref<1x64x128xf32, #tpu.memory_space<vmem>> -> memref<64x128xf32, #tpu.memory_space<vmem>>
      %dma_wait3A_136 = arith.constant 0 : i32
      %dma_wait3A_137 = tpu.memref_slice %arg8[%mul3A_4, %dma_wait3A_136] : memref<1024x128xf32, #tpu.memory_space<vmem_shared>> -> memref<64x128xf32, #tpu.memory_space<vmem_shared>>
      %dma_wait3A_138 = arith.constant 0 : i32
      %dma_wait3A_139 = tpu.memref_slice %arg8[%mul3A_4, %dma_wait3A_138] : memref<1024x128xf32, #tpu.memory_space<vmem_shared>> -> memref<64x128xf32, #tpu.memory_space<vmem_shared>>
      %dma_wait3A_140 = arith.constant 0 : i32
      %dma_wait3A_141 = arith.constant 0 : i32
      %dma_wait3A_142 = tpu.memref_slice %arg6[%dma_wait3A_131, %dma_wait3A_140, %dma_wait3A_141] : memref<4x64x128xf32, #tpu.memory_space<vmem>> -> memref<1x64x128xf32, #tpu.memory_space<vmem>>
      %dma_wait3A_143 = tpu.memref_squeeze %dma_wait3A_142 : memref<1x64x128xf32, #tpu.memory_space<vmem>> -> memref<64x128xf32, #tpu.memory_space<vmem>>
      tpu.wait_dma2 semaphore(%arg13 : memref<!tpu.dma_semaphore, #tpu.memory_space<semaphore_mem>>) src(%dma_wait3A_143 : memref<64x128xf32, #tpu.memory_space<vmem>>) dst(%dma_wait3A_139 : memref<64x128xf32, #tpu.memory_space<vmem_shared>>)
      %dma_start3A_144 = arith.constant 4 : i32
      %dma_start3A_145 = arith.constant 0 : i32
      %dma_start3A_146 = arith.constant 0 : i32
      %dma_start3A_147 = arith.constant 0 : i32
      %dma_start3A_148 = tpu.memref_slice %arg6[%dma_start3A_145, %dma_start3A_146, %dma_start3A_147] : memref<4x64x128xf32, #tpu.memory_space<vmem>> -> memref<1x64x128xf32, #tpu.memory_space<vmem>>
      %dma_start3A_149 = tpu.memref_squeeze %dma_start3A_148 : memref<1x64x128xf32, #tpu.memory_space<vmem>> -> memref<64x128xf32, #tpu.memory_space<vmem>>
      %dma_start3A_150 = arith.constant 0 : i32
      %dma_start3A_151 = tpu.memref_slice %arg5[%dma_start3A_144, %scan3A_57, %dma_start3A_150] : memref<32x5x64xi32, #tpu.memory_space<vmem>> -> memref<1x1x64xi32, #tpu.memory_space<vmem>>
      %dma_start3A_152 = tpu.memref_squeeze %dma_start3A_151 : memref<1x1x64xi32, #tpu.memory_space<vmem>> -> memref<64xi32, #tpu.memory_space<vmem>>
      %dma_start3A_153 = arith.constant 0 : i32
      %dma_start3A_154 = arith.constant 0 : i32
      %dma_start3A_155 = tpu.memref_slice %arg3[%dma_start3A_153, %dma_start3A_154] : memref<10240x128xf32, #tpu.memory_space<hbm>> -> memref<10240x128xf32, #tpu.memory_space<hbm>>
      tpu.enqueue_indirect_dma source(%dma_start3A_155 : memref<10240x128xf32, #tpu.memory_space<hbm>>) target(%dma_start3A_149 : memref<64x128xf32, #tpu.memory_space<vmem>>) offsets(%dma_start3A_152 : memref<64xi32, #tpu.memory_space<vmem>>) semaphore(%arg9 : memref<!tpu.dma_semaphore, #tpu.memory_space<semaphore_mem>>)
      %dma_wait3A_156 = arith.constant 0 : i32
      %dma_wait3A_157 = arith.constant 0 : i32
      %dma_wait3A_158 = arith.constant 1 : i32
      %dma_wait3A_159 = arith.constant 0 : i32
      %dma_wait3A_160 = arith.constant 0 : i32
      %dma_wait3A_161 = tpu.memref_slice %arg6[%dma_wait3A_158, %dma_wait3A_159, %dma_wait3A_160] : memref<4x64x128xf32, #tpu.memory_space<vmem>> -> memref<1x64x128xf32, #tpu.memory_space<vmem>>
      %dma_wait3A_162 = tpu.memref_squeeze %dma_wait3A_161 : memref<1x64x128xf32, #tpu.memory_space<vmem>> -> memref<64x128xf32, #tpu.memory_space<vmem>>
      %dma_wait3A_163 = arith.constant 0 : i32
      %dma_wait3A_164 = tpu.memref_slice %arg5[%dma_wait3A_156, %dma_wait3A_157, %dma_wait3A_163] : memref<32x5x64xi32, #tpu.memory_space<vmem>> -> memref<1x1x64xi32, #tpu.memory_space<vmem>>
      %dma_wait3A_165 = tpu.memref_squeeze %dma_wait3A_164 : memref<1x1x64xi32, #tpu.memory_space<vmem>> -> memref<64xi32, #tpu.memory_space<vmem>>
      %dma_wait3A_166 = arith.constant 0 : i32
      %dma_wait3A_167 = arith.constant 0 : i32
      %dma_wait3A_168 = tpu.memref_slice %arg3[%dma_wait3A_166, %dma_wait3A_167] : memref<10240x128xf32, #tpu.memory_space<hbm>> -> memref<10240x128xf32, #tpu.memory_space<hbm>>
      tpu.wait_indirect_dma semaphore(%arg10 : memref<!tpu.dma_semaphore, #tpu.memory_space<semaphore_mem>>) src(%dma_wait3A_168 : memref<10240x128xf32, #tpu.memory_space<hbm>>) dst(%dma_wait3A_162 : memref<64x128xf32, #tpu.memory_space<vmem>>)
      %dma_start3A_169 = arith.constant 1 : i32
      %dma_start3A_170 = arith.constant 0 : i32
      %dma_start3A_171 = arith.constant 0 : i32
      %dma_start3A_172 = arith.constant 0 : i32
      %dma_start3A_173 = tpu.memref_slice %arg6[%dma_start3A_169, %dma_start3A_171, %dma_start3A_172] : memref<4x64x128xf32, #tpu.memory_space<vmem>> -> memref<1x64x128xf32, #tpu.memory_space<vmem>>
      %dma_start3A_174 = tpu.memref_squeeze %dma_start3A_173 : memref<1x64x128xf32, #tpu.memory_space<vmem>> -> memref<64x128xf32, #tpu.memory_space<vmem>>
      %dma_start3A_175 = arith.constant 0 : i32
      %dma_start3A_176 = tpu.memref_slice %arg7[%dma_start3A_170, %dma_start3A_175] : memref<1x64xi32, #tpu.memory_space<vmem>> -> memref<1x64xi32, #tpu.memory_space<vmem>>
      %dma_start3A_177 = tpu.memref_squeeze %dma_start3A_176 : memref<1x64xi32, #tpu.memory_space<vmem>> -> memref<64xi32, #tpu.memory_space<vmem>>
      %dma_start3A_178 = arith.constant 0 : i32
      %dma_start3A_179 = arith.constant 0 : i32
      %dma_start3A_180 = tpu.memref_slice %arg8[%dma_start3A_178, %dma_start3A_179] : memref<1024x128xf32, #tpu.memory_space<vmem_shared>> -> memref<1024x128xf32, #tpu.memory_space<vmem_shared>>
      tpu.enqueue_indirect_dma source(%dma_start3A_174 : memref<64x128xf32, #tpu.memory_space<vmem>>) target(%dma_start3A_180 : memref<1024x128xf32, #tpu.memory_space<vmem_shared>>) offsets(%dma_start3A_177 : memref<64xi32, #tpu.memory_space<vmem>>) semaphore(%arg14 : memref<!tpu.dma_semaphore, #tpu.memory_space<semaphore_mem>>) {add = true}
      %dma_wait3A_181 = arith.constant 1 : i32
      %dma_wait3A_182 = arith.constant 0 : i32
      %dma_wait3A_183 = arith.constant 0 : i32
      %dma_wait3A_184 = arith.constant 0 : i32
      %dma_wait3A_185 = tpu.memref_slice %arg6[%dma_wait3A_181, %dma_wait3A_183, %dma_wait3A_184] : memref<4x64x128xf32, #tpu.memory_space<vmem>> -> memref<1x64x128xf32, #tpu.memory_space<vmem>>
      %dma_wait3A_186 = tpu.memref_squeeze %dma_wait3A_185 : memref<1x64x128xf32, #tpu.memory_space<vmem>> -> memref<64x128xf32, #tpu.memory_space<vmem>>
      %dma_wait3A_187 = arith.constant 0 : i32
      %dma_wait3A_188 = tpu.memref_slice %arg7[%dma_wait3A_182, %dma_wait3A_187] : memref<1x64xi32, #tpu.memory_space<vmem>> -> memref<1x64xi32, #tpu.memory_space<vmem>>
      %dma_wait3A_189 = tpu.memref_squeeze %dma_wait3A_188 : memref<1x64xi32, #tpu.memory_space<vmem>> -> memref<64xi32, #tpu.memory_space<vmem>>
      %dma_wait3A_190 = arith.constant 0 : i32
      %dma_wait3A_191 = arith.constant 0 : i32
      %dma_wait3A_192 = tpu.memref_slice %arg8[%dma_wait3A_190, %dma_wait3A_191] : memref<1024x128xf32, #tpu.memory_space<vmem_shared>> -> memref<1024x128xf32, #tpu.memory_space<vmem_shared>>
      tpu.wait_indirect_dma semaphore(%arg14 : memref<!tpu.dma_semaphore, #tpu.memory_space<semaphore_mem>>) src(%dma_wait3A_186 : memref<64x128xf32, #tpu.memory_space<vmem>>) dst(%dma_wait3A_192 : memref<1024x128xf32, #tpu.memory_space<vmem_shared>>)
      %dma_start3A_193 = arith.constant 5 : i32
      %dma_start3A_194 = arith.constant 1 : i32
      %dma_start3A_195 = arith.constant 0 : i32
      %dma_start3A_196 = arith.constant 0 : i32
      %dma_start3A_197 = tpu.memref_slice %arg6[%dma_start3A_194, %dma_start3A_195, %dma_start3A_196] : memref<4x64x128xf32, #tpu.memory_space<vmem>> -> memref<1x64x128xf32, #tpu.memory_space<vmem>>
      %dma_start3A_198 = tpu.memref_squeeze %dma_start3A_197 : memref<1x64x128xf32, #tpu.memory_space<vmem>> -> memref<64x128xf32, #tpu.memory_space<vmem>>
      %dma_start3A_199 = arith.constant 0 : i32
      %dma_start3A_200 = tpu.memref_slice %arg5[%dma_start3A_193, %scan3A_57, %dma_start3A_199] : memref<32x5x64xi32, #tpu.memory_space<vmem>> -> memref<1x1x64xi32, #tpu.memory_space<vmem>>
      %dma_start3A_201 = tpu.memref_squeeze %dma_start3A_200 : memref<1x1x64xi32, #tpu.memory_space<vmem>> -> memref<64xi32, #tpu.memory_space<vmem>>
      %dma_start3A_202 = arith.constant 0 : i32
      %dma_start3A_203 = arith.constant 0 : i32
      %dma_start3A_204 = tpu.memref_slice %arg3[%dma_start3A_202, %dma_start3A_203] : memref<10240x128xf32, #tpu.memory_space<hbm>> -> memref<10240x128xf32, #tpu.memory_space<hbm>>
      tpu.enqueue_indirect_dma source(%dma_start3A_204 : memref<10240x128xf32, #tpu.memory_space<hbm>>) target(%dma_start3A_198 : memref<64x128xf32, #tpu.memory_space<vmem>>) offsets(%dma_start3A_201 : memref<64xi32, #tpu.memory_space<vmem>>) semaphore(%arg10 : memref<!tpu.dma_semaphore, #tpu.memory_space<semaphore_mem>>)
      %dma_wait3A_205 = arith.constant 0 : i32
      %dma_wait3A_206 = arith.constant 0 : i32
      %dma_wait3A_207 = arith.constant 2 : i32
      %dma_wait3A_208 = arith.constant 0 : i32
      %dma_wait3A_209 = arith.constant 0 : i32
      %dma_wait3A_210 = tpu.memref_slice %arg6[%dma_wait3A_207, %dma_wait3A_208, %dma_wait3A_209] : memref<4x64x128xf32, #tpu.memory_space<vmem>> -> memref<1x64x128xf32, #tpu.memory_space<vmem>>
      %dma_wait3A_211 = tpu.memref_squeeze %dma_wait3A_210 : memref<1x64x128xf32, #tpu.memory_space<vmem>> -> memref<64x128xf32, #tpu.memory_space<vmem>>
      %dma_wait3A_212 = arith.constant 0 : i32
      %dma_wait3A_213 = tpu.memref_slice %arg5[%dma_wait3A_205, %dma_wait3A_206, %dma_wait3A_212] : memref<32x5x64xi32, #tpu.memory_space<vmem>> -> memref<1x1x64xi32, #tpu.memory_space<vmem>>
      %dma_wait3A_214 = tpu.memref_squeeze %dma_wait3A_213 : memref<1x1x64xi32, #tpu.memory_space<vmem>> -> memref<64xi32, #tpu.memory_space<vmem>>
      %dma_wait3A_215 = arith.constant 0 : i32
      %dma_wait3A_216 = arith.constant 0 : i32
      %dma_wait3A_217 = tpu.memref_slice %arg3[%dma_wait3A_215, %dma_wait3A_216] : memref<10240x128xf32, #tpu.memory_space<hbm>> -> memref<10240x128xf32, #tpu.memory_space<hbm>>
      tpu.wait_indirect_dma semaphore(%arg11 : memref<!tpu.dma_semaphore, #tpu.memory_space<semaphore_mem>>) src(%dma_wait3A_217 : memref<10240x128xf32, #tpu.memory_space<hbm>>) dst(%dma_wait3A_211 : memref<64x128xf32, #tpu.memory_space<vmem>>)
      %dma_start3A_218 = arith.constant 2 : i32
      %dma_start3A_219 = arith.constant 0 : i32
      %dma_start3A_220 = arith.constant 0 : i32
      %dma_start3A_221 = arith.constant 0 : i32
      %dma_start3A_222 = tpu.memref_slice %arg6[%dma_start3A_218, %dma_start3A_220, %dma_start3A_221] : memref<4x64x128xf32, #tpu.memory_space<vmem>> -> memref<1x64x128xf32, #tpu.memory_space<vmem>>
      %dma_start3A_223 = tpu.memref_squeeze %dma_start3A_222 : memref<1x64x128xf32, #tpu.memory_space<vmem>> -> memref<64x128xf32, #tpu.memory_space<vmem>>
      %dma_start3A_224 = arith.constant 0 : i32
      %dma_start3A_225 = tpu.memref_slice %arg7[%dma_start3A_219, %dma_start3A_224] : memref<1x64xi32, #tpu.memory_space<vmem>> -> memref<1x64xi32, #tpu.memory_space<vmem>>
      %dma_start3A_226 = tpu.memref_squeeze %dma_start3A_225 : memref<1x64xi32, #tpu.memory_space<vmem>> -> memref<64xi32, #tpu.memory_space<vmem>>
      %dma_start3A_227 = arith.constant 0 : i32
      %dma_start3A_228 = arith.constant 0 : i32
      %dma_start3A_229 = tpu.memref_slice %arg8[%dma_start3A_227, %dma_start3A_228] : memref<1024x128xf32, #tpu.memory_space<vmem_shared>> -> memref<1024x128xf32, #tpu.memory_space<vmem_shared>>
      tpu.enqueue_indirect_dma source(%dma_start3A_223 : memref<64x128xf32, #tpu.memory_space<vmem>>) target(%dma_start3A_229 : memref<1024x128xf32, #tpu.memory_space<vmem_shared>>) offsets(%dma_start3A_226 : memref<64xi32, #tpu.memory_space<vmem>>) semaphore(%arg15 : memref<!tpu.dma_semaphore, #tpu.memory_space<semaphore_mem>>) {add = true}
      %dma_wait3A_230 = arith.constant 2 : i32
      %dma_wait3A_231 = arith.constant 0 : i32
      %dma_wait3A_232 = arith.constant 0 : i32
      %dma_wait3A_233 = arith.constant 0 : i32
      %dma_wait3A_234 = tpu.memref_slice %arg6[%dma_wait3A_230, %dma_wait3A_232, %dma_wait3A_233] : memref<4x64x128xf32, #tpu.memory_space<vmem>> -> memref<1x64x128xf32, #tpu.memory_space<vmem>>
      %dma_wait3A_235 = tpu.memref_squeeze %dma_wait3A_234 : memref<1x64x128xf32, #tpu.memory_space<vmem>> -> memref<64x128xf32, #tpu.memory_space<vmem>>
      %dma_wait3A_236 = arith.constant 0 : i32
      %dma_wait3A_237 = tpu.memref_slice %arg7[%dma_wait3A_231, %dma_wait3A_236] : memref<1x64xi32, #tpu.memory_space<vmem>> -> memref<1x64xi32, #tpu.memory_space<vmem>>
      %dma_wait3A_238 = tpu.memref_squeeze %dma_wait3A_237 : memref<1x64xi32, #tpu.memory_space<vmem>> -> memref<64xi32, #tpu.memory_space<vmem>>
      %dma_wait3A_239 = arith.constant 0 : i32
      %dma_wait3A_240 = arith.constant 0 : i32
      %dma_wait3A_241 = tpu.memref_slice %arg8[%dma_wait3A_239, %dma_wait3A_240] : memref<1024x128xf32, #tpu.memory_space<vmem_shared>> -> memref<1024x128xf32, #tpu.memory_space<vmem_shared>>
      tpu.wait_indirect_dma semaphore(%arg15 : memref<!tpu.dma_semaphore, #tpu.memory_space<semaphore_mem>>) src(%dma_wait3A_235 : memref<64x128xf32, #tpu.memory_space<vmem>>) dst(%dma_wait3A_241 : memref<1024x128xf32, #tpu.memory_space<vmem_shared>>)
      %dma_start3A_242 = arith.constant 6 : i32
      %dma_start3A_243 = arith.constant 2 : i32
      %dma_start3A_244 = arith.constant 0 : i32
      %dma_start3A_245 = arith.constant 0 : i32
      %dma_start3A_246 = tpu.memref_slice %arg6[%dma_start3A_243, %dma_start3A_244, %dma_start3A_245] : memref<4x64x128xf32, #tpu.memory_space<vmem>> -> memref<1x64x128xf32, #tpu.memory_space<vmem>>
      %dma_start3A_247 = tpu.memref_squeeze %dma_start3A_246 : memref<1x64x128xf32, #tpu.memory_space<vmem>> -> memref<64x128xf32, #tpu.memory_space<vmem>>
      %dma_start3A_248 = arith.constant 0 : i32
      %dma_start3A_249 = tpu.memref_slice %arg5[%dma_start3A_242, %scan3A_57, %dma_start3A_248] : memref<32x5x64xi32, #tpu.memory_space<vmem>> -> memref<1x1x64xi32, #tpu.memory_space<vmem>>
      %dma_start3A_250 = tpu.memref_squeeze %dma_start3A_249 : memref<1x1x64xi32, #tpu.memory_space<vmem>> -> memref<64xi32, #tpu.memory_space<vmem>>
      %dma_start3A_251 = arith.constant 0 : i32
      %dma_start3A_252 = arith.constant 0 : i32
      %dma_start3A_253 = tpu.memref_slice %arg3[%dma_start3A_251, %dma_start3A_252] : memref<10240x128xf32, #tpu.memory_space<hbm>> -> memref<10240x128xf32, #tpu.memory_space<hbm>>
      tpu.enqueue_indirect_dma source(%dma_start3A_253 : memref<10240x128xf32, #tpu.memory_space<hbm>>) target(%dma_start3A_247 : memref<64x128xf32, #tpu.memory_space<vmem>>) offsets(%dma_start3A_250 : memref<64xi32, #tpu.memory_space<vmem>>) semaphore(%arg11 : memref<!tpu.dma_semaphore, #tpu.memory_space<semaphore_mem>>)
      %dma_wait3A_254 = arith.constant 0 : i32
      %dma_wait3A_255 = arith.constant 0 : i32
      %dma_wait3A_256 = arith.constant 3 : i32
      %dma_wait3A_257 = arith.constant 0 : i32
      %dma_wait3A_258 = arith.constant 0 : i32
      %dma_wait3A_259 = tpu.memref_slice %arg6[%dma_wait3A_256, %dma_wait3A_257, %dma_wait3A_258] : memref<4x64x128xf32, #tpu.memory_space<vmem>> -> memref<1x64x128xf32, #tpu.memory_space<vmem>>
      %dma_wait3A_260 = tpu.memref_squeeze %dma_wait3A_259 : memref<1x64x128xf32, #tpu.memory_space<vmem>> -> memref<64x128xf32, #tpu.memory_space<vmem>>
      %dma_wait3A_261 = arith.constant 0 : i32
      %dma_wait3A_262 = tpu.memref_slice %arg5[%dma_wait3A_254, %dma_wait3A_255, %dma_wait3A_261] : memref<32x5x64xi32, #tpu.memory_space<vmem>> -> memref<1x1x64xi32, #tpu.memory_space<vmem>>
      %dma_wait3A_263 = tpu.memref_squeeze %dma_wait3A_262 : memref<1x1x64xi32, #tpu.memory_space<vmem>> -> memref<64xi32, #tpu.memory_space<vmem>>
      %dma_wait3A_264 = arith.constant 0 : i32
      %dma_wait3A_265 = arith.constant 0 : i32
      %dma_wait3A_266 = tpu.memref_slice %arg3[%dma_wait3A_264, %dma_wait3A_265] : memref<10240x128xf32, #tpu.memory_space<hbm>> -> memref<10240x128xf32, #tpu.memory_space<hbm>>
      tpu.wait_indirect_dma semaphore(%arg12 : memref<!tpu.dma_semaphore, #tpu.memory_space<semaphore_mem>>) src(%dma_wait3A_266 : memref<10240x128xf32, #tpu.memory_space<hbm>>) dst(%dma_wait3A_260 : memref<64x128xf32, #tpu.memory_space<vmem>>)
      %dma_start3A_267 = arith.constant 3 : i32
      %dma_start3A_268 = arith.constant 0 : i32
      %dma_start3A_269 = arith.constant 0 : i32
      %dma_start3A_270 = arith.constant 0 : i32
      %dma_start3A_271 = tpu.memref_slice %arg6[%dma_start3A_267, %dma_start3A_269, %dma_start3A_270] : memref<4x64x128xf32, #tpu.memory_space<vmem>> -> memref<1x64x128xf32, #tpu.memory_space<vmem>>
      %dma_start3A_272 = tpu.memref_squeeze %dma_start3A_271 : memref<1x64x128xf32, #tpu.memory_space<vmem>> -> memref<64x128xf32, #tpu.memory_space<vmem>>
      %dma_start3A_273 = arith.constant 0 : i32
      %dma_start3A_274 = tpu.memref_slice %arg7[%dma_start3A_268, %dma_start3A_273] : memref<1x64xi32, #tpu.memory_space<vmem>> -> memref<1x64xi32, #tpu.memory_space<vmem>>
      %dma_start3A_275 = tpu.memref_squeeze %dma_start3A_274 : memref<1x64xi32, #tpu.memory_space<vmem>> -> memref<64xi32, #tpu.memory_space<vmem>>
      %dma_start3A_276 = arith.constant 0 : i32
      %dma_start3A_277 = arith.constant 0 : i32
      %dma_start3A_278 = tpu.memref_slice %arg8[%dma_start3A_276, %dma_start3A_277] : memref<1024x128xf32, #tpu.memory_space<vmem_shared>> -> memref<1024x128xf32, #tpu.memory_space<vmem_shared>>
      tpu.enqueue_indirect_dma source(%dma_start3A_272 : memref<64x128xf32, #tpu.memory_space<vmem>>) target(%dma_start3A_278 : memref<1024x128xf32, #tpu.memory_space<vmem_shared>>) offsets(%dma_start3A_275 : memref<64xi32, #tpu.memory_space<vmem>>) semaphore(%arg16 : memref<!tpu.dma_semaphore, #tpu.memory_space<semaphore_mem>>) {add = true}
      %dma_wait3A_279 = arith.constant 3 : i32
      %dma_wait3A_280 = arith.constant 0 : i32
      %dma_wait3A_281 = arith.constant 0 : i32
      %dma_wait3A_282 = arith.constant 0 : i32
      %dma_wait3A_283 = tpu.memref_slice %arg6[%dma_wait3A_279, %dma_wait3A_281, %dma_wait3A_282] : memref<4x64x128xf32, #tpu.memory_space<vmem>> -> memref<1x64x128xf32, #tpu.memory_space<vmem>>
      %dma_wait3A_284 = tpu.memref_squeeze %dma_wait3A_283 : memref<1x64x128xf32, #tpu.memory_space<vmem>> -> memref<64x128xf32, #tpu.memory_space<vmem>>
      %dma_wait3A_285 = arith.constant 0 : i32
      %dma_wait3A_286 = tpu.memref_slice %arg7[%dma_wait3A_280, %dma_wait3A_285] : memref<1x64xi32, #tpu.memory_space<vmem>> -> memref<1x64xi32, #tpu.memory_space<vmem>>
      %dma_wait3A_287 = tpu.memref_squeeze %dma_wait3A_286 : memref<1x64xi32, #tpu.memory_space<vmem>> -> memref<64xi32, #tpu.memory_space<vmem>>
      %dma_wait3A_288 = arith.constant 0 : i32
      %dma_wait3A_289 = arith.constant 0 : i32
      %dma_wait3A_290 = tpu.memref_slice %arg8[%dma_wait3A_288, %dma_wait3A_289] : memref<1024x128xf32, #tpu.memory_space<vmem_shared>> -> memref<1024x128xf32, #tpu.memory_space<vmem_shared>>
      tpu.wait_indirect_dma semaphore(%arg16 : memref<!tpu.dma_semaphore, #tpu.memory_space<semaphore_mem>>) src(%dma_wait3A_284 : memref<64x128xf32, #tpu.memory_space<vmem>>) dst(%dma_wait3A_290 : memref<1024x128xf32, #tpu.memory_space<vmem_shared>>)
      %dma_start3A_291 = arith.constant 7 : i32
      %dma_start3A_292 = arith.constant 3 : i32
      %dma_start3A_293 = arith.constant 0 : i32
      %dma_start3A_294 = arith.constant 0 : i32
      %dma_start3A_295 = tpu.memref_slice %arg6[%dma_start3A_292, %dma_start3A_293, %dma_start3A_294] : memref<4x64x128xf32, #tpu.memory_space<vmem>> -> memref<1x64x128xf32, #tpu.memory_space<vmem>>
      %dma_start3A_296 = tpu.memref_squeeze %dma_start3A_295 : memref<1x64x128xf32, #tpu.memory_space<vmem>> -> memref<64x128xf32, #tpu.memory_space<vmem>>
      %dma_start3A_297 = arith.constant 0 : i32
      %dma_start3A_298 = tpu.memref_slice %arg5[%dma_start3A_291, %scan3A_57, %dma_start3A_297] : memref<32x5x64xi32, #tpu.memory_space<vmem>> -> memref<1x1x64xi32, #tpu.memory_space<vmem>>
      %dma_start3A_299 = tpu.memref_squeeze %dma_start3A_298 : memref<1x1x64xi32, #tpu.memory_space<vmem>> -> memref<64xi32, #tpu.memory_space<vmem>>
      %dma_start3A_300 = arith.constant 0 : i32
      %dma_start3A_301 = arith.constant 0 : i32
      %dma_start3A_302 = tpu.memref_slice %arg3[%dma_start3A_300, %dma_start3A_301] : memref<10240x128xf32, #tpu.memory_space<hbm>> -> memref<10240x128xf32, #tpu.memory_space<hbm>>
      tpu.enqueue_indirect_dma source(%dma_start3A_302 : memref<10240x128xf32, #tpu.memory_space<hbm>>) target(%dma_start3A_296 : memref<64x128xf32, #tpu.memory_space<vmem>>) offsets(%dma_start3A_299 : memref<64xi32, #tpu.memory_space<vmem>>) semaphore(%arg12 : memref<!tpu.dma_semaphore, #tpu.memory_space<semaphore_mem>>)
      %scan3A_303 = arith.constant 0 : i32
      %scan3A_304 = arith.constant 1 : i32
      %scan3A_305 = arith.constant 7 : i32
      %scan3A_306 = arith.addi %scan3A_304, %scan3A_305 : i32
      %scan3A_307 = arith.constant 1 : i32
      %scan3A_308 = scf.for %scan3A_314 = %scan3A_304 to %scan3A_306 step %scan3A_307 iter_args(%scan3A_315 = %scan3A_303) -> (i32)  : i32 {
        %mul3A_316 = arith.constant 4 : i32
        %mul3A_317 = arith.muli %mul3A_316, %scan3A_314 : i32
        %add3A_318 = arith.constant 0 : i32
        %add3A_319 = arith.addi %mul3A_317, %add3A_318 : i32
        %dma_wait3A_320 = arith.constant 0 : i32
        %dma_wait3A_321 = arith.constant 0 : i32
        %dma_wait3A_322 = arith.constant 0 : i32
        %dma_wait3A_323 = arith.constant 0 : i32
        %dma_wait3A_324 = arith.constant 0 : i32
        %dma_wait3A_325 = tpu.memref_slice %arg6[%dma_wait3A_322, %dma_wait3A_323, %dma_wait3A_324] : memref<4x64x128xf32, #tpu.memory_space<vmem>> -> memref<1x64x128xf32, #tpu.memory_space<vmem>>
        %dma_wait3A_326 = tpu.memref_squeeze %dma_wait3A_325 : memref<1x64x128xf32, #tpu.memory_space<vmem>> -> memref<64x128xf32, #tpu.memory_space<vmem>>
        %dma_wait3A_327 = arith.constant 0 : i32
        %dma_wait3A_328 = tpu.memref_slice %arg5[%dma_wait3A_320, %dma_wait3A_321, %dma_wait3A_327] : memref<32x5x64xi32, #tpu.memory_space<vmem>> -> memref<1x1x64xi32, #tpu.memory_space<vmem>>
        %dma_wait3A_329 = tpu.memref_squeeze %dma_wait3A_328 : memref<1x1x64xi32, #tpu.memory_space<vmem>> -> memref<64xi32, #tpu.memory_space<vmem>>
        %dma_wait3A_330 = arith.constant 0 : i32
        %dma_wait3A_331 = arith.constant 0 : i32
        %dma_wait3A_332 = tpu.memref_slice %arg3[%dma_wait3A_330, %dma_wait3A_331] : memref<10240x128xf32, #tpu.memory_space<hbm>> -> memref<10240x128xf32, #tpu.memory_space<hbm>>
        tpu.wait_indirect_dma semaphore(%arg9 : memref<!tpu.dma_semaphore, #tpu.memory_space<semaphore_mem>>) src(%dma_wait3A_332 : memref<10240x128xf32, #tpu.memory_space<hbm>>) dst(%dma_wait3A_326 : memref<64x128xf32, #tpu.memory_space<vmem>>)
        %dma_start3A_333 = arith.constant 0 : i32
        %dma_start3A_334 = arith.constant 0 : i32
        %dma_start3A_335 = arith.constant 0 : i32
        %dma_start3A_336 = arith.constant 0 : i32
        %dma_start3A_337 = tpu.memref_slice %arg6[%dma_start3A_333, %dma_start3A_335, %dma_start3A_336] : memref<4x64x128xf32, #tpu.memory_space<vmem>> -> memref<1x64x128xf32, #tpu.memory_space<vmem>>
        %dma_start3A_338 = tpu.memref_squeeze %dma_start3A_337 : memref<1x64x128xf32, #tpu.memory_space<vmem>> -> memref<64x128xf32, #tpu.memory_space<vmem>>
        %dma_start3A_339 = arith.constant 0 : i32
        %dma_start3A_340 = tpu.memref_slice %arg7[%dma_start3A_334, %dma_start3A_339] : memref<1x64xi32, #tpu.memory_space<vmem>> -> memref<1x64xi32, #tpu.memory_space<vmem>>
        %dma_start3A_341 = tpu.memref_squeeze %dma_start3A_340 : memref<1x64xi32, #tpu.memory_space<vmem>> -> memref<64xi32, #tpu.memory_space<vmem>>
        %dma_start3A_342 = arith.constant 0 : i32
        %dma_start3A_343 = arith.constant 0 : i32
        %dma_start3A_344 = tpu.memref_slice %arg8[%dma_start3A_342, %dma_start3A_343] : memref<1024x128xf32, #tpu.memory_space<vmem_shared>> -> memref<1024x128xf32, #tpu.memory_space<vmem_shared>>
        tpu.enqueue_indirect_dma source(%dma_start3A_338 : memref<64x128xf32, #tpu.memory_space<vmem>>) target(%dma_start3A_344 : memref<1024x128xf32, #tpu.memory_space<vmem_shared>>) offsets(%dma_start3A_341 : memref<64xi32, #tpu.memory_space<vmem>>) semaphore(%arg13 : memref<!tpu.dma_semaphore, #tpu.memory_space<semaphore_mem>>) {add = true}
        %dma_wait3A_345 = arith.constant 0 : i32
        %dma_wait3A_346 = arith.constant 0 : i32
        %dma_wait3A_347 = arith.constant 0 : i32
        %dma_wait3A_348 = arith.constant 0 : i32
        %dma_wait3A_349 = tpu.memref_slice %arg6[%dma_wait3A_345, %dma_wait3A_347, %dma_wait3A_348] : memref<4x64x128xf32, #tpu.memory_space<vmem>> -> memref<1x64x128xf32, #tpu.memory_space<vmem>>
        %dma_wait3A_350 = tpu.memref_squeeze %dma_wait3A_349 : memref<1x64x128xf32, #tpu.memory_space<vmem>> -> memref<64x128xf32, #tpu.memory_space<vmem>>
        %dma_wait3A_351 = arith.constant 0 : i32
        %dma_wait3A_352 = tpu.memref_slice %arg7[%dma_wait3A_346, %dma_wait3A_351] : memref<1x64xi32, #tpu.memory_space<vmem>> -> memref<1x64xi32, #tpu.memory_space<vmem>>
        %dma_wait3A_353 = tpu.memref_squeeze %dma_wait3A_352 : memref<1x64xi32, #tpu.memory_space<vmem>> -> memref<64xi32, #tpu.memory_space<vmem>>
        %dma_wait3A_354 = arith.constant 0 : i32
        %dma_wait3A_355 = arith.constant 0 : i32
        %dma_wait3A_356 = tpu.memref_slice %arg8[%dma_wait3A_354, %dma_wait3A_355] : memref<1024x128xf32, #tpu.memory_space<vmem_shared>> -> memref<1024x128xf32, #tpu.memory_space<vmem_shared>>
        tpu.wait_indirect_dma semaphore(%arg13 : memref<!tpu.dma_semaphore, #tpu.memory_space<semaphore_mem>>) src(%dma_wait3A_350 : memref<64x128xf32, #tpu.memory_space<vmem>>) dst(%dma_wait3A_356 : memref<1024x128xf32, #tpu.memory_space<vmem_shared>>)
        %add3A_357 = arith.constant 4 : i32
        %add3A_358 = arith.addi %add3A_319, %add3A_357 : i32
        %lt3A = arith.constant 32 : i32
        %lt3A_359 = arith.cmpi slt, %add3A_358, %lt3A : i32
        %convert_element_type3A = arith.extui %lt3A_359 : i1 to i32
        %cond3A = arith.constant 0 : i32
        %cond3A_360 = arith.cmpi ne, %convert_element_type3A, %cond3A : i32
        scf.if %cond3A_360 {
          %add3A_506 = arith.constant 4 : i32
          %add3A_507 = arith.addi %add3A_319, %add3A_506 : i32
          %dma_start3A_508 = arith.constant 0 : i32
          %dma_start3A_509 = arith.constant 0 : i32
          %dma_start3A_510 = arith.constant 0 : i32
          %dma_start3A_511 = tpu.memref_slice %arg6[%dma_start3A_508, %dma_start3A_509, %dma_start3A_510] : memref<4x64x128xf32, #tpu.memory_space<vmem>> -> memref<1x64x128xf32, #tpu.memory_space<vmem>>
          %dma_start3A_512 = tpu.memref_squeeze %dma_start3A_511 : memref<1x64x128xf32, #tpu.memory_space<vmem>> -> memref<64x128xf32, #tpu.memory_space<vmem>>
          %dma_start3A_513 = arith.constant 0 : i32
          %dma_start3A_514 = tpu.memref_slice %arg5[%add3A_507, %scan3A_57, %dma_start3A_513] : memref<32x5x64xi32, #tpu.memory_space<vmem>> -> memref<1x1x64xi32, #tpu.memory_space<vmem>>
          %dma_start3A_515 = tpu.memref_squeeze %dma_start3A_514 : memref<1x1x64xi32, #tpu.memory_space<vmem>> -> memref<64xi32, #tpu.memory_space<vmem>>
          %dma_start3A_516 = arith.constant 0 : i32
          %dma_start3A_517 = arith.constant 0 : i32
          %dma_start3A_518 = tpu.memref_slice %arg3[%dma_start3A_516, %dma_start3A_517] : memref<10240x128xf32, #tpu.memory_space<hbm>> -> memref<10240x128xf32, #tpu.memory_space<hbm>>
          tpu.enqueue_indirect_dma source(%dma_start3A_518 : memref<10240x128xf32, #tpu.memory_space<hbm>>) target(%dma_start3A_512 : memref<64x128xf32, #tpu.memory_space<vmem>>) offsets(%dma_start3A_515 : memref<64xi32, #tpu.memory_space<vmem>>) semaphore(%arg9 : memref<!tpu.dma_semaphore, #tpu.memory_space<semaphore_mem>>)
        } else {
        }
        %mul3A_361 = arith.constant 4 : i32
        %mul3A_362 = arith.muli %mul3A_361, %scan3A_314 : i32
        %add3A_363 = arith.constant 1 : i32
        %add3A_364 = arith.addi %mul3A_362, %add3A_363 : i32
        %dma_wait3A_365 = arith.constant 0 : i32
        %dma_wait3A_366 = arith.constant 0 : i32
        %dma_wait3A_367 = arith.constant 1 : i32
        %dma_wait3A_368 = arith.constant 0 : i32
        %dma_wait3A_369 = arith.constant 0 : i32
        %dma_wait3A_370 = tpu.memref_slice %arg6[%dma_wait3A_367, %dma_wait3A_368, %dma_wait3A_369] : memref<4x64x128xf32, #tpu.memory_space<vmem>> -> memref<1x64x128xf32, #tpu.memory_space<vmem>>
        %dma_wait3A_371 = tpu.memref_squeeze %dma_wait3A_370 : memref<1x64x128xf32, #tpu.memory_space<vmem>> -> memref<64x128xf32, #tpu.memory_space<vmem>>
        %dma_wait3A_372 = arith.constant 0 : i32
        %dma_wait3A_373 = tpu.memref_slice %arg5[%dma_wait3A_365, %dma_wait3A_366, %dma_wait3A_372] : memref<32x5x64xi32, #tpu.memory_space<vmem>> -> memref<1x1x64xi32, #tpu.memory_space<vmem>>
        %dma_wait3A_374 = tpu.memref_squeeze %dma_wait3A_373 : memref<1x1x64xi32, #tpu.memory_space<vmem>> -> memref<64xi32, #tpu.memory_space<vmem>>
        %dma_wait3A_375 = arith.constant 0 : i32
        %dma_wait3A_376 = arith.constant 0 : i32
        %dma_wait3A_377 = tpu.memref_slice %arg3[%dma_wait3A_375, %dma_wait3A_376] : memref<10240x128xf32, #tpu.memory_space<hbm>> -> memref<10240x128xf32, #tpu.memory_space<hbm>>
        tpu.wait_indirect_dma semaphore(%arg10 : memref<!tpu.dma_semaphore, #tpu.memory_space<semaphore_mem>>) src(%dma_wait3A_377 : memref<10240x128xf32, #tpu.memory_space<hbm>>) dst(%dma_wait3A_371 : memref<64x128xf32, #tpu.memory_space<vmem>>)
        %dma_start3A_378 = arith.constant 1 : i32
        %dma_start3A_379 = arith.constant 0 : i32
        %dma_start3A_380 = arith.constant 0 : i32
        %dma_start3A_381 = arith.constant 0 : i32
        %dma_start3A_382 = tpu.memref_slice %arg6[%dma_start3A_378, %dma_start3A_380, %dma_start3A_381] : memref<4x64x128xf32, #tpu.memory_space<vmem>> -> memref<1x64x128xf32, #tpu.memory_space<vmem>>
        %dma_start3A_383 = tpu.memref_squeeze %dma_start3A_382 : memref<1x64x128xf32, #tpu.memory_space<vmem>> -> memref<64x128xf32, #tpu.memory_space<vmem>>
        %dma_start3A_384 = arith.constant 0 : i32
        %dma_start3A_385 = tpu.memref_slice %arg7[%dma_start3A_379, %dma_start3A_384] : memref<1x64xi32, #tpu.memory_space<vmem>> -> memref<1x64xi32, #tpu.memory_space<vmem>>
        %dma_start3A_386 = tpu.memref_squeeze %dma_start3A_385 : memref<1x64xi32, #tpu.memory_space<vmem>> -> memref<64xi32, #tpu.memory_space<vmem>>
        %dma_start3A_387 = arith.constant 0 : i32
        %dma_start3A_388 = arith.constant 0 : i32
        %dma_start3A_389 = tpu.memref_slice %arg8[%dma_start3A_387, %dma_start3A_388] : memref<1024x128xf32, #tpu.memory_space<vmem_shared>> -> memref<1024x128xf32, #tpu.memory_space<vmem_shared>>
        tpu.enqueue_indirect_dma source(%dma_start3A_383 : memref<64x128xf32, #tpu.memory_space<vmem>>) target(%dma_start3A_389 : memref<1024x128xf32, #tpu.memory_space<vmem_shared>>) offsets(%dma_start3A_386 : memref<64xi32, #tpu.memory_space<vmem>>) semaphore(%arg14 : memref<!tpu.dma_semaphore, #tpu.memory_space<semaphore_mem>>) {add = true}
        %dma_wait3A_390 = arith.constant 1 : i32
        %dma_wait3A_391 = arith.constant 0 : i32
        %dma_wait3A_392 = arith.constant 0 : i32
        %dma_wait3A_393 = arith.constant 0 : i32
        %dma_wait3A_394 = tpu.memref_slice %arg6[%dma_wait3A_390, %dma_wait3A_392, %dma_wait3A_393] : memref<4x64x128xf32, #tpu.memory_space<vmem>> -> memref<1x64x128xf32, #tpu.memory_space<vmem>>
        %dma_wait3A_395 = tpu.memref_squeeze %dma_wait3A_394 : memref<1x64x128xf32, #tpu.memory_space<vmem>> -> memref<64x128xf32, #tpu.memory_space<vmem>>
        %dma_wait3A_396 = arith.constant 0 : i32
        %dma_wait3A_397 = tpu.memref_slice %arg7[%dma_wait3A_391, %dma_wait3A_396] : memref<1x64xi32, #tpu.memory_space<vmem>> -> memref<1x64xi32, #tpu.memory_space<vmem>>
        %dma_wait3A_398 = tpu.memref_squeeze %dma_wait3A_397 : memref<1x64xi32, #tpu.memory_space<vmem>> -> memref<64xi32, #tpu.memory_space<vmem>>
        %dma_wait3A_399 = arith.constant 0 : i32
        %dma_wait3A_400 = arith.constant 0 : i32
        %dma_wait3A_401 = tpu.memref_slice %arg8[%dma_wait3A_399, %dma_wait3A_400] : memref<1024x128xf32, #tpu.memory_space<vmem_shared>> -> memref<1024x128xf32, #tpu.memory_space<vmem_shared>>
        tpu.wait_indirect_dma semaphore(%arg14 : memref<!tpu.dma_semaphore, #tpu.memory_space<semaphore_mem>>) src(%dma_wait3A_395 : memref<64x128xf32, #tpu.memory_space<vmem>>) dst(%dma_wait3A_401 : memref<1024x128xf32, #tpu.memory_space<vmem_shared>>)
        %add3A_402 = arith.constant 4 : i32
        %add3A_403 = arith.addi %add3A_364, %add3A_402 : i32
        %lt3A_404 = arith.constant 32 : i32
        %lt3A_405 = arith.cmpi slt, %add3A_403, %lt3A_404 : i32
        %convert_element_type3A_406 = arith.extui %lt3A_405 : i1 to i32
        %cond3A_407 = arith.constant 0 : i32
        %cond3A_408 = arith.cmpi ne, %convert_element_type3A_406, %cond3A_407 : i32
        scf.if %cond3A_408 {
          %add3A_506 = arith.constant 4 : i32
          %add3A_507 = arith.addi %add3A_364, %add3A_506 : i32
          %dma_start3A_508 = arith.constant 1 : i32
          %dma_start3A_509 = arith.constant 0 : i32
          %dma_start3A_510 = arith.constant 0 : i32
          %dma_start3A_511 = tpu.memref_slice %arg6[%dma_start3A_508, %dma_start3A_509, %dma_start3A_510] : memref<4x64x128xf32, #tpu.memory_space<vmem>> -> memref<1x64x128xf32, #tpu.memory_space<vmem>>
          %dma_start3A_512 = tpu.memref_squeeze %dma_start3A_511 : memref<1x64x128xf32, #tpu.memory_space<vmem>> -> memref<64x128xf32, #tpu.memory_space<vmem>>
          %dma_start3A_513 = arith.constant 0 : i32
          %dma_start3A_514 = tpu.memref_slice %arg5[%add3A_507, %scan3A_57, %dma_start3A_513] : memref<32x5x64xi32, #tpu.memory_space<vmem>> -> memref<1x1x64xi32, #tpu.memory_space<vmem>>
          %dma_start3A_515 = tpu.memref_squeeze %dma_start3A_514 : memref<1x1x64xi32, #tpu.memory_space<vmem>> -> memref<64xi32, #tpu.memory_space<vmem>>
          %dma_start3A_516 = arith.constant 0 : i32
          %dma_start3A_517 = arith.constant 0 : i32
          %dma_start3A_518 = tpu.memref_slice %arg3[%dma_start3A_516, %dma_start3A_517] : memref<10240x128xf32, #tpu.memory_space<hbm>> -> memref<10240x128xf32, #tpu.memory_space<hbm>>
          tpu.enqueue_indirect_dma source(%dma_start3A_518 : memref<10240x128xf32, #tpu.memory_space<hbm>>) target(%dma_start3A_512 : memref<64x128xf32, #tpu.memory_space<vmem>>) offsets(%dma_start3A_515 : memref<64xi32, #tpu.memory_space<vmem>>) semaphore(%arg10 : memref<!tpu.dma_semaphore, #tpu.memory_space<semaphore_mem>>)
        } else {
        }
        %mul3A_409 = arith.constant 4 : i32
        %mul3A_410 = arith.muli %mul3A_409, %scan3A_314 : i32
        %add3A_411 = arith.constant 2 : i32
        %add3A_412 = arith.addi %mul3A_410, %add3A_411 : i32
        %dma_wait3A_413 = arith.constant 0 : i32
        %dma_wait3A_414 = arith.constant 0 : i32
        %dma_wait3A_415 = arith.constant 2 : i32
        %dma_wait3A_416 = arith.constant 0 : i32
        %dma_wait3A_417 = arith.constant 0 : i32
        %dma_wait3A_418 = tpu.memref_slice %arg6[%dma_wait3A_415, %dma_wait3A_416, %dma_wait3A_417] : memref<4x64x128xf32, #tpu.memory_space<vmem>> -> memref<1x64x128xf32, #tpu.memory_space<vmem>>
        %dma_wait3A_419 = tpu.memref_squeeze %dma_wait3A_418 : memref<1x64x128xf32, #tpu.memory_space<vmem>> -> memref<64x128xf32, #tpu.memory_space<vmem>>
        %dma_wait3A_420 = arith.constant 0 : i32
        %dma_wait3A_421 = tpu.memref_slice %arg5[%dma_wait3A_413, %dma_wait3A_414, %dma_wait3A_420] : memref<32x5x64xi32, #tpu.memory_space<vmem>> -> memref<1x1x64xi32, #tpu.memory_space<vmem>>
        %dma_wait3A_422 = tpu.memref_squeeze %dma_wait3A_421 : memref<1x1x64xi32, #tpu.memory_space<vmem>> -> memref<64xi32, #tpu.memory_space<vmem>>
        %dma_wait3A_423 = arith.constant 0 : i32
        %dma_wait3A_424 = arith.constant 0 : i32
        %dma_wait3A_425 = tpu.memref_slice %arg3[%dma_wait3A_423, %dma_wait3A_424] : memref<10240x128xf32, #tpu.memory_space<hbm>> -> memref<10240x128xf32, #tpu.memory_space<hbm>>
        tpu.wait_indirect_dma semaphore(%arg11 : memref<!tpu.dma_semaphore, #tpu.memory_space<semaphore_mem>>) src(%dma_wait3A_425 : memref<10240x128xf32, #tpu.memory_space<hbm>>) dst(%dma_wait3A_419 : memref<64x128xf32, #tpu.memory_space<vmem>>)
        %dma_start3A_426 = arith.constant 2 : i32
        %dma_start3A_427 = arith.constant 0 : i32
        %dma_start3A_428 = arith.constant 0 : i32
        %dma_start3A_429 = arith.constant 0 : i32
        %dma_start3A_430 = tpu.memref_slice %arg6[%dma_start3A_426, %dma_start3A_428, %dma_start3A_429] : memref<4x64x128xf32, #tpu.memory_space<vmem>> -> memref<1x64x128xf32, #tpu.memory_space<vmem>>
        %dma_start3A_431 = tpu.memref_squeeze %dma_start3A_430 : memref<1x64x128xf32, #tpu.memory_space<vmem>> -> memref<64x128xf32, #tpu.memory_space<vmem>>
        %dma_start3A_432 = arith.constant 0 : i32
        %dma_start3A_433 = tpu.memref_slice %arg7[%dma_start3A_427, %dma_start3A_432] : memref<1x64xi32, #tpu.memory_space<vmem>> -> memref<1x64xi32, #tpu.memory_space<vmem>>
        %dma_start3A_434 = tpu.memref_squeeze %dma_start3A_433 : memref<1x64xi32, #tpu.memory_space<vmem>> -> memref<64xi32, #tpu.memory_space<vmem>>
        %dma_start3A_435 = arith.constant 0 : i32
        %dma_start3A_436 = arith.constant 0 : i32
        %dma_start3A_437 = tpu.memref_slice %arg8[%dma_start3A_435, %dma_start3A_436] : memref<1024x128xf32, #tpu.memory_space<vmem_shared>> -> memref<1024x128xf32, #tpu.memory_space<vmem_shared>>
        tpu.enqueue_indirect_dma source(%dma_start3A_431 : memref<64x128xf32, #tpu.memory_space<vmem>>) target(%dma_start3A_437 : memref<1024x128xf32, #tpu.memory_space<vmem_shared>>) offsets(%dma_start3A_434 : memref<64xi32, #tpu.memory_space<vmem>>) semaphore(%arg15 : memref<!tpu.dma_semaphore, #tpu.memory_space<semaphore_mem>>) {add = true}
        %dma_wait3A_438 = arith.constant 2 : i32
        %dma_wait3A_439 = arith.constant 0 : i32
        %dma_wait3A_440 = arith.constant 0 : i32
        %dma_wait3A_441 = arith.constant 0 : i32
        %dma_wait3A_442 = tpu.memref_slice %arg6[%dma_wait3A_438, %dma_wait3A_440, %dma_wait3A_441] : memref<4x64x128xf32, #tpu.memory_space<vmem>> -> memref<1x64x128xf32, #tpu.memory_space<vmem>>
        %dma_wait3A_443 = tpu.memref_squeeze %dma_wait3A_442 : memref<1x64x128xf32, #tpu.memory_space<vmem>> -> memref<64x128xf32, #tpu.memory_space<vmem>>
        %dma_wait3A_444 = arith.constant 0 : i32
        %dma_wait3A_445 = tpu.memref_slice %arg7[%dma_wait3A_439, %dma_wait3A_444] : memref<1x64xi32, #tpu.memory_space<vmem>> -> memref<1x64xi32, #tpu.memory_space<vmem>>
        %dma_wait3A_446 = tpu.memref_squeeze %dma_wait3A_445 : memref<1x64xi32, #tpu.memory_space<vmem>> -> memref<64xi32, #tpu.memory_space<vmem>>
        %dma_wait3A_447 = arith.constant 0 : i32
        %dma_wait3A_448 = arith.constant 0 : i32
        %dma_wait3A_449 = tpu.memref_slice %arg8[%dma_wait3A_447, %dma_wait3A_448] : memref<1024x128xf32, #tpu.memory_space<vmem_shared>> -> memref<1024x128xf32, #tpu.memory_space<vmem_shared>>
        tpu.wait_indirect_dma semaphore(%arg15 : memref<!tpu.dma_semaphore, #tpu.memory_space<semaphore_mem>>) src(%dma_wait3A_443 : memref<64x128xf32, #tpu.memory_space<vmem>>) dst(%dma_wait3A_449 : memref<1024x128xf32, #tpu.memory_space<vmem_shared>>)
        %add3A_450 = arith.constant 4 : i32
        %add3A_451 = arith.addi %add3A_412, %add3A_450 : i32
        %lt3A_452 = arith.constant 32 : i32
        %lt3A_453 = arith.cmpi slt, %add3A_451, %lt3A_452 : i32
        %convert_element_type3A_454 = arith.extui %lt3A_453 : i1 to i32
        %cond3A_455 = arith.constant 0 : i32
        %cond3A_456 = arith.cmpi ne, %convert_element_type3A_454, %cond3A_455 : i32
        scf.if %cond3A_456 {
          %add3A_506 = arith.constant 4 : i32
          %add3A_507 = arith.addi %add3A_412, %add3A_506 : i32
          %dma_start3A_508 = arith.constant 2 : i32
          %dma_start3A_509 = arith.constant 0 : i32
          %dma_start3A_510 = arith.constant 0 : i32
          %dma_start3A_511 = tpu.memref_slice %arg6[%dma_start3A_508, %dma_start3A_509, %dma_start3A_510] : memref<4x64x128xf32, #tpu.memory_space<vmem>> -> memref<1x64x128xf32, #tpu.memory_space<vmem>>
          %dma_start3A_512 = tpu.memref_squeeze %dma_start3A_511 : memref<1x64x128xf32, #tpu.memory_space<vmem>> -> memref<64x128xf32, #tpu.memory_space<vmem>>
          %dma_start3A_513 = arith.constant 0 : i32
          %dma_start3A_514 = tpu.memref_slice %arg5[%add3A_507, %scan3A_57, %dma_start3A_513] : memref<32x5x64xi32, #tpu.memory_space<vmem>> -> memref<1x1x64xi32, #tpu.memory_space<vmem>>
          %dma_start3A_515 = tpu.memref_squeeze %dma_start3A_514 : memref<1x1x64xi32, #tpu.memory_space<vmem>> -> memref<64xi32, #tpu.memory_space<vmem>>
          %dma_start3A_516 = arith.constant 0 : i32
          %dma_start3A_517 = arith.constant 0 : i32
          %dma_start3A_518 = tpu.memref_slice %arg3[%dma_start3A_516, %dma_start3A_517] : memref<10240x128xf32, #tpu.memory_space<hbm>> -> memref<10240x128xf32, #tpu.memory_space<hbm>>
          tpu.enqueue_indirect_dma source(%dma_start3A_518 : memref<10240x128xf32, #tpu.memory_space<hbm>>) target(%dma_start3A_512 : memref<64x128xf32, #tpu.memory_space<vmem>>) offsets(%dma_start3A_515 : memref<64xi32, #tpu.memory_space<vmem>>) semaphore(%arg11 : memref<!tpu.dma_semaphore, #tpu.memory_space<semaphore_mem>>)
        } else {
        }
        %mul3A_457 = arith.constant 4 : i32
        %mul3A_458 = arith.muli %mul3A_457, %scan3A_314 : i32
        %add3A_459 = arith.constant 3 : i32
        %add3A_460 = arith.addi %mul3A_458, %add3A_459 : i32
        %dma_wait3A_461 = arith.constant 0 : i32
        %dma_wait3A_462 = arith.constant 0 : i32
        %dma_wait3A_463 = arith.constant 3 : i32
        %dma_wait3A_464 = arith.constant 0 : i32
        %dma_wait3A_465 = arith.constant 0 : i32
        %dma_wait3A_466 = tpu.memref_slice %arg6[%dma_wait3A_463, %dma_wait3A_464, %dma_wait3A_465] : memref<4x64x128xf32, #tpu.memory_space<vmem>> -> memref<1x64x128xf32, #tpu.memory_space<vmem>>
        %dma_wait3A_467 = tpu.memref_squeeze %dma_wait3A_466 : memref<1x64x128xf32, #tpu.memory_space<vmem>> -> memref<64x128xf32, #tpu.memory_space<vmem>>
        %dma_wait3A_468 = arith.constant 0 : i32
        %dma_wait3A_469 = tpu.memref_slice %arg5[%dma_wait3A_461, %dma_wait3A_462, %dma_wait3A_468] : memref<32x5x64xi32, #tpu.memory_space<vmem>> -> memref<1x1x64xi32, #tpu.memory_space<vmem>>
        %dma_wait3A_470 = tpu.memref_squeeze %dma_wait3A_469 : memref<1x1x64xi32, #tpu.memory_space<vmem>> -> memref<64xi32, #tpu.memory_space<vmem>>
        %dma_wait3A_471 = arith.constant 0 : i32
        %dma_wait3A_472 = arith.constant 0 : i32
        %dma_wait3A_473 = tpu.memref_slice %arg3[%dma_wait3A_471, %dma_wait3A_472] : memref<10240x128xf32, #tpu.memory_space<hbm>> -> memref<10240x128xf32, #tpu.memory_space<hbm>>
        tpu.wait_indirect_dma semaphore(%arg12 : memref<!tpu.dma_semaphore, #tpu.memory_space<semaphore_mem>>) src(%dma_wait3A_473 : memref<10240x128xf32, #tpu.memory_space<hbm>>) dst(%dma_wait3A_467 : memref<64x128xf32, #tpu.memory_space<vmem>>)
        %dma_start3A_474 = arith.constant 3 : i32
        %dma_start3A_475 = arith.constant 0 : i32
        %dma_start3A_476 = arith.constant 0 : i32
        %dma_start3A_477 = arith.constant 0 : i32
        %dma_start3A_478 = tpu.memref_slice %arg6[%dma_start3A_474, %dma_start3A_476, %dma_start3A_477] : memref<4x64x128xf32, #tpu.memory_space<vmem>> -> memref<1x64x128xf32, #tpu.memory_space<vmem>>
        %dma_start3A_479 = tpu.memref_squeeze %dma_start3A_478 : memref<1x64x128xf32, #tpu.memory_space<vmem>> -> memref<64x128xf32, #tpu.memory_space<vmem>>
        %dma_start3A_480 = arith.constant 0 : i32
        %dma_start3A_481 = tpu.memref_slice %arg7[%dma_start3A_475, %dma_start3A_480] : memref<1x64xi32, #tpu.memory_space<vmem>> -> memref<1x64xi32, #tpu.memory_space<vmem>>
        %dma_start3A_482 = tpu.memref_squeeze %dma_start3A_481 : memref<1x64xi32, #tpu.memory_space<vmem>> -> memref<64xi32, #tpu.memory_space<vmem>>
        %dma_start3A_483 = arith.constant 0 : i32
        %dma_start3A_484 = arith.constant 0 : i32
        %dma_start3A_485 = tpu.memref_slice %arg8[%dma_start3A_483, %dma_start3A_484] : memref<1024x128xf32, #tpu.memory_space<vmem_shared>> -> memref<1024x128xf32, #tpu.memory_space<vmem_shared>>
        tpu.enqueue_indirect_dma source(%dma_start3A_479 : memref<64x128xf32, #tpu.memory_space<vmem>>) target(%dma_start3A_485 : memref<1024x128xf32, #tpu.memory_space<vmem_shared>>) offsets(%dma_start3A_482 : memref<64xi32, #tpu.memory_space<vmem>>) semaphore(%arg16 : memref<!tpu.dma_semaphore, #tpu.memory_space<semaphore_mem>>) {add = true}
        %dma_wait3A_486 = arith.constant 3 : i32
        %dma_wait3A_487 = arith.constant 0 : i32
        %dma_wait3A_488 = arith.constant 0 : i32
        %dma_wait3A_489 = arith.constant 0 : i32
        %dma_wait3A_490 = tpu.memref_slice %arg6[%dma_wait3A_486, %dma_wait3A_488, %dma_wait3A_489] : memref<4x64x128xf32, #tpu.memory_space<vmem>> -> memref<1x64x128xf32, #tpu.memory_space<vmem>>
        %dma_wait3A_491 = tpu.memref_squeeze %dma_wait3A_490 : memref<1x64x128xf32, #tpu.memory_space<vmem>> -> memref<64x128xf32, #tpu.memory_space<vmem>>
        %dma_wait3A_492 = arith.constant 0 : i32
        %dma_wait3A_493 = tpu.memref_slice %arg7[%dma_wait3A_487, %dma_wait3A_492] : memref<1x64xi32, #tpu.memory_space<vmem>> -> memref<1x64xi32, #tpu.memory_space<vmem>>
        %dma_wait3A_494 = tpu.memref_squeeze %dma_wait3A_493 : memref<1x64xi32, #tpu.memory_space<vmem>> -> memref<64xi32, #tpu.memory_space<vmem>>
        %dma_wait3A_495 = arith.constant 0 : i32
        %dma_wait3A_496 = arith.constant 0 : i32
        %dma_wait3A_497 = tpu.memref_slice %arg8[%dma_wait3A_495, %dma_wait3A_496] : memref<1024x128xf32, #tpu.memory_space<vmem_shared>> -> memref<1024x128xf32, #tpu.memory_space<vmem_shared>>
        tpu.wait_indirect_dma semaphore(%arg16 : memref<!tpu.dma_semaphore, #tpu.memory_space<semaphore_mem>>) src(%dma_wait3A_491 : memref<64x128xf32, #tpu.memory_space<vmem>>) dst(%dma_wait3A_497 : memref<1024x128xf32, #tpu.memory_space<vmem_shared>>)
        %add3A_498 = arith.constant 4 : i32
        %add3A_499 = arith.addi %add3A_460, %add3A_498 : i32
        %lt3A_500 = arith.constant 32 : i32
        %lt3A_501 = arith.cmpi slt, %add3A_499, %lt3A_500 : i32
        %convert_element_type3A_502 = arith.extui %lt3A_501 : i1 to i32
        %cond3A_503 = arith.constant 0 : i32
        %cond3A_504 = arith.cmpi ne, %convert_element_type3A_502, %cond3A_503 : i32
        scf.if %cond3A_504 {
          %add3A_506 = arith.constant 4 : i32
          %add3A_507 = arith.addi %add3A_460, %add3A_506 : i32
          %dma_start3A_508 = arith.constant 3 : i32
          %dma_start3A_509 = arith.constant 0 : i32
          %dma_start3A_510 = arith.constant 0 : i32
          %dma_start3A_511 = tpu.memref_slice %arg6[%dma_start3A_508, %dma_start3A_509, %dma_start3A_510] : memref<4x64x128xf32, #tpu.memory_space<vmem>> -> memref<1x64x128xf32, #tpu.memory_space<vmem>>
          %dma_start3A_512 = tpu.memref_squeeze %dma_start3A_511 : memref<1x64x128xf32, #tpu.memory_space<vmem>> -> memref<64x128xf32, #tpu.memory_space<vmem>>
          %dma_start3A_513 = arith.constant 0 : i32
          %dma_start3A_514 = tpu.memref_slice %arg5[%add3A_507, %scan3A_57, %dma_start3A_513] : memref<32x5x64xi32, #tpu.memory_space<vmem>> -> memref<1x1x64xi32, #tpu.memory_space<vmem>>
          %dma_start3A_515 = tpu.memref_squeeze %dma_start3A_514 : memref<1x1x64xi32, #tpu.memory_space<vmem>> -> memref<64xi32, #tpu.memory_space<vmem>>
          %dma_start3A_516 = arith.constant 0 : i32
          %dma_start3A_517 = arith.constant 0 : i32
          %dma_start3A_518 = tpu.memref_slice %arg3[%dma_start3A_516, %dma_start3A_517] : memref<10240x128xf32, #tpu.memory_space<hbm>> -> memref<10240x128xf32, #tpu.memory_space<hbm>>
          tpu.enqueue_indirect_dma source(%dma_start3A_518 : memref<10240x128xf32, #tpu.memory_space<hbm>>) target(%dma_start3A_512 : memref<64x128xf32, #tpu.memory_space<vmem>>) offsets(%dma_start3A_515 : memref<64xi32, #tpu.memory_space<vmem>>) semaphore(%arg12 : memref<!tpu.dma_semaphore, #tpu.memory_space<semaphore_mem>>)
        } else {
        }
        %scan3A_505 = arith.constant 0 : i32
        scf.yield %scan3A_505 : i32
      }
      %scan3A_309 = arith.constant 7 : i32
      %mul3A_310 = arith.constant 64 : i32
      %mul3A_311 = arith.muli %scan3A_57, %mul3A_310 : i32
      %add3A_312 = arith.addi %mul3A_2, %mul3A_311 : i32
      "tpu.region"() ({
        %run_scoped3A = tpu.sem_alloc : memref<!tpu.dma_semaphore, #tpu.memory_space<semaphore_mem>>
        %dma_start3A_314 = arith.constant 0 : i32
        %dma_start3A_315 = tpu.memref_slice %arg4[%add3A_312, %dma_start3A_314] : memref<10240x128xf32, #tpu.memory_space<hbm>> -> memref<64x128xf32, #tpu.memory_space<hbm>>
        %dma_start3A_316 = arith.constant 0 : i32
        %dma_start3A_317 = tpu.memref_slice %arg8[%mul3A_4, %dma_start3A_316] : memref<1024x128xf32, #tpu.memory_space<vmem_shared>> -> memref<64x128xf32, #tpu.memory_space<vmem_shared>>
        tpu.enqueue_dma source(%dma_start3A_317 : memref<64x128xf32, #tpu.memory_space<vmem_shared>>) target(%dma_start3A_315 : memref<64x128xf32, #tpu.memory_space<hbm>>) target_semaphore(%run_scoped3A : memref<!tpu.dma_semaphore, #tpu.memory_space<semaphore_mem>>)
        %dma_wait3A_318 = arith.constant 0 : i32
        %dma_wait3A_319 = tpu.memref_slice %arg4[%add3A_312, %dma_wait3A_318] : memref<10240x128xf32, #tpu.memory_space<hbm>> -> memref<64x128xf32, #tpu.memory_space<hbm>>
        %dma_wait3A_320 = arith.constant 0 : i32
        %dma_wait3A_321 = tpu.memref_slice %arg8[%mul3A_4, %dma_wait3A_320] : memref<1024x128xf32, #tpu.memory_space<vmem_shared>> -> memref<64x128xf32, #tpu.memory_space<vmem_shared>>
        tpu.wait_dma2 semaphore(%run_scoped3A : memref<!tpu.dma_semaphore, #tpu.memory_space<semaphore_mem>>) src(%dma_wait3A_321 : memref<64x128xf32, #tpu.memory_space<vmem_shared>>) dst(%dma_wait3A_319 : memref<64x128xf32, #tpu.memory_space<hbm>>)
        tpu.yield
      }) : () -> ()
      %scan3A_313 = arith.constant 0 : i32
      scf.yield %scan3A_313 : i32
    }
    %scan3A_56 = arith.constant 5 : i32
    return
  }
}

#map = affine_map<(d0, d1) -> (0, 0, 0, 0)>
#map1 = affine_map<(d0, d1) -> (0, 0)>
module attributes {stable_mosaic.version = 14 : i64} {
  func.func @body(%arg0: i32, %arg1: i32, %arg2: memref<32x32x5x64xi32, #tpu.memory_space<hbm>>, %arg3: memref<10240x128xf32, #tpu.memory_space<hbm>>, %arg4: memref<10240x128xf32, #tpu.memory_space<hbm>>, %arg5: memref<32x5x64xi32, #tpu.memory_space<vmem>>, %arg6: memref<4x64x128xf32, #tpu.memory_space<vmem>>, %arg7: memref<1x64xi32, #tpu.memory_space<vmem>>, %arg8: memref<1024x128xf32, #tpu.memory_space<vmem_shared>>, %arg9: memref<!tpu.dma_semaphore, #tpu.memory_space<semaphore_mem>>, %arg10: memref<!tpu.dma_semaphore, #tpu.memory_space<semaphore_mem>>, %arg11: memref<!tpu.dma_semaphore, #tpu.memory_space<semaphore_mem>>, %arg12: memref<!tpu.dma_semaphore, #tpu.memory_space<semaphore_mem>>, %arg13: memref<!tpu.dma_semaphore, #tpu.memory_space<semaphore_mem>>, %arg14: memref<!tpu.dma_semaphore, #tpu.memory_space<semaphore_mem>>, %arg15: memref<!tpu.dma_semaphore, #tpu.memory_space<semaphore_mem>>, %arg16: memref<!tpu.dma_semaphore, #tpu.memory_space<semaphore_mem>>) attributes {dimension_semantics = [#tpu.dimension_semantics<core_parallel>, #tpu.dimension_semantics<subcore_parallel>], iteration_bounds = array<i64: 2, 16>, scalar_prefetch = 0 : i64, scratch_operands = 12 : i64, tpu.core_type = #tpu.core_type<sc_vector_subcore>, window_params = [{transform_indices = #map}, {transform_indices = #map1}, {transform_indices = #map1}]} {
    %mul3A = arith.constant 16 : i32
    %mul3A_0 = arith.muli %arg0, %mul3A : i32
    %add3A = arith.addi %mul3A_0, %arg1 : i32
    %mul3A_1 = arith.constant 320 : i32
    %mul3A_2 = arith.muli %add3A, %mul3A_1 : i32
    %mul3A_3 = arith.constant 64 : i32
    %mul3A_4 = arith.muli %arg1, %mul3A_3 : i32
    %iota3A = tpu.iota {dimensions = array<i32: 0>} : vector<16xi32>
    %add3A_5 = vector.broadcast %mul3A_4 : i32 to vector<16xi32>
    %add3A_6 = arith.addi %iota3A, %add3A_5 : vector<16xi32>
    %add3A_7 = arith.constant 0 : i32
    %add3A_8 = vector.broadcast %add3A_7 : i32 to vector<16xi32>
    %add3A_9 = arith.addi %add3A_6, %add3A_8 : vector<16xi32>
    %swap3A = arith.constant 0 : i32
    %swap3A_10 = arith.index_cast %swap3A : i32 to index
    %swap3A_11 = arith.constant 0 : index
    %swap3A_12 = tpu.vector_load %arg7[%swap3A_10, %swap3A_11] {strides = array<i32>} : memref<1x64xi32, #tpu.memory_space<vmem>>, vector<1x16xi32>,
    %swap3A_13 = vector.shape_cast %swap3A_12 : vector<1x16xi32> to vector<16xi32>
    %swap3A_14 = vector.shape_cast %add3A_9 : vector<16xi32> to vector<1x16xi32>
    tpu.vector_store %arg7[%swap3A_10, %swap3A_11], %swap3A_14 {strides = array<i32>} : memref<1x64xi32, #tpu.memory_space<vmem>>, vector<1x16xi32>,
    %iota3A_15 = tpu.iota {dimensions = array<i32: 0>} : vector<16xi32>
    %add3A_16 = vector.broadcast %mul3A_4 : i32 to vector<16xi32>
    %add3A_17 = arith.addi %iota3A_15, %add3A_16 : vector<16xi32>
    %add3A_18 = arith.constant 16 : i32
    %add3A_19 = vector.broadcast %add3A_18 : i32 to vector<16xi32>
    %add3A_20 = arith.addi %add3A_17, %add3A_19 : vector<16xi32>
    %swap3A_21 = arith.constant 0 : i32
    %swap3A_22 = arith.index_cast %swap3A_21 : i32 to index
    %swap3A_23 = arith.constant 16 : index
    %swap3A_24 = tpu.vector_load %arg7[%swap3A_22, %swap3A_23] {strides = array<i32>} : memref<1x64xi32, #tpu.memory_space<vmem>>, vector<1x16xi32>,
    %swap3A_25 = vector.shape_cast %swap3A_24 : vector<1x16xi32> to vector<16xi32>
    %swap3A_26 = vector.shape_cast %add3A_20 : vector<16xi32> to vector<1x16xi32>
    tpu.vector_store %arg7[%swap3A_22, %swap3A_23], %swap3A_26 {strides = array<i32>} : memref<1x64xi32, #tpu.memory_space<vmem>>, vector<1x16xi32>,
    %iota3A_27 = tpu.iota {dimensions = array<i32: 0>} : vector<16xi32>
    %add3A_28 = vector.broadcast %mul3A_4 : i32 to vector<16xi32>
    %add3A_29 = arith.addi %iota3A_27, %add3A_28 : vector<16xi32>
    %add3A_30 = arith.constant 32 : i32
    %add3A_31 = vector.broadcast %add3A_30 : i32 to vector<16xi32>
    %add3A_32 = arith.addi %add3A_29, %add3A_31 : vector<16xi32>
    %swap3A_33 = arith.constant 0 : i32
    %swap3A_34 = arith.index_cast %swap3A_33 : i32 to index
    %swap3A_35 = arith.constant 32 : index
    %swap3A_36 = tpu.vector_load %arg7[%swap3A_34, %swap3A_35] {strides = array<i32>} : memref<1x64xi32, #tpu.memory_space<vmem>>, vector<1x16xi32>,
    %swap3A_37 = vector.shape_cast %swap3A_36 : vector<1x16xi32> to vector<16xi32>
    %swap3A_38 = vector.shape_cast %add3A_32 : vector<16xi32> to vector<1x16xi32>
    tpu.vector_store %arg7[%swap3A_34, %swap3A_35], %swap3A_38 {strides = array<i32>} : memref<1x64xi32, #tpu.memory_space<vmem>>, vector<1x16xi32>,
    %iota3A_39 = tpu.iota {dimensions = array<i32: 0>} : vector<16xi32>
    %add3A_40 = vector.broadcast %mul3A_4 : i32 to vector<16xi32>
    %add3A_41 = arith.addi %iota3A_39, %add3A_40 : vector<16xi32>
    %add3A_42 = arith.constant 48 : i32
    %add3A_43 = vector.broadcast %add3A_42 : i32 to vector<16xi32>
    %add3A_44 = arith.addi %add3A_41, %add3A_43 : vector<16xi32>
    %swap3A_45 = arith.constant 0 : i32
    %swap3A_46 = arith.index_cast %swap3A_45 : i32 to index
    %swap3A_47 = arith.constant 48 : index
    %swap3A_48 = tpu.vector_load %arg7[%swap3A_46, %swap3A_47] {strides = array<i32>} : memref<1x64xi32, #tpu.memory_space<vmem>>, vector<1x16xi32>,
    %swap3A_49 = vector.shape_cast %swap3A_48 : vector<1x16xi32> to vector<16xi32>
    %swap3A_50 = vector.shape_cast %add3A_44 : vector<16xi32> to vector<1x16xi32>
    tpu.vector_store %arg7[%swap3A_46, %swap3A_47], %swap3A_50 {strides = array<i32>} : memref<1x64xi32, #tpu.memory_space<vmem>>, vector<1x16xi32>,
    "tpu.region"() ({
      %run_scoped3A = tpu.sem_alloc : memref<!tpu.dma_semaphore, #tpu.memory_space<semaphore_mem>>
      %dma_start3A = arith.constant 0 : i32
      %dma_start3A_57 = arith.constant 0 : i32
      %dma_start3A_58 = arith.constant 0 : i32
      %dma_start3A_59 = tpu.memref_slice %arg2[%add3A, %dma_start3A, %dma_start3A_57, %dma_start3A_58] : memref<32x32x5x64xi32, #tpu.memory_space<hbm>> -> memref<1x32x5x64xi32, #tpu.memory_space<hbm>>
      %dma_start3A_60 = tpu.memref_squeeze %dma_start3A_59 : memref<1x32x5x64xi32, #tpu.memory_space<hbm>> -> memref<32x5x64xi32, #tpu.memory_space<hbm>>
      %dma_start3A_61 = arith.constant 0 : i32
      %dma_start3A_62 = arith.constant 0 : i32
      %dma_start3A_63 = arith.constant 0 : i32
      %dma_start3A_64 = tpu.memref_slice %arg2[%add3A, %dma_start3A_61, %dma_start3A_62, %dma_start3A_63] : memref<32x32x5x64xi32, #tpu.memory_space<hbm>> -> memref<1x32x5x64xi32, #tpu.memory_space<hbm>>
      %dma_start3A_65 = tpu.memref_squeeze %dma_start3A_64 : memref<1x32x5x64xi32, #tpu.memory_space<hbm>> -> memref<32x5x64xi32, #tpu.memory_space<hbm>>
      tpu.enqueue_dma source(%dma_start3A_65 : memref<32x5x64xi32, #tpu.memory_space<hbm>>) target(%arg5 : memref<32x5x64xi32, #tpu.memory_space<vmem>>) target_semaphore(%run_scoped3A : memref<!tpu.dma_semaphore, #tpu.memory_space<semaphore_mem>>)
      %dma_wait3A = arith.constant 0 : i32
      %dma_wait3A_66 = arith.constant 0 : i32
      %dma_wait3A_67 = arith.constant 0 : i32
      %dma_wait3A_68 = tpu.memref_slice %arg2[%add3A, %dma_wait3A, %dma_wait3A_66, %dma_wait3A_67] : memref<32x32x5x64xi32, #tpu.memory_space<hbm>> -> memref<1x32x5x64xi32, #tpu.memory_space<hbm>>
      %dma_wait3A_69 = tpu.memref_squeeze %dma_wait3A_68 : memref<1x32x5x64xi32, #tpu.memory_space<hbm>> -> memref<32x5x64xi32, #tpu.memory_space<hbm>>
      %dma_wait3A_70 = arith.constant 0 : i32
      %dma_wait3A_71 = arith.constant 0 : i32
      %dma_wait3A_72 = arith.constant 0 : i32
      %dma_wait3A_73 = tpu.memref_slice %arg2[%add3A, %dma_wait3A_70, %dma_wait3A_71, %dma_wait3A_72] : memref<32x32x5x64xi32, #tpu.memory_space<hbm>> -> memref<1x32x5x64xi32, #tpu.memory_space<hbm>>
      %dma_wait3A_74 = tpu.memref_squeeze %dma_wait3A_73 : memref<1x32x5x64xi32, #tpu.memory_space<hbm>> -> memref<32x5x64xi32, #tpu.memory_space<hbm>>
      tpu.wait_dma2 semaphore(%run_scoped3A : memref<!tpu.dma_semaphore, #tpu.memory_space<semaphore_mem>>) src(%dma_wait3A_74 : memref<32x5x64xi32, #tpu.memory_space<hbm>>) dst(%arg5 : memref<32x5x64xi32, #tpu.memory_space<vmem>>)
      tpu.yield
    }) : () -> ()
    %scan3A = arith.constant 0 : i32
    %scan3A_51 = arith.constant 0 : i32
    %scan3A_52 = arith.constant 5 : i32
    %scan3A_53 = arith.addi %scan3A_51, %scan3A_52 : i32
    %scan3A_54 = arith.constant 1 : i32
    %scan3A_55 = scf.for %scan3A_57 = %scan3A_51 to %scan3A_53 step %scan3A_54 iter_args(%scan3A_58 = %scan3A) -> (i32)  : i32 {
      %dma_start3A = arith.constant 0 : i32
      %dma_start3A_59 = arith.constant 0 : i32
      %dma_start3A_60 = arith.constant 0 : i32
      %dma_start3A_61 = arith.constant 0 : i32
      %dma_start3A_62 = tpu.memref_slice %arg6[%dma_start3A_59, %dma_start3A_60, %dma_start3A_61] : memref<4x64x128xf32, #tpu.memory_space<vmem>> -> memref<1x64x128xf32, #tpu.memory_space<vmem>>
      %dma_start3A_63 = tpu.memref_squeeze %dma_start3A_62 : memref<1x64x128xf32, #tpu.memory_space<vmem>> -> memref<64x128xf32, #tpu.memory_space<vmem>>
      %dma_start3A_64 = arith.constant 0 : i32
      %dma_start3A_65 = tpu.memref_slice %arg5[%dma_start3A, %scan3A_57, %dma_start3A_64] : memref<32x5x64xi32, #tpu.memory_space<vmem>> -> memref<1x1x64xi32, #tpu.memory_space<vmem>>
      %dma_start3A_66 = tpu.memref_squeeze %dma_start3A_65 : memref<1x1x64xi32, #tpu.memory_space<vmem>> -> memref<64xi32, #tpu.memory_space<vmem>>
      %dma_start3A_67 = arith.constant 0 : i32
      %dma_start3A_68 = arith.constant 0 : i32
      %dma_start3A_69 = tpu.memref_slice %arg3[%dma_start3A_67, %dma_start3A_68] : memref<10240x128xf32, #tpu.memory_space<hbm>> -> memref<10240x128xf32, #tpu.memory_space<hbm>>
      tpu.enqueue_indirect_dma source(%dma_start3A_69 : memref<10240x128xf32, #tpu.memory_space<hbm>>) target(%dma_start3A_63 : memref<64x128xf32, #tpu.memory_space<vmem>>) offsets(%dma_start3A_66 : memref<64xi32, #tpu.memory_space<vmem>>) semaphore(%arg9 : memref<!tpu.dma_semaphore, #tpu.memory_space<semaphore_mem>>)
      %dma_start3A_70 = arith.constant 1 : i32
      %dma_start3A_71 = arith.constant 1 : i32
      %dma_start3A_72 = arith.constant 0 : i32
      %dma_start3A_73 = arith.constant 0 : i32
      %dma_start3A_74 = tpu.memref_slice %arg6[%dma_start3A_71, %dma_start3A_72, %dma_start3A_73] : memref<4x64x128xf32, #tpu.memory_space<vmem>> -> memref<1x64x128xf32, #tpu.memory_space<vmem>>
      %dma_start3A_75 = tpu.memref_squeeze %dma_start3A_74 : memref<1x64x128xf32, #tpu.memory_space<vmem>> -> memref<64x128xf32, #tpu.memory_space<vmem>>
      %dma_start3A_76 = arith.constant 0 : i32
      %dma_start3A_77 = tpu.memref_slice %arg5[%dma_start3A_70, %scan3A_57, %dma_start3A_76] : memref<32x5x64xi32, #tpu.memory_space<vmem>> -> memref<1x1x64xi32, #tpu.memory_space<vmem>>
      %dma_start3A_78 = tpu.memref_squeeze %dma_start3A_77 : memref<1x1x64xi32, #tpu.memory_space<vmem>> -> memref<64xi32, #tpu.memory_space<vmem>>
      %dma_start3A_79 = arith.constant 0 : i32
      %dma_start3A_80 = arith.constant 0 : i32
      %dma_start3A_81 = tpu.memref_slice %arg3[%dma_start3A_79, %dma_start3A_80] : memref<10240x128xf32, #tpu.memory_space<hbm>> -> memref<10240x128xf32, #tpu.memory_space<hbm>>
      tpu.enqueue_indirect_dma source(%dma_start3A_81 : memref<10240x128xf32, #tpu.memory_space<hbm>>) target(%dma_start3A_75 : memref<64x128xf32, #tpu.memory_space<vmem>>) offsets(%dma_start3A_78 : memref<64xi32, #tpu.memory_space<vmem>>) semaphore(%arg10 : memref<!tpu.dma_semaphore, #tpu.memory_space<semaphore_mem>>)
      %dma_start3A_82 = arith.constant 2 : i32
      %dma_start3A_83 = arith.constant 2 : i32
      %dma_start3A_84 = arith.constant 0 : i32
      %dma_start3A_85 = arith.constant 0 : i32
      %dma_start3A_86 = tpu.memref_slice %arg6[%dma_start3A_83, %dma_start3A_84, %dma_start3A_85] : memref<4x64x128xf32, #tpu.memory_space<vmem>> -> memref<1x64x128xf32, #tpu.memory_space<vmem>>
      %dma_start3A_87 = tpu.memref_squeeze %dma_start3A_86 : memref<1x64x128xf32, #tpu.memory_space<vmem>> -> memref<64x128xf32, #tpu.memory_space<vmem>>
      %dma_start3A_88 = arith.constant 0 : i32
      %dma_start3A_89 = tpu.memref_slice %arg5[%dma_start3A_82, %scan3A_57, %dma_start3A_88] : memref<32x5x64xi32, #tpu.memory_space<vmem>> -> memref<1x1x64xi32, #tpu.memory_space<vmem>>
      %dma_start3A_90 = tpu.memref_squeeze %dma_start3A_89 : memref<1x1x64xi32, #tpu.memory_space<vmem>> -> memref<64xi32, #tpu.memory_space<vmem>>
      %dma_start3A_91 = arith.constant 0 : i32
      %dma_start3A_92 = arith.constant 0 : i32
      %dma_start3A_93 = tpu.memref_slice %arg3[%dma_start3A_91, %dma_start3A_92] : memref<10240x128xf32, #tpu.memory_space<hbm>> -> memref<10240x128xf32, #tpu.memory_space<hbm>>
      tpu.enqueue_indirect_dma source(%dma_start3A_93 : memref<10240x128xf32, #tpu.memory_space<hbm>>) target(%dma_start3A_87 : memref<64x128xf32, #tpu.memory_space<vmem>>) offsets(%dma_start3A_90 : memref<64xi32, #tpu.memory_space<vmem>>) semaphore(%arg11 : memref<!tpu.dma_semaphore, #tpu.memory_space<semaphore_mem>>)
      %dma_start3A_94 = arith.constant 3 : i32
      %dma_start3A_95 = arith.constant 3 : i32
      %dma_start3A_96 = arith.constant 0 : i32
      %dma_start3A_97 = arith.constant 0 : i32
      %dma_start3A_98 = tpu.memref_slice %arg6[%dma_start3A_95, %dma_start3A_96, %dma_start3A_97] : memref<4x64x128xf32, #tpu.memory_space<vmem>> -> memref<1x64x128xf32, #tpu.memory_space<vmem>>
      %dma_start3A_99 = tpu.memref_squeeze %dma_start3A_98 : memref<1x64x128xf32, #tpu.memory_space<vmem>> -> memref<64x128xf32, #tpu.memory_space<vmem>>
      %dma_start3A_100 = arith.constant 0 : i32
      %dma_start3A_101 = tpu.memref_slice %arg5[%dma_start3A_94, %scan3A_57, %dma_start3A_100] : memref<32x5x64xi32, #tpu.memory_space<vmem>> -> memref<1x1x64xi32, #tpu.memory_space<vmem>>
      %dma_start3A_102 = tpu.memref_squeeze %dma_start3A_101 : memref<1x1x64xi32, #tpu.memory_space<vmem>> -> memref<64xi32, #tpu.memory_space<vmem>>
      %dma_start3A_103 = arith.constant 0 : i32
      %dma_start3A_104 = arith.constant 0 : i32
      %dma_start3A_105 = tpu.memref_slice %arg3[%dma_start3A_103, %dma_start3A_104] : memref<10240x128xf32, #tpu.memory_space<hbm>> -> memref<10240x128xf32, #tpu.memory_space<hbm>>
      tpu.enqueue_indirect_dma source(%dma_start3A_105 : memref<10240x128xf32, #tpu.memory_space<hbm>>) target(%dma_start3A_99 : memref<64x128xf32, #tpu.memory_space<vmem>>) offsets(%dma_start3A_102 : memref<64xi32, #tpu.memory_space<vmem>>) semaphore(%arg12 : memref<!tpu.dma_semaphore, #tpu.memory_space<semaphore_mem>>)
      %dma_wait3A = arith.constant 0 : i32
      %dma_wait3A_106 = arith.constant 0 : i32
      %dma_wait3A_107 = arith.constant 0 : i32
      %dma_wait3A_108 = arith.constant 0 : i32
      %dma_wait3A_109 = arith.constant 0 : i32
      %dma_wait3A_110 = tpu.memref_slice %arg6[%dma_wait3A_107, %dma_wait3A_108, %dma_wait3A_109] : memref<4x64x128xf32, #tpu.memory_space<vmem>> -> memref<1x64x128xf32, #tpu.memory_space<vmem>>
      %dma_wait3A_111 = tpu.memref_squeeze %dma_wait3A_110 : memref<1x64x128xf32, #tpu.memory_space<vmem>> -> memref<64x128xf32, #tpu.memory_space<vmem>>
      %dma_wait3A_112 = arith.constant 0 : i32
      %dma_wait3A_113 = tpu.memref_slice %arg5[%dma_wait3A, %dma_wait3A_106, %dma_wait3A_112] : memref<32x5x64xi32, #tpu.memory_space<vmem>> -> memref<1x1x64xi32, #tpu.memory_space<vmem>>
      %dma_wait3A_114 = tpu.memref_squeeze %dma_wait3A_113 : memref<1x1x64xi32, #tpu.memory_space<vmem>> -> memref<64xi32, #tpu.memory_space<vmem>>
      %dma_wait3A_115 = arith.constant 0 : i32
      %dma_wait3A_116 = arith.constant 0 : i32
      %dma_wait3A_117 = tpu.memref_slice %arg3[%dma_wait3A_115, %dma_wait3A_116] : memref<10240x128xf32, #tpu.memory_space<hbm>> -> memref<10240x128xf32, #tpu.memory_space<hbm>>
      tpu.wait_indirect_dma semaphore(%arg9 : memref<!tpu.dma_semaphore, #tpu.memory_space<semaphore_mem>>) src(%dma_wait3A_117 : memref<10240x128xf32, #tpu.memory_space<hbm>>) dst(%dma_wait3A_111 : memref<64x128xf32, #tpu.memory_space<vmem>>)
      %dma_start3A_118 = arith.constant 0 : i32
      %dma_start3A_119 = arith.constant 0 : i32
      %dma_start3A_120 = arith.constant 0 : i32
      %dma_start3A_121 = tpu.memref_slice %arg6[%dma_start3A_118, %dma_start3A_119, %dma_start3A_120] : memref<4x64x128xf32, #tpu.memory_space<vmem>> -> memref<1x64x128xf32, #tpu.memory_space<vmem>>
      %dma_start3A_122 = tpu.memref_squeeze %dma_start3A_121 : memref<1x64x128xf32, #tpu.memory_space<vmem>> -> memref<64x128xf32, #tpu.memory_space<vmem>>
      %dma_start3A_123 = arith.constant 0 : i32
      %dma_start3A_124 = tpu.memref_slice %arg8[%mul3A_4, %dma_start3A_123] : memref<1024x128xf32, #tpu.memory_space<vmem_shared>> -> memref<64x128xf32, #tpu.memory_space<vmem_shared>>
      %dma_start3A_125 = arith.constant 0 : i32
      %dma_start3A_126 = tpu.memref_slice %arg8[%mul3A_4, %dma_start3A_125] : memref<1024x128xf32, #tpu.memory_space<vmem_shared>> -> memref<64x128xf32, #tpu.memory_space<vmem_shared>>
      %dma_start3A_127 = arith.constant 0 : i32
      %dma_start3A_128 = arith.constant 0 : i32
      %dma_start3A_129 = tpu.memref_slice %arg6[%dma_start3A_118, %dma_start3A_127, %dma_start3A_128] : memref<4x64x128xf32, #tpu.memory_space<vmem>> -> memref<1x64x128xf32, #tpu.memory_space<vmem>>
      %dma_start3A_130 = tpu.memref_squeeze %dma_start3A_129 : memref<1x64x128xf32, #tpu.memory_space<vmem>> -> memref<64x128xf32, #tpu.memory_space<vmem>>
      tpu.enqueue_dma source(%dma_start3A_130 : memref<64x128xf32, #tpu.memory_space<vmem>>) target(%dma_start3A_126 : memref<64x128xf32, #tpu.memory_space<vmem_shared>>) target_semaphore(%arg13 : memref<!tpu.dma_semaphore, #tpu.memory_space<semaphore_mem>>)
      %dma_wait3A_131 = arith.constant 0 : i32
      %dma_wait3A_132 = arith.constant 0 : i32
      %dma_wait3A_133 = arith.constant 0 : i32
      %dma_wait3A_134 = tpu.memref_slice %arg6[%dma_wait3A_131, %dma_wait3A_132, %dma_wait3A_133] : memref<4x64x128xf32, #tpu.memory_space<vmem>> -> memref<1x64x128xf32, #tpu.memory_space<vmem>>
      %dma_wait3A_135 = tpu.memref_squeeze %dma_wait3A_134 : memref<1x64x128xf32, #tpu.memory_space<vmem>> -> memref<64x128xf32, #tpu.memory_space<vmem>>
      %dma_wait3A_136 = arith.constant 0 : i32
      %dma_wait3A_137 = tpu.memref_slice %arg8[%mul3A_4, %dma_wait3A_136] : memref<1024x128xf32, #tpu.memory_space<vmem_shared>> -> memref<64x128xf32, #tpu.memory_space<vmem_shared>>
      %dma_wait3A_138 = arith.constant 0 : i32
      %dma_wait3A_139 = tpu.memref_slice %arg8[%mul3A_4, %dma_wait3A_138] : memref<1024x128xf32, #tpu.memory_space<vmem_shared>> -> memref<64x128xf32, #tpu.memory_space<vmem_shared>>
      %dma_wait3A_140 = arith.constant 0 : i32
      %dma_wait3A_141 = arith.constant 0 : i32
      %dma_wait3A_142 = tpu.memref_slice %arg6[%dma_wait3A_131, %dma_wait3A_140, %dma_wait3A_141] : memref<4x64x128xf32, #tpu.memory_space<vmem>> -> memref<1x64x128xf32, #tpu.memory_space<vmem>>
      %dma_wait3A_143 = tpu.memref_squeeze %dma_wait3A_142 : memref<1x64x128xf32, #tpu.memory_space<vmem>> -> memref<64x128xf32, #tpu.memory_space<vmem>>
      tpu.wait_dma2 semaphore(%arg13 : memref<!tpu.dma_semaphore, #tpu.memory_space<semaphore_mem>>) src(%dma_wait3A_143 : memref<64x128xf32, #tpu.memory_space<vmem>>) dst(%dma_wait3A_139 : memref<64x128xf32, #tpu.memory_space<vmem_shared>>)
      %dma_start3A_144 = arith.constant 4 : i32
      %dma_start3A_145 = arith.constant 0 : i32
      %dma_start3A_146 = arith.constant 0 : i32
      %dma_start3A_147 = arith.constant 0 : i32
      %dma_start3A_148 = tpu.memref_slice %arg6[%dma_start3A_145, %dma_start3A_146, %dma_start3A_147] : memref<4x64x128xf32, #tpu.memory_space<vmem>> -> memref<1x64x128xf32, #tpu.memory_space<vmem>>
      %dma_start3A_149 = tpu.memref_squeeze %dma_start3A_148 : memref<1x64x128xf32, #tpu.memory_space<vmem>> -> memref<64x128xf32, #tpu.memory_space<vmem>>
      %dma_start3A_150 = arith.constant 0 : i32
      %dma_start3A_151 = tpu.memref_slice %arg5[%dma_start3A_144, %scan3A_57, %dma_start3A_150] : memref<32x5x64xi32, #tpu.memory_space<vmem>> -> memref<1x1x64xi32, #tpu.memory_space<vmem>>
      %dma_start3A_152 = tpu.memref_squeeze %dma_start3A_151 : memref<1x1x64xi32, #tpu.memory_space<vmem>> -> memref<64xi32, #tpu.memory_space<vmem>>
      %dma_start3A_153 = arith.constant 0 : i32
      %dma_start3A_154 = arith.constant 0 : i32
      %dma_start3A_155 = tpu.memref_slice %arg3[%dma_start3A_153, %dma_start3A_154] : memref<10240x128xf32, #tpu.memory_space<hbm>> -> memref<10240x128xf32, #tpu.memory_space<hbm>>
      tpu.enqueue_indirect_dma source(%dma_start3A_155 : memref<10240x128xf32, #tpu.memory_space<hbm>>) target(%dma_start3A_149 : memref<64x128xf32, #tpu.memory_space<vmem>>) offsets(%dma_start3A_152 : memref<64xi32, #tpu.memory_space<vmem>>) semaphore(%arg9 : memref<!tpu.dma_semaphore, #tpu.memory_space<semaphore_mem>>)
      %dma_wait3A_156 = arith.constant 0 : i32
      %dma_wait3A_157 = arith.constant 0 : i32
      %dma_wait3A_158 = arith.constant 1 : i32
      %dma_wait3A_159 = arith.constant 0 : i32
      %dma_wait3A_160 = arith.constant 0 : i32
      %dma_wait3A_161 = tpu.memref_slice %arg6[%dma_wait3A_158, %dma_wait3A_159, %dma_wait3A_160] : memref<4x64x128xf32, #tpu.memory_space<vmem>> -> memref<1x64x128xf32, #tpu.memory_space<vmem>>
      %dma_wait3A_162 = tpu.memref_squeeze %dma_wait3A_161 : memref<1x64x128xf32, #tpu.memory_space<vmem>> -> memref<64x128xf32, #tpu.memory_space<vmem>>
      %dma_wait3A_163 = arith.constant 0 : i32
      %dma_wait3A_164 = tpu.memref_slice %arg5[%dma_wait3A_156, %dma_wait3A_157, %dma_wait3A_163] : memref<32x5x64xi32, #tpu.memory_space<vmem>> -> memref<1x1x64xi32, #tpu.memory_space<vmem>>
      %dma_wait3A_165 = tpu.memref_squeeze %dma_wait3A_164 : memref<1x1x64xi32, #tpu.memory_space<vmem>> -> memref<64xi32, #tpu.memory_space<vmem>>
      %dma_wait3A_166 = arith.constant 0 : i32
      %dma_wait3A_167 = arith.constant 0 : i32
      %dma_wait3A_168 = tpu.memref_slice %arg3[%dma_wait3A_166, %dma_wait3A_167] : memref<10240x128xf32, #tpu.memory_space<hbm>> -> memref<10240x128xf32, #tpu.memory_space<hbm>>
      tpu.wait_indirect_dma semaphore(%arg10 : memref<!tpu.dma_semaphore, #tpu.memory_space<semaphore_mem>>) src(%dma_wait3A_168 : memref<10240x128xf32, #tpu.memory_space<hbm>>) dst(%dma_wait3A_162 : memref<64x128xf32, #tpu.memory_space<vmem>>)
      %dma_start3A_169 = arith.constant 1 : i32
      %dma_start3A_170 = arith.constant 0 : i32
      %dma_start3A_171 = arith.constant 0 : i32
      %dma_start3A_172 = arith.constant 0 : i32
      %dma_start3A_173 = tpu.memref_slice %arg6[%dma_start3A_169, %dma_start3A_171, %dma_start3A_172] : memref<4x64x128xf32, #tpu.memory_space<vmem>> -> memref<1x64x128xf32, #tpu.memory_space<vmem>>
      %dma_start3A_174 = tpu.memref_squeeze %dma_start3A_173 : memref<1x64x128xf32, #tpu.memory_space<vmem>> -> memref<64x128xf32, #tpu.memory_space<vmem>>
      %dma_start3A_175 = arith.constant 0 : i32
      %dma_start3A_176 = tpu.memref_slice %arg7[%dma_start3A_170, %dma_start3A_175] : memref<1x64xi32, #tpu.memory_space<vmem>> -> memref<1x64xi32, #tpu.memory_space<vmem>>
      %dma_start3A_177 = tpu.memref_squeeze %dma_start3A_176 : memref<1x64xi32, #tpu.memory_space<vmem>> -> memref<64xi32, #tpu.memory_space<vmem>>
      %dma_start3A_178 = arith.constant 0 : i32
      %dma_start3A_179 = arith.constant 0 : i32
      %dma_start3A_180 = tpu.memref_slice %arg8[%dma_start3A_178, %dma_start3A_179] : memref<1024x128xf32, #tpu.memory_space<vmem_shared>> -> memref<1024x128xf32, #tpu.memory_space<vmem_shared>>
      tpu.enqueue_indirect_dma source(%dma_start3A_174 : memref<64x128xf32, #tpu.memory_space<vmem>>) target(%dma_start3A_180 : memref<1024x128xf32, #tpu.memory_space<vmem_shared>>) offsets(%dma_start3A_177 : memref<64xi32, #tpu.memory_space<vmem>>) semaphore(%arg14 : memref<!tpu.dma_semaphore, #tpu.memory_space<semaphore_mem>>) {add = true}
      %dma_wait3A_181 = arith.constant 1 : i32
      %dma_wait3A_182 = arith.constant 0 : i32
      %dma_wait3A_183 = arith.constant 0 : i32
      %dma_wait3A_184 = arith.constant 0 : i32
      %dma_wait3A_185 = tpu.memref_slice %arg6[%dma_wait3A_181, %dma_wait3A_183, %dma_wait3A_184] : memref<4x64x128xf32, #tpu.memory_space<vmem>> -> memref<1x64x128xf32, #tpu.memory_space<vmem>>
      %dma_wait3A_186 = tpu.memref_squeeze %dma_wait3A_185 : memref<1x64x128xf32, #tpu.memory_space<vmem>> -> memref<64x128xf32, #tpu.memory_space<vmem>>
      %dma_wait3A_187 = arith.constant 0 : i32
      %dma_wait3A_188 = tpu.memref_slice %arg7[%dma_wait3A_182, %dma_wait3A_187] : memref<1x64xi32, #tpu.memory_space<vmem>> -> memref<1x64xi32, #tpu.memory_space<vmem>>
      %dma_wait3A_189 = tpu.memref_squeeze %dma_wait3A_188 : memref<1x64xi32, #tpu.memory_space<vmem>> -> memref<64xi32, #tpu.memory_space<vmem>>
      %dma_wait3A_190 = arith.constant 0 : i32
      %dma_wait3A_191 = arith.constant 0 : i32
      %dma_wait3A_192 = tpu.memref_slice %arg8[%dma_wait3A_190, %dma_wait3A_191] : memref<1024x128xf32, #tpu.memory_space<vmem_shared>> -> memref<1024x128xf32, #tpu.memory_space<vmem_shared>>
      tpu.wait_indirect_dma semaphore(%arg14 : memref<!tpu.dma_semaphore, #tpu.memory_space<semaphore_mem>>) src(%dma_wait3A_186 : memref<64x128xf32, #tpu.memory_space<vmem>>) dst(%dma_wait3A_192 : memref<1024x128xf32, #tpu.memory_space<vmem_shared>>)
      %dma_start3A_193 = arith.constant 5 : i32
      %dma_start3A_194 = arith.constant 1 : i32
      %dma_start3A_195 = arith.constant 0 : i32
      %dma_start3A_196 = arith.constant 0 : i32
      %dma_start3A_197 = tpu.memref_slice %arg6[%dma_start3A_194, %dma_start3A_195, %dma_start3A_196] : memref<4x64x128xf32, #tpu.memory_space<vmem>> -> memref<1x64x128xf32, #tpu.memory_space<vmem>>
      %dma_start3A_198 = tpu.memref_squeeze %dma_start3A_197 : memref<1x64x128xf32, #tpu.memory_space<vmem>> -> memref<64x128xf32, #tpu.memory_space<vmem>>
      %dma_start3A_199 = arith.constant 0 : i32
      %dma_start3A_200 = tpu.memref_slice %arg5[%dma_start3A_193, %scan3A_57, %dma_start3A_199] : memref<32x5x64xi32, #tpu.memory_space<vmem>> -> memref<1x1x64xi32, #tpu.memory_space<vmem>>
      %dma_start3A_201 = tpu.memref_squeeze %dma_start3A_200 : memref<1x1x64xi32, #tpu.memory_space<vmem>> -> memref<64xi32, #tpu.memory_space<vmem>>
      %dma_start3A_202 = arith.constant 0 : i32
      %dma_start3A_203 = arith.constant 0 : i32
      %dma_start3A_204 = tpu.memref_slice %arg3[%dma_start3A_202, %dma_start3A_203] : memref<10240x128xf32, #tpu.memory_space<hbm>> -> memref<10240x128xf32, #tpu.memory_space<hbm>>
      tpu.enqueue_indirect_dma source(%dma_start3A_204 : memref<10240x128xf32, #tpu.memory_space<hbm>>) target(%dma_start3A_198 : memref<64x128xf32, #tpu.memory_space<vmem>>) offsets(%dma_start3A_201 : memref<64xi32, #tpu.memory_space<vmem>>) semaphore(%arg10 : memref<!tpu.dma_semaphore, #tpu.memory_space<semaphore_mem>>)
      %dma_wait3A_205 = arith.constant 0 : i32
      %dma_wait3A_206 = arith.constant 0 : i32
      %dma_wait3A_207 = arith.constant 2 : i32
      %dma_wait3A_208 = arith.constant 0 : i32
      %dma_wait3A_209 = arith.constant 0 : i32
      %dma_wait3A_210 = tpu.memref_slice %arg6[%dma_wait3A_207, %dma_wait3A_208, %dma_wait3A_209] : memref<4x64x128xf32, #tpu.memory_space<vmem>> -> memref<1x64x128xf32, #tpu.memory_space<vmem>>
      %dma_wait3A_211 = tpu.memref_squeeze %dma_wait3A_210 : memref<1x64x128xf32, #tpu.memory_space<vmem>> -> memref<64x128xf32, #tpu.memory_space<vmem>>
      %dma_wait3A_212 = arith.constant 0 : i32
      %dma_wait3A_213 = tpu.memref_slice %arg5[%dma_wait3A_205, %dma_wait3A_206, %dma_wait3A_212] : memref<32x5x64xi32, #tpu.memory_space<vmem>> -> memref<1x1x64xi32, #tpu.memory_space<vmem>>
      %dma_wait3A_214 = tpu.memref_squeeze %dma_wait3A_213 : memref<1x1x64xi32, #tpu.memory_space<vmem>> -> memref<64xi32, #tpu.memory_space<vmem>>
      %dma_wait3A_215 = arith.constant 0 : i32
      %dma_wait3A_216 = arith.constant 0 : i32
      %dma_wait3A_217 = tpu.memref_slice %arg3[%dma_wait3A_215, %dma_wait3A_216] : memref<10240x128xf32, #tpu.memory_space<hbm>> -> memref<10240x128xf32, #tpu.memory_space<hbm>>
      tpu.wait_indirect_dma semaphore(%arg11 : memref<!tpu.dma_semaphore, #tpu.memory_space<semaphore_mem>>) src(%dma_wait3A_217 : memref<10240x128xf32, #tpu.memory_space<hbm>>) dst(%dma_wait3A_211 : memref<64x128xf32, #tpu.memory_space<vmem>>)
      %dma_start3A_218 = arith.constant 2 : i32
      %dma_start3A_219 = arith.constant 0 : i32
      %dma_start3A_220 = arith.constant 0 : i32
      %dma_start3A_221 = arith.constant 0 : i32
      %dma_start3A_222 = tpu.memref_slice %arg6[%dma_start3A_218, %dma_start3A_220, %dma_start3A_221] : memref<4x64x128xf32, #tpu.memory_space<vmem>> -> memref<1x64x128xf32, #tpu.memory_space<vmem>>
      %dma_start3A_223 = tpu.memref_squeeze %dma_start3A_222 : memref<1x64x128xf32, #tpu.memory_space<vmem>> -> memref<64x128xf32, #tpu.memory_space<vmem>>
      %dma_start3A_224 = arith.constant 0 : i32
      %dma_start3A_225 = tpu.memref_slice %arg7[%dma_start3A_219, %dma_start3A_224] : memref<1x64xi32, #tpu.memory_space<vmem>> -> memref<1x64xi32, #tpu.memory_space<vmem>>
      %dma_start3A_226 = tpu.memref_squeeze %dma_start3A_225 : memref<1x64xi32, #tpu.memory_space<vmem>> -> memref<64xi32, #tpu.memory_space<vmem>>
      %dma_start3A_227 = arith.constant 0 : i32
      %dma_start3A_228 = arith.constant 0 : i32
      %dma_start3A_229 = tpu.memref_slice %arg8[%dma_start3A_227, %dma_start3A_228] : memref<1024x128xf32, #tpu.memory_space<vmem_shared>> -> memref<1024x128xf32, #tpu.memory_space<vmem_shared>>
      tpu.enqueue_indirect_dma source(%dma_start3A_223 : memref<64x128xf32, #tpu.memory_space<vmem>>) target(%dma_start3A_229 : memref<1024x128xf32, #tpu.memory_space<vmem_shared>>) offsets(%dma_start3A_226 : memref<64xi32, #tpu.memory_space<vmem>>) semaphore(%arg15 : memref<!tpu.dma_semaphore, #tpu.memory_space<semaphore_mem>>) {add = true}
      %dma_wait3A_230 = arith.constant 2 : i32
      %dma_wait3A_231 = arith.constant 0 : i32
      %dma_wait3A_232 = arith.constant 0 : i32
      %dma_wait3A_233 = arith.constant 0 : i32
      %dma_wait3A_234 = tpu.memref_slice %arg6[%dma_wait3A_230, %dma_wait3A_232, %dma_wait3A_233] : memref<4x64x128xf32, #tpu.memory_space<vmem>> -> memref<1x64x128xf32, #tpu.memory_space<vmem>>
      %dma_wait3A_235 = tpu.memref_squeeze %dma_wait3A_234 : memref<1x64x128xf32, #tpu.memory_space<vmem>> -> memref<64x128xf32, #tpu.memory_space<vmem>>
      %dma_wait3A_236 = arith.constant 0 : i32
      %dma_wait3A_237 = tpu.memref_slice %arg7[%dma_wait3A_231, %dma_wait3A_236] : memref<1x64xi32, #tpu.memory_space<vmem>> -> memref<1x64xi32, #tpu.memory_space<vmem>>
      %dma_wait3A_238 = tpu.memref_squeeze %dma_wait3A_237 : memref<1x64xi32, #tpu.memory_space<vmem>> -> memref<64xi32, #tpu.memory_space<vmem>>
      %dma_wait3A_239 = arith.constant 0 : i32
      %dma_wait3A_240 = arith.constant 0 : i32
      %dma_wait3A_241 = tpu.memref_slice %arg8[%dma_wait3A_239, %dma_wait3A_240] : memref<1024x128xf32, #tpu.memory_space<vmem_shared>> -> memref<1024x128xf32, #tpu.memory_space<vmem_shared>>
      tpu.wait_indirect_dma semaphore(%arg15 : memref<!tpu.dma_semaphore, #tpu.memory_space<semaphore_mem>>) src(%dma_wait3A_235 : memref<64x128xf32, #tpu.memory_space<vmem>>) dst(%dma_wait3A_241 : memref<1024x128xf32, #tpu.memory_space<vmem_shared>>)
      %dma_start3A_242 = arith.constant 6 : i32
      %dma_start3A_243 = arith.constant 2 : i32
      %dma_start3A_244 = arith.constant 0 : i32
      %dma_start3A_245 = arith.constant 0 : i32
      %dma_start3A_246 = tpu.memref_slice %arg6[%dma_start3A_243, %dma_start3A_244, %dma_start3A_245] : memref<4x64x128xf32, #tpu.memory_space<vmem>> -> memref<1x64x128xf32, #tpu.memory_space<vmem>>
      %dma_start3A_247 = tpu.memref_squeeze %dma_start3A_246 : memref<1x64x128xf32, #tpu.memory_space<vmem>> -> memref<64x128xf32, #tpu.memory_space<vmem>>
      %dma_start3A_248 = arith.constant 0 : i32
      %dma_start3A_249 = tpu.memref_slice %arg5[%dma_start3A_242, %scan3A_57, %dma_start3A_248] : memref<32x5x64xi32, #tpu.memory_space<vmem>> -> memref<1x1x64xi32, #tpu.memory_space<vmem>>
      %dma_start3A_250 = tpu.memref_squeeze %dma_start3A_249 : memref<1x1x64xi32, #tpu.memory_space<vmem>> -> memref<64xi32, #tpu.memory_space<vmem>>
      %dma_start3A_251 = arith.constant 0 : i32
      %dma_start3A_252 = arith.constant 0 : i32
      %dma_start3A_253 = tpu.memref_slice %arg3[%dma_start3A_251, %dma_start3A_252] : memref<10240x128xf32, #tpu.memory_space<hbm>> -> memref<10240x128xf32, #tpu.memory_space<hbm>>
      tpu.enqueue_indirect_dma source(%dma_start3A_253 : memref<10240x128xf32, #tpu.memory_space<hbm>>) target(%dma_start3A_247 : memref<64x128xf32, #tpu.memory_space<vmem>>) offsets(%dma_start3A_250 : memref<64xi32, #tpu.memory_space<vmem>>) semaphore(%arg11 : memref<!tpu.dma_semaphore, #tpu.memory_space<semaphore_mem>>)
      %dma_wait3A_254 = arith.constant 0 : i32
      %dma_wait3A_255 = arith.constant 0 : i32
      %dma_wait3A_256 = arith.constant 3 : i32
      %dma_wait3A_257 = arith.constant 0 : i32
      %dma_wait3A_258 = arith.constant 0 : i32
      %dma_wait3A_259 = tpu.memref_slice %arg6[%dma_wait3A_256, %dma_wait3A_257, %dma_wait3A_258] : memref<4x64x128xf32, #tpu.memory_space<vmem>> -> memref<1x64x128xf32, #tpu.memory_space<vmem>>
      %dma_wait3A_260 = tpu.memref_squeeze %dma_wait3A_259 : memref<1x64x128xf32, #tpu.memory_space<vmem>> -> memref<64x128xf32, #tpu.memory_space<vmem>>
      %dma_wait3A_261 = arith.constant 0 : i32
      %dma_wait3A_262 = tpu.memref_slice %arg5[%dma_wait3A_254, %dma_wait3A_255, %dma_wait3A_261] : memref<32x5x64xi32, #tpu.memory_space<vmem>> -> memref<1x1x64xi32, #tpu.memory_space<vmem>>
      %dma_wait3A_263 = tpu.memref_squeeze %dma_wait3A_262 : memref<1x1x64xi32, #tpu.memory_space<vmem>> -> memref<64xi32, #tpu.memory_space<vmem>>
      %dma_wait3A_264 = arith.constant 0 : i32
      %dma_wait3A_265 = arith.constant 0 : i32
      %dma_wait3A_266 = tpu.memref_slice %arg3[%dma_wait3A_264, %dma_wait3A_265] : memref<10240x128xf32, #tpu.memory_space<hbm>> -> memref<10240x128xf32, #tpu.memory_space<hbm>>
      tpu.wait_indirect_dma semaphore(%arg12 : memref<!tpu.dma_semaphore, #tpu.memory_space<semaphore_mem>>) src(%dma_wait3A_266 : memref<10240x128xf32, #tpu.memory_space<hbm>>) dst(%dma_wait3A_260 : memref<64x128xf32, #tpu.memory_space<vmem>>)
      %dma_start3A_267 = arith.constant 3 : i32
      %dma_start3A_268 = arith.constant 0 : i32
      %dma_start3A_269 = arith.constant 0 : i32
      %dma_start3A_270 = arith.constant 0 : i32
      %dma_start3A_271 = tpu.memref_slice %arg6[%dma_start3A_267, %dma_start3A_269, %dma_start3A_270] : memref<4x64x128xf32, #tpu.memory_space<vmem>> -> memref<1x64x128xf32, #tpu.memory_space<vmem>>
      %dma_start3A_272 = tpu.memref_squeeze %dma_start3A_271 : memref<1x64x128xf32, #tpu.memory_space<vmem>> -> memref<64x128xf32, #tpu.memory_space<vmem>>
      %dma_start3A_273 = arith.constant 0 : i32
      %dma_start3A_274 = tpu.memref_slice %arg7[%dma_start3A_268, %dma_start3A_273] : memref<1x64xi32, #tpu.memory_space<vmem>> -> memref<1x64xi32, #tpu.memory_space<vmem>>
      %dma_start3A_275 = tpu.memref_squeeze %dma_start3A_274 : memref<1x64xi32, #tpu.memory_space<vmem>> -> memref<64xi32, #tpu.memory_space<vmem>>
      %dma_start3A_276 = arith.constant 0 : i32
      %dma_start3A_277 = arith.constant 0 : i32
      %dma_start3A_278 = tpu.memref_slice %arg8[%dma_start3A_276, %dma_start3A_277] : memref<1024x128xf32, #tpu.memory_space<vmem_shared>> -> memref<1024x128xf32, #tpu.memory_space<vmem_shared>>
      tpu.enqueue_indirect_dma source(%dma_start3A_272 : memref<64x128xf32, #tpu.memory_space<vmem>>) target(%dma_start3A_278 : memref<1024x128xf32, #tpu.memory_space<vmem_shared>>) offsets(%dma_start3A_275 : memref<64xi32, #tpu.memory_space<vmem>>) semaphore(%arg16 : memref<!tpu.dma_semaphore, #tpu.memory_space<semaphore_mem>>) {add = true}
      %dma_wait3A_279 = arith.constant 3 : i32
      %dma_wait3A_280 = arith.constant 0 : i32
      %dma_wait3A_281 = arith.constant 0 : i32
      %dma_wait3A_282 = arith.constant 0 : i32
      %dma_wait3A_283 = tpu.memref_slice %arg6[%dma_wait3A_279, %dma_wait3A_281, %dma_wait3A_282] : memref<4x64x128xf32, #tpu.memory_space<vmem>> -> memref<1x64x128xf32, #tpu.memory_space<vmem>>
      %dma_wait3A_284 = tpu.memref_squeeze %dma_wait3A_283 : memref<1x64x128xf32, #tpu.memory_space<vmem>> -> memref<64x128xf32, #tpu.memory_space<vmem>>
      %dma_wait3A_285 = arith.constant 0 : i32
      %dma_wait3A_286 = tpu.memref_slice %arg7[%dma_wait3A_280, %dma_wait3A_285] : memref<1x64xi32, #tpu.memory_space<vmem>> -> memref<1x64xi32, #tpu.memory_space<vmem>>
      %dma_wait3A_287 = tpu.memref_squeeze %dma_wait3A_286 : memref<1x64xi32, #tpu.memory_space<vmem>> -> memref<64xi32, #tpu.memory_space<vmem>>
      %dma_wait3A_288 = arith.constant 0 : i32
      %dma_wait3A_289 = arith.constant 0 : i32
      %dma_wait3A_290 = tpu.memref_slice %arg8[%dma_wait3A_288, %dma_wait3A_289] : memref<1024x128xf32, #tpu.memory_space<vmem_shared>> -> memref<1024x128xf32, #tpu.memory_space<vmem_shared>>
      tpu.wait_indirect_dma semaphore(%arg16 : memref<!tpu.dma_semaphore, #tpu.memory_space<semaphore_mem>>) src(%dma_wait3A_284 : memref<64x128xf32, #tpu.memory_space<vmem>>) dst(%dma_wait3A_290 : memref<1024x128xf32, #tpu.memory_space<vmem_shared>>)
      %dma_start3A_291 = arith.constant 7 : i32
      %dma_start3A_292 = arith.constant 3 : i32
      %dma_start3A_293 = arith.constant 0 : i32
      %dma_start3A_294 = arith.constant 0 : i32
      %dma_start3A_295 = tpu.memref_slice %arg6[%dma_start3A_292, %dma_start3A_293, %dma_start3A_294] : memref<4x64x128xf32, #tpu.memory_space<vmem>> -> memref<1x64x128xf32, #tpu.memory_space<vmem>>
      %dma_start3A_296 = tpu.memref_squeeze %dma_start3A_295 : memref<1x64x128xf32, #tpu.memory_space<vmem>> -> memref<64x128xf32, #tpu.memory_space<vmem>>
      %dma_start3A_297 = arith.constant 0 : i32
      %dma_start3A_298 = tpu.memref_slice %arg5[%dma_start3A_291, %scan3A_57, %dma_start3A_297] : memref<32x5x64xi32, #tpu.memory_space<vmem>> -> memref<1x1x64xi32, #tpu.memory_space<vmem>>
      %dma_start3A_299 = tpu.memref_squeeze %dma_start3A_298 : memref<1x1x64xi32, #tpu.memory_space<vmem>> -> memref<64xi32, #tpu.memory_space<vmem>>
      %dma_start3A_300 = arith.constant 0 : i32
      %dma_start3A_301 = arith.constant 0 : i32
      %dma_start3A_302 = tpu.memref_slice %arg3[%dma_start3A_300, %dma_start3A_301] : memref<10240x128xf32, #tpu.memory_space<hbm>> -> memref<10240x128xf32, #tpu.memory_space<hbm>>
      tpu.enqueue_indirect_dma source(%dma_start3A_302 : memref<10240x128xf32, #tpu.memory_space<hbm>>) target(%dma_start3A_296 : memref<64x128xf32, #tpu.memory_space<vmem>>) offsets(%dma_start3A_299 : memref<64xi32, #tpu.memory_space<vmem>>) semaphore(%arg12 : memref<!tpu.dma_semaphore, #tpu.memory_space<semaphore_mem>>)
      %scan3A_303 = arith.constant 0 : i32
      %scan3A_304 = arith.constant 1 : i32
      %scan3A_305 = arith.constant 7 : i32
      %scan3A_306 = arith.addi %scan3A_304, %scan3A_305 : i32
      %scan3A_307 = arith.constant 1 : i32
      %scan3A_308 = scf.for %scan3A_314 = %scan3A_304 to %scan3A_306 step %scan3A_307 iter_args(%scan3A_315 = %scan3A_303) -> (i32)  : i32 {
        %mul3A_316 = arith.constant 4 : i32
        %mul3A_317 = arith.muli %mul3A_316, %scan3A_314 : i32
        %add3A_318 = arith.constant 0 : i32
        %add3A_319 = arith.addi %mul3A_317, %add3A_318 : i32
        %dma_wait3A_320 = arith.constant 0 : i32
        %dma_wait3A_321 = arith.constant 0 : i32
        %dma_wait3A_322 = arith.constant 0 : i32
        %dma_wait3A_323 = arith.constant 0 : i32
        %dma_wait3A_324 = arith.constant 0 : i32
        %dma_wait3A_325 = tpu.memref_slice %arg6[%dma_wait3A_322, %dma_wait3A_323, %dma_wait3A_324] : memref<4x64x128xf32, #tpu.memory_space<vmem>> -> memref<1x64x128xf32, #tpu.memory_space<vmem>>
        %dma_wait3A_326 = tpu.memref_squeeze %dma_wait3A_325 : memref<1x64x128xf32, #tpu.memory_space<vmem>> -> memref<64x128xf32, #tpu.memory_space<vmem>>
        %dma_wait3A_327 = arith.constant 0 : i32
        %dma_wait3A_328 = tpu.memref_slice %arg5[%dma_wait3A_320, %dma_wait3A_321, %dma_wait3A_327] : memref<32x5x64xi32, #tpu.memory_space<vmem>> -> memref<1x1x64xi32, #tpu.memory_space<vmem>>
        %dma_wait3A_329 = tpu.memref_squeeze %dma_wait3A_328 : memref<1x1x64xi32, #tpu.memory_space<vmem>> -> memref<64xi32, #tpu.memory_space<vmem>>
        %dma_wait3A_330 = arith.constant 0 : i32
        %dma_wait3A_331 = arith.constant 0 : i32
        %dma_wait3A_332 = tpu.memref_slice %arg3[%dma_wait3A_330, %dma_wait3A_331] : memref<10240x128xf32, #tpu.memory_space<hbm>> -> memref<10240x128xf32, #tpu.memory_space<hbm>>
        tpu.wait_indirect_dma semaphore(%arg9 : memref<!tpu.dma_semaphore, #tpu.memory_space<semaphore_mem>>) src(%dma_wait3A_332 : memref<10240x128xf32, #tpu.memory_space<hbm>>) dst(%dma_wait3A_326 : memref<64x128xf32, #tpu.memory_space<vmem>>)
        %dma_start3A_333 = arith.constant 0 : i32
        %dma_start3A_334 = arith.constant 0 : i32
        %dma_start3A_335 = arith.constant 0 : i32
        %dma_start3A_336 = arith.constant 0 : i32
        %dma_start3A_337 = tpu.memref_slice %arg6[%dma_start3A_333, %dma_start3A_335, %dma_start3A_336] : memref<4x64x128xf32, #tpu.memory_space<vmem>> -> memref<1x64x128xf32, #tpu.memory_space<vmem>>
        %dma_start3A_338 = tpu.memref_squeeze %dma_start3A_337 : memref<1x64x128xf32, #tpu.memory_space<vmem>> -> memref<64x128xf32, #tpu.memory_space<vmem>>
        %dma_start3A_339 = arith.constant 0 : i32
        %dma_start3A_340 = tpu.memref_slice %arg7[%dma_start3A_334, %dma_start3A_339] : memref<1x64xi32, #tpu.memory_space<vmem>> -> memref<1x64xi32, #tpu.memory_space<vmem>>
        %dma_start3A_341 = tpu.memref_squeeze %dma_start3A_340 : memref<1x64xi32, #tpu.memory_space<vmem>> -> memref<64xi32, #tpu.memory_space<vmem>>
        %dma_start3A_342 = arith.constant 0 : i32
        %dma_start3A_343 = arith.constant 0 : i32
        %dma_start3A_344 = tpu.memref_slice %arg8[%dma_start3A_342, %dma_start3A_343] : memref<1024x128xf32, #tpu.memory_space<vmem_shared>> -> memref<1024x128xf32, #tpu.memory_space<vmem_shared>>
        tpu.enqueue_indirect_dma source(%dma_start3A_338 : memref<64x128xf32, #tpu.memory_space<vmem>>) target(%dma_start3A_344 : memref<1024x128xf32, #tpu.memory_space<vmem_shared>>) offsets(%dma_start3A_341 : memref<64xi32, #tpu.memory_space<vmem>>) semaphore(%arg13 : memref<!tpu.dma_semaphore, #tpu.memory_space<semaphore_mem>>) {add = true}
        %dma_wait3A_345 = arith.constant 0 : i32
        %dma_wait3A_346 = arith.constant 0 : i32
        %dma_wait3A_347 = arith.constant 0 : i32
        %dma_wait3A_348 = arith.constant 0 : i32
        %dma_wait3A_349 = tpu.memref_slice %arg6[%dma_wait3A_345, %dma_wait3A_347, %dma_wait3A_348] : memref<4x64x128xf32, #tpu.memory_space<vmem>> -> memref<1x64x128xf32, #tpu.memory_space<vmem>>
        %dma_wait3A_350 = tpu.memref_squeeze %dma_wait3A_349 : memref<1x64x128xf32, #tpu.memory_space<vmem>> -> memref<64x128xf32, #tpu.memory_space<vmem>>
        %dma_wait3A_351 = arith.constant 0 : i32
        %dma_wait3A_352 = tpu.memref_slice %arg7[%dma_wait3A_346, %dma_wait3A_351] : memref<1x64xi32, #tpu.memory_space<vmem>> -> memref<1x64xi32, #tpu.memory_space<vmem>>
        %dma_wait3A_353 = tpu.memref_squeeze %dma_wait3A_352 : memref<1x64xi32, #tpu.memory_space<vmem>> -> memref<64xi32, #tpu.memory_space<vmem>>
        %dma_wait3A_354 = arith.constant 0 : i32
        %dma_wait3A_355 = arith.constant 0 : i32
        %dma_wait3A_356 = tpu.memref_slice %arg8[%dma_wait3A_354, %dma_wait3A_355] : memref<1024x128xf32, #tpu.memory_space<vmem_shared>> -> memref<1024x128xf32, #tpu.memory_space<vmem_shared>>
        tpu.wait_indirect_dma semaphore(%arg13 : memref<!tpu.dma_semaphore, #tpu.memory_space<semaphore_mem>>) src(%dma_wait3A_350 : memref<64x128xf32, #tpu.memory_space<vmem>>) dst(%dma_wait3A_356 : memref<1024x128xf32, #tpu.memory_space<vmem_shared>>)
        %add3A_357 = arith.constant 4 : i32
        %add3A_358 = arith.addi %add3A_319, %add3A_357 : i32
        %lt3A = arith.constant 32 : i32
        %lt3A_359 = arith.cmpi slt, %add3A_358, %lt3A : i32
        %convert_element_type3A = arith.extui %lt3A_359 : i1 to i32
        %cond3A = arith.constant 0 : i32
        %cond3A_360 = arith.cmpi ne, %convert_element_type3A, %cond3A : i32
        scf.if %cond3A_360 {
          %add3A_506 = arith.constant 4 : i32
          %add3A_507 = arith.addi %add3A_319, %add3A_506 : i32
          %dma_start3A_508 = arith.constant 0 : i32
          %dma_start3A_509 = arith.constant 0 : i32
          %dma_start3A_510 = arith.constant 0 : i32
          %dma_start3A_511 = tpu.memref_slice %arg6[%dma_start3A_508, %dma_start3A_509, %dma_start3A_510] : memref<4x64x128xf32, #tpu.memory_space<vmem>> -> memref<1x64x128xf32, #tpu.memory_space<vmem>>
          %dma_start3A_512 = tpu.memref_squeeze %dma_start3A_511 : memref<1x64x128xf32, #tpu.memory_space<vmem>> -> memref<64x128xf32, #tpu.memory_space<vmem>>
          %dma_start3A_513 = arith.constant 0 : i32
          %dma_start3A_514 = tpu.memref_slice %arg5[%add3A_507, %scan3A_57, %dma_start3A_513] : memref<32x5x64xi32, #tpu.memory_space<vmem>> -> memref<1x1x64xi32, #tpu.memory_space<vmem>>
          %dma_start3A_515 = tpu.memref_squeeze %dma_start3A_514 : memref<1x1x64xi32, #tpu.memory_space<vmem>> -> memref<64xi32, #tpu.memory_space<vmem>>
          %dma_start3A_516 = arith.constant 0 : i32
          %dma_start3A_517 = arith.constant 0 : i32
          %dma_start3A_518 = tpu.memref_slice %arg3[%dma_start3A_516, %dma_start3A_517] : memref<10240x128xf32, #tpu.memory_space<hbm>> -> memref<10240x128xf32, #tpu.memory_space<hbm>>
          tpu.enqueue_indirect_dma source(%dma_start3A_518 : memref<10240x128xf32, #tpu.memory_space<hbm>>) target(%dma_start3A_512 : memref<64x128xf32, #tpu.memory_space<vmem>>) offsets(%dma_start3A_515 : memref<64xi32, #tpu.memory_space<vmem>>) semaphore(%arg9 : memref<!tpu.dma_semaphore, #tpu.memory_space<semaphore_mem>>)
        } else {
        }
        %mul3A_361 = arith.constant 4 : i32
        %mul3A_362 = arith.muli %mul3A_361, %scan3A_314 : i32
        %add3A_363 = arith.constant 1 : i32
        %add3A_364 = arith.addi %mul3A_362, %add3A_363 : i32
        %dma_wait3A_365 = arith.constant 0 : i32
        %dma_wait3A_366 = arith.constant 0 : i32
        %dma_wait3A_367 = arith.constant 1 : i32
        %dma_wait3A_368 = arith.constant 0 : i32
        %dma_wait3A_369 = arith.constant 0 : i32
        %dma_wait3A_370 = tpu.memref_slice %arg6[%dma_wait3A_367, %dma_wait3A_368, %dma_wait3A_369] : memref<4x64x128xf32, #tpu.memory_space<vmem>> -> memref<1x64x128xf32, #tpu.memory_space<vmem>>
        %dma_wait3A_371 = tpu.memref_squeeze %dma_wait3A_370 : memref<1x64x128xf32, #tpu.memory_space<vmem>> -> memref<64x128xf32, #tpu.memory_space<vmem>>
        %dma_wait3A_372 = arith.constant 0 : i32
        %dma_wait3A_373 = tpu.memref_slice %arg5[%dma_wait3A_365, %dma_wait3A_366, %dma_wait3A_372] : memref<32x5x64xi32, #tpu.memory_space<vmem>> -> memref<1x1x64xi32, #tpu.memory_space<vmem>>
        %dma_wait3A_374 = tpu.memref_squeeze %dma_wait3A_373 : memref<1x1x64xi32, #tpu.memory_space<vmem>> -> memref<64xi32, #tpu.memory_space<vmem>>
        %dma_wait3A_375 = arith.constant 0 : i32
        %dma_wait3A_376 = arith.constant 0 : i32
        %dma_wait3A_377 = tpu.memref_slice %arg3[%dma_wait3A_375, %dma_wait3A_376] : memref<10240x128xf32, #tpu.memory_space<hbm>> -> memref<10240x128xf32, #tpu.memory_space<hbm>>
        tpu.wait_indirect_dma semaphore(%arg10 : memref<!tpu.dma_semaphore, #tpu.memory_space<semaphore_mem>>) src(%dma_wait3A_377 : memref<10240x128xf32, #tpu.memory_space<hbm>>) dst(%dma_wait3A_371 : memref<64x128xf32, #tpu.memory_space<vmem>>)
        %dma_start3A_378 = arith.constant 1 : i32
        %dma_start3A_379 = arith.constant 0 : i32
        %dma_start3A_380 = arith.constant 0 : i32
        %dma_start3A_381 = arith.constant 0 : i32
        %dma_start3A_382 = tpu.memref_slice %arg6[%dma_start3A_378, %dma_start3A_380, %dma_start3A_381] : memref<4x64x128xf32, #tpu.memory_space<vmem>> -> memref<1x64x128xf32, #tpu.memory_space<vmem>>
        %dma_start3A_383 = tpu.memref_squeeze %dma_start3A_382 : memref<1x64x128xf32, #tpu.memory_space<vmem>> -> memref<64x128xf32, #tpu.memory_space<vmem>>
        %dma_start3A_384 = arith.constant 0 : i32
        %dma_start3A_385 = tpu.memref_slice %arg7[%dma_start3A_379, %dma_start3A_384] : memref<1x64xi32, #tpu.memory_space<vmem>> -> memref<1x64xi32, #tpu.memory_space<vmem>>
        %dma_start3A_386 = tpu.memref_squeeze %dma_start3A_385 : memref<1x64xi32, #tpu.memory_space<vmem>> -> memref<64xi32, #tpu.memory_space<vmem>>
        %dma_start3A_387 = arith.constant 0 : i32
        %dma_start3A_388 = arith.constant 0 : i32
        %dma_start3A_389 = tpu.memref_slice %arg8[%dma_start3A_387, %dma_start3A_388] : memref<1024x128xf32, #tpu.memory_space<vmem_shared>> -> memref<1024x128xf32, #tpu.memory_space<vmem_shared>>
        tpu.enqueue_indirect_dma source(%dma_start3A_383 : memref<64x128xf32, #tpu.memory_space<vmem>>) target(%dma_start3A_389 : memref<1024x128xf32, #tpu.memory_space<vmem_shared>>) offsets(%dma_start3A_386 : memref<64xi32, #tpu.memory_space<vmem>>) semaphore(%arg14 : memref<!tpu.dma_semaphore, #tpu.memory_space<semaphore_mem>>) {add = true}
        %dma_wait3A_390 = arith.constant 1 : i32
        %dma_wait3A_391 = arith.constant 0 : i32
        %dma_wait3A_392 = arith.constant 0 : i32
        %dma_wait3A_393 = arith.constant 0 : i32
        %dma_wait3A_394 = tpu.memref_slice %arg6[%dma_wait3A_390, %dma_wait3A_392, %dma_wait3A_393] : memref<4x64x128xf32, #tpu.memory_space<vmem>> -> memref<1x64x128xf32, #tpu.memory_space<vmem>>
        %dma_wait3A_395 = tpu.memref_squeeze %dma_wait3A_394 : memref<1x64x128xf32, #tpu.memory_space<vmem>> -> memref<64x128xf32, #tpu.memory_space<vmem>>
        %dma_wait3A_396 = arith.constant 0 : i32
        %dma_wait3A_397 = tpu.memref_slice %arg7[%dma_wait3A_391, %dma_wait3A_396] : memref<1x64xi32, #tpu.memory_space<vmem>> -> memref<1x64xi32, #tpu.memory_space<vmem>>
        %dma_wait3A_398 = tpu.memref_squeeze %dma_wait3A_397 : memref<1x64xi32, #tpu.memory_space<vmem>> -> memref<64xi32, #tpu.memory_space<vmem>>
        %dma_wait3A_399 = arith.constant 0 : i32
        %dma_wait3A_400 = arith.constant 0 : i32
        %dma_wait3A_401 = tpu.memref_slice %arg8[%dma_wait3A_399, %dma_wait3A_400] : memref<1024x128xf32, #tpu.memory_space<vmem_shared>> -> memref<1024x128xf32, #tpu.memory_space<vmem_shared>>
        tpu.wait_indirect_dma semaphore(%arg14 : memref<!tpu.dma_semaphore, #tpu.memory_space<semaphore_mem>>) src(%dma_wait3A_395 : memref<64x128xf32, #tpu.memory_space<vmem>>) dst(%dma_wait3A_401 : memref<1024x128xf32, #tpu.memory_space<vmem_shared>>)
        %add3A_402 = arith.constant 4 : i32
        %add3A_403 = arith.addi %add3A_364, %add3A_402 : i32
        %lt3A_404 = arith.constant 32 : i32
        %lt3A_405 = arith.cmpi slt, %add3A_403, %lt3A_404 : i32
        %convert_element_type3A_406 = arith.extui %lt3A_405 : i1 to i32
        %cond3A_407 = arith.constant 0 : i32
        %cond3A_408 = arith.cmpi ne, %convert_element_type3A_406, %cond3A_407 : i32
        scf.if %cond3A_408 {
          %add3A_506 = arith.constant 4 : i32
          %add3A_507 = arith.addi %add3A_364, %add3A_506 : i32
          %dma_start3A_508 = arith.constant 1 : i32
          %dma_start3A_509 = arith.constant 0 : i32
          %dma_start3A_510 = arith.constant 0 : i32
          %dma_start3A_511 = tpu.memref_slice %arg6[%dma_start3A_508, %dma_start3A_509, %dma_start3A_510] : memref<4x64x128xf32, #tpu.memory_space<vmem>> -> memref<1x64x128xf32, #tpu.memory_space<vmem>>
          %dma_start3A_512 = tpu.memref_squeeze %dma_start3A_511 : memref<1x64x128xf32, #tpu.memory_space<vmem>> -> memref<64x128xf32, #tpu.memory_space<vmem>>
          %dma_start3A_513 = arith.constant 0 : i32
          %dma_start3A_514 = tpu.memref_slice %arg5[%add3A_507, %scan3A_57, %dma_start3A_513] : memref<32x5x64xi32, #tpu.memory_space<vmem>> -> memref<1x1x64xi32, #tpu.memory_space<vmem>>
          %dma_start3A_515 = tpu.memref_squeeze %dma_start3A_514 : memref<1x1x64xi32, #tpu.memory_space<vmem>> -> memref<64xi32, #tpu.memory_space<vmem>>
          %dma_start3A_516 = arith.constant 0 : i32
          %dma_start3A_517 = arith.constant 0 : i32
          %dma_start3A_518 = tpu.memref_slice %arg3[%dma_start3A_516, %dma_start3A_517] : memref<10240x128xf32, #tpu.memory_space<hbm>> -> memref<10240x128xf32, #tpu.memory_space<hbm>>
          tpu.enqueue_indirect_dma source(%dma_start3A_518 : memref<10240x128xf32, #tpu.memory_space<hbm>>) target(%dma_start3A_512 : memref<64x128xf32, #tpu.memory_space<vmem>>) offsets(%dma_start3A_515 : memref<64xi32, #tpu.memory_space<vmem>>) semaphore(%arg10 : memref<!tpu.dma_semaphore, #tpu.memory_space<semaphore_mem>>)
        } else {
        }
        %mul3A_409 = arith.constant 4 : i32
        %mul3A_410 = arith.muli %mul3A_409, %scan3A_314 : i32
        %add3A_411 = arith.constant 2 : i32
        %add3A_412 = arith.addi %mul3A_410, %add3A_411 : i32
        %dma_wait3A_413 = arith.constant 0 : i32
        %dma_wait3A_414 = arith.constant 0 : i32
        %dma_wait3A_415 = arith.constant 2 : i32
        %dma_wait3A_416 = arith.constant 0 : i32
        %dma_wait3A_417 = arith.constant 0 : i32
        %dma_wait3A_418 = tpu.memref_slice %arg6[%dma_wait3A_415, %dma_wait3A_416, %dma_wait3A_417] : memref<4x64x128xf32, #tpu.memory_space<vmem>> -> memref<1x64x128xf32, #tpu.memory_space<vmem>>
        %dma_wait3A_419 = tpu.memref_squeeze %dma_wait3A_418 : memref<1x64x128xf32, #tpu.memory_space<vmem>> -> memref<64x128xf32, #tpu.memory_space<vmem>>
        %dma_wait3A_420 = arith.constant 0 : i32
        %dma_wait3A_421 = tpu.memref_slice %arg5[%dma_wait3A_413, %dma_wait3A_414, %dma_wait3A_420] : memref<32x5x64xi32, #tpu.memory_space<vmem>> -> memref<1x1x64xi32, #tpu.memory_space<vmem>>
        %dma_wait3A_422 = tpu.memref_squeeze %dma_wait3A_421 : memref<1x1x64xi32, #tpu.memory_space<vmem>> -> memref<64xi32, #tpu.memory_space<vmem>>
        %dma_wait3A_423 = arith.constant 0 : i32
        %dma_wait3A_424 = arith.constant 0 : i32
        %dma_wait3A_425 = tpu.memref_slice %arg3[%dma_wait3A_423, %dma_wait3A_424] : memref<10240x128xf32, #tpu.memory_space<hbm>> -> memref<10240x128xf32, #tpu.memory_space<hbm>>
        tpu.wait_indirect_dma semaphore(%arg11 : memref<!tpu.dma_semaphore, #tpu.memory_space<semaphore_mem>>) src(%dma_wait3A_425 : memref<10240x128xf32, #tpu.memory_space<hbm>>) dst(%dma_wait3A_419 : memref<64x128xf32, #tpu.memory_space<vmem>>)
        %dma_start3A_426 = arith.constant 2 : i32
        %dma_start3A_427 = arith.constant 0 : i32
        %dma_start3A_428 = arith.constant 0 : i32
        %dma_start3A_429 = arith.constant 0 : i32
        %dma_start3A_430 = tpu.memref_slice %arg6[%dma_start3A_426, %dma_start3A_428, %dma_start3A_429] : memref<4x64x128xf32, #tpu.memory_space<vmem>> -> memref<1x64x128xf32, #tpu.memory_space<vmem>>
        %dma_start3A_431 = tpu.memref_squeeze %dma_start3A_430 : memref<1x64x128xf32, #tpu.memory_space<vmem>> -> memref<64x128xf32, #tpu.memory_space<vmem>>
        %dma_start3A_432 = arith.constant 0 : i32
        %dma_start3A_433 = tpu.memref_slice %arg7[%dma_start3A_427, %dma_start3A_432] : memref<1x64xi32, #tpu.memory_space<vmem>> -> memref<1x64xi32, #tpu.memory_space<vmem>>
        %dma_start3A_434 = tpu.memref_squeeze %dma_start3A_433 : memref<1x64xi32, #tpu.memory_space<vmem>> -> memref<64xi32, #tpu.memory_space<vmem>>
        %dma_start3A_435 = arith.constant 0 : i32
        %dma_start3A_436 = arith.constant 0 : i32
        %dma_start3A_437 = tpu.memref_slice %arg8[%dma_start3A_435, %dma_start3A_436] : memref<1024x128xf32, #tpu.memory_space<vmem_shared>> -> memref<1024x128xf32, #tpu.memory_space<vmem_shared>>
        tpu.enqueue_indirect_dma source(%dma_start3A_431 : memref<64x128xf32, #tpu.memory_space<vmem>>) target(%dma_start3A_437 : memref<1024x128xf32, #tpu.memory_space<vmem_shared>>) offsets(%dma_start3A_434 : memref<64xi32, #tpu.memory_space<vmem>>) semaphore(%arg15 : memref<!tpu.dma_semaphore, #tpu.memory_space<semaphore_mem>>) {add = true}
        %dma_wait3A_438 = arith.constant 2 : i32
        %dma_wait3A_439 = arith.constant 0 : i32
        %dma_wait3A_440 = arith.constant 0 : i32
        %dma_wait3A_441 = arith.constant 0 : i32
        %dma_wait3A_442 = tpu.memref_slice %arg6[%dma_wait3A_438, %dma_wait3A_440, %dma_wait3A_441] : memref<4x64x128xf32, #tpu.memory_space<vmem>> -> memref<1x64x128xf32, #tpu.memory_space<vmem>>
        %dma_wait3A_443 = tpu.memref_squeeze %dma_wait3A_442 : memref<1x64x128xf32, #tpu.memory_space<vmem>> -> memref<64x128xf32, #tpu.memory_space<vmem>>
        %dma_wait3A_444 = arith.constant 0 : i32
        %dma_wait3A_445 = tpu.memref_slice %arg7[%dma_wait3A_439, %dma_wait3A_444] : memref<1x64xi32, #tpu.memory_space<vmem>> -> memref<1x64xi32, #tpu.memory_space<vmem>>
        %dma_wait3A_446 = tpu.memref_squeeze %dma_wait3A_445 : memref<1x64xi32, #tpu.memory_space<vmem>> -> memref<64xi32, #tpu.memory_space<vmem>>
        %dma_wait3A_447 = arith.constant 0 : i32
        %dma_wait3A_448 = arith.constant 0 : i32
        %dma_wait3A_449 = tpu.memref_slice %arg8[%dma_wait3A_447, %dma_wait3A_448] : memref<1024x128xf32, #tpu.memory_space<vmem_shared>> -> memref<1024x128xf32, #tpu.memory_space<vmem_shared>>
        tpu.wait_indirect_dma semaphore(%arg15 : memref<!tpu.dma_semaphore, #tpu.memory_space<semaphore_mem>>) src(%dma_wait3A_443 : memref<64x128xf32, #tpu.memory_space<vmem>>) dst(%dma_wait3A_449 : memref<1024x128xf32, #tpu.memory_space<vmem_shared>>)
        %add3A_450 = arith.constant 4 : i32
        %add3A_451 = arith.addi %add3A_412, %add3A_450 : i32
        %lt3A_452 = arith.constant 32 : i32
        %lt3A_453 = arith.cmpi slt, %add3A_451, %lt3A_452 : i32
        %convert_element_type3A_454 = arith.extui %lt3A_453 : i1 to i32
        %cond3A_455 = arith.constant 0 : i32
        %cond3A_456 = arith.cmpi ne, %convert_element_type3A_454, %cond3A_455 : i32
        scf.if %cond3A_456 {
          %add3A_506 = arith.constant 4 : i32
          %add3A_507 = arith.addi %add3A_412, %add3A_506 : i32
          %dma_start3A_508 = arith.constant 2 : i32
          %dma_start3A_509 = arith.constant 0 : i32
          %dma_start3A_510 = arith.constant 0 : i32
          %dma_start3A_511 = tpu.memref_slice %arg6[%dma_start3A_508, %dma_start3A_509, %dma_start3A_510] : memref<4x64x128xf32, #tpu.memory_space<vmem>> -> memref<1x64x128xf32, #tpu.memory_space<vmem>>
          %dma_start3A_512 = tpu.memref_squeeze %dma_start3A_511 : memref<1x64x128xf32, #tpu.memory_space<vmem>> -> memref<64x128xf32, #tpu.memory_space<vmem>>
          %dma_start3A_513 = arith.constant 0 : i32
          %dma_start3A_514 = tpu.memref_slice %arg5[%add3A_507, %scan3A_57, %dma_start3A_513] : memref<32x5x64xi32, #tpu.memory_space<vmem>> -> memref<1x1x64xi32, #tpu.memory_space<vmem>>
          %dma_start3A_515 = tpu.memref_squeeze %dma_start3A_514 : memref<1x1x64xi32, #tpu.memory_space<vmem>> -> memref<64xi32, #tpu.memory_space<vmem>>
          %dma_start3A_516 = arith.constant 0 : i32
          %dma_start3A_517 = arith.constant 0 : i32
          %dma_start3A_518 = tpu.memref_slice %arg3[%dma_start3A_516, %dma_start3A_517] : memref<10240x128xf32, #tpu.memory_space<hbm>> -> memref<10240x128xf32, #tpu.memory_space<hbm>>
          tpu.enqueue_indirect_dma source(%dma_start3A_518 : memref<10240x128xf32, #tpu.memory_space<hbm>>) target(%dma_start3A_512 : memref<64x128xf32, #tpu.memory_space<vmem>>) offsets(%dma_start3A_515 : memref<64xi32, #tpu.memory_space<vmem>>) semaphore(%arg11 : memref<!tpu.dma_semaphore, #tpu.memory_space<semaphore_mem>>)
        } else {
        }
        %mul3A_457 = arith.constant 4 : i32
        %mul3A_458 = arith.muli %mul3A_457, %scan3A_314 : i32
        %add3A_459 = arith.constant 3 : i32
        %add3A_460 = arith.addi %mul3A_458, %add3A_459 : i32
        %dma_wait3A_461 = arith.constant 0 : i32
        %dma_wait3A_462 = arith.constant 0 : i32
        %dma_wait3A_463 = arith.constant 3 : i32
        %dma_wait3A_464 = arith.constant 0 : i32
        %dma_wait3A_465 = arith.constant 0 : i32
        %dma_wait3A_466 = tpu.memref_slice %arg6[%dma_wait3A_463, %dma_wait3A_464, %dma_wait3A_465] : memref<4x64x128xf32, #tpu.memory_space<vmem>> -> memref<1x64x128xf32, #tpu.memory_space<vmem>>
        %dma_wait3A_467 = tpu.memref_squeeze %dma_wait3A_466 : memref<1x64x128xf32, #tpu.memory_space<vmem>> -> memref<64x128xf32, #tpu.memory_space<vmem>>
        %dma_wait3A_468 = arith.constant 0 : i32
        %dma_wait3A_469 = tpu.memref_slice %arg5[%dma_wait3A_461, %dma_wait3A_462, %dma_wait3A_468] : memref<32x5x64xi32, #tpu.memory_space<vmem>> -> memref<1x1x64xi32, #tpu.memory_space<vmem>>
        %dma_wait3A_470 = tpu.memref_squeeze %dma_wait3A_469 : memref<1x1x64xi32, #tpu.memory_space<vmem>> -> memref<64xi32, #tpu.memory_space<vmem>>
        %dma_wait3A_471 = arith.constant 0 : i32
        %dma_wait3A_472 = arith.constant 0 : i32
        %dma_wait3A_473 = tpu.memref_slice %arg3[%dma_wait3A_471, %dma_wait3A_472] : memref<10240x128xf32, #tpu.memory_space<hbm>> -> memref<10240x128xf32, #tpu.memory_space<hbm>>
        tpu.wait_indirect_dma semaphore(%arg12 : memref<!tpu.dma_semaphore, #tpu.memory_space<semaphore_mem>>) src(%dma_wait3A_473 : memref<10240x128xf32, #tpu.memory_space<hbm>>) dst(%dma_wait3A_467 : memref<64x128xf32, #tpu.memory_space<vmem>>)
        %dma_start3A_474 = arith.constant 3 : i32
        %dma_start3A_475 = arith.constant 0 : i32
        %dma_start3A_476 = arith.constant 0 : i32
        %dma_start3A_477 = arith.constant 0 : i32
        %dma_start3A_478 = tpu.memref_slice %arg6[%dma_start3A_474, %dma_start3A_476, %dma_start3A_477] : memref<4x64x128xf32, #tpu.memory_space<vmem>> -> memref<1x64x128xf32, #tpu.memory_space<vmem>>
        %dma_start3A_479 = tpu.memref_squeeze %dma_start3A_478 : memref<1x64x128xf32, #tpu.memory_space<vmem>> -> memref<64x128xf32, #tpu.memory_space<vmem>>
        %dma_start3A_480 = arith.constant 0 : i32
        %dma_start3A_481 = tpu.memref_slice %arg7[%dma_start3A_475, %dma_start3A_480] : memref<1x64xi32, #tpu.memory_space<vmem>> -> memref<1x64xi32, #tpu.memory_space<vmem>>
        %dma_start3A_482 = tpu.memref_squeeze %dma_start3A_481 : memref<1x64xi32, #tpu.memory_space<vmem>> -> memref<64xi32, #tpu.memory_space<vmem>>
        %dma_start3A_483 = arith.constant 0 : i32
        %dma_start3A_484 = arith.constant 0 : i32
        %dma_start3A_485 = tpu.memref_slice %arg8[%dma_start3A_483, %dma_start3A_484] : memref<1024x128xf32, #tpu.memory_space<vmem_shared>> -> memref<1024x128xf32, #tpu.memory_space<vmem_shared>>
        tpu.enqueue_indirect_dma source(%dma_start3A_479 : memref<64x128xf32, #tpu.memory_space<vmem>>) target(%dma_start3A_485 : memref<1024x128xf32, #tpu.memory_space<vmem_shared>>) offsets(%dma_start3A_482 : memref<64xi32, #tpu.memory_space<vmem>>) semaphore(%arg16 : memref<!tpu.dma_semaphore, #tpu.memory_space<semaphore_mem>>) {add = true}
        %dma_wait3A_486 = arith.constant 3 : i32
        %dma_wait3A_487 = arith.constant 0 : i32
        %dma_wait3A_488 = arith.constant 0 : i32
        %dma_wait3A_489 = arith.constant 0 : i32
        %dma_wait3A_490 = tpu.memref_slice %arg6[%dma_wait3A_486, %dma_wait3A_488, %dma_wait3A_489] : memref<4x64x128xf32, #tpu.memory_space<vmem>> -> memref<1x64x128xf32, #tpu.memory_space<vmem>>
        %dma_wait3A_491 = tpu.memref_squeeze %dma_wait3A_490 : memref<1x64x128xf32, #tpu.memory_space<vmem>> -> memref<64x128xf32, #tpu.memory_space<vmem>>
        %dma_wait3A_492 = arith.constant 0 : i32
        %dma_wait3A_493 = tpu.memref_slice %arg7[%dma_wait3A_487, %dma_wait3A_492] : memref<1x64xi32, #tpu.memory_space<vmem>> -> memref<1x64xi32, #tpu.memory_space<vmem>>
        %dma_wait3A_494 = tpu.memref_squeeze %dma_wait3A_493 : memref<1x64xi32, #tpu.memory_space<vmem>> -> memref<64xi32, #tpu.memory_space<vmem>>
        %dma_wait3A_495 = arith.constant 0 : i32
        %dma_wait3A_496 = arith.constant 0 : i32
        %dma_wait3A_497 = tpu.memref_slice %arg8[%dma_wait3A_495, %dma_wait3A_496] : memref<1024x128xf32, #tpu.memory_space<vmem_shared>> -> memref<1024x128xf32, #tpu.memory_space<vmem_shared>>
        tpu.wait_indirect_dma semaphore(%arg16 : memref<!tpu.dma_semaphore, #tpu.memory_space<semaphore_mem>>) src(%dma_wait3A_491 : memref<64x128xf32, #tpu.memory_space<vmem>>) dst(%dma_wait3A_497 : memref<1024x128xf32, #tpu.memory_space<vmem_shared>>)
        %add3A_498 = arith.constant 4 : i32
        %add3A_499 = arith.addi %add3A_460, %add3A_498 : i32
        %lt3A_500 = arith.constant 32 : i32
        %lt3A_501 = arith.cmpi slt, %add3A_499, %lt3A_500 : i32
        %convert_element_type3A_502 = arith.extui %lt3A_501 : i1 to i32
        %cond3A_503 = arith.constant 0 : i32
        %cond3A_504 = arith.cmpi ne, %convert_element_type3A_502, %cond3A_503 : i32
        scf.if %cond3A_504 {
          %add3A_506 = arith.constant 4 : i32
          %add3A_507 = arith.addi %add3A_460, %add3A_506 : i32
          %dma_start3A_508 = arith.constant 3 : i32
          %dma_start3A_509 = arith.constant 0 : i32
          %dma_start3A_510 = arith.constant 0 : i32
          %dma_start3A_511 = tpu.memref_slice %arg6[%dma_start3A_508, %dma_start3A_509, %dma_start3A_510] : memref<4x64x128xf32, #tpu.memory_space<vmem>> -> memref<1x64x128xf32, #tpu.memory_space<vmem>>
          %dma_start3A_512 = tpu.memref_squeeze %dma_start3A_511 : memref<1x64x128xf32, #tpu.memory_space<vmem>> -> memref<64x128xf32, #tpu.memory_space<vmem>>
          %dma_start3A_513 = arith.constant 0 : i32
          %dma_start3A_514 = tpu.memref_slice %arg5[%add3A_507, %scan3A_57, %dma_start3A_513] : memref<32x5x64xi32, #tpu.memory_space<vmem>> -> memref<1x1x64xi32, #tpu.memory_space<vmem>>
          %dma_start3A_515 = tpu.memref_squeeze %dma_start3A_514 : memref<1x1x64xi32, #tpu.memory_space<vmem>> -> memref<64xi32, #tpu.memory_space<vmem>>
          %dma_start3A_516 = arith.constant 0 : i32
          %dma_start3A_517 = arith.constant 0 : i32
          %dma_start3A_518 = tpu.memref_slice %arg3[%dma_start3A_516, %dma_start3A_517] : memref<10240x128xf32, #tpu.memory_space<hbm>> -> memref<10240x128xf32, #tpu.memory_space<hbm>>
          tpu.enqueue_indirect_dma source(%dma_start3A_518 : memref<10240x128xf32, #tpu.memory_space<hbm>>) target(%dma_start3A_512 : memref<64x128xf32, #tpu.memory_space<vmem>>) offsets(%dma_start3A_515 : memref<64xi32, #tpu.memory_space<vmem>>) semaphore(%arg12 : memref<!tpu.dma_semaphore, #tpu.memory_space<semaphore_mem>>)
        } else {
        }
        %scan3A_505 = arith.constant 0 : i32
        scf.yield %scan3A_505 : i32
      }
      %scan3A_309 = arith.constant 7 : i32
      %mul3A_310 = arith.constant 64 : i32
      %mul3A_311 = arith.muli %scan3A_57, %mul3A_310 : i32
      %add3A_312 = arith.addi %mul3A_2, %mul3A_311 : i32
      "tpu.region"() ({
        %run_scoped3A = tpu.sem_alloc : memref<!tpu.dma_semaphore, #tpu.memory_space<semaphore_mem>>
        %dma_start3A_314 = arith.constant 0 : i32
        %dma_start3A_315 = tpu.memref_slice %arg4[%add3A_312, %dma_start3A_314] : memref<10240x128xf32, #tpu.memory_space<hbm>> -> memref<64x128xf32, #tpu.memory_space<hbm>>
        %dma_start3A_316 = arith.constant 0 : i32
        %dma_start3A_317 = tpu.memref_slice %arg8[%mul3A_4, %dma_start3A_316] : memref<1024x128xf32, #tpu.memory_space<vmem_shared>> -> memref<64x128xf32, #tpu.memory_space<vmem_shared>>
        tpu.enqueue_dma source(%dma_start3A_317 : memref<64x128xf32, #tpu.memory_space<vmem_shared>>) target(%dma_start3A_315 : memref<64x128xf32, #tpu.memory_space<hbm>>) target_semaphore(%run_scoped3A : memref<!tpu.dma_semaphore, #tpu.memory_space<semaphore_mem>>)
        %dma_wait3A_318 = arith.constant 0 : i32
        %dma_wait3A_319 = tpu.memref_slice %arg4[%add3A_312, %dma_wait3A_318] : memref<10240x128xf32, #tpu.memory_space<hbm>> -> memref<64x128xf32, #tpu.memory_space<hbm>>
        %dma_wait3A_320 = arith.constant 0 : i32
        %dma_wait3A_321 = tpu.memref_slice %arg8[%mul3A_4, %dma_wait3A_320] : memref<1024x128xf32, #tpu.memory_space<vmem_shared>> -> memref<64x128xf32, #tpu.memory_space<vmem_shared>>
        tpu.wait_dma2 semaphore(%run_scoped3A : memref<!tpu.dma_semaphore, #tpu.memory_space<semaphore_mem>>) src(%dma_wait3A_321 : memref<64x128xf32, #tpu.memory_space<vmem_shared>>) dst(%dma_wait3A_319 : memref<64x128xf32, #tpu.memory_space<hbm>>)
        tpu.yield
      }) : () -> ()
      %scan3A_313 = arith.constant 0 : i32
      scf.yield %scan3A_313 : i32
    }
    %scan3A_56 = arith.constant 5 : i32
    return
  }
}

#map = affine_map<(d0, d1) -> (0, 0, 0, 0)>
#map1 = affine_map<(d0, d1) -> (0, 0)>
module attributes {stable_mosaic.version = 14 : i64} {
  func.func @body(%arg0: i32, %arg1: i32, %arg2: memref<32x32x5x64xi32, #tpu.memory_space<hbm>>, %arg3: memref<10240x128xf32, #tpu.memory_space<hbm>>, %arg4: memref<10240x128xf32, #tpu.memory_space<hbm>>, %arg5: memref<32x5x64xi32, #tpu.memory_space<vmem>>, %arg6: memref<4x64x128xf32, #tpu.memory_space<vmem>>, %arg7: memref<1x64xi32, #tpu.memory_space<vmem>>, %arg8: memref<1024x128xf32, #tpu.memory_space<vmem_shared>>, %arg9: memref<!tpu.dma_semaphore, #tpu.memory_space<semaphore_mem>>, %arg10: memref<!tpu.dma_semaphore, #tpu.memory_space<semaphore_mem>>, %arg11: memref<!tpu.dma_semaphore, #tpu.memory_space<semaphore_mem>>, %arg12: memref<!tpu.dma_semaphore, #tpu.memory_space<semaphore_mem>>, %arg13: memref<!tpu.dma_semaphore, #tpu.memory_space<semaphore_mem>>, %arg14: memref<!tpu.dma_semaphore, #tpu.memory_space<semaphore_mem>>, %arg15: memref<!tpu.dma_semaphore, #tpu.memory_space<semaphore_mem>>, %arg16: memref<!tpu.dma_semaphore, #tpu.memory_space<semaphore_mem>>) attributes {dimension_semantics = [#tpu.dimension_semantics<core_parallel>, #tpu.dimension_semantics<subcore_parallel>], iteration_bounds = array<i64: 2, 16>, scalar_prefetch = 0 : i64, scratch_operands = 12 : i64, tpu.core_type = #tpu.core_type<sc_vector_subcore>, window_params = [{transform_indices = #map}, {transform_indices = #map1}, {transform_indices = #map1}]} {
    %mul3A = arith.constant 16 : i32
    %mul3A_0 = arith.muli %arg0, %mul3A : i32
    %add3A = arith.addi %mul3A_0, %arg1 : i32
    %mul3A_1 = arith.constant 320 : i32
    %mul3A_2 = arith.muli %add3A, %mul3A_1 : i32
    %mul3A_3 = arith.constant 64 : i32
    %mul3A_4 = arith.muli %arg1, %mul3A_3 : i32
    %iota3A = tpu.iota {dimensions = array<i32: 0>} : vector<16xi32>
    %add3A_5 = vector.broadcast %mul3A_4 : i32 to vector<16xi32>
    %add3A_6 = arith.addi %iota3A, %add3A_5 : vector<16xi32>
    %add3A_7 = arith.constant 0 : i32
    %add3A_8 = vector.broadcast %add3A_7 : i32 to vector<16xi32>
    %add3A_9 = arith.addi %add3A_6, %add3A_8 : vector<16xi32>
    %swap3A = arith.constant 0 : i32
    %swap3A_10 = arith.index_cast %swap3A : i32 to index
    %swap3A_11 = arith.constant 0 : index
    %swap3A_12 = tpu.vector_load %arg7[%swap3A_10, %swap3A_11] {strides = array<i32>} : memref<1x64xi32, #tpu.memory_space<vmem>>, vector<1x16xi32>,
    %swap3A_13 = vector.shape_cast %swap3A_12 : vector<1x16xi32> to vector<16xi32>
    %swap3A_14 = vector.shape_cast %add3A_9 : vector<16xi32> to vector<1x16xi32>
    tpu.vector_store %arg7[%swap3A_10, %swap3A_11], %swap3A_14 {strides = array<i32>} : memref<1x64xi32, #tpu.memory_space<vmem>>, vector<1x16xi32>,
    %iota3A_15 = tpu.iota {dimensions = array<i32: 0>} : vector<16xi32>
    %add3A_16 = vector.broadcast %mul3A_4 : i32 to vector<16xi32>
    %add3A_17 = arith.addi %iota3A_15, %add3A_16 : vector<16xi32>
    %add3A_18 = arith.constant 16 : i32
    %add3A_19 = vector.broadcast %add3A_18 : i32 to vector<16xi32>
    %add3A_20 = arith.addi %add3A_17, %add3A_19 : vector<16xi32>
    %swap3A_21 = arith.constant 0 : i32
    %swap3A_22 = arith.index_cast %swap3A_21 : i32 to index
    %swap3A_23 = arith.constant 16 : index
    %swap3A_24 = tpu.vector_load %arg7[%swap3A_22, %swap3A_23] {strides = array<i32>} : memref<1x64xi32, #tpu.memory_space<vmem>>, vector<1x16xi32>,
    %swap3A_25 = vector.shape_cast %swap3A_24 : vector<1x16xi32> to vector<16xi32>
    %swap3A_26 = vector.shape_cast %add3A_20 : vector<16xi32> to vector<1x16xi32>
    tpu.vector_store %arg7[%swap3A_22, %swap3A_23], %swap3A_26 {strides = array<i32>} : memref<1x64xi32, #tpu.memory_space<vmem>>, vector<1x16xi32>,
    %iota3A_27 = tpu.iota {dimensions = array<i32: 0>} : vector<16xi32>
    %add3A_28 = vector.broadcast %mul3A_4 : i32 to vector<16xi32>
    %add3A_29 = arith.addi %iota3A_27, %add3A_28 : vector<16xi32>
    %add3A_30 = arith.constant 32 : i32
    %add3A_31 = vector.broadcast %add3A_30 : i32 to vector<16xi32>
    %add3A_32 = arith.addi %add3A_29, %add3A_31 : vector<16xi32>
    %swap3A_33 = arith.constant 0 : i32
    %swap3A_34 = arith.index_cast %swap3A_33 : i32 to index
    %swap3A_35 = arith.constant 32 : index
    %swap3A_36 = tpu.vector_load %arg7[%swap3A_34, %swap3A_35] {strides = array<i32>} : memref<1x64xi32, #tpu.memory_space<vmem>>, vector<1x16xi32>,
    %swap3A_37 = vector.shape_cast %swap3A_36 : vector<1x16xi32> to vector<16xi32>
    %swap3A_38 = vector.shape_cast %add3A_32 : vector<16xi32> to vector<1x16xi32>
    tpu.vector_store %arg7[%swap3A_34, %swap3A_35], %swap3A_38 {strides = array<i32>} : memref<1x64xi32, #tpu.memory_space<vmem>>, vector<1x16xi32>,
    %iota3A_39 = tpu.iota {dimensions = array<i32: 0>} : vector<16xi32>
    %add3A_40 = vector.broadcast %mul3A_4 : i32 to vector<16xi32>
    %add3A_41 = arith.addi %iota3A_39, %add3A_40 : vector<16xi32>
    %add3A_42 = arith.constant 48 : i32
    %add3A_43 = vector.broadcast %add3A_42 : i32 to vector<16xi32>
    %add3A_44 = arith.addi %add3A_41, %add3A_43 : vector<16xi32>
    %swap3A_45 = arith.constant 0 : i32
    %swap3A_46 = arith.index_cast %swap3A_45 : i32 to index
    %swap3A_47 = arith.constant 48 : index
    %swap3A_48 = tpu.vector_load %arg7[%swap3A_46, %swap3A_47] {strides = array<i32>} : memref<1x64xi32, #tpu.memory_space<vmem>>, vector<1x16xi32>,
    %swap3A_49 = vector.shape_cast %swap3A_48 : vector<1x16xi32> to vector<16xi32>
    %swap3A_50 = vector.shape_cast %add3A_44 : vector<16xi32> to vector<1x16xi32>
    tpu.vector_store %arg7[%swap3A_46, %swap3A_47], %swap3A_50 {strides = array<i32>} : memref<1x64xi32, #tpu.memory_space<vmem>>, vector<1x16xi32>,
    "tpu.region"() ({
      %run_scoped3A = tpu.sem_alloc : memref<!tpu.dma_semaphore, #tpu.memory_space<semaphore_mem>>
      %dma_start3A = arith.constant 0 : i32
      %dma_start3A_57 = arith.constant 0 : i32
      %dma_start3A_58 = arith.constant 0 : i32
      %dma_start3A_59 = tpu.memref_slice %arg2[%add3A, %dma_start3A, %dma_start3A_57, %dma_start3A_58] : memref<32x32x5x64xi32, #tpu.memory_space<hbm>> -> memref<1x32x5x64xi32, #tpu.memory_space<hbm>>
      %dma_start3A_60 = tpu.memref_squeeze %dma_start3A_59 : memref<1x32x5x64xi32, #tpu.memory_space<hbm>> -> memref<32x5x64xi32, #tpu.memory_space<hbm>>
      %dma_start3A_61 = arith.constant 0 : i32
      %dma_start3A_62 = arith.constant 0 : i32
      %dma_start3A_63 = arith.constant 0 : i32
      %dma_start3A_64 = tpu.memref_slice %arg2[%add3A, %dma_start3A_61, %dma_start3A_62, %dma_start3A_63] : memref<32x32x5x64xi32, #tpu.memory_space<hbm>> -> memref<1x32x5x64xi32, #tpu.memory_space<hbm>>
      %dma_start3A_65 = tpu.memref_squeeze %dma_start3A_64 : memref<1x32x5x64xi32, #tpu.memory_space<hbm>> -> memref<32x5x64xi32, #tpu.memory_space<hbm>>
      tpu.enqueue_dma source(%dma_start3A_65 : memref<32x5x64xi32, #tpu.memory_space<hbm>>) target(%arg5 : memref<32x5x64xi32, #tpu.memory_space<vmem>>) target_semaphore(%run_scoped3A : memref<!tpu.dma_semaphore, #tpu.memory_space<semaphore_mem>>)
      %dma_wait3A = arith.constant 0 : i32
      %dma_wait3A_66 = arith.constant 0 : i32
      %dma_wait3A_67 = arith.constant 0 : i32
      %dma_wait3A_68 = tpu.memref_slice %arg2[%add3A, %dma_wait3A, %dma_wait3A_66, %dma_wait3A_67] : memref<32x32x5x64xi32, #tpu.memory_space<hbm>> -> memref<1x32x5x64xi32, #tpu.memory_space<hbm>>
      %dma_wait3A_69 = tpu.memref_squeeze %dma_wait3A_68 : memref<1x32x5x64xi32, #tpu.memory_space<hbm>> -> memref<32x5x64xi32, #tpu.memory_space<hbm>>
      %dma_wait3A_70 = arith.constant 0 : i32
      %dma_wait3A_71 = arith.constant 0 : i32
      %dma_wait3A_72 = arith.constant 0 : i32
      %dma_wait3A_73 = tpu.memref_slice %arg2[%add3A, %dma_wait3A_70, %dma_wait3A_71, %dma_wait3A_72] : memref<32x32x5x64xi32, #tpu.memory_space<hbm>> -> memref<1x32x5x64xi32, #tpu.memory_space<hbm>>
      %dma_wait3A_74 = tpu.memref_squeeze %dma_wait3A_73 : memref<1x32x5x64xi32, #tpu.memory_space<hbm>> -> memref<32x5x64xi32, #tpu.memory_space<hbm>>
      tpu.wait_dma2 semaphore(%run_scoped3A : memref<!tpu.dma_semaphore, #tpu.memory_space<semaphore_mem>>) src(%dma_wait3A_74 : memref<32x5x64xi32, #tpu.memory_space<hbm>>) dst(%arg5 : memref<32x5x64xi32, #tpu.memory_space<vmem>>)
      tpu.yield
    }) : () -> ()
    %scan3A = arith.constant 0 : i32
    %scan3A_51 = arith.constant 0 : i32
    %scan3A_52 = arith.constant 5 : i32
    %scan3A_53 = arith.addi %scan3A_51, %scan3A_52 : i32
    %scan3A_54 = arith.constant 1 : i32
    %scan3A_55 = scf.for %scan3A_57 = %scan3A_51 to %scan3A_53 step %scan3A_54 iter_args(%scan3A_58 = %scan3A) -> (i32)  : i32 {
      %dma_start3A = arith.constant 0 : i32
      %dma_start3A_59 = arith.constant 0 : i32
      %dma_start3A_60 = arith.constant 0 : i32
      %dma_start3A_61 = arith.constant 0 : i32
      %dma_start3A_62 = tpu.memref_slice %arg6[%dma_start3A_59, %dma_start3A_60, %dma_start3A_61] : memref<4x64x128xf32, #tpu.memory_space<vmem>> -> memref<1x64x128xf32, #tpu.memory_space<vmem>>
      %dma_start3A_63 = tpu.memref_squeeze %dma_start3A_62 : memref<1x64x128xf32, #tpu.memory_space<vmem>> -> memref<64x128xf32, #tpu.memory_space<vmem>>
      %dma_start3A_64 = arith.constant 0 : i32
      %dma_start3A_65 = tpu.memref_slice %arg5[%dma_start3A, %scan3A_57, %dma_start3A_64] : memref<32x5x64xi32, #tpu.memory_space<vmem>> -> memref<1x1x64xi32, #tpu.memory_space<vmem>>
      %dma_start3A_66 = tpu.memref_squeeze %dma_start3A_65 : memref<1x1x64xi32, #tpu.memory_space<vmem>> -> memref<64xi32, #tpu.memory_space<vmem>>
      %dma_start3A_67 = arith.constant 0 : i32
      %dma_start3A_68 = arith.constant 0 : i32
      %dma_start3A_69 = tpu.memref_slice %arg3[%dma_start3A_67, %dma_start3A_68] : memref<10240x128xf32, #tpu.memory_space<hbm>> -> memref<10240x128xf32, #tpu.memory_space<hbm>>
      tpu.enqueue_indirect_dma source(%dma_start3A_69 : memref<10240x128xf32, #tpu.memory_space<hbm>>) target(%dma_start3A_63 : memref<64x128xf32, #tpu.memory_space<vmem>>) offsets(%dma_start3A_66 : memref<64xi32, #tpu.memory_space<vmem>>) semaphore(%arg9 : memref<!tpu.dma_semaphore, #tpu.memory_space<semaphore_mem>>)
      %dma_start3A_70 = arith.constant 1 : i32
      %dma_start3A_71 = arith.constant 1 : i32
      %dma_start3A_72 = arith.constant 0 : i32
      %dma_start3A_73 = arith.constant 0 : i32
      %dma_start3A_74 = tpu.memref_slice %arg6[%dma_start3A_71, %dma_start3A_72, %dma_start3A_73] : memref<4x64x128xf32, #tpu.memory_space<vmem>> -> memref<1x64x128xf32, #tpu.memory_space<vmem>>
      %dma_start3A_75 = tpu.memref_squeeze %dma_start3A_74 : memref<1x64x128xf32, #tpu.memory_space<vmem>> -> memref<64x128xf32, #tpu.memory_space<vmem>>
      %dma_start3A_76 = arith.constant 0 : i32
      %dma_start3A_77 = tpu.memref_slice %arg5[%dma_start3A_70, %scan3A_57, %dma_start3A_76] : memref<32x5x64xi32, #tpu.memory_space<vmem>> -> memref<1x1x64xi32, #tpu.memory_space<vmem>>
      %dma_start3A_78 = tpu.memref_squeeze %dma_start3A_77 : memref<1x1x64xi32, #tpu.memory_space<vmem>> -> memref<64xi32, #tpu.memory_space<vmem>>
      %dma_start3A_79 = arith.constant 0 : i32
      %dma_start3A_80 = arith.constant 0 : i32
      %dma_start3A_81 = tpu.memref_slice %arg3[%dma_start3A_79, %dma_start3A_80] : memref<10240x128xf32, #tpu.memory_space<hbm>> -> memref<10240x128xf32, #tpu.memory_space<hbm>>
      tpu.enqueue_indirect_dma source(%dma_start3A_81 : memref<10240x128xf32, #tpu.memory_space<hbm>>) target(%dma_start3A_75 : memref<64x128xf32, #tpu.memory_space<vmem>>) offsets(%dma_start3A_78 : memref<64xi32, #tpu.memory_space<vmem>>) semaphore(%arg10 : memref<!tpu.dma_semaphore, #tpu.memory_space<semaphore_mem>>)
      %dma_start3A_82 = arith.constant 2 : i32
      %dma_start3A_83 = arith.constant 2 : i32
      %dma_start3A_84 = arith.constant 0 : i32
      %dma_start3A_85 = arith.constant 0 : i32
      %dma_start3A_86 = tpu.memref_slice %arg6[%dma_start3A_83, %dma_start3A_84, %dma_start3A_85] : memref<4x64x128xf32, #tpu.memory_space<vmem>> -> memref<1x64x128xf32, #tpu.memory_space<vmem>>
      %dma_start3A_87 = tpu.memref_squeeze %dma_start3A_86 : memref<1x64x128xf32, #tpu.memory_space<vmem>> -> memref<64x128xf32, #tpu.memory_space<vmem>>
      %dma_start3A_88 = arith.constant 0 : i32
      %dma_start3A_89 = tpu.memref_slice %arg5[%dma_start3A_82, %scan3A_57, %dma_start3A_88] : memref<32x5x64xi32, #tpu.memory_space<vmem>> -> memref<1x1x64xi32, #tpu.memory_space<vmem>>
      %dma_start3A_90 = tpu.memref_squeeze %dma_start3A_89 : memref<1x1x64xi32, #tpu.memory_space<vmem>> -> memref<64xi32, #tpu.memory_space<vmem>>
      %dma_start3A_91 = arith.constant 0 : i32
      %dma_start3A_92 = arith.constant 0 : i32
      %dma_start3A_93 = tpu.memref_slice %arg3[%dma_start3A_91, %dma_start3A_92] : memref<10240x128xf32, #tpu.memory_space<hbm>> -> memref<10240x128xf32, #tpu.memory_space<hbm>>
      tpu.enqueue_indirect_dma source(%dma_start3A_93 : memref<10240x128xf32, #tpu.memory_space<hbm>>) target(%dma_start3A_87 : memref<64x128xf32, #tpu.memory_space<vmem>>) offsets(%dma_start3A_90 : memref<64xi32, #tpu.memory_space<vmem>>) semaphore(%arg11 : memref<!tpu.dma_semaphore, #tpu.memory_space<semaphore_mem>>)
      %dma_start3A_94 = arith.constant 3 : i32
      %dma_start3A_95 = arith.constant 3 : i32
      %dma_start3A_96 = arith.constant 0 : i32
      %dma_start3A_97 = arith.constant 0 : i32
      %dma_start3A_98 = tpu.memref_slice %arg6[%dma_start3A_95, %dma_start3A_96, %dma_start3A_97] : memref<4x64x128xf32, #tpu.memory_space<vmem>> -> memref<1x64x128xf32, #tpu.memory_space<vmem>>
      %dma_start3A_99 = tpu.memref_squeeze %dma_start3A_98 : memref<1x64x128xf32, #tpu.memory_space<vmem>> -> memref<64x128xf32, #tpu.memory_space<vmem>>
      %dma_start3A_100 = arith.constant 0 : i32
      %dma_start3A_101 = tpu.memref_slice %arg5[%dma_start3A_94, %scan3A_57, %dma_start3A_100] : memref<32x5x64xi32, #tpu.memory_space<vmem>> -> memref<1x1x64xi32, #tpu.memory_space<vmem>>
      %dma_start3A_102 = tpu.memref_squeeze %dma_start3A_101 : memref<1x1x64xi32, #tpu.memory_space<vmem>> -> memref<64xi32, #tpu.memory_space<vmem>>
      %dma_start3A_103 = arith.constant 0 : i32
      %dma_start3A_104 = arith.constant 0 : i32
      %dma_start3A_105 = tpu.memref_slice %arg3[%dma_start3A_103, %dma_start3A_104] : memref<10240x128xf32, #tpu.memory_space<hbm>> -> memref<10240x128xf32, #tpu.memory_space<hbm>>
      tpu.enqueue_indirect_dma source(%dma_start3A_105 : memref<10240x128xf32, #tpu.memory_space<hbm>>) target(%dma_start3A_99 : memref<64x128xf32, #tpu.memory_space<vmem>>) offsets(%dma_start3A_102 : memref<64xi32, #tpu.memory_space<vmem>>) semaphore(%arg12 : memref<!tpu.dma_semaphore, #tpu.memory_space<semaphore_mem>>)
      %dma_wait3A = arith.constant 0 : i32
      %dma_wait3A_106 = arith.constant 0 : i32
      %dma_wait3A_107 = arith.constant 0 : i32
      %dma_wait3A_108 = arith.constant 0 : i32
      %dma_wait3A_109 = arith.constant 0 : i32
      %dma_wait3A_110 = tpu.memref_slice %arg6[%dma_wait3A_107, %dma_wait3A_108, %dma_wait3A_109] : memref<4x64x128xf32, #tpu.memory_space<vmem>> -> memref<1x64x128xf32, #tpu.memory_space<vmem>>
      %dma_wait3A_111 = tpu.memref_squeeze %dma_wait3A_110 : memref<1x64x128xf32, #tpu.memory_space<vmem>> -> memref<64x128xf32, #tpu.memory_space<vmem>>
      %dma_wait3A_112 = arith.constant 0 : i32
      %dma_wait3A_113 = tpu.memref_slice %arg5[%dma_wait3A, %dma_wait3A_106, %dma_wait3A_112] : memref<32x5x64xi32, #tpu.memory_space<vmem>> -> memref<1x1x64xi32, #tpu.memory_space<vmem>>
      %dma_wait3A_114 = tpu.memref_squeeze %dma_wait3A_113 : memref<1x1x64xi32, #tpu.memory_space<vmem>> -> memref<64xi32, #tpu.memory_space<vmem>>
      %dma_wait3A_115 = arith.constant 0 : i32
      %dma_wait3A_116 = arith.constant 0 : i32
      %dma_wait3A_117 = tpu.memref_slice %arg3[%dma_wait3A_115, %dma_wait3A_116] : memref<10240x128xf32, #tpu.memory_space<hbm>> -> memref<10240x128xf32, #tpu.memory_space<hbm>>
      tpu.wait_indirect_dma semaphore(%arg9 : memref<!tpu.dma_semaphore, #tpu.memory_space<semaphore_mem>>) src(%dma_wait3A_117 : memref<10240x128xf32, #tpu.memory_space<hbm>>) dst(%dma_wait3A_111 : memref<64x128xf32, #tpu.memory_space<vmem>>)
      %dma_start3A_118 = arith.constant 0 : i32
      %dma_start3A_119 = arith.constant 0 : i32
      %dma_start3A_120 = arith.constant 0 : i32
      %dma_start3A_121 = tpu.memref_slice %arg6[%dma_start3A_118, %dma_start3A_119, %dma_start3A_120] : memref<4x64x128xf32, #tpu.memory_space<vmem>> -> memref<1x64x128xf32, #tpu.memory_space<vmem>>
      %dma_start3A_122 = tpu.memref_squeeze %dma_start3A_121 : memref<1x64x128xf32, #tpu.memory_space<vmem>> -> memref<64x128xf32, #tpu.memory_space<vmem>>
      %dma_start3A_123 = arith.constant 0 : i32
      %dma_start3A_124 = tpu.memref_slice %arg8[%mul3A_4, %dma_start3A_123] : memref<1024x128xf32, #tpu.memory_space<vmem_shared>> -> memref<64x128xf32, #tpu.memory_space<vmem_shared>>
      %dma_start3A_125 = arith.constant 0 : i32
      %dma_start3A_126 = tpu.memref_slice %arg8[%mul3A_4, %dma_start3A_125] : memref<1024x128xf32, #tpu.memory_space<vmem_shared>> -> memref<64x128xf32, #tpu.memory_space<vmem_shared>>
      %dma_start3A_127 = arith.constant 0 : i32
      %dma_start3A_128 = arith.constant 0 : i32
      %dma_start3A_129 = tpu.memref_slice %arg6[%dma_start3A_118, %dma_start3A_127, %dma_start3A_128] : memref<4x64x128xf32, #tpu.memory_space<vmem>> -> memref<1x64x128xf32, #tpu.memory_space<vmem>>
      %dma_start3A_130 = tpu.memref_squeeze %dma_start3A_129 : memref<1x64x128xf32, #tpu.memory_space<vmem>> -> memref<64x128xf32, #tpu.memory_space<vmem>>
      tpu.enqueue_dma source(%dma_start3A_130 : memref<64x128xf32, #tpu.memory_space<vmem>>) target(%dma_start3A_126 : memref<64x128xf32, #tpu.memory_space<vmem_shared>>) target_semaphore(%arg13 : memref<!tpu.dma_semaphore, #tpu.memory_space<semaphore_mem>>)
      %dma_wait3A_131 = arith.constant 0 : i32
      %dma_wait3A_132 = arith.constant 0 : i32
      %dma_wait3A_133 = arith.constant 0 : i32
      %dma_wait3A_134 = tpu.memref_slice %arg6[%dma_wait3A_131, %dma_wait3A_132, %dma_wait3A_133] : memref<4x64x128xf32, #tpu.memory_space<vmem>> -> memref<1x64x128xf32, #tpu.memory_space<vmem>>
      %dma_wait3A_135 = tpu.memref_squeeze %dma_wait3A_134 : memref<1x64x128xf32, #tpu.memory_space<vmem>> -> memref<64x128xf32, #tpu.memory_space<vmem>>
      %dma_wait3A_136 = arith.constant 0 : i32
      %dma_wait3A_137 = tpu.memref_slice %arg8[%mul3A_4, %dma_wait3A_136] : memref<1024x128xf32, #tpu.memory_space<vmem_shared>> -> memref<64x128xf32, #tpu.memory_space<vmem_shared>>
      %dma_wait3A_138 = arith.constant 0 : i32
      %dma_wait3A_139 = tpu.memref_slice %arg8[%mul3A_4, %dma_wait3A_138] : memref<1024x128xf32, #tpu.memory_space<vmem_shared>> -> memref<64x128xf32, #tpu.memory_space<vmem_shared>>
      %dma_wait3A_140 = arith.constant 0 : i32
      %dma_wait3A_141 = arith.constant 0 : i32
      %dma_wait3A_142 = tpu.memref_slice %arg6[%dma_wait3A_131, %dma_wait3A_140, %dma_wait3A_141] : memref<4x64x128xf32, #tpu.memory_space<vmem>> -> memref<1x64x128xf32, #tpu.memory_space<vmem>>
      %dma_wait3A_143 = tpu.memref_squeeze %dma_wait3A_142 : memref<1x64x128xf32, #tpu.memory_space<vmem>> -> memref<64x128xf32, #tpu.memory_space<vmem>>
      tpu.wait_dma2 semaphore(%arg13 : memref<!tpu.dma_semaphore, #tpu.memory_space<semaphore_mem>>) src(%dma_wait3A_143 : memref<64x128xf32, #tpu.memory_space<vmem>>) dst(%dma_wait3A_139 : memref<64x128xf32, #tpu.memory_space<vmem_shared>>)
      %dma_start3A_144 = arith.constant 4 : i32
      %dma_start3A_145 = arith.constant 0 : i32
      %dma_start3A_146 = arith.constant 0 : i32
      %dma_start3A_147 = arith.constant 0 : i32
      %dma_start3A_148 = tpu.memref_slice %arg6[%dma_start3A_145, %dma_start3A_146, %dma_start3A_147] : memref<4x64x128xf32, #tpu.memory_space<vmem>> -> memref<1x64x128xf32, #tpu.memory_space<vmem>>
      %dma_start3A_149 = tpu.memref_squeeze %dma_start3A_148 : memref<1x64x128xf32, #tpu.memory_space<vmem>> -> memref<64x128xf32, #tpu.memory_space<vmem>>
      %dma_start3A_150 = arith.constant 0 : i32
      %dma_start3A_151 = tpu.memref_slice %arg5[%dma_start3A_144, %scan3A_57, %dma_start3A_150] : memref<32x5x64xi32, #tpu.memory_space<vmem>> -> memref<1x1x64xi32, #tpu.memory_space<vmem>>
      %dma_start3A_152 = tpu.memref_squeeze %dma_start3A_151 : memref<1x1x64xi32, #tpu.memory_space<vmem>> -> memref<64xi32, #tpu.memory_space<vmem>>
      %dma_start3A_153 = arith.constant 0 : i32
      %dma_start3A_154 = arith.constant 0 : i32
      %dma_start3A_155 = tpu.memref_slice %arg3[%dma_start3A_153, %dma_start3A_154] : memref<10240x128xf32, #tpu.memory_space<hbm>> -> memref<10240x128xf32, #tpu.memory_space<hbm>>
      tpu.enqueue_indirect_dma source(%dma_start3A_155 : memref<10240x128xf32, #tpu.memory_space<hbm>>) target(%dma_start3A_149 : memref<64x128xf32, #tpu.memory_space<vmem>>) offsets(%dma_start3A_152 : memref<64xi32, #tpu.memory_space<vmem>>) semaphore(%arg9 : memref<!tpu.dma_semaphore, #tpu.memory_space<semaphore_mem>>)
      %dma_wait3A_156 = arith.constant 0 : i32
      %dma_wait3A_157 = arith.constant 0 : i32
      %dma_wait3A_158 = arith.constant 1 : i32
      %dma_wait3A_159 = arith.constant 0 : i32
      %dma_wait3A_160 = arith.constant 0 : i32
      %dma_wait3A_161 = tpu.memref_slice %arg6[%dma_wait3A_158, %dma_wait3A_159, %dma_wait3A_160] : memref<4x64x128xf32, #tpu.memory_space<vmem>> -> memref<1x64x128xf32, #tpu.memory_space<vmem>>
      %dma_wait3A_162 = tpu.memref_squeeze %dma_wait3A_161 : memref<1x64x128xf32, #tpu.memory_space<vmem>> -> memref<64x128xf32, #tpu.memory_space<vmem>>
      %dma_wait3A_163 = arith.constant 0 : i32
      %dma_wait3A_164 = tpu.memref_slice %arg5[%dma_wait3A_156, %dma_wait3A_157, %dma_wait3A_163] : memref<32x5x64xi32, #tpu.memory_space<vmem>> -> memref<1x1x64xi32, #tpu.memory_space<vmem>>
      %dma_wait3A_165 = tpu.memref_squeeze %dma_wait3A_164 : memref<1x1x64xi32, #tpu.memory_space<vmem>> -> memref<64xi32, #tpu.memory_space<vmem>>
      %dma_wait3A_166 = arith.constant 0 : i32
      %dma_wait3A_167 = arith.constant 0 : i32
      %dma_wait3A_168 = tpu.memref_slice %arg3[%dma_wait3A_166, %dma_wait3A_167] : memref<10240x128xf32, #tpu.memory_space<hbm>> -> memref<10240x128xf32, #tpu.memory_space<hbm>>
      tpu.wait_indirect_dma semaphore(%arg10 : memref<!tpu.dma_semaphore, #tpu.memory_space<semaphore_mem>>) src(%dma_wait3A_168 : memref<10240x128xf32, #tpu.memory_space<hbm>>) dst(%dma_wait3A_162 : memref<64x128xf32, #tpu.memory_space<vmem>>)
      %dma_start3A_169 = arith.constant 1 : i32
      %dma_start3A_170 = arith.constant 0 : i32
      %dma_start3A_171 = arith.constant 0 : i32
      %dma_start3A_172 = arith.constant 0 : i32
      %dma_start3A_173 = tpu.memref_slice %arg6[%dma_start3A_169, %dma_start3A_171, %dma_start3A_172] : memref<4x64x128xf32, #tpu.memory_space<vmem>> -> memref<1x64x128xf32, #tpu.memory_space<vmem>>
      %dma_start3A_174 = tpu.memref_squeeze %dma_start3A_173 : memref<1x64x128xf32, #tpu.memory_space<vmem>> -> memref<64x128xf32, #tpu.memory_space<vmem>>
      %dma_start3A_175 = arith.constant 0 : i32
      %dma_start3A_176 = tpu.memref_slice %arg7[%dma_start3A_170, %dma_start3A_175] : memref<1x64xi32, #tpu.memory_space<vmem>> -> memref<1x64xi32, #tpu.memory_space<vmem>>
      %dma_start3A_177 = tpu.memref_squeeze %dma_start3A_176 : memref<1x64xi32, #tpu.memory_space<vmem>> -> memref<64xi32, #tpu.memory_space<vmem>>
      %dma_start3A_178 = arith.constant 0 : i32
      %dma_start3A_179 = arith.constant 0 : i32
      %dma_start3A_180 = tpu.memref_slice %arg8[%dma_start3A_178, %dma_start3A_179] : memref<1024x128xf32, #tpu.memory_space<vmem_shared>> -> memref<1024x128xf32, #tpu.memory_space<vmem_shared>>
      tpu.enqueue_indirect_dma source(%dma_start3A_174 : memref<64x128xf32, #tpu.memory_space<vmem>>) target(%dma_start3A_180 : memref<1024x128xf32, #tpu.memory_space<vmem_shared>>) offsets(%dma_start3A_177 : memref<64xi32, #tpu.memory_space<vmem>>) semaphore(%arg14 : memref<!tpu.dma_semaphore, #tpu.memory_space<semaphore_mem>>) {add = true}
      %dma_wait3A_181 = arith.constant 1 : i32
      %dma_wait3A_182 = arith.constant 0 : i32
      %dma_wait3A_183 = arith.constant 0 : i32
      %dma_wait3A_184 = arith.constant 0 : i32
      %dma_wait3A_185 = tpu.memref_slice %arg6[%dma_wait3A_181, %dma_wait3A_183, %dma_wait3A_184] : memref<4x64x128xf32, #tpu.memory_space<vmem>> -> memref<1x64x128xf32, #tpu.memory_space<vmem>>
      %dma_wait3A_186 = tpu.memref_squeeze %dma_wait3A_185 : memref<1x64x128xf32, #tpu.memory_space<vmem>> -> memref<64x128xf32, #tpu.memory_space<vmem>>
      %dma_wait3A_187 = arith.constant 0 : i32
      %dma_wait3A_188 = tpu.memref_slice %arg7[%dma_wait3A_182, %dma_wait3A_187] : memref<1x64xi32, #tpu.memory_space<vmem>> -> memref<1x64xi32, #tpu.memory_space<vmem>>
      %dma_wait3A_189 = tpu.memref_squeeze %dma_wait3A_188 : memref<1x64xi32, #tpu.memory_space<vmem>> -> memref<64xi32, #tpu.memory_space<vmem>>
      %dma_wait3A_190 = arith.constant 0 : i32
      %dma_wait3A_191 = arith.constant 0 : i32
      %dma_wait3A_192 = tpu.memref_slice %arg8[%dma_wait3A_190, %dma_wait3A_191] : memref<1024x128xf32, #tpu.memory_space<vmem_shared>> -> memref<1024x128xf32, #tpu.memory_space<vmem_shared>>
      tpu.wait_indirect_dma semaphore(%arg14 : memref<!tpu.dma_semaphore, #tpu.memory_space<semaphore_mem>>) src(%dma_wait3A_186 : memref<64x128xf32, #tpu.memory_space<vmem>>) dst(%dma_wait3A_192 : memref<1024x128xf32, #tpu.memory_space<vmem_shared>>)
      %dma_start3A_193 = arith.constant 5 : i32
      %dma_start3A_194 = arith.constant 1 : i32
      %dma_start3A_195 = arith.constant 0 : i32
      %dma_start3A_196 = arith.constant 0 : i32
      %dma_start3A_197 = tpu.memref_slice %arg6[%dma_start3A_194, %dma_start3A_195, %dma_start3A_196] : memref<4x64x128xf32, #tpu.memory_space<vmem>> -> memref<1x64x128xf32, #tpu.memory_space<vmem>>
      %dma_start3A_198 = tpu.memref_squeeze %dma_start3A_197 : memref<1x64x128xf32, #tpu.memory_space<vmem>> -> memref<64x128xf32, #tpu.memory_space<vmem>>
      %dma_start3A_199 = arith.constant 0 : i32
      %dma_start3A_200 = tpu.memref_slice %arg5[%dma_start3A_193, %scan3A_57, %dma_start3A_199] : memref<32x5x64xi32, #tpu.memory_space<vmem>> -> memref<1x1x64xi32, #tpu.memory_space<vmem>>
      %dma_start3A_201 = tpu.memref_squeeze %dma_start3A_200 : memref<1x1x64xi32, #tpu.memory_space<vmem>> -> memref<64xi32, #tpu.memory_space<vmem>>
      %dma_start3A_202 = arith.constant 0 : i32
      %dma_start3A_203 = arith.constant 0 : i32
      %dma_start3A_204 = tpu.memref_slice %arg3[%dma_start3A_202, %dma_start3A_203] : memref<10240x128xf32, #tpu.memory_space<hbm>> -> memref<10240x128xf32, #tpu.memory_space<hbm>>
      tpu.enqueue_indirect_dma source(%dma_start3A_204 : memref<10240x128xf32, #tpu.memory_space<hbm>>) target(%dma_start3A_198 : memref<64x128xf32, #tpu.memory_space<vmem>>) offsets(%dma_start3A_201 : memref<64xi32, #tpu.memory_space<vmem>>) semaphore(%arg10 : memref<!tpu.dma_semaphore, #tpu.memory_space<semaphore_mem>>)
      %dma_wait3A_205 = arith.constant 0 : i32
      %dma_wait3A_206 = arith.constant 0 : i32
      %dma_wait3A_207 = arith.constant 2 : i32
      %dma_wait3A_208 = arith.constant 0 : i32
      %dma_wait3A_209 = arith.constant 0 : i32
      %dma_wait3A_210 = tpu.memref_slice %arg6[%dma_wait3A_207, %dma_wait3A_208, %dma_wait3A_209] : memref<4x64x128xf32, #tpu.memory_space<vmem>> -> memref<1x64x128xf32, #tpu.memory_space<vmem>>
      %dma_wait3A_211 = tpu.memref_squeeze %dma_wait3A_210 : memref<1x64x128xf32, #tpu.memory_space<vmem>> -> memref<64x128xf32, #tpu.memory_space<vmem>>
      %dma_wait3A_212 = arith.constant 0 : i32
      %dma_wait3A_213 = tpu.memref_slice %arg5[%dma_wait3A_205, %dma_wait3A_206, %dma_wait3A_212] : memref<32x5x64xi32, #tpu.memory_space<vmem>> -> memref<1x1x64xi32, #tpu.memory_space<vmem>>
      %dma_wait3A_214 = tpu.memref_squeeze %dma_wait3A_213 : memref<1x1x64xi32, #tpu.memory_space<vmem>> -> memref<64xi32, #tpu.memory_space<vmem>>
      %dma_wait3A_215 = arith.constant 0 : i32
      %dma_wait3A_216 = arith.constant 0 : i32
      %dma_wait3A_217 = tpu.memref_slice %arg3[%dma_wait3A_215, %dma_wait3A_216] : memref<10240x128xf32, #tpu.memory_space<hbm>> -> memref<10240x128xf32, #tpu.memory_space<hbm>>
      tpu.wait_indirect_dma semaphore(%arg11 : memref<!tpu.dma_semaphore, #tpu.memory_space<semaphore_mem>>) src(%dma_wait3A_217 : memref<10240x128xf32, #tpu.memory_space<hbm>>) dst(%dma_wait3A_211 : memref<64x128xf32, #tpu.memory_space<vmem>>)
      %dma_start3A_218 = arith.constant 2 : i32
      %dma_start3A_219 = arith.constant 0 : i32
      %dma_start3A_220 = arith.constant 0 : i32
      %dma_start3A_221 = arith.constant 0 : i32
      %dma_start3A_222 = tpu.memref_slice %arg6[%dma_start3A_218, %dma_start3A_220, %dma_start3A_221] : memref<4x64x128xf32, #tpu.memory_space<vmem>> -> memref<1x64x128xf32, #tpu.memory_space<vmem>>
      %dma_start3A_223 = tpu.memref_squeeze %dma_start3A_222 : memref<1x64x128xf32, #tpu.memory_space<vmem>> -> memref<64x128xf32, #tpu.memory_space<vmem>>
      %dma_start3A_224 = arith.constant 0 : i32
      %dma_start3A_225 = tpu.memref_slice %arg7[%dma_start3A_219, %dma_start3A_224] : memref<1x64xi32, #tpu.memory_space<vmem>> -> memref<1x64xi32, #tpu.memory_space<vmem>>
      %dma_start3A_226 = tpu.memref_squeeze %dma_start3A_225 : memref<1x64xi32, #tpu.memory_space<vmem>> -> memref<64xi32, #tpu.memory_space<vmem>>
      %dma_start3A_227 = arith.constant 0 : i32
      %dma_start3A_228 = arith.constant 0 : i32
      %dma_start3A_229 = tpu.memref_slice %arg8[%dma_start3A_227, %dma_start3A_228] : memref<1024x128xf32, #tpu.memory_space<vmem_shared>> -> memref<1024x128xf32, #tpu.memory_space<vmem_shared>>
      tpu.enqueue_indirect_dma source(%dma_start3A_223 : memref<64x128xf32, #tpu.memory_space<vmem>>) target(%dma_start3A_229 : memref<1024x128xf32, #tpu.memory_space<vmem_shared>>) offsets(%dma_start3A_226 : memref<64xi32, #tpu.memory_space<vmem>>) semaphore(%arg15 : memref<!tpu.dma_semaphore, #tpu.memory_space<semaphore_mem>>) {add = true}
      %dma_wait3A_230 = arith.constant 2 : i32
      %dma_wait3A_231 = arith.constant 0 : i32
      %dma_wait3A_232 = arith.constant 0 : i32
      %dma_wait3A_233 = arith.constant 0 : i32
      %dma_wait3A_234 = tpu.memref_slice %arg6[%dma_wait3A_230, %dma_wait3A_232, %dma_wait3A_233] : memref<4x64x128xf32, #tpu.memory_space<vmem>> -> memref<1x64x128xf32, #tpu.memory_space<vmem>>
      %dma_wait3A_235 = tpu.memref_squeeze %dma_wait3A_234 : memref<1x64x128xf32, #tpu.memory_space<vmem>> -> memref<64x128xf32, #tpu.memory_space<vmem>>
      %dma_wait3A_236 = arith.constant 0 : i32
      %dma_wait3A_237 = tpu.memref_slice %arg7[%dma_wait3A_231, %dma_wait3A_236] : memref<1x64xi32, #tpu.memory_space<vmem>> -> memref<1x64xi32, #tpu.memory_space<vmem>>
      %dma_wait3A_238 = tpu.memref_squeeze %dma_wait3A_237 : memref<1x64xi32, #tpu.memory_space<vmem>> -> memref<64xi32, #tpu.memory_space<vmem>>
      %dma_wait3A_239 = arith.constant 0 : i32
      %dma_wait3A_240 = arith.constant 0 : i32
      %dma_wait3A_241 = tpu.memref_slice %arg8[%dma_wait3A_239, %dma_wait3A_240] : memref<1024x128xf32, #tpu.memory_space<vmem_shared>> -> memref<1024x128xf32, #tpu.memory_space<vmem_shared>>
      tpu.wait_indirect_dma semaphore(%arg15 : memref<!tpu.dma_semaphore, #tpu.memory_space<semaphore_mem>>) src(%dma_wait3A_235 : memref<64x128xf32, #tpu.memory_space<vmem>>) dst(%dma_wait3A_241 : memref<1024x128xf32, #tpu.memory_space<vmem_shared>>)
      %dma_start3A_242 = arith.constant 6 : i32
      %dma_start3A_243 = arith.constant 2 : i32
      %dma_start3A_244 = arith.constant 0 : i32
      %dma_start3A_245 = arith.constant 0 : i32
      %dma_start3A_246 = tpu.memref_slice %arg6[%dma_start3A_243, %dma_start3A_244, %dma_start3A_245] : memref<4x64x128xf32, #tpu.memory_space<vmem>> -> memref<1x64x128xf32, #tpu.memory_space<vmem>>
      %dma_start3A_247 = tpu.memref_squeeze %dma_start3A_246 : memref<1x64x128xf32, #tpu.memory_space<vmem>> -> memref<64x128xf32, #tpu.memory_space<vmem>>
      %dma_start3A_248 = arith.constant 0 : i32
      %dma_start3A_249 = tpu.memref_slice %arg5[%dma_start3A_242, %scan3A_57, %dma_start3A_248] : memref<32x5x64xi32, #tpu.memory_space<vmem>> -> memref<1x1x64xi32, #tpu.memory_space<vmem>>
      %dma_start3A_250 = tpu.memref_squeeze %dma_start3A_249 : memref<1x1x64xi32, #tpu.memory_space<vmem>> -> memref<64xi32, #tpu.memory_space<vmem>>
      %dma_start3A_251 = arith.constant 0 : i32
      %dma_start3A_252 = arith.constant 0 : i32
      %dma_start3A_253 = tpu.memref_slice %arg3[%dma_start3A_251, %dma_start3A_252] : memref<10240x128xf32, #tpu.memory_space<hbm>> -> memref<10240x128xf32, #tpu.memory_space<hbm>>
      tpu.enqueue_indirect_dma source(%dma_start3A_253 : memref<10240x128xf32, #tpu.memory_space<hbm>>) target(%dma_start3A_247 : memref<64x128xf32, #tpu.memory_space<vmem>>) offsets(%dma_start3A_250 : memref<64xi32, #tpu.memory_space<vmem>>) semaphore(%arg11 : memref<!tpu.dma_semaphore, #tpu.memory_space<semaphore_mem>>)
      %dma_wait3A_254 = arith.constant 0 : i32
      %dma_wait3A_255 = arith.constant 0 : i32
      %dma_wait3A_256 = arith.constant 3 : i32
      %dma_wait3A_257 = arith.constant 0 : i32
      %dma_wait3A_258 = arith.constant 0 : i32
      %dma_wait3A_259 = tpu.memref_slice %arg6[%dma_wait3A_256, %dma_wait3A_257, %dma_wait3A_258] : memref<4x64x128xf32, #tpu.memory_space<vmem>> -> memref<1x64x128xf32, #tpu.memory_space<vmem>>
      %dma_wait3A_260 = tpu.memref_squeeze %dma_wait3A_259 : memref<1x64x128xf32, #tpu.memory_space<vmem>> -> memref<64x128xf32, #tpu.memory_space<vmem>>
      %dma_wait3A_261 = arith.constant 0 : i32
      %dma_wait3A_262 = tpu.memref_slice %arg5[%dma_wait3A_254, %dma_wait3A_255, %dma_wait3A_261] : memref<32x5x64xi32, #tpu.memory_space<vmem>> -> memref<1x1x64xi32, #tpu.memory_space<vmem>>
      %dma_wait3A_263 = tpu.memref_squeeze %dma_wait3A_262 : memref<1x1x64xi32, #tpu.memory_space<vmem>> -> memref<64xi32, #tpu.memory_space<vmem>>
      %dma_wait3A_264 = arith.constant 0 : i32
      %dma_wait3A_265 = arith.constant 0 : i32
      %dma_wait3A_266 = tpu.memref_slice %arg3[%dma_wait3A_264, %dma_wait3A_265] : memref<10240x128xf32, #tpu.memory_space<hbm>> -> memref<10240x128xf32, #tpu.memory_space<hbm>>
      tpu.wait_indirect_dma semaphore(%arg12 : memref<!tpu.dma_semaphore, #tpu.memory_space<semaphore_mem>>) src(%dma_wait3A_266 : memref<10240x128xf32, #tpu.memory_space<hbm>>) dst(%dma_wait3A_260 : memref<64x128xf32, #tpu.memory_space<vmem>>)
      %dma_start3A_267 = arith.constant 3 : i32
      %dma_start3A_268 = arith.constant 0 : i32
      %dma_start3A_269 = arith.constant 0 : i32
      %dma_start3A_270 = arith.constant 0 : i32
      %dma_start3A_271 = tpu.memref_slice %arg6[%dma_start3A_267, %dma_start3A_269, %dma_start3A_270] : memref<4x64x128xf32, #tpu.memory_space<vmem>> -> memref<1x64x128xf32, #tpu.memory_space<vmem>>
      %dma_start3A_272 = tpu.memref_squeeze %dma_start3A_271 : memref<1x64x128xf32, #tpu.memory_space<vmem>> -> memref<64x128xf32, #tpu.memory_space<vmem>>
      %dma_start3A_273 = arith.constant 0 : i32
      %dma_start3A_274 = tpu.memref_slice %arg7[%dma_start3A_268, %dma_start3A_273] : memref<1x64xi32, #tpu.memory_space<vmem>> -> memref<1x64xi32, #tpu.memory_space<vmem>>
      %dma_start3A_275 = tpu.memref_squeeze %dma_start3A_274 : memref<1x64xi32, #tpu.memory_space<vmem>> -> memref<64xi32, #tpu.memory_space<vmem>>
      %dma_start3A_276 = arith.constant 0 : i32
      %dma_start3A_277 = arith.constant 0 : i32
      %dma_start3A_278 = tpu.memref_slice %arg8[%dma_start3A_276, %dma_start3A_277] : memref<1024x128xf32, #tpu.memory_space<vmem_shared>> -> memref<1024x128xf32, #tpu.memory_space<vmem_shared>>
      tpu.enqueue_indirect_dma source(%dma_start3A_272 : memref<64x128xf32, #tpu.memory_space<vmem>>) target(%dma_start3A_278 : memref<1024x128xf32, #tpu.memory_space<vmem_shared>>) offsets(%dma_start3A_275 : memref<64xi32, #tpu.memory_space<vmem>>) semaphore(%arg16 : memref<!tpu.dma_semaphore, #tpu.memory_space<semaphore_mem>>) {add = true}
      %dma_wait3A_279 = arith.constant 3 : i32
      %dma_wait3A_280 = arith.constant 0 : i32
      %dma_wait3A_281 = arith.constant 0 : i32
      %dma_wait3A_282 = arith.constant 0 : i32
      %dma_wait3A_283 = tpu.memref_slice %arg6[%dma_wait3A_279, %dma_wait3A_281, %dma_wait3A_282] : memref<4x64x128xf32, #tpu.memory_space<vmem>> -> memref<1x64x128xf32, #tpu.memory_space<vmem>>
      %dma_wait3A_284 = tpu.memref_squeeze %dma_wait3A_283 : memref<1x64x128xf32, #tpu.memory_space<vmem>> -> memref<64x128xf32, #tpu.memory_space<vmem>>
      %dma_wait3A_285 = arith.constant 0 : i32
      %dma_wait3A_286 = tpu.memref_slice %arg7[%dma_wait3A_280, %dma_wait3A_285] : memref<1x64xi32, #tpu.memory_space<vmem>> -> memref<1x64xi32, #tpu.memory_space<vmem>>
      %dma_wait3A_287 = tpu.memref_squeeze %dma_wait3A_286 : memref<1x64xi32, #tpu.memory_space<vmem>> -> memref<64xi32, #tpu.memory_space<vmem>>
      %dma_wait3A_288 = arith.constant 0 : i32
      %dma_wait3A_289 = arith.constant 0 : i32
      %dma_wait3A_290 = tpu.memref_slice %arg8[%dma_wait3A_288, %dma_wait3A_289] : memref<1024x128xf32, #tpu.memory_space<vmem_shared>> -> memref<1024x128xf32, #tpu.memory_space<vmem_shared>>
      tpu.wait_indirect_dma semaphore(%arg16 : memref<!tpu.dma_semaphore, #tpu.memory_space<semaphore_mem>>) src(%dma_wait3A_284 : memref<64x128xf32, #tpu.memory_space<vmem>>) dst(%dma_wait3A_290 : memref<1024x128xf32, #tpu.memory_space<vmem_shared>>)
      %dma_start3A_291 = arith.constant 7 : i32
      %dma_start3A_292 = arith.constant 3 : i32
      %dma_start3A_293 = arith.constant 0 : i32
      %dma_start3A_294 = arith.constant 0 : i32
      %dma_start3A_295 = tpu.memref_slice %arg6[%dma_start3A_292, %dma_start3A_293, %dma_start3A_294] : memref<4x64x128xf32, #tpu.memory_space<vmem>> -> memref<1x64x128xf32, #tpu.memory_space<vmem>>
      %dma_start3A_296 = tpu.memref_squeeze %dma_start3A_295 : memref<1x64x128xf32, #tpu.memory_space<vmem>> -> memref<64x128xf32, #tpu.memory_space<vmem>>
      %dma_start3A_297 = arith.constant 0 : i32
      %dma_start3A_298 = tpu.memref_slice %arg5[%dma_start3A_291, %scan3A_57, %dma_start3A_297] : memref<32x5x64xi32, #tpu.memory_space<vmem>> -> memref<1x1x64xi32, #tpu.memory_space<vmem>>
      %dma_start3A_299 = tpu.memref_squeeze %dma_start3A_298 : memref<1x1x64xi32, #tpu.memory_space<vmem>> -> memref<64xi32, #tpu.memory_space<vmem>>
      %dma_start3A_300 = arith.constant 0 : i32
      %dma_start3A_301 = arith.constant 0 : i32
      %dma_start3A_302 = tpu.memref_slice %arg3[%dma_start3A_300, %dma_start3A_301] : memref<10240x128xf32, #tpu.memory_space<hbm>> -> memref<10240x128xf32, #tpu.memory_space<hbm>>
      tpu.enqueue_indirect_dma source(%dma_start3A_302 : memref<10240x128xf32, #tpu.memory_space<hbm>>) target(%dma_start3A_296 : memref<64x128xf32, #tpu.memory_space<vmem>>) offsets(%dma_start3A_299 : memref<64xi32, #tpu.memory_space<vmem>>) semaphore(%arg12 : memref<!tpu.dma_semaphore, #tpu.memory_space<semaphore_mem>>)
      %scan3A_303 = arith.constant 0 : i32
      %scan3A_304 = arith.constant 1 : i32
      %scan3A_305 = arith.constant 7 : i32
      %scan3A_306 = arith.addi %scan3A_304, %scan3A_305 : i32
      %scan3A_307 = arith.constant 1 : i32
      %scan3A_308 = scf.for %scan3A_314 = %scan3A_304 to %scan3A_306 step %scan3A_307 iter_args(%scan3A_315 = %scan3A_303) -> (i32)  : i32 {
        %mul3A_316 = arith.constant 4 : i32
        %mul3A_317 = arith.muli %mul3A_316, %scan3A_314 : i32
        %add3A_318 = arith.constant 0 : i32
        %add3A_319 = arith.addi %mul3A_317, %add3A_318 : i32
        %dma_wait3A_320 = arith.constant 0 : i32
        %dma_wait3A_321 = arith.constant 0 : i32
        %dma_wait3A_322 = arith.constant 0 : i32
        %dma_wait3A_323 = arith.constant 0 : i32
        %dma_wait3A_324 = arith.constant 0 : i32
        %dma_wait3A_325 = tpu.memref_slice %arg6[%dma_wait3A_322, %dma_wait3A_323, %dma_wait3A_324] : memref<4x64x128xf32, #tpu.memory_space<vmem>> -> memref<1x64x128xf32, #tpu.memory_space<vmem>>
        %dma_wait3A_326 = tpu.memref_squeeze %dma_wait3A_325 : memref<1x64x128xf32, #tpu.memory_space<vmem>> -> memref<64x128xf32, #tpu.memory_space<vmem>>
        %dma_wait3A_327 = arith.constant 0 : i32
        %dma_wait3A_328 = tpu.memref_slice %arg5[%dma_wait3A_320, %dma_wait3A_321, %dma_wait3A_327] : memref<32x5x64xi32, #tpu.memory_space<vmem>> -> memref<1x1x64xi32, #tpu.memory_space<vmem>>
        %dma_wait3A_329 = tpu.memref_squeeze %dma_wait3A_328 : memref<1x1x64xi32, #tpu.memory_space<vmem>> -> memref<64xi32, #tpu.memory_space<vmem>>
        %dma_wait3A_330 = arith.constant 0 : i32
        %dma_wait3A_331 = arith.constant 0 : i32
        %dma_wait3A_332 = tpu.memref_slice %arg3[%dma_wait3A_330, %dma_wait3A_331] : memref<10240x128xf32, #tpu.memory_space<hbm>> -> memref<10240x128xf32, #tpu.memory_space<hbm>>
        tpu.wait_indirect_dma semaphore(%arg9 : memref<!tpu.dma_semaphore, #tpu.memory_space<semaphore_mem>>) src(%dma_wait3A_332 : memref<10240x128xf32, #tpu.memory_space<hbm>>) dst(%dma_wait3A_326 : memref<64x128xf32, #tpu.memory_space<vmem>>)
        %dma_start3A_333 = arith.constant 0 : i32
        %dma_start3A_334 = arith.constant 0 : i32
        %dma_start3A_335 = arith.constant 0 : i32
        %dma_start3A_336 = arith.constant 0 : i32
        %dma_start3A_337 = tpu.memref_slice %arg6[%dma_start3A_333, %dma_start3A_335, %dma_start3A_336] : memref<4x64x128xf32, #tpu.memory_space<vmem>> -> memref<1x64x128xf32, #tpu.memory_space<vmem>>
        %dma_start3A_338 = tpu.memref_squeeze %dma_start3A_337 : memref<1x64x128xf32, #tpu.memory_space<vmem>> -> memref<64x128xf32, #tpu.memory_space<vmem>>
        %dma_start3A_339 = arith.constant 0 : i32
        %dma_start3A_340 = tpu.memref_slice %arg7[%dma_start3A_334, %dma_start3A_339] : memref<1x64xi32, #tpu.memory_space<vmem>> -> memref<1x64xi32, #tpu.memory_space<vmem>>
        %dma_start3A_341 = tpu.memref_squeeze %dma_start3A_340 : memref<1x64xi32, #tpu.memory_space<vmem>> -> memref<64xi32, #tpu.memory_space<vmem>>
        %dma_start3A_342 = arith.constant 0 : i32
        %dma_start3A_343 = arith.constant 0 : i32
        %dma_start3A_344 = tpu.memref_slice %arg8[%dma_start3A_342, %dma_start3A_343] : memref<1024x128xf32, #tpu.memory_space<vmem_shared>> -> memref<1024x128xf32, #tpu.memory_space<vmem_shared>>
        tpu.enqueue_indirect_dma source(%dma_start3A_338 : memref<64x128xf32, #tpu.memory_space<vmem>>) target(%dma_start3A_344 : memref<1024x128xf32, #tpu.memory_space<vmem_shared>>) offsets(%dma_start3A_341 : memref<64xi32, #tpu.memory_space<vmem>>) semaphore(%arg13 : memref<!tpu.dma_semaphore, #tpu.memory_space<semaphore_mem>>) {add = true}
        %dma_wait3A_345 = arith.constant 0 : i32
        %dma_wait3A_346 = arith.constant 0 : i32
        %dma_wait3A_347 = arith.constant 0 : i32
        %dma_wait3A_348 = arith.constant 0 : i32
        %dma_wait3A_349 = tpu.memref_slice %arg6[%dma_wait3A_345, %dma_wait3A_347, %dma_wait3A_348] : memref<4x64x128xf32, #tpu.memory_space<vmem>> -> memref<1x64x128xf32, #tpu.memory_space<vmem>>
        %dma_wait3A_350 = tpu.memref_squeeze %dma_wait3A_349 : memref<1x64x128xf32, #tpu.memory_space<vmem>> -> memref<64x128xf32, #tpu.memory_space<vmem>>
        %dma_wait3A_351 = arith.constant 0 : i32
        %dma_wait3A_352 = tpu.memref_slice %arg7[%dma_wait3A_346, %dma_wait3A_351] : memref<1x64xi32, #tpu.memory_space<vmem>> -> memref<1x64xi32, #tpu.memory_space<vmem>>
        %dma_wait3A_353 = tpu.memref_squeeze %dma_wait3A_352 : memref<1x64xi32, #tpu.memory_space<vmem>> -> memref<64xi32, #tpu.memory_space<vmem>>
        %dma_wait3A_354 = arith.constant 0 : i32
        %dma_wait3A_355 = arith.constant 0 : i32
        %dma_wait3A_356 = tpu.memref_slice %arg8[%dma_wait3A_354, %dma_wait3A_355] : memref<1024x128xf32, #tpu.memory_space<vmem_shared>> -> memref<1024x128xf32, #tpu.memory_space<vmem_shared>>
        tpu.wait_indirect_dma semaphore(%arg13 : memref<!tpu.dma_semaphore, #tpu.memory_space<semaphore_mem>>) src(%dma_wait3A_350 : memref<64x128xf32, #tpu.memory_space<vmem>>) dst(%dma_wait3A_356 : memref<1024x128xf32, #tpu.memory_space<vmem_shared>>)
        %add3A_357 = arith.constant 4 : i32
        %add3A_358 = arith.addi %add3A_319, %add3A_357 : i32
        %lt3A = arith.constant 32 : i32
        %lt3A_359 = arith.cmpi slt, %add3A_358, %lt3A : i32
        %convert_element_type3A = arith.extui %lt3A_359 : i1 to i32
        %cond3A = arith.constant 0 : i32
        %cond3A_360 = arith.cmpi ne, %convert_element_type3A, %cond3A : i32
        scf.if %cond3A_360 {
          %add3A_506 = arith.constant 4 : i32
          %add3A_507 = arith.addi %add3A_319, %add3A_506 : i32
          %dma_start3A_508 = arith.constant 0 : i32
          %dma_start3A_509 = arith.constant 0 : i32
          %dma_start3A_510 = arith.constant 0 : i32
          %dma_start3A_511 = tpu.memref_slice %arg6[%dma_start3A_508, %dma_start3A_509, %dma_start3A_510] : memref<4x64x128xf32, #tpu.memory_space<vmem>> -> memref<1x64x128xf32, #tpu.memory_space<vmem>>
          %dma_start3A_512 = tpu.memref_squeeze %dma_start3A_511 : memref<1x64x128xf32, #tpu.memory_space<vmem>> -> memref<64x128xf32, #tpu.memory_space<vmem>>
          %dma_start3A_513 = arith.constant 0 : i32
          %dma_start3A_514 = tpu.memref_slice %arg5[%add3A_507, %scan3A_57, %dma_start3A_513] : memref<32x5x64xi32, #tpu.memory_space<vmem>> -> memref<1x1x64xi32, #tpu.memory_space<vmem>>
          %dma_start3A_515 = tpu.memref_squeeze %dma_start3A_514 : memref<1x1x64xi32, #tpu.memory_space<vmem>> -> memref<64xi32, #tpu.memory_space<vmem>>
          %dma_start3A_516 = arith.constant 0 : i32
          %dma_start3A_517 = arith.constant 0 : i32
          %dma_start3A_518 = tpu.memref_slice %arg3[%dma_start3A_516, %dma_start3A_517] : memref<10240x128xf32, #tpu.memory_space<hbm>> -> memref<10240x128xf32, #tpu.memory_space<hbm>>
          tpu.enqueue_indirect_dma source(%dma_start3A_518 : memref<10240x128xf32, #tpu.memory_space<hbm>>) target(%dma_start3A_512 : memref<64x128xf32, #tpu.memory_space<vmem>>) offsets(%dma_start3A_515 : memref<64xi32, #tpu.memory_space<vmem>>) semaphore(%arg9 : memref<!tpu.dma_semaphore, #tpu.memory_space<semaphore_mem>>)
        } else {
        }
        %mul3A_361 = arith.constant 4 : i32
        %mul3A_362 = arith.muli %mul3A_361, %scan3A_314 : i32
        %add3A_363 = arith.constant 1 : i32
        %add3A_364 = arith.addi %mul3A_362, %add3A_363 : i32
        %dma_wait3A_365 = arith.constant 0 : i32
        %dma_wait3A_366 = arith.constant 0 : i32
        %dma_wait3A_367 = arith.constant 1 : i32
        %dma_wait3A_368 = arith.constant 0 : i32
        %dma_wait3A_369 = arith.constant 0 : i32
        %dma_wait3A_370 = tpu.memref_slice %arg6[%dma_wait3A_367, %dma_wait3A_368, %dma_wait3A_369] : memref<4x64x128xf32, #tpu.memory_space<vmem>> -> memref<1x64x128xf32, #tpu.memory_space<vmem>>
        %dma_wait3A_371 = tpu.memref_squeeze %dma_wait3A_370 : memref<1x64x128xf32, #tpu.memory_space<vmem>> -> memref<64x128xf32, #tpu.memory_space<vmem>>
        %dma_wait3A_372 = arith.constant 0 : i32
        %dma_wait3A_373 = tpu.memref_slice %arg5[%dma_wait3A_365, %dma_wait3A_366, %dma_wait3A_372] : memref<32x5x64xi32, #tpu.memory_space<vmem>> -> memref<1x1x64xi32, #tpu.memory_space<vmem>>
        %dma_wait3A_374 = tpu.memref_squeeze %dma_wait3A_373 : memref<1x1x64xi32, #tpu.memory_space<vmem>> -> memref<64xi32, #tpu.memory_space<vmem>>
        %dma_wait3A_375 = arith.constant 0 : i32
        %dma_wait3A_376 = arith.constant 0 : i32
        %dma_wait3A_377 = tpu.memref_slice %arg3[%dma_wait3A_375, %dma_wait3A_376] : memref<10240x128xf32, #tpu.memory_space<hbm>> -> memref<10240x128xf32, #tpu.memory_space<hbm>>
        tpu.wait_indirect_dma semaphore(%arg10 : memref<!tpu.dma_semaphore, #tpu.memory_space<semaphore_mem>>) src(%dma_wait3A_377 : memref<10240x128xf32, #tpu.memory_space<hbm>>) dst(%dma_wait3A_371 : memref<64x128xf32, #tpu.memory_space<vmem>>)
        %dma_start3A_378 = arith.constant 1 : i32
        %dma_start3A_379 = arith.constant 0 : i32
        %dma_start3A_380 = arith.constant 0 : i32
        %dma_start3A_381 = arith.constant 0 : i32
        %dma_start3A_382 = tpu.memref_slice %arg6[%dma_start3A_378, %dma_start3A_380, %dma_start3A_381] : memref<4x64x128xf32, #tpu.memory_space<vmem>> -> memref<1x64x128xf32, #tpu.memory_space<vmem>>
        %dma_start3A_383 = tpu.memref_squeeze %dma_start3A_382 : memref<1x64x128xf32, #tpu.memory_space<vmem>> -> memref<64x128xf32, #tpu.memory_space<vmem>>
        %dma_start3A_384 = arith.constant 0 : i32
        %dma_start3A_385 = tpu.memref_slice %arg7[%dma_start3A_379, %dma_start3A_384] : memref<1x64xi32, #tpu.memory_space<vmem>> -> memref<1x64xi32, #tpu.memory_space<vmem>>
        %dma_start3A_386 = tpu.memref_squeeze %dma_start3A_385 : memref<1x64xi32, #tpu.memory_space<vmem>> -> memref<64xi32, #tpu.memory_space<vmem>>
        %dma_start3A_387 = arith.constant 0 : i32
        %dma_start3A_388 = arith.constant 0 : i32
        %dma_start3A_389 = tpu.memref_slice %arg8[%dma_start3A_387, %dma_start3A_388] : memref<1024x128xf32, #tpu.memory_space<vmem_shared>> -> memref<1024x128xf32, #tpu.memory_space<vmem_shared>>
        tpu.enqueue_indirect_dma source(%dma_start3A_383 : memref<64x128xf32, #tpu.memory_space<vmem>>) target(%dma_start3A_389 : memref<1024x128xf32, #tpu.memory_space<vmem_shared>>) offsets(%dma_start3A_386 : memref<64xi32, #tpu.memory_space<vmem>>) semaphore(%arg14 : memref<!tpu.dma_semaphore, #tpu.memory_space<semaphore_mem>>) {add = true}
        %dma_wait3A_390 = arith.constant 1 : i32
        %dma_wait3A_391 = arith.constant 0 : i32
        %dma_wait3A_392 = arith.constant 0 : i32
        %dma_wait3A_393 = arith.constant 0 : i32
        %dma_wait3A_394 = tpu.memref_slice %arg6[%dma_wait3A_390, %dma_wait3A_392, %dma_wait3A_393] : memref<4x64x128xf32, #tpu.memory_space<vmem>> -> memref<1x64x128xf32, #tpu.memory_space<vmem>>
        %dma_wait3A_395 = tpu.memref_squeeze %dma_wait3A_394 : memref<1x64x128xf32, #tpu.memory_space<vmem>> -> memref<64x128xf32, #tpu.memory_space<vmem>>
        %dma_wait3A_396 = arith.constant 0 : i32
        %dma_wait3A_397 = tpu.memref_slice %arg7[%dma_wait3A_391, %dma_wait3A_396] : memref<1x64xi32, #tpu.memory_space<vmem>> -> memref<1x64xi32, #tpu.memory_space<vmem>>
        %dma_wait3A_398 = tpu.memref_squeeze %dma_wait3A_397 : memref<1x64xi32, #tpu.memory_space<vmem>> -> memref<64xi32, #tpu.memory_space<vmem>>
        %dma_wait3A_399 = arith.constant 0 : i32
        %dma_wait3A_400 = arith.constant 0 : i32
        %dma_wait3A_401 = tpu.memref_slice %arg8[%dma_wait3A_399, %dma_wait3A_400] : memref<1024x128xf32, #tpu.memory_space<vmem_shared>> -> memref<1024x128xf32, #tpu.memory_space<vmem_shared>>
        tpu.wait_indirect_dma semaphore(%arg14 : memref<!tpu.dma_semaphore, #tpu.memory_space<semaphore_mem>>) src(%dma_wait3A_395 : memref<64x128xf32, #tpu.memory_space<vmem>>) dst(%dma_wait3A_401 : memref<1024x128xf32, #tpu.memory_space<vmem_shared>>)
        %add3A_402 = arith.constant 4 : i32
        %add3A_403 = arith.addi %add3A_364, %add3A_402 : i32
        %lt3A_404 = arith.constant 32 : i32
        %lt3A_405 = arith.cmpi slt, %add3A_403, %lt3A_404 : i32
        %convert_element_type3A_406 = arith.extui %lt3A_405 : i1 to i32
        %cond3A_407 = arith.constant 0 : i32
        %cond3A_408 = arith.cmpi ne, %convert_element_type3A_406, %cond3A_407 : i32
        scf.if %cond3A_408 {
          %add3A_506 = arith.constant 4 : i32
          %add3A_507 = arith.addi %add3A_364, %add3A_506 : i32
          %dma_start3A_508 = arith.constant 1 : i32
          %dma_start3A_509 = arith.constant 0 : i32
          %dma_start3A_510 = arith.constant 0 : i32
          %dma_start3A_511 = tpu.memref_slice %arg6[%dma_start3A_508, %dma_start3A_509, %dma_start3A_510] : memref<4x64x128xf32, #tpu.memory_space<vmem>> -> memref<1x64x128xf32, #tpu.memory_space<vmem>>
          %dma_start3A_512 = tpu.memref_squeeze %dma_start3A_511 : memref<1x64x128xf32, #tpu.memory_space<vmem>> -> memref<64x128xf32, #tpu.memory_space<vmem>>
          %dma_start3A_513 = arith.constant 0 : i32
          %dma_start3A_514 = tpu.memref_slice %arg5[%add3A_507, %scan3A_57, %dma_start3A_513] : memref<32x5x64xi32, #tpu.memory_space<vmem>> -> memref<1x1x64xi32, #tpu.memory_space<vmem>>
          %dma_start3A_515 = tpu.memref_squeeze %dma_start3A_514 : memref<1x1x64xi32, #tpu.memory_space<vmem>> -> memref<64xi32, #tpu.memory_space<vmem>>
          %dma_start3A_516 = arith.constant 0 : i32
          %dma_start3A_517 = arith.constant 0 : i32
          %dma_start3A_518 = tpu.memref_slice %arg3[%dma_start3A_516, %dma_start3A_517] : memref<10240x128xf32, #tpu.memory_space<hbm>> -> memref<10240x128xf32, #tpu.memory_space<hbm>>
          tpu.enqueue_indirect_dma source(%dma_start3A_518 : memref<10240x128xf32, #tpu.memory_space<hbm>>) target(%dma_start3A_512 : memref<64x128xf32, #tpu.memory_space<vmem>>) offsets(%dma_start3A_515 : memref<64xi32, #tpu.memory_space<vmem>>) semaphore(%arg10 : memref<!tpu.dma_semaphore, #tpu.memory_space<semaphore_mem>>)
        } else {
        }
        %mul3A_409 = arith.constant 4 : i32
        %mul3A_410 = arith.muli %mul3A_409, %scan3A_314 : i32
        %add3A_411 = arith.constant 2 : i32
        %add3A_412 = arith.addi %mul3A_410, %add3A_411 : i32
        %dma_wait3A_413 = arith.constant 0 : i32
        %dma_wait3A_414 = arith.constant 0 : i32
        %dma_wait3A_415 = arith.constant 2 : i32
        %dma_wait3A_416 = arith.constant 0 : i32
        %dma_wait3A_417 = arith.constant 0 : i32
        %dma_wait3A_418 = tpu.memref_slice %arg6[%dma_wait3A_415, %dma_wait3A_416, %dma_wait3A_417] : memref<4x64x128xf32, #tpu.memory_space<vmem>> -> memref<1x64x128xf32, #tpu.memory_space<vmem>>
        %dma_wait3A_419 = tpu.memref_squeeze %dma_wait3A_418 : memref<1x64x128xf32, #tpu.memory_space<vmem>> -> memref<64x128xf32, #tpu.memory_space<vmem>>
        %dma_wait3A_420 = arith.constant 0 : i32
        %dma_wait3A_421 = tpu.memref_slice %arg5[%dma_wait3A_413, %dma_wait3A_414, %dma_wait3A_420] : memref<32x5x64xi32, #tpu.memory_space<vmem>> -> memref<1x1x64xi32, #tpu.memory_space<vmem>>
        %dma_wait3A_422 = tpu.memref_squeeze %dma_wait3A_421 : memref<1x1x64xi32, #tpu.memory_space<vmem>> -> memref<64xi32, #tpu.memory_space<vmem>>
        %dma_wait3A_423 = arith.constant 0 : i32
        %dma_wait3A_424 = arith.constant 0 : i32
        %dma_wait3A_425 = tpu.memref_slice %arg3[%dma_wait3A_423, %dma_wait3A_424] : memref<10240x128xf32, #tpu.memory_space<hbm>> -> memref<10240x128xf32, #tpu.memory_space<hbm>>
        tpu.wait_indirect_dma semaphore(%arg11 : memref<!tpu.dma_semaphore, #tpu.memory_space<semaphore_mem>>) src(%dma_wait3A_425 : memref<10240x128xf32, #tpu.memory_space<hbm>>) dst(%dma_wait3A_419 : memref<64x128xf32, #tpu.memory_space<vmem>>)
        %dma_start3A_426 = arith.constant 2 : i32
        %dma_start3A_427 = arith.constant 0 : i32
        %dma_start3A_428 = arith.constant 0 : i32
        %dma_start3A_429 = arith.constant 0 : i32
        %dma_start3A_430 = tpu.memref_slice %arg6[%dma_start3A_426, %dma_start3A_428, %dma_start3A_429] : memref<4x64x128xf32, #tpu.memory_space<vmem>> -> memref<1x64x128xf32, #tpu.memory_space<vmem>>
        %dma_start3A_431 = tpu.memref_squeeze %dma_start3A_430 : memref<1x64x128xf32, #tpu.memory_space<vmem>> -> memref<64x128xf32, #tpu.memory_space<vmem>>
        %dma_start3A_432 = arith.constant 0 : i32
        %dma_start3A_433 = tpu.memref_slice %arg7[%dma_start3A_427, %dma_start3A_432] : memref<1x64xi32, #tpu.memory_space<vmem>> -> memref<1x64xi32, #tpu.memory_space<vmem>>
        %dma_start3A_434 = tpu.memref_squeeze %dma_start3A_433 : memref<1x64xi32, #tpu.memory_space<vmem>> -> memref<64xi32, #tpu.memory_space<vmem>>
        %dma_start3A_435 = arith.constant 0 : i32
        %dma_start3A_436 = arith.constant 0 : i32
        %dma_start3A_437 = tpu.memref_slice %arg8[%dma_start3A_435, %dma_start3A_436] : memref<1024x128xf32, #tpu.memory_space<vmem_shared>> -> memref<1024x128xf32, #tpu.memory_space<vmem_shared>>
        tpu.enqueue_indirect_dma source(%dma_start3A_431 : memref<64x128xf32, #tpu.memory_space<vmem>>) target(%dma_start3A_437 : memref<1024x128xf32, #tpu.memory_space<vmem_shared>>) offsets(%dma_start3A_434 : memref<64xi32, #tpu.memory_space<vmem>>) semaphore(%arg15 : memref<!tpu.dma_semaphore, #tpu.memory_space<semaphore_mem>>) {add = true}
        %dma_wait3A_438 = arith.constant 2 : i32
        %dma_wait3A_439 = arith.constant 0 : i32
        %dma_wait3A_440 = arith.constant 0 : i32
        %dma_wait3A_441 = arith.constant 0 : i32
        %dma_wait3A_442 = tpu.memref_slice %arg6[%dma_wait3A_438, %dma_wait3A_440, %dma_wait3A_441] : memref<4x64x128xf32, #tpu.memory_space<vmem>> -> memref<1x64x128xf32, #tpu.memory_space<vmem>>
        %dma_wait3A_443 = tpu.memref_squeeze %dma_wait3A_442 : memref<1x64x128xf32, #tpu.memory_space<vmem>> -> memref<64x128xf32, #tpu.memory_space<vmem>>
        %dma_wait3A_444 = arith.constant 0 : i32
        %dma_wait3A_445 = tpu.memref_slice %arg7[%dma_wait3A_439, %dma_wait3A_444] : memref<1x64xi32, #tpu.memory_space<vmem>> -> memref<1x64xi32, #tpu.memory_space<vmem>>
        %dma_wait3A_446 = tpu.memref_squeeze %dma_wait3A_445 : memref<1x64xi32, #tpu.memory_space<vmem>> -> memref<64xi32, #tpu.memory_space<vmem>>
        %dma_wait3A_447 = arith.constant 0 : i32
        %dma_wait3A_448 = arith.constant 0 : i32
        %dma_wait3A_449 = tpu.memref_slice %arg8[%dma_wait3A_447, %dma_wait3A_448] : memref<1024x128xf32, #tpu.memory_space<vmem_shared>> -> memref<1024x128xf32, #tpu.memory_space<vmem_shared>>
        tpu.wait_indirect_dma semaphore(%arg15 : memref<!tpu.dma_semaphore, #tpu.memory_space<semaphore_mem>>) src(%dma_wait3A_443 : memref<64x128xf32, #tpu.memory_space<vmem>>) dst(%dma_wait3A_449 : memref<1024x128xf32, #tpu.memory_space<vmem_shared>>)
        %add3A_450 = arith.constant 4 : i32
        %add3A_451 = arith.addi %add3A_412, %add3A_450 : i32
        %lt3A_452 = arith.constant 32 : i32
        %lt3A_453 = arith.cmpi slt, %add3A_451, %lt3A_452 : i32
        %convert_element_type3A_454 = arith.extui %lt3A_453 : i1 to i32
        %cond3A_455 = arith.constant 0 : i32
        %cond3A_456 = arith.cmpi ne, %convert_element_type3A_454, %cond3A_455 : i32
        scf.if %cond3A_456 {
          %add3A_506 = arith.constant 4 : i32
          %add3A_507 = arith.addi %add3A_412, %add3A_506 : i32
          %dma_start3A_508 = arith.constant 2 : i32
          %dma_start3A_509 = arith.constant 0 : i32
          %dma_start3A_510 = arith.constant 0 : i32
          %dma_start3A_511 = tpu.memref_slice %arg6[%dma_start3A_508, %dma_start3A_509, %dma_start3A_510] : memref<4x64x128xf32, #tpu.memory_space<vmem>> -> memref<1x64x128xf32, #tpu.memory_space<vmem>>
          %dma_start3A_512 = tpu.memref_squeeze %dma_start3A_511 : memref<1x64x128xf32, #tpu.memory_space<vmem>> -> memref<64x128xf32, #tpu.memory_space<vmem>>
          %dma_start3A_513 = arith.constant 0 : i32
          %dma_start3A_514 = tpu.memref_slice %arg5[%add3A_507, %scan3A_57, %dma_start3A_513] : memref<32x5x64xi32, #tpu.memory_space<vmem>> -> memref<1x1x64xi32, #tpu.memory_space<vmem>>
          %dma_start3A_515 = tpu.memref_squeeze %dma_start3A_514 : memref<1x1x64xi32, #tpu.memory_space<vmem>> -> memref<64xi32, #tpu.memory_space<vmem>>
          %dma_start3A_516 = arith.constant 0 : i32
          %dma_start3A_517 = arith.constant 0 : i32
          %dma_start3A_518 = tpu.memref_slice %arg3[%dma_start3A_516, %dma_start3A_517] : memref<10240x128xf32, #tpu.memory_space<hbm>> -> memref<10240x128xf32, #tpu.memory_space<hbm>>
          tpu.enqueue_indirect_dma source(%dma_start3A_518 : memref<10240x128xf32, #tpu.memory_space<hbm>>) target(%dma_start3A_512 : memref<64x128xf32, #tpu.memory_space<vmem>>) offsets(%dma_start3A_515 : memref<64xi32, #tpu.memory_space<vmem>>) semaphore(%arg11 : memref<!tpu.dma_semaphore, #tpu.memory_space<semaphore_mem>>)
        } else {
        }
        %mul3A_457 = arith.constant 4 : i32
        %mul3A_458 = arith.muli %mul3A_457, %scan3A_314 : i32
        %add3A_459 = arith.constant 3 : i32
        %add3A_460 = arith.addi %mul3A_458, %add3A_459 : i32
        %dma_wait3A_461 = arith.constant 0 : i32
        %dma_wait3A_462 = arith.constant 0 : i32
        %dma_wait3A_463 = arith.constant 3 : i32
        %dma_wait3A_464 = arith.constant 0 : i32
        %dma_wait3A_465 = arith.constant 0 : i32
        %dma_wait3A_466 = tpu.memref_slice %arg6[%dma_wait3A_463, %dma_wait3A_464, %dma_wait3A_465] : memref<4x64x128xf32, #tpu.memory_space<vmem>> -> memref<1x64x128xf32, #tpu.memory_space<vmem>>
        %dma_wait3A_467 = tpu.memref_squeeze %dma_wait3A_466 : memref<1x64x128xf32, #tpu.memory_space<vmem>> -> memref<64x128xf32, #tpu.memory_space<vmem>>
        %dma_wait3A_468 = arith.constant 0 : i32
        %dma_wait3A_469 = tpu.memref_slice %arg5[%dma_wait3A_461, %dma_wait3A_462, %dma_wait3A_468] : memref<32x5x64xi32, #tpu.memory_space<vmem>> -> memref<1x1x64xi32, #tpu.memory_space<vmem>>
        %dma_wait3A_470 = tpu.memref_squeeze %dma_wait3A_469 : memref<1x1x64xi32, #tpu.memory_space<vmem>> -> memref<64xi32, #tpu.memory_space<vmem>>
        %dma_wait3A_471 = arith.constant 0 : i32
        %dma_wait3A_472 = arith.constant 0 : i32
        %dma_wait3A_473 = tpu.memref_slice %arg3[%dma_wait3A_471, %dma_wait3A_472] : memref<10240x128xf32, #tpu.memory_space<hbm>> -> memref<10240x128xf32, #tpu.memory_space<hbm>>
        tpu.wait_indirect_dma semaphore(%arg12 : memref<!tpu.dma_semaphore, #tpu.memory_space<semaphore_mem>>) src(%dma_wait3A_473 : memref<10240x128xf32, #tpu.memory_space<hbm>>) dst(%dma_wait3A_467 : memref<64x128xf32, #tpu.memory_space<vmem>>)
        %dma_start3A_474 = arith.constant 3 : i32
        %dma_start3A_475 = arith.constant 0 : i32
        %dma_start3A_476 = arith.constant 0 : i32
        %dma_start3A_477 = arith.constant 0 : i32
        %dma_start3A_478 = tpu.memref_slice %arg6[%dma_start3A_474, %dma_start3A_476, %dma_start3A_477] : memref<4x64x128xf32, #tpu.memory_space<vmem>> -> memref<1x64x128xf32, #tpu.memory_space<vmem>>
        %dma_start3A_479 = tpu.memref_squeeze %dma_start3A_478 : memref<1x64x128xf32, #tpu.memory_space<vmem>> -> memref<64x128xf32, #tpu.memory_space<vmem>>
        %dma_start3A_480 = arith.constant 0 : i32
        %dma_start3A_481 = tpu.memref_slice %arg7[%dma_start3A_475, %dma_start3A_480] : memref<1x64xi32, #tpu.memory_space<vmem>> -> memref<1x64xi32, #tpu.memory_space<vmem>>
        %dma_start3A_482 = tpu.memref_squeeze %dma_start3A_481 : memref<1x64xi32, #tpu.memory_space<vmem>> -> memref<64xi32, #tpu.memory_space<vmem>>
        %dma_start3A_483 = arith.constant 0 : i32
        %dma_start3A_484 = arith.constant 0 : i32
        %dma_start3A_485 = tpu.memref_slice %arg8[%dma_start3A_483, %dma_start3A_484] : memref<1024x128xf32, #tpu.memory_space<vmem_shared>> -> memref<1024x128xf32, #tpu.memory_space<vmem_shared>>
        tpu.enqueue_indirect_dma source(%dma_start3A_479 : memref<64x128xf32, #tpu.memory_space<vmem>>) target(%dma_start3A_485 : memref<1024x128xf32, #tpu.memory_space<vmem_shared>>) offsets(%dma_start3A_482 : memref<64xi32, #tpu.memory_space<vmem>>) semaphore(%arg16 : memref<!tpu.dma_semaphore, #tpu.memory_space<semaphore_mem>>) {add = true}
        %dma_wait3A_486 = arith.constant 3 : i32
        %dma_wait3A_487 = arith.constant 0 : i32
        %dma_wait3A_488 = arith.constant 0 : i32
        %dma_wait3A_489 = arith.constant 0 : i32
        %dma_wait3A_490 = tpu.memref_slice %arg6[%dma_wait3A_486, %dma_wait3A_488, %dma_wait3A_489] : memref<4x64x128xf32, #tpu.memory_space<vmem>> -> memref<1x64x128xf32, #tpu.memory_space<vmem>>
        %dma_wait3A_491 = tpu.memref_squeeze %dma_wait3A_490 : memref<1x64x128xf32, #tpu.memory_space<vmem>> -> memref<64x128xf32, #tpu.memory_space<vmem>>
        %dma_wait3A_492 = arith.constant 0 : i32
        %dma_wait3A_493 = tpu.memref_slice %arg7[%dma_wait3A_487, %dma_wait3A_492] : memref<1x64xi32, #tpu.memory_space<vmem>> -> memref<1x64xi32, #tpu.memory_space<vmem>>
        %dma_wait3A_494 = tpu.memref_squeeze %dma_wait3A_493 : memref<1x64xi32, #tpu.memory_space<vmem>> -> memref<64xi32, #tpu.memory_space<vmem>>
        %dma_wait3A_495 = arith.constant 0 : i32
        %dma_wait3A_496 = arith.constant 0 : i32
        %dma_wait3A_497 = tpu.memref_slice %arg8[%dma_wait3A_495, %dma_wait3A_496] : memref<1024x128xf32, #tpu.memory_space<vmem_shared>> -> memref<1024x128xf32, #tpu.memory_space<vmem_shared>>
        tpu.wait_indirect_dma semaphore(%arg16 : memref<!tpu.dma_semaphore, #tpu.memory_space<semaphore_mem>>) src(%dma_wait3A_491 : memref<64x128xf32, #tpu.memory_space<vmem>>) dst(%dma_wait3A_497 : memref<1024x128xf32, #tpu.memory_space<vmem_shared>>)
        %add3A_498 = arith.constant 4 : i32
        %add3A_499 = arith.addi %add3A_460, %add3A_498 : i32
        %lt3A_500 = arith.constant 32 : i32
        %lt3A_501 = arith.cmpi slt, %add3A_499, %lt3A_500 : i32
        %convert_element_type3A_502 = arith.extui %lt3A_501 : i1 to i32
        %cond3A_503 = arith.constant 0 : i32
        %cond3A_504 = arith.cmpi ne, %convert_element_type3A_502, %cond3A_503 : i32
        scf.if %cond3A_504 {
          %add3A_506 = arith.constant 4 : i32
          %add3A_507 = arith.addi %add3A_460, %add3A_506 : i32
          %dma_start3A_508 = arith.constant 3 : i32
          %dma_start3A_509 = arith.constant 0 : i32
          %dma_start3A_510 = arith.constant 0 : i32
          %dma_start3A_511 = tpu.memref_slice %arg6[%dma_start3A_508, %dma_start3A_509, %dma_start3A_510] : memref<4x64x128xf32, #tpu.memory_space<vmem>> -> memref<1x64x128xf32, #tpu.memory_space<vmem>>
          %dma_start3A_512 = tpu.memref_squeeze %dma_start3A_511 : memref<1x64x128xf32, #tpu.memory_space<vmem>> -> memref<64x128xf32, #tpu.memory_space<vmem>>
          %dma_start3A_513 = arith.constant 0 : i32
          %dma_start3A_514 = tpu.memref_slice %arg5[%add3A_507, %scan3A_57, %dma_start3A_513] : memref<32x5x64xi32, #tpu.memory_space<vmem>> -> memref<1x1x64xi32, #tpu.memory_space<vmem>>
          %dma_start3A_515 = tpu.memref_squeeze %dma_start3A_514 : memref<1x1x64xi32, #tpu.memory_space<vmem>> -> memref<64xi32, #tpu.memory_space<vmem>>
          %dma_start3A_516 = arith.constant 0 : i32
          %dma_start3A_517 = arith.constant 0 : i32
          %dma_start3A_518 = tpu.memref_slice %arg3[%dma_start3A_516, %dma_start3A_517] : memref<10240x128xf32, #tpu.memory_space<hbm>> -> memref<10240x128xf32, #tpu.memory_space<hbm>>
          tpu.enqueue_indirect_dma source(%dma_start3A_518 : memref<10240x128xf32, #tpu.memory_space<hbm>>) target(%dma_start3A_512 : memref<64x128xf32, #tpu.memory_space<vmem>>) offsets(%dma_start3A_515 : memref<64xi32, #tpu.memory_space<vmem>>) semaphore(%arg12 : memref<!tpu.dma_semaphore, #tpu.memory_space<semaphore_mem>>)
        } else {
        }
        %scan3A_505 = arith.constant 0 : i32
        scf.yield %scan3A_505 : i32
      }
      %scan3A_309 = arith.constant 7 : i32
      %mul3A_310 = arith.constant 64 : i32
      %mul3A_311 = arith.muli %scan3A_57, %mul3A_310 : i32
      %add3A_312 = arith.addi %mul3A_2, %mul3A_311 : i32
      "tpu.region"() ({
        %run_scoped3A = tpu.sem_alloc : memref<!tpu.dma_semaphore, #tpu.memory_space<semaphore_mem>>
        %dma_start3A_314 = arith.constant 0 : i32
        %dma_start3A_315 = tpu.memref_slice %arg4[%add3A_312, %dma_start3A_314] : memref<10240x128xf32, #tpu.memory_space<hbm>> -> memref<64x128xf32, #tpu.memory_space<hbm>>
        %dma_start3A_316 = arith.constant 0 : i32
        %dma_start3A_317 = tpu.memref_slice %arg8[%mul3A_4, %dma_start3A_316] : memref<1024x128xf32, #tpu.memory_space<vmem_shared>> -> memref<64x128xf32, #tpu.memory_space<vmem_shared>>
        tpu.enqueue_dma source(%dma_start3A_317 : memref<64x128xf32, #tpu.memory_space<vmem_shared>>) target(%dma_start3A_315 : memref<64x128xf32, #tpu.memory_space<hbm>>) target_semaphore(%run_scoped3A : memref<!tpu.dma_semaphore, #tpu.memory_space<semaphore_mem>>)
        %dma_wait3A_318 = arith.constant 0 : i32
        %dma_wait3A_319 = tpu.memref_slice %arg4[%add3A_312, %dma_wait3A_318] : memref<10240x128xf32, #tpu.memory_space<hbm>> -> memref<64x128xf32, #tpu.memory_space<hbm>>
        %dma_wait3A_320 = arith.constant 0 : i32
        %dma_wait3A_321 = tpu.memref_slice %arg8[%mul3A_4, %dma_wait3A_320] : memref<1024x128xf32, #tpu.memory_space<vmem_shared>> -> memref<64x128xf32, #tpu.memory_space<vmem_shared>>
        tpu.wait_dma2 semaphore(%run_scoped3A : memref<!tpu.dma_semaphore, #tpu.memory_space<semaphore_mem>>) src(%dma_wait3A_321 : memref<64x128xf32, #tpu.memory_space<vmem_shared>>) dst(%dma_wait3A_319 : memref<64x128xf32, #tpu.memory_space<hbm>>)
        tpu.yield
      }) : () -> ()
      %scan3A_313 = arith.constant 0 : i32
      scf.yield %scan3A_313 : i32
    }
    %scan3A_56 = arith.constant 5 : i32
    return
  }
}

#map = affine_map<(d0, d1) -> (0, 0, 0, 0)>
#map1 = affine_map<(d0, d1) -> (0, 0)>
module attributes {stable_mosaic.version = 14 : i64} {
  func.func @body(%arg0: i32, %arg1: i32, %arg2: memref<32x32x5x64xi32, #tpu.memory_space<hbm>>, %arg3: memref<10240x128xf32, #tpu.memory_space<hbm>>, %arg4: memref<10240x128xf32, #tpu.memory_space<hbm>>, %arg5: memref<32x5x64xi32, #tpu.memory_space<vmem>>, %arg6: memref<4x64x128xf32, #tpu.memory_space<vmem>>, %arg7: memref<1x64xi32, #tpu.memory_space<vmem>>, %arg8: memref<1024x128xf32, #tpu.memory_space<vmem_shared>>, %arg9: memref<!tpu.dma_semaphore, #tpu.memory_space<semaphore_mem>>, %arg10: memref<!tpu.dma_semaphore, #tpu.memory_space<semaphore_mem>>, %arg11: memref<!tpu.dma_semaphore, #tpu.memory_space<semaphore_mem>>, %arg12: memref<!tpu.dma_semaphore, #tpu.memory_space<semaphore_mem>>, %arg13: memref<!tpu.dma_semaphore, #tpu.memory_space<semaphore_mem>>, %arg14: memref<!tpu.dma_semaphore, #tpu.memory_space<semaphore_mem>>, %arg15: memref<!tpu.dma_semaphore, #tpu.memory_space<semaphore_mem>>, %arg16: memref<!tpu.dma_semaphore, #tpu.memory_space<semaphore_mem>>) attributes {dimension_semantics = [#tpu.dimension_semantics<core_parallel>, #tpu.dimension_semantics<subcore_parallel>], iteration_bounds = array<i64: 2, 16>, scalar_prefetch = 0 : i64, scratch_operands = 12 : i64, tpu.core_type = #tpu.core_type<sc_vector_subcore>, window_params = [{transform_indices = #map}, {transform_indices = #map1}, {transform_indices = #map1}]} {
    %mul3A = arith.constant 16 : i32
    %mul3A_0 = arith.muli %arg0, %mul3A : i32
    %add3A = arith.addi %mul3A_0, %arg1 : i32
    %mul3A_1 = arith.constant 320 : i32
    %mul3A_2 = arith.muli %add3A, %mul3A_1 : i32
    %mul3A_3 = arith.constant 64 : i32
    %mul3A_4 = arith.muli %arg1, %mul3A_3 : i32
    %iota3A = tpu.iota {dimensions = array<i32: 0>} : vector<16xi32>
    %add3A_5 = vector.broadcast %mul3A_4 : i32 to vector<16xi32>
    %add3A_6 = arith.addi %iota3A, %add3A_5 : vector<16xi32>
    %add3A_7 = arith.constant 0 : i32
    %add3A_8 = vector.broadcast %add3A_7 : i32 to vector<16xi32>
    %add3A_9 = arith.addi %add3A_6, %add3A_8 : vector<16xi32>
    %swap3A = arith.constant 0 : i32
    %swap3A_10 = arith.index_cast %swap3A : i32 to index
    %swap3A_11 = arith.constant 0 : index
    %swap3A_12 = tpu.vector_load %arg7[%swap3A_10, %swap3A_11] {strides = array<i32>} : memref<1x64xi32, #tpu.memory_space<vmem>>, vector<1x16xi32>,
    %swap3A_13 = vector.shape_cast %swap3A_12 : vector<1x16xi32> to vector<16xi32>
    %swap3A_14 = vector.shape_cast %add3A_9 : vector<16xi32> to vector<1x16xi32>
    tpu.vector_store %arg7[%swap3A_10, %swap3A_11], %swap3A_14 {strides = array<i32>} : memref<1x64xi32, #tpu.memory_space<vmem>>, vector<1x16xi32>,
    %iota3A_15 = tpu.iota {dimensions = array<i32: 0>} : vector<16xi32>
    %add3A_16 = vector.broadcast %mul3A_4 : i32 to vector<16xi32>
    %add3A_17 = arith.addi %iota3A_15, %add3A_16 : vector<16xi32>
    %add3A_18 = arith.constant 16 : i32
    %add3A_19 = vector.broadcast %add3A_18 : i32 to vector<16xi32>
    %add3A_20 = arith.addi %add3A_17, %add3A_19 : vector<16xi32>
    %swap3A_21 = arith.constant 0 : i32
    %swap3A_22 = arith.index_cast %swap3A_21 : i32 to index
    %swap3A_23 = arith.constant 16 : index
    %swap3A_24 = tpu.vector_load %arg7[%swap3A_22, %swap3A_23] {strides = array<i32>} : memref<1x64xi32, #tpu.memory_space<vmem>>, vector<1x16xi32>,
    %swap3A_25 = vector.shape_cast %swap3A_24 : vector<1x16xi32> to vector<16xi32>
    %swap3A_26 = vector.shape_cast %add3A_20 : vector<16xi32> to vector<1x16xi32>
    tpu.vector_store %arg7[%swap3A_22, %swap3A_23], %swap3A_26 {strides = array<i32>} : memref<1x64xi32, #tpu.memory_space<vmem>>, vector<1x16xi32>,
    %iota3A_27 = tpu.iota {dimensions = array<i32: 0>} : vector<16xi32>
    %add3A_28 = vector.broadcast %mul3A_4 : i32 to vector<16xi32>
    %add3A_29 = arith.addi %iota3A_27, %add3A_28 : vector<16xi32>
    %add3A_30 = arith.constant 32 : i32
    %add3A_31 = vector.broadcast %add3A_30 : i32 to vector<16xi32>
    %add3A_32 = arith.addi %add3A_29, %add3A_31 : vector<16xi32>
    %swap3A_33 = arith.constant 0 : i32
    %swap3A_34 = arith.index_cast %swap3A_33 : i32 to index
    %swap3A_35 = arith.constant 32 : index
    %swap3A_36 = tpu.vector_load %arg7[%swap3A_34, %swap3A_35] {strides = array<i32>} : memref<1x64xi32, #tpu.memory_space<vmem>>, vector<1x16xi32>,
    %swap3A_37 = vector.shape_cast %swap3A_36 : vector<1x16xi32> to vector<16xi32>
    %swap3A_38 = vector.shape_cast %add3A_32 : vector<16xi32> to vector<1x16xi32>
    tpu.vector_store %arg7[%swap3A_34, %swap3A_35], %swap3A_38 {strides = array<i32>} : memref<1x64xi32, #tpu.memory_space<vmem>>, vector<1x16xi32>,
    %iota3A_39 = tpu.iota {dimensions = array<i32: 0>} : vector<16xi32>
    %add3A_40 = vector.broadcast %mul3A_4 : i32 to vector<16xi32>
    %add3A_41 = arith.addi %iota3A_39, %add3A_40 : vector<16xi32>
    %add3A_42 = arith.constant 48 : i32
    %add3A_43 = vector.broadcast %add3A_42 : i32 to vector<16xi32>
    %add3A_44 = arith.addi %add3A_41, %add3A_43 : vector<16xi32>
    %swap3A_45 = arith.constant 0 : i32
    %swap3A_46 = arith.index_cast %swap3A_45 : i32 to index
    %swap3A_47 = arith.constant 48 : index
    %swap3A_48 = tpu.vector_load %arg7[%swap3A_46, %swap3A_47] {strides = array<i32>} : memref<1x64xi32, #tpu.memory_space<vmem>>, vector<1x16xi32>,
    %swap3A_49 = vector.shape_cast %swap3A_48 : vector<1x16xi32> to vector<16xi32>
    %swap3A_50 = vector.shape_cast %add3A_44 : vector<16xi32> to vector<1x16xi32>
    tpu.vector_store %arg7[%swap3A_46, %swap3A_47], %swap3A_50 {strides = array<i32>} : memref<1x64xi32, #tpu.memory_space<vmem>>, vector<1x16xi32>,
    "tpu.region"() ({
      %run_scoped3A = tpu.sem_alloc : memref<!tpu.dma_semaphore, #tpu.memory_space<semaphore_mem>>
      %dma_start3A = arith.constant 0 : i32
      %dma_start3A_57 = arith.constant 0 : i32
      %dma_start3A_58 = arith.constant 0 : i32
      %dma_start3A_59 = tpu.memref_slice %arg2[%add3A, %dma_start3A, %dma_start3A_57, %dma_start3A_58] : memref<32x32x5x64xi32, #tpu.memory_space<hbm>> -> memref<1x32x5x64xi32, #tpu.memory_space<hbm>>
      %dma_start3A_60 = tpu.memref_squeeze %dma_start3A_59 : memref<1x32x5x64xi32, #tpu.memory_space<hbm>> -> memref<32x5x64xi32, #tpu.memory_space<hbm>>
      %dma_start3A_61 = arith.constant 0 : i32
      %dma_start3A_62 = arith.constant 0 : i32
      %dma_start3A_63 = arith.constant 0 : i32
      %dma_start3A_64 = tpu.memref_slice %arg2[%add3A, %dma_start3A_61, %dma_start3A_62, %dma_start3A_63] : memref<32x32x5x64xi32, #tpu.memory_space<hbm>> -> memref<1x32x5x64xi32, #tpu.memory_space<hbm>>
      %dma_start3A_65 = tpu.memref_squeeze %dma_start3A_64 : memref<1x32x5x64xi32, #tpu.memory_space<hbm>> -> memref<32x5x64xi32, #tpu.memory_space<hbm>>
      tpu.enqueue_dma source(%dma_start3A_65 : memref<32x5x64xi32, #tpu.memory_space<hbm>>) target(%arg5 : memref<32x5x64xi32, #tpu.memory_space<vmem>>) target_semaphore(%run_scoped3A : memref<!tpu.dma_semaphore, #tpu.memory_space<semaphore_mem>>)
      %dma_wait3A = arith.constant 0 : i32
      %dma_wait3A_66 = arith.constant 0 : i32
      %dma_wait3A_67 = arith.constant 0 : i32
      %dma_wait3A_68 = tpu.memref_slice %arg2[%add3A, %dma_wait3A, %dma_wait3A_66, %dma_wait3A_67] : memref<32x32x5x64xi32, #tpu.memory_space<hbm>> -> memref<1x32x5x64xi32, #tpu.memory_space<hbm>>
      %dma_wait3A_69 = tpu.memref_squeeze %dma_wait3A_68 : memref<1x32x5x64xi32, #tpu.memory_space<hbm>> -> memref<32x5x64xi32, #tpu.memory_space<hbm>>
      %dma_wait3A_70 = arith.constant 0 : i32
      %dma_wait3A_71 = arith.constant 0 : i32
      %dma_wait3A_72 = arith.constant 0 : i32
      %dma_wait3A_73 = tpu.memref_slice %arg2[%add3A, %dma_wait3A_70, %dma_wait3A_71, %dma_wait3A_72] : memref<32x32x5x64xi32, #tpu.memory_space<hbm>> -> memref<1x32x5x64xi32, #tpu.memory_space<hbm>>
      %dma_wait3A_74 = tpu.memref_squeeze %dma_wait3A_73 : memref<1x32x5x64xi32, #tpu.memory_space<hbm>> -> memref<32x5x64xi32, #tpu.memory_space<hbm>>
      tpu.wait_dma2 semaphore(%run_scoped3A : memref<!tpu.dma_semaphore, #tpu.memory_space<semaphore_mem>>) src(%dma_wait3A_74 : memref<32x5x64xi32, #tpu.memory_space<hbm>>) dst(%arg5 : memref<32x5x64xi32, #tpu.memory_space<vmem>>)
      tpu.yield
    }) : () -> ()
    %scan3A = arith.constant 0 : i32
    %scan3A_51 = arith.constant 0 : i32
    %scan3A_52 = arith.constant 5 : i32
    %scan3A_53 = arith.addi %scan3A_51, %scan3A_52 : i32
    %scan3A_54 = arith.constant 1 : i32
    %scan3A_55 = scf.for %scan3A_57 = %scan3A_51 to %scan3A_53 step %scan3A_54 iter_args(%scan3A_58 = %scan3A) -> (i32)  : i32 {
      %dma_start3A = arith.constant 0 : i32
      %dma_start3A_59 = arith.constant 0 : i32
      %dma_start3A_60 = arith.constant 0 : i32
      %dma_start3A_61 = arith.constant 0 : i32
      %dma_start3A_62 = tpu.memref_slice %arg6[%dma_start3A_59, %dma_start3A_60, %dma_start3A_61] : memref<4x64x128xf32, #tpu.memory_space<vmem>> -> memref<1x64x128xf32, #tpu.memory_space<vmem>>
      %dma_start3A_63 = tpu.memref_squeeze %dma_start3A_62 : memref<1x64x128xf32, #tpu.memory_space<vmem>> -> memref<64x128xf32, #tpu.memory_space<vmem>>
      %dma_start3A_64 = arith.constant 0 : i32
      %dma_start3A_65 = tpu.memref_slice %arg5[%dma_start3A, %scan3A_57, %dma_start3A_64] : memref<32x5x64xi32, #tpu.memory_space<vmem>> -> memref<1x1x64xi32, #tpu.memory_space<vmem>>
      %dma_start3A_66 = tpu.memref_squeeze %dma_start3A_65 : memref<1x1x64xi32, #tpu.memory_space<vmem>> -> memref<64xi32, #tpu.memory_space<vmem>>
      %dma_start3A_67 = arith.constant 0 : i32
      %dma_start3A_68 = arith.constant 0 : i32
      %dma_start3A_69 = tpu.memref_slice %arg3[%dma_start3A_67, %dma_start3A_68] : memref<10240x128xf32, #tpu.memory_space<hbm>> -> memref<10240x128xf32, #tpu.memory_space<hbm>>
      tpu.enqueue_indirect_dma source(%dma_start3A_69 : memref<10240x128xf32, #tpu.memory_space<hbm>>) target(%dma_start3A_63 : memref<64x128xf32, #tpu.memory_space<vmem>>) offsets(%dma_start3A_66 : memref<64xi32, #tpu.memory_space<vmem>>) semaphore(%arg9 : memref<!tpu.dma_semaphore, #tpu.memory_space<semaphore_mem>>)
      %dma_start3A_70 = arith.constant 1 : i32
      %dma_start3A_71 = arith.constant 1 : i32
      %dma_start3A_72 = arith.constant 0 : i32
      %dma_start3A_73 = arith.constant 0 : i32
      %dma_start3A_74 = tpu.memref_slice %arg6[%dma_start3A_71, %dma_start3A_72, %dma_start3A_73] : memref<4x64x128xf32, #tpu.memory_space<vmem>> -> memref<1x64x128xf32, #tpu.memory_space<vmem>>
      %dma_start3A_75 = tpu.memref_squeeze %dma_start3A_74 : memref<1x64x128xf32, #tpu.memory_space<vmem>> -> memref<64x128xf32, #tpu.memory_space<vmem>>
      %dma_start3A_76 = arith.constant 0 : i32
      %dma_start3A_77 = tpu.memref_slice %arg5[%dma_start3A_70, %scan3A_57, %dma_start3A_76] : memref<32x5x64xi32, #tpu.memory_space<vmem>> -> memref<1x1x64xi32, #tpu.memory_space<vmem>>
      %dma_start3A_78 = tpu.memref_squeeze %dma_start3A_77 : memref<1x1x64xi32, #tpu.memory_space<vmem>> -> memref<64xi32, #tpu.memory_space<vmem>>
      %dma_start3A_79 = arith.constant 0 : i32
      %dma_start3A_80 = arith.constant 0 : i32
      %dma_start3A_81 = tpu.memref_slice %arg3[%dma_start3A_79, %dma_start3A_80] : memref<10240x128xf32, #tpu.memory_space<hbm>> -> memref<10240x128xf32, #tpu.memory_space<hbm>>
      tpu.enqueue_indirect_dma source(%dma_start3A_81 : memref<10240x128xf32, #tpu.memory_space<hbm>>) target(%dma_start3A_75 : memref<64x128xf32, #tpu.memory_space<vmem>>) offsets(%dma_start3A_78 : memref<64xi32, #tpu.memory_space<vmem>>) semaphore(%arg10 : memref<!tpu.dma_semaphore, #tpu.memory_space<semaphore_mem>>)
      %dma_start3A_82 = arith.constant 2 : i32
      %dma_start3A_83 = arith.constant 2 : i32
      %dma_start3A_84 = arith.constant 0 : i32
      %dma_start3A_85 = arith.constant 0 : i32
      %dma_start3A_86 = tpu.memref_slice %arg6[%dma_start3A_83, %dma_start3A_84, %dma_start3A_85] : memref<4x64x128xf32, #tpu.memory_space<vmem>> -> memref<1x64x128xf32, #tpu.memory_space<vmem>>
      %dma_start3A_87 = tpu.memref_squeeze %dma_start3A_86 : memref<1x64x128xf32, #tpu.memory_space<vmem>> -> memref<64x128xf32, #tpu.memory_space<vmem>>
      %dma_start3A_88 = arith.constant 0 : i32
      %dma_start3A_89 = tpu.memref_slice %arg5[%dma_start3A_82, %scan3A_57, %dma_start3A_88] : memref<32x5x64xi32, #tpu.memory_space<vmem>> -> memref<1x1x64xi32, #tpu.memory_space<vmem>>
      %dma_start3A_90 = tpu.memref_squeeze %dma_start3A_89 : memref<1x1x64xi32, #tpu.memory_space<vmem>> -> memref<64xi32, #tpu.memory_space<vmem>>
      %dma_start3A_91 = arith.constant 0 : i32
      %dma_start3A_92 = arith.constant 0 : i32
      %dma_start3A_93 = tpu.memref_slice %arg3[%dma_start3A_91, %dma_start3A_92] : memref<10240x128xf32, #tpu.memory_space<hbm>> -> memref<10240x128xf32, #tpu.memory_space<hbm>>
      tpu.enqueue_indirect_dma source(%dma_start3A_93 : memref<10240x128xf32, #tpu.memory_space<hbm>>) target(%dma_start3A_87 : memref<64x128xf32, #tpu.memory_space<vmem>>) offsets(%dma_start3A_90 : memref<64xi32, #tpu.memory_space<vmem>>) semaphore(%arg11 : memref<!tpu.dma_semaphore, #tpu.memory_space<semaphore_mem>>)
      %dma_start3A_94 = arith.constant 3 : i32
      %dma_start3A_95 = arith.constant 3 : i32
      %dma_start3A_96 = arith.constant 0 : i32
      %dma_start3A_97 = arith.constant 0 : i32
      %dma_start3A_98 = tpu.memref_slice %arg6[%dma_start3A_95, %dma_start3A_96, %dma_start3A_97] : memref<4x64x128xf32, #tpu.memory_space<vmem>> -> memref<1x64x128xf32, #tpu.memory_space<vmem>>
      %dma_start3A_99 = tpu.memref_squeeze %dma_start3A_98 : memref<1x64x128xf32, #tpu.memory_space<vmem>> -> memref<64x128xf32, #tpu.memory_space<vmem>>
      %dma_start3A_100 = arith.constant 0 : i32
      %dma_start3A_101 = tpu.memref_slice %arg5[%dma_start3A_94, %scan3A_57, %dma_start3A_100] : memref<32x5x64xi32, #tpu.memory_space<vmem>> -> memref<1x1x64xi32, #tpu.memory_space<vmem>>
      %dma_start3A_102 = tpu.memref_squeeze %dma_start3A_101 : memref<1x1x64xi32, #tpu.memory_space<vmem>> -> memref<64xi32, #tpu.memory_space<vmem>>
      %dma_start3A_103 = arith.constant 0 : i32
      %dma_start3A_104 = arith.constant 0 : i32
      %dma_start3A_105 = tpu.memref_slice %arg3[%dma_start3A_103, %dma_start3A_104] : memref<10240x128xf32, #tpu.memory_space<hbm>> -> memref<10240x128xf32, #tpu.memory_space<hbm>>
      tpu.enqueue_indirect_dma source(%dma_start3A_105 : memref<10240x128xf32, #tpu.memory_space<hbm>>) target(%dma_start3A_99 : memref<64x128xf32, #tpu.memory_space<vmem>>) offsets(%dma_start3A_102 : memref<64xi32, #tpu.memory_space<vmem>>) semaphore(%arg12 : memref<!tpu.dma_semaphore, #tpu.memory_space<semaphore_mem>>)
      %dma_wait3A = arith.constant 0 : i32
      %dma_wait3A_106 = arith.constant 0 : i32
      %dma_wait3A_107 = arith.constant 0 : i32
      %dma_wait3A_108 = arith.constant 0 : i32
      %dma_wait3A_109 = arith.constant 0 : i32
      %dma_wait3A_110 = tpu.memref_slice %arg6[%dma_wait3A_107, %dma_wait3A_108, %dma_wait3A_109] : memref<4x64x128xf32, #tpu.memory_space<vmem>> -> memref<1x64x128xf32, #tpu.memory_space<vmem>>
      %dma_wait3A_111 = tpu.memref_squeeze %dma_wait3A_110 : memref<1x64x128xf32, #tpu.memory_space<vmem>> -> memref<64x128xf32, #tpu.memory_space<vmem>>
      %dma_wait3A_112 = arith.constant 0 : i32
      %dma_wait3A_113 = tpu.memref_slice %arg5[%dma_wait3A, %dma_wait3A_106, %dma_wait3A_112] : memref<32x5x64xi32, #tpu.memory_space<vmem>> -> memref<1x1x64xi32, #tpu.memory_space<vmem>>
      %dma_wait3A_114 = tpu.memref_squeeze %dma_wait3A_113 : memref<1x1x64xi32, #tpu.memory_space<vmem>> -> memref<64xi32, #tpu.memory_space<vmem>>
      %dma_wait3A_115 = arith.constant 0 : i32
      %dma_wait3A_116 = arith.constant 0 : i32
      %dma_wait3A_117 = tpu.memref_slice %arg3[%dma_wait3A_115, %dma_wait3A_116] : memref<10240x128xf32, #tpu.memory_space<hbm>> -> memref<10240x128xf32, #tpu.memory_space<hbm>>
      tpu.wait_indirect_dma semaphore(%arg9 : memref<!tpu.dma_semaphore, #tpu.memory_space<semaphore_mem>>) src(%dma_wait3A_117 : memref<10240x128xf32, #tpu.memory_space<hbm>>) dst(%dma_wait3A_111 : memref<64x128xf32, #tpu.memory_space<vmem>>)
      %dma_start3A_118 = arith.constant 0 : i32
      %dma_start3A_119 = arith.constant 0 : i32
      %dma_start3A_120 = arith.constant 0 : i32
      %dma_start3A_121 = tpu.memref_slice %arg6[%dma_start3A_118, %dma_start3A_119, %dma_start3A_120] : memref<4x64x128xf32, #tpu.memory_space<vmem>> -> memref<1x64x128xf32, #tpu.memory_space<vmem>>
      %dma_start3A_122 = tpu.memref_squeeze %dma_start3A_121 : memref<1x64x128xf32, #tpu.memory_space<vmem>> -> memref<64x128xf32, #tpu.memory_space<vmem>>
      %dma_start3A_123 = arith.constant 0 : i32
      %dma_start3A_124 = tpu.memref_slice %arg8[%mul3A_4, %dma_start3A_123] : memref<1024x128xf32, #tpu.memory_space<vmem_shared>> -> memref<64x128xf32, #tpu.memory_space<vmem_shared>>
      %dma_start3A_125 = arith.constant 0 : i32
      %dma_start3A_126 = tpu.memref_slice %arg8[%mul3A_4, %dma_start3A_125] : memref<1024x128xf32, #tpu.memory_space<vmem_shared>> -> memref<64x128xf32, #tpu.memory_space<vmem_shared>>
      %dma_start3A_127 = arith.constant 0 : i32
      %dma_start3A_128 = arith.constant 0 : i32
      %dma_start3A_129 = tpu.memref_slice %arg6[%dma_start3A_118, %dma_start3A_127, %dma_start3A_128] : memref<4x64x128xf32, #tpu.memory_space<vmem>> -> memref<1x64x128xf32, #tpu.memory_space<vmem>>
      %dma_start3A_130 = tpu.memref_squeeze %dma_start3A_129 : memref<1x64x128xf32, #tpu.memory_space<vmem>> -> memref<64x128xf32, #tpu.memory_space<vmem>>
      tpu.enqueue_dma source(%dma_start3A_130 : memref<64x128xf32, #tpu.memory_space<vmem>>) target(%dma_start3A_126 : memref<64x128xf32, #tpu.memory_space<vmem_shared>>) target_semaphore(%arg13 : memref<!tpu.dma_semaphore, #tpu.memory_space<semaphore_mem>>)
      %dma_wait3A_131 = arith.constant 0 : i32
      %dma_wait3A_132 = arith.constant 0 : i32
      %dma_wait3A_133 = arith.constant 0 : i32
      %dma_wait3A_134 = tpu.memref_slice %arg6[%dma_wait3A_131, %dma_wait3A_132, %dma_wait3A_133] : memref<4x64x128xf32, #tpu.memory_space<vmem>> -> memref<1x64x128xf32, #tpu.memory_space<vmem>>
      %dma_wait3A_135 = tpu.memref_squeeze %dma_wait3A_134 : memref<1x64x128xf32, #tpu.memory_space<vmem>> -> memref<64x128xf32, #tpu.memory_space<vmem>>
      %dma_wait3A_136 = arith.constant 0 : i32
      %dma_wait3A_137 = tpu.memref_slice %arg8[%mul3A_4, %dma_wait3A_136] : memref<1024x128xf32, #tpu.memory_space<vmem_shared>> -> memref<64x128xf32, #tpu.memory_space<vmem_shared>>
      %dma_wait3A_138 = arith.constant 0 : i32
      %dma_wait3A_139 = tpu.memref_slice %arg8[%mul3A_4, %dma_wait3A_138] : memref<1024x128xf32, #tpu.memory_space<vmem_shared>> -> memref<64x128xf32, #tpu.memory_space<vmem_shared>>
      %dma_wait3A_140 = arith.constant 0 : i32
      %dma_wait3A_141 = arith.constant 0 : i32
      %dma_wait3A_142 = tpu.memref_slice %arg6[%dma_wait3A_131, %dma_wait3A_140, %dma_wait3A_141] : memref<4x64x128xf32, #tpu.memory_space<vmem>> -> memref<1x64x128xf32, #tpu.memory_space<vmem>>
      %dma_wait3A_143 = tpu.memref_squeeze %dma_wait3A_142 : memref<1x64x128xf32, #tpu.memory_space<vmem>> -> memref<64x128xf32, #tpu.memory_space<vmem>>
      tpu.wait_dma2 semaphore(%arg13 : memref<!tpu.dma_semaphore, #tpu.memory_space<semaphore_mem>>) src(%dma_wait3A_143 : memref<64x128xf32, #tpu.memory_space<vmem>>) dst(%dma_wait3A_139 : memref<64x128xf32, #tpu.memory_space<vmem_shared>>)
      %dma_start3A_144 = arith.constant 4 : i32
      %dma_start3A_145 = arith.constant 0 : i32
      %dma_start3A_146 = arith.constant 0 : i32
      %dma_start3A_147 = arith.constant 0 : i32
      %dma_start3A_148 = tpu.memref_slice %arg6[%dma_start3A_145, %dma_start3A_146, %dma_start3A_147] : memref<4x64x128xf32, #tpu.memory_space<vmem>> -> memref<1x64x128xf32, #tpu.memory_space<vmem>>
      %dma_start3A_149 = tpu.memref_squeeze %dma_start3A_148 : memref<1x64x128xf32, #tpu.memory_space<vmem>> -> memref<64x128xf32, #tpu.memory_space<vmem>>
      %dma_start3A_150 = arith.constant 0 : i32
      %dma_start3A_151 = tpu.memref_slice %arg5[%dma_start3A_144, %scan3A_57, %dma_start3A_150] : memref<32x5x64xi32, #tpu.memory_space<vmem>> -> memref<1x1x64xi32, #tpu.memory_space<vmem>>
      %dma_start3A_152 = tpu.memref_squeeze %dma_start3A_151 : memref<1x1x64xi32, #tpu.memory_space<vmem>> -> memref<64xi32, #tpu.memory_space<vmem>>
      %dma_start3A_153 = arith.constant 0 : i32
      %dma_start3A_154 = arith.constant 0 : i32
      %dma_start3A_155 = tpu.memref_slice %arg3[%dma_start3A_153, %dma_start3A_154] : memref<10240x128xf32, #tpu.memory_space<hbm>> -> memref<10240x128xf32, #tpu.memory_space<hbm>>
      tpu.enqueue_indirect_dma source(%dma_start3A_155 : memref<10240x128xf32, #tpu.memory_space<hbm>>) target(%dma_start3A_149 : memref<64x128xf32, #tpu.memory_space<vmem>>) offsets(%dma_start3A_152 : memref<64xi32, #tpu.memory_space<vmem>>) semaphore(%arg9 : memref<!tpu.dma_semaphore, #tpu.memory_space<semaphore_mem>>)
      %dma_wait3A_156 = arith.constant 0 : i32
      %dma_wait3A_157 = arith.constant 0 : i32
      %dma_wait3A_158 = arith.constant 1 : i32
      %dma_wait3A_159 = arith.constant 0 : i32
      %dma_wait3A_160 = arith.constant 0 : i32
      %dma_wait3A_161 = tpu.memref_slice %arg6[%dma_wait3A_158, %dma_wait3A_159, %dma_wait3A_160] : memref<4x64x128xf32, #tpu.memory_space<vmem>> -> memref<1x64x128xf32, #tpu.memory_space<vmem>>
      %dma_wait3A_162 = tpu.memref_squeeze %dma_wait3A_161 : memref<1x64x128xf32, #tpu.memory_space<vmem>> -> memref<64x128xf32, #tpu.memory_space<vmem>>
      %dma_wait3A_163 = arith.constant 0 : i32
      %dma_wait3A_164 = tpu.memref_slice %arg5[%dma_wait3A_156, %dma_wait3A_157, %dma_wait3A_163] : memref<32x5x64xi32, #tpu.memory_space<vmem>> -> memref<1x1x64xi32, #tpu.memory_space<vmem>>
      %dma_wait3A_165 = tpu.memref_squeeze %dma_wait3A_164 : memref<1x1x64xi32, #tpu.memory_space<vmem>> -> memref<64xi32, #tpu.memory_space<vmem>>
      %dma_wait3A_166 = arith.constant 0 : i32
      %dma_wait3A_167 = arith.constant 0 : i32
      %dma_wait3A_168 = tpu.memref_slice %arg3[%dma_wait3A_166, %dma_wait3A_167] : memref<10240x128xf32, #tpu.memory_space<hbm>> -> memref<10240x128xf32, #tpu.memory_space<hbm>>
      tpu.wait_indirect_dma semaphore(%arg10 : memref<!tpu.dma_semaphore, #tpu.memory_space<semaphore_mem>>) src(%dma_wait3A_168 : memref<10240x128xf32, #tpu.memory_space<hbm>>) dst(%dma_wait3A_162 : memref<64x128xf32, #tpu.memory_space<vmem>>)
      %dma_start3A_169 = arith.constant 1 : i32
      %dma_start3A_170 = arith.constant 0 : i32
      %dma_start3A_171 = arith.constant 0 : i32
      %dma_start3A_172 = arith.constant 0 : i32
      %dma_start3A_173 = tpu.memref_slice %arg6[%dma_start3A_169, %dma_start3A_171, %dma_start3A_172] : memref<4x64x128xf32, #tpu.memory_space<vmem>> -> memref<1x64x128xf32, #tpu.memory_space<vmem>>
      %dma_start3A_174 = tpu.memref_squeeze %dma_start3A_173 : memref<1x64x128xf32, #tpu.memory_space<vmem>> -> memref<64x128xf32, #tpu.memory_space<vmem>>
      %dma_start3A_175 = arith.constant 0 : i32
      %dma_start3A_176 = tpu.memref_slice %arg7[%dma_start3A_170, %dma_start3A_175] : memref<1x64xi32, #tpu.memory_space<vmem>> -> memref<1x64xi32, #tpu.memory_space<vmem>>
      %dma_start3A_177 = tpu.memref_squeeze %dma_start3A_176 : memref<1x64xi32, #tpu.memory_space<vmem>> -> memref<64xi32, #tpu.memory_space<vmem>>
      %dma_start3A_178 = arith.constant 0 : i32
      %dma_start3A_179 = arith.constant 0 : i32
      %dma_start3A_180 = tpu.memref_slice %arg8[%dma_start3A_178, %dma_start3A_179] : memref<1024x128xf32, #tpu.memory_space<vmem_shared>> -> memref<1024x128xf32, #tpu.memory_space<vmem_shared>>
      tpu.enqueue_indirect_dma source(%dma_start3A_174 : memref<64x128xf32, #tpu.memory_space<vmem>>) target(%dma_start3A_180 : memref<1024x128xf32, #tpu.memory_space<vmem_shared>>) offsets(%dma_start3A_177 : memref<64xi32, #tpu.memory_space<vmem>>) semaphore(%arg14 : memref<!tpu.dma_semaphore, #tpu.memory_space<semaphore_mem>>) {add = true}
      %dma_wait3A_181 = arith.constant 1 : i32
      %dma_wait3A_182 = arith.constant 0 : i32
      %dma_wait3A_183 = arith.constant 0 : i32
      %dma_wait3A_184 = arith.constant 0 : i32
      %dma_wait3A_185 = tpu.memref_slice %arg6[%dma_wait3A_181, %dma_wait3A_183, %dma_wait3A_184] : memref<4x64x128xf32, #tpu.memory_space<vmem>> -> memref<1x64x128xf32, #tpu.memory_space<vmem>>
      %dma_wait3A_186 = tpu.memref_squeeze %dma_wait3A_185 : memref<1x64x128xf32, #tpu.memory_space<vmem>> -> memref<64x128xf32, #tpu.memory_space<vmem>>
      %dma_wait3A_187 = arith.constant 0 : i32
      %dma_wait3A_188 = tpu.memref_slice %arg7[%dma_wait3A_182, %dma_wait3A_187] : memref<1x64xi32, #tpu.memory_space<vmem>> -> memref<1x64xi32, #tpu.memory_space<vmem>>
      %dma_wait3A_189 = tpu.memref_squeeze %dma_wait3A_188 : memref<1x64xi32, #tpu.memory_space<vmem>> -> memref<64xi32, #tpu.memory_space<vmem>>
      %dma_wait3A_190 = arith.constant 0 : i32
      %dma_wait3A_191 = arith.constant 0 : i32
      %dma_wait3A_192 = tpu.memref_slice %arg8[%dma_wait3A_190, %dma_wait3A_191] : memref<1024x128xf32, #tpu.memory_space<vmem_shared>> -> memref<1024x128xf32, #tpu.memory_space<vmem_shared>>
      tpu.wait_indirect_dma semaphore(%arg14 : memref<!tpu.dma_semaphore, #tpu.memory_space<semaphore_mem>>) src(%dma_wait3A_186 : memref<64x128xf32, #tpu.memory_space<vmem>>) dst(%dma_wait3A_192 : memref<1024x128xf32, #tpu.memory_space<vmem_shared>>)
      %dma_start3A_193 = arith.constant 5 : i32
      %dma_start3A_194 = arith.constant 1 : i32
      %dma_start3A_195 = arith.constant 0 : i32
      %dma_start3A_196 = arith.constant 0 : i32
      %dma_start3A_197 = tpu.memref_slice %arg6[%dma_start3A_194, %dma_start3A_195, %dma_start3A_196] : memref<4x64x128xf32, #tpu.memory_space<vmem>> -> memref<1x64x128xf32, #tpu.memory_space<vmem>>
      %dma_start3A_198 = tpu.memref_squeeze %dma_start3A_197 : memref<1x64x128xf32, #tpu.memory_space<vmem>> -> memref<64x128xf32, #tpu.memory_space<vmem>>
      %dma_start3A_199 = arith.constant 0 : i32
      %dma_start3A_200 = tpu.memref_slice %arg5[%dma_start3A_193, %scan3A_57, %dma_start3A_199] : memref<32x5x64xi32, #tpu.memory_space<vmem>> -> memref<1x1x64xi32, #tpu.memory_space<vmem>>
      %dma_start3A_201 = tpu.memref_squeeze %dma_start3A_200 : memref<1x1x64xi32, #tpu.memory_space<vmem>> -> memref<64xi32, #tpu.memory_space<vmem>>
      %dma_start3A_202 = arith.constant 0 : i32
      %dma_start3A_203 = arith.constant 0 : i32
      %dma_start3A_204 = tpu.memref_slice %arg3[%dma_start3A_202, %dma_start3A_203] : memref<10240x128xf32, #tpu.memory_space<hbm>> -> memref<10240x128xf32, #tpu.memory_space<hbm>>
      tpu.enqueue_indirect_dma source(%dma_start3A_204 : memref<10240x128xf32, #tpu.memory_space<hbm>>) target(%dma_start3A_198 : memref<64x128xf32, #tpu.memory_space<vmem>>) offsets(%dma_start3A_201 : memref<64xi32, #tpu.memory_space<vmem>>) semaphore(%arg10 : memref<!tpu.dma_semaphore, #tpu.memory_space<semaphore_mem>>)
      %dma_wait3A_205 = arith.constant 0 : i32
      %dma_wait3A_206 = arith.constant 0 : i32
      %dma_wait3A_207 = arith.constant 2 : i32
      %dma_wait3A_208 = arith.constant 0 : i32
      %dma_wait3A_209 = arith.constant 0 : i32
      %dma_wait3A_210 = tpu.memref_slice %arg6[%dma_wait3A_207, %dma_wait3A_208, %dma_wait3A_209] : memref<4x64x128xf32, #tpu.memory_space<vmem>> -> memref<1x64x128xf32, #tpu.memory_space<vmem>>
      %dma_wait3A_211 = tpu.memref_squeeze %dma_wait3A_210 : memref<1x64x128xf32, #tpu.memory_space<vmem>> -> memref<64x128xf32, #tpu.memory_space<vmem>>
      %dma_wait3A_212 = arith.constant 0 : i32
      %dma_wait3A_213 = tpu.memref_slice %arg5[%dma_wait3A_205, %dma_wait3A_206, %dma_wait3A_212] : memref<32x5x64xi32, #tpu.memory_space<vmem>> -> memref<1x1x64xi32, #tpu.memory_space<vmem>>
      %dma_wait3A_214 = tpu.memref_squeeze %dma_wait3A_213 : memref<1x1x64xi32, #tpu.memory_space<vmem>> -> memref<64xi32, #tpu.memory_space<vmem>>
      %dma_wait3A_215 = arith.constant 0 : i32
      %dma_wait3A_216 = arith.constant 0 : i32
      %dma_wait3A_217 = tpu.memref_slice %arg3[%dma_wait3A_215, %dma_wait3A_216] : memref<10240x128xf32, #tpu.memory_space<hbm>> -> memref<10240x128xf32, #tpu.memory_space<hbm>>
      tpu.wait_indirect_dma semaphore(%arg11 : memref<!tpu.dma_semaphore, #tpu.memory_space<semaphore_mem>>) src(%dma_wait3A_217 : memref<10240x128xf32, #tpu.memory_space<hbm>>) dst(%dma_wait3A_211 : memref<64x128xf32, #tpu.memory_space<vmem>>)
      %dma_start3A_218 = arith.constant 2 : i32
      %dma_start3A_219 = arith.constant 0 : i32
      %dma_start3A_220 = arith.constant 0 : i32
      %dma_start3A_221 = arith.constant 0 : i32
      %dma_start3A_222 = tpu.memref_slice %arg6[%dma_start3A_218, %dma_start3A_220, %dma_start3A_221] : memref<4x64x128xf32, #tpu.memory_space<vmem>> -> memref<1x64x128xf32, #tpu.memory_space<vmem>>
      %dma_start3A_223 = tpu.memref_squeeze %dma_start3A_222 : memref<1x64x128xf32, #tpu.memory_space<vmem>> -> memref<64x128xf32, #tpu.memory_space<vmem>>
      %dma_start3A_224 = arith.constant 0 : i32
      %dma_start3A_225 = tpu.memref_slice %arg7[%dma_start3A_219, %dma_start3A_224] : memref<1x64xi32, #tpu.memory_space<vmem>> -> memref<1x64xi32, #tpu.memory_space<vmem>>
      %dma_start3A_226 = tpu.memref_squeeze %dma_start3A_225 : memref<1x64xi32, #tpu.memory_space<vmem>> -> memref<64xi32, #tpu.memory_space<vmem>>
      %dma_start3A_227 = arith.constant 0 : i32
      %dma_start3A_228 = arith.constant 0 : i32
      %dma_start3A_229 = tpu.memref_slice %arg8[%dma_start3A_227, %dma_start3A_228] : memref<1024x128xf32, #tpu.memory_space<vmem_shared>> -> memref<1024x128xf32, #tpu.memory_space<vmem_shared>>
      tpu.enqueue_indirect_dma source(%dma_start3A_223 : memref<64x128xf32, #tpu.memory_space<vmem>>) target(%dma_start3A_229 : memref<1024x128xf32, #tpu.memory_space<vmem_shared>>) offsets(%dma_start3A_226 : memref<64xi32, #tpu.memory_space<vmem>>) semaphore(%arg15 : memref<!tpu.dma_semaphore, #tpu.memory_space<semaphore_mem>>) {add = true}
      %dma_wait3A_230 = arith.constant 2 : i32
      %dma_wait3A_231 = arith.constant 0 : i32
      %dma_wait3A_232 = arith.constant 0 : i32
      %dma_wait3A_233 = arith.constant 0 : i32
      %dma_wait3A_234 = tpu.memref_slice %arg6[%dma_wait3A_230, %dma_wait3A_232, %dma_wait3A_233] : memref<4x64x128xf32, #tpu.memory_space<vmem>> -> memref<1x64x128xf32, #tpu.memory_space<vmem>>
      %dma_wait3A_235 = tpu.memref_squeeze %dma_wait3A_234 : memref<1x64x128xf32, #tpu.memory_space<vmem>> -> memref<64x128xf32, #tpu.memory_space<vmem>>
      %dma_wait3A_236 = arith.constant 0 : i32
      %dma_wait3A_237 = tpu.memref_slice %arg7[%dma_wait3A_231, %dma_wait3A_236] : memref<1x64xi32, #tpu.memory_space<vmem>> -> memref<1x64xi32, #tpu.memory_space<vmem>>
      %dma_wait3A_238 = tpu.memref_squeeze %dma_wait3A_237 : memref<1x64xi32, #tpu.memory_space<vmem>> -> memref<64xi32, #tpu.memory_space<vmem>>
      %dma_wait3A_239 = arith.constant 0 : i32
      %dma_wait3A_240 = arith.constant 0 : i32
      %dma_wait3A_241 = tpu.memref_slice %arg8[%dma_wait3A_239, %dma_wait3A_240] : memref<1024x128xf32, #tpu.memory_space<vmem_shared>> -> memref<1024x128xf32, #tpu.memory_space<vmem_shared>>
      tpu.wait_indirect_dma semaphore(%arg15 : memref<!tpu.dma_semaphore, #tpu.memory_space<semaphore_mem>>) src(%dma_wait3A_235 : memref<64x128xf32, #tpu.memory_space<vmem>>) dst(%dma_wait3A_241 : memref<1024x128xf32, #tpu.memory_space<vmem_shared>>)
      %dma_start3A_242 = arith.constant 6 : i32
      %dma_start3A_243 = arith.constant 2 : i32
      %dma_start3A_244 = arith.constant 0 : i32
      %dma_start3A_245 = arith.constant 0 : i32
      %dma_start3A_246 = tpu.memref_slice %arg6[%dma_start3A_243, %dma_start3A_244, %dma_start3A_245] : memref<4x64x128xf32, #tpu.memory_space<vmem>> -> memref<1x64x128xf32, #tpu.memory_space<vmem>>
      %dma_start3A_247 = tpu.memref_squeeze %dma_start3A_246 : memref<1x64x128xf32, #tpu.memory_space<vmem>> -> memref<64x128xf32, #tpu.memory_space<vmem>>
      %dma_start3A_248 = arith.constant 0 : i32
      %dma_start3A_249 = tpu.memref_slice %arg5[%dma_start3A_242, %scan3A_57, %dma_start3A_248] : memref<32x5x64xi32, #tpu.memory_space<vmem>> -> memref<1x1x64xi32, #tpu.memory_space<vmem>>
      %dma_start3A_250 = tpu.memref_squeeze %dma_start3A_249 : memref<1x1x64xi32, #tpu.memory_space<vmem>> -> memref<64xi32, #tpu.memory_space<vmem>>
      %dma_start3A_251 = arith.constant 0 : i32
      %dma_start3A_252 = arith.constant 0 : i32
      %dma_start3A_253 = tpu.memref_slice %arg3[%dma_start3A_251, %dma_start3A_252] : memref<10240x128xf32, #tpu.memory_space<hbm>> -> memref<10240x128xf32, #tpu.memory_space<hbm>>
      tpu.enqueue_indirect_dma source(%dma_start3A_253 : memref<10240x128xf32, #tpu.memory_space<hbm>>) target(%dma_start3A_247 : memref<64x128xf32, #tpu.memory_space<vmem>>) offsets(%dma_start3A_250 : memref<64xi32, #tpu.memory_space<vmem>>) semaphore(%arg11 : memref<!tpu.dma_semaphore, #tpu.memory_space<semaphore_mem>>)
      %dma_wait3A_254 = arith.constant 0 : i32
      %dma_wait3A_255 = arith.constant 0 : i32
      %dma_wait3A_256 = arith.constant 3 : i32
      %dma_wait3A_257 = arith.constant 0 : i32
      %dma_wait3A_258 = arith.constant 0 : i32
      %dma_wait3A_259 = tpu.memref_slice %arg6[%dma_wait3A_256, %dma_wait3A_257, %dma_wait3A_258] : memref<4x64x128xf32, #tpu.memory_space<vmem>> -> memref<1x64x128xf32, #tpu.memory_space<vmem>>
      %dma_wait3A_260 = tpu.memref_squeeze %dma_wait3A_259 : memref<1x64x128xf32, #tpu.memory_space<vmem>> -> memref<64x128xf32, #tpu.memory_space<vmem>>
      %dma_wait3A_261 = arith.constant 0 : i32
      %dma_wait3A_262 = tpu.memref_slice %arg5[%dma_wait3A_254, %dma_wait3A_255, %dma_wait3A_261] : memref<32x5x64xi32, #tpu.memory_space<vmem>> -> memref<1x1x64xi32, #tpu.memory_space<vmem>>
      %dma_wait3A_263 = tpu.memref_squeeze %dma_wait3A_262 : memref<1x1x64xi32, #tpu.memory_space<vmem>> -> memref<64xi32, #tpu.memory_space<vmem>>
      %dma_wait3A_264 = arith.constant 0 : i32
      %dma_wait3A_265 = arith.constant 0 : i32
      %dma_wait3A_266 = tpu.memref_slice %arg3[%dma_wait3A_264, %dma_wait3A_265] : memref<10240x128xf32, #tpu.memory_space<hbm>> -> memref<10240x128xf32, #tpu.memory_space<hbm>>
      tpu.wait_indirect_dma semaphore(%arg12 : memref<!tpu.dma_semaphore, #tpu.memory_space<semaphore_mem>>) src(%dma_wait3A_266 : memref<10240x128xf32, #tpu.memory_space<hbm>>) dst(%dma_wait3A_260 : memref<64x128xf32, #tpu.memory_space<vmem>>)
      %dma_start3A_267 = arith.constant 3 : i32
      %dma_start3A_268 = arith.constant 0 : i32
      %dma_start3A_269 = arith.constant 0 : i32
      %dma_start3A_270 = arith.constant 0 : i32
      %dma_start3A_271 = tpu.memref_slice %arg6[%dma_start3A_267, %dma_start3A_269, %dma_start3A_270] : memref<4x64x128xf32, #tpu.memory_space<vmem>> -> memref<1x64x128xf32, #tpu.memory_space<vmem>>
      %dma_start3A_272 = tpu.memref_squeeze %dma_start3A_271 : memref<1x64x128xf32, #tpu.memory_space<vmem>> -> memref<64x128xf32, #tpu.memory_space<vmem>>
      %dma_start3A_273 = arith.constant 0 : i32
      %dma_start3A_274 = tpu.memref_slice %arg7[%dma_start3A_268, %dma_start3A_273] : memref<1x64xi32, #tpu.memory_space<vmem>> -> memref<1x64xi32, #tpu.memory_space<vmem>>
      %dma_start3A_275 = tpu.memref_squeeze %dma_start3A_274 : memref<1x64xi32, #tpu.memory_space<vmem>> -> memref<64xi32, #tpu.memory_space<vmem>>
      %dma_start3A_276 = arith.constant 0 : i32
      %dma_start3A_277 = arith.constant 0 : i32
      %dma_start3A_278 = tpu.memref_slice %arg8[%dma_start3A_276, %dma_start3A_277] : memref<1024x128xf32, #tpu.memory_space<vmem_shared>> -> memref<1024x128xf32, #tpu.memory_space<vmem_shared>>
      tpu.enqueue_indirect_dma source(%dma_start3A_272 : memref<64x128xf32, #tpu.memory_space<vmem>>) target(%dma_start3A_278 : memref<1024x128xf32, #tpu.memory_space<vmem_shared>>) offsets(%dma_start3A_275 : memref<64xi32, #tpu.memory_space<vmem>>) semaphore(%arg16 : memref<!tpu.dma_semaphore, #tpu.memory_space<semaphore_mem>>) {add = true}
      %dma_wait3A_279 = arith.constant 3 : i32
      %dma_wait3A_280 = arith.constant 0 : i32
      %dma_wait3A_281 = arith.constant 0 : i32
      %dma_wait3A_282 = arith.constant 0 : i32
      %dma_wait3A_283 = tpu.memref_slice %arg6[%dma_wait3A_279, %dma_wait3A_281, %dma_wait3A_282] : memref<4x64x128xf32, #tpu.memory_space<vmem>> -> memref<1x64x128xf32, #tpu.memory_space<vmem>>
      %dma_wait3A_284 = tpu.memref_squeeze %dma_wait3A_283 : memref<1x64x128xf32, #tpu.memory_space<vmem>> -> memref<64x128xf32, #tpu.memory_space<vmem>>
      %dma_wait3A_285 = arith.constant 0 : i32
      %dma_wait3A_286 = tpu.memref_slice %arg7[%dma_wait3A_280, %dma_wait3A_285] : memref<1x64xi32, #tpu.memory_space<vmem>> -> memref<1x64xi32, #tpu.memory_space<vmem>>
      %dma_wait3A_287 = tpu.memref_squeeze %dma_wait3A_286 : memref<1x64xi32, #tpu.memory_space<vmem>> -> memref<64xi32, #tpu.memory_space<vmem>>
      %dma_wait3A_288 = arith.constant 0 : i32
      %dma_wait3A_289 = arith.constant 0 : i32
      %dma_wait3A_290 = tpu.memref_slice %arg8[%dma_wait3A_288, %dma_wait3A_289] : memref<1024x128xf32, #tpu.memory_space<vmem_shared>> -> memref<1024x128xf32, #tpu.memory_space<vmem_shared>>
      tpu.wait_indirect_dma semaphore(%arg16 : memref<!tpu.dma_semaphore, #tpu.memory_space<semaphore_mem>>) src(%dma_wait3A_284 : memref<64x128xf32, #tpu.memory_space<vmem>>) dst(%dma_wait3A_290 : memref<1024x128xf32, #tpu.memory_space<vmem_shared>>)
      %dma_start3A_291 = arith.constant 7 : i32
      %dma_start3A_292 = arith.constant 3 : i32
      %dma_start3A_293 = arith.constant 0 : i32
      %dma_start3A_294 = arith.constant 0 : i32
      %dma_start3A_295 = tpu.memref_slice %arg6[%dma_start3A_292, %dma_start3A_293, %dma_start3A_294] : memref<4x64x128xf32, #tpu.memory_space<vmem>> -> memref<1x64x128xf32, #tpu.memory_space<vmem>>
      %dma_start3A_296 = tpu.memref_squeeze %dma_start3A_295 : memref<1x64x128xf32, #tpu.memory_space<vmem>> -> memref<64x128xf32, #tpu.memory_space<vmem>>
      %dma_start3A_297 = arith.constant 0 : i32
      %dma_start3A_298 = tpu.memref_slice %arg5[%dma_start3A_291, %scan3A_57, %dma_start3A_297] : memref<32x5x64xi32, #tpu.memory_space<vmem>> -> memref<1x1x64xi32, #tpu.memory_space<vmem>>
      %dma_start3A_299 = tpu.memref_squeeze %dma_start3A_298 : memref<1x1x64xi32, #tpu.memory_space<vmem>> -> memref<64xi32, #tpu.memory_space<vmem>>
      %dma_start3A_300 = arith.constant 0 : i32
      %dma_start3A_301 = arith.constant 0 : i32
      %dma_start3A_302 = tpu.memref_slice %arg3[%dma_start3A_300, %dma_start3A_301] : memref<10240x128xf32, #tpu.memory_space<hbm>> -> memref<10240x128xf32, #tpu.memory_space<hbm>>
      tpu.enqueue_indirect_dma source(%dma_start3A_302 : memref<10240x128xf32, #tpu.memory_space<hbm>>) target(%dma_start3A_296 : memref<64x128xf32, #tpu.memory_space<vmem>>) offsets(%dma_start3A_299 : memref<64xi32, #tpu.memory_space<vmem>>) semaphore(%arg12 : memref<!tpu.dma_semaphore, #tpu.memory_space<semaphore_mem>>)
      %scan3A_303 = arith.constant 0 : i32
      %scan3A_304 = arith.constant 1 : i32
      %scan3A_305 = arith.constant 7 : i32
      %scan3A_306 = arith.addi %scan3A_304, %scan3A_305 : i32
      %scan3A_307 = arith.constant 1 : i32
      %scan3A_308 = scf.for %scan3A_314 = %scan3A_304 to %scan3A_306 step %scan3A_307 iter_args(%scan3A_315 = %scan3A_303) -> (i32)  : i32 {
        %mul3A_316 = arith.constant 4 : i32
        %mul3A_317 = arith.muli %mul3A_316, %scan3A_314 : i32
        %add3A_318 = arith.constant 0 : i32
        %add3A_319 = arith.addi %mul3A_317, %add3A_318 : i32
        %dma_wait3A_320 = arith.constant 0 : i32
        %dma_wait3A_321 = arith.constant 0 : i32
        %dma_wait3A_322 = arith.constant 0 : i32
        %dma_wait3A_323 = arith.constant 0 : i32
        %dma_wait3A_324 = arith.constant 0 : i32
        %dma_wait3A_325 = tpu.memref_slice %arg6[%dma_wait3A_322, %dma_wait3A_323, %dma_wait3A_324] : memref<4x64x128xf32, #tpu.memory_space<vmem>> -> memref<1x64x128xf32, #tpu.memory_space<vmem>>
        %dma_wait3A_326 = tpu.memref_squeeze %dma_wait3A_325 : memref<1x64x128xf32, #tpu.memory_space<vmem>> -> memref<64x128xf32, #tpu.memory_space<vmem>>
        %dma_wait3A_327 = arith.constant 0 : i32
        %dma_wait3A_328 = tpu.memref_slice %arg5[%dma_wait3A_320, %dma_wait3A_321, %dma_wait3A_327] : memref<32x5x64xi32, #tpu.memory_space<vmem>> -> memref<1x1x64xi32, #tpu.memory_space<vmem>>
        %dma_wait3A_329 = tpu.memref_squeeze %dma_wait3A_328 : memref<1x1x64xi32, #tpu.memory_space<vmem>> -> memref<64xi32, #tpu.memory_space<vmem>>
        %dma_wait3A_330 = arith.constant 0 : i32
        %dma_wait3A_331 = arith.constant 0 : i32
        %dma_wait3A_332 = tpu.memref_slice %arg3[%dma_wait3A_330, %dma_wait3A_331] : memref<10240x128xf32, #tpu.memory_space<hbm>> -> memref<10240x128xf32, #tpu.memory_space<hbm>>
        tpu.wait_indirect_dma semaphore(%arg9 : memref<!tpu.dma_semaphore, #tpu.memory_space<semaphore_mem>>) src(%dma_wait3A_332 : memref<10240x128xf32, #tpu.memory_space<hbm>>) dst(%dma_wait3A_326 : memref<64x128xf32, #tpu.memory_space<vmem>>)
        %dma_start3A_333 = arith.constant 0 : i32
        %dma_start3A_334 = arith.constant 0 : i32
        %dma_start3A_335 = arith.constant 0 : i32
        %dma_start3A_336 = arith.constant 0 : i32
        %dma_start3A_337 = tpu.memref_slice %arg6[%dma_start3A_333, %dma_start3A_335, %dma_start3A_336] : memref<4x64x128xf32, #tpu.memory_space<vmem>> -> memref<1x64x128xf32, #tpu.memory_space<vmem>>
        %dma_start3A_338 = tpu.memref_squeeze %dma_start3A_337 : memref<1x64x128xf32, #tpu.memory_space<vmem>> -> memref<64x128xf32, #tpu.memory_space<vmem>>
        %dma_start3A_339 = arith.constant 0 : i32
        %dma_start3A_340 = tpu.memref_slice %arg7[%dma_start3A_334, %dma_start3A_339] : memref<1x64xi32, #tpu.memory_space<vmem>> -> memref<1x64xi32, #tpu.memory_space<vmem>>
        %dma_start3A_341 = tpu.memref_squeeze %dma_start3A_340 : memref<1x64xi32, #tpu.memory_space<vmem>> -> memref<64xi32, #tpu.memory_space<vmem>>
        %dma_start3A_342 = arith.constant 0 : i32
        %dma_start3A_343 = arith.constant 0 : i32
        %dma_start3A_344 = tpu.memref_slice %arg8[%dma_start3A_342, %dma_start3A_343] : memref<1024x128xf32, #tpu.memory_space<vmem_shared>> -> memref<1024x128xf32, #tpu.memory_space<vmem_shared>>
        tpu.enqueue_indirect_dma source(%dma_start3A_338 : memref<64x128xf32, #tpu.memory_space<vmem>>) target(%dma_start3A_344 : memref<1024x128xf32, #tpu.memory_space<vmem_shared>>) offsets(%dma_start3A_341 : memref<64xi32, #tpu.memory_space<vmem>>) semaphore(%arg13 : memref<!tpu.dma_semaphore, #tpu.memory_space<semaphore_mem>>) {add = true}
        %dma_wait3A_345 = arith.constant 0 : i32
        %dma_wait3A_346 = arith.constant 0 : i32
        %dma_wait3A_347 = arith.constant 0 : i32
        %dma_wait3A_348 = arith.constant 0 : i32
        %dma_wait3A_349 = tpu.memref_slice %arg6[%dma_wait3A_345, %dma_wait3A_347, %dma_wait3A_348] : memref<4x64x128xf32, #tpu.memory_space<vmem>> -> memref<1x64x128xf32, #tpu.memory_space<vmem>>
        %dma_wait3A_350 = tpu.memref_squeeze %dma_wait3A_349 : memref<1x64x128xf32, #tpu.memory_space<vmem>> -> memref<64x128xf32, #tpu.memory_space<vmem>>
        %dma_wait3A_351 = arith.constant 0 : i32
        %dma_wait3A_352 = tpu.memref_slice %arg7[%dma_wait3A_346, %dma_wait3A_351] : memref<1x64xi32, #tpu.memory_space<vmem>> -> memref<1x64xi32, #tpu.memory_space<vmem>>
        %dma_wait3A_353 = tpu.memref_squeeze %dma_wait3A_352 : memref<1x64xi32, #tpu.memory_space<vmem>> -> memref<64xi32, #tpu.memory_space<vmem>>
        %dma_wait3A_354 = arith.constant 0 : i32
        %dma_wait3A_355 = arith.constant 0 : i32
        %dma_wait3A_356 = tpu.memref_slice %arg8[%dma_wait3A_354, %dma_wait3A_355] : memref<1024x128xf32, #tpu.memory_space<vmem_shared>> -> memref<1024x128xf32, #tpu.memory_space<vmem_shared>>
        tpu.wait_indirect_dma semaphore(%arg13 : memref<!tpu.dma_semaphore, #tpu.memory_space<semaphore_mem>>) src(%dma_wait3A_350 : memref<64x128xf32, #tpu.memory_space<vmem>>) dst(%dma_wait3A_356 : memref<1024x128xf32, #tpu.memory_space<vmem_shared>>)
        %add3A_357 = arith.constant 4 : i32
        %add3A_358 = arith.addi %add3A_319, %add3A_357 : i32
        %lt3A = arith.constant 32 : i32
        %lt3A_359 = arith.cmpi slt, %add3A_358, %lt3A : i32
        %convert_element_type3A = arith.extui %lt3A_359 : i1 to i32
        %cond3A = arith.constant 0 : i32
        %cond3A_360 = arith.cmpi ne, %convert_element_type3A, %cond3A : i32
        scf.if %cond3A_360 {
          %add3A_506 = arith.constant 4 : i32
          %add3A_507 = arith.addi %add3A_319, %add3A_506 : i32
          %dma_start3A_508 = arith.constant 0 : i32
          %dma_start3A_509 = arith.constant 0 : i32
          %dma_start3A_510 = arith.constant 0 : i32
          %dma_start3A_511 = tpu.memref_slice %arg6[%dma_start3A_508, %dma_start3A_509, %dma_start3A_510] : memref<4x64x128xf32, #tpu.memory_space<vmem>> -> memref<1x64x128xf32, #tpu.memory_space<vmem>>
          %dma_start3A_512 = tpu.memref_squeeze %dma_start3A_511 : memref<1x64x128xf32, #tpu.memory_space<vmem>> -> memref<64x128xf32, #tpu.memory_space<vmem>>
          %dma_start3A_513 = arith.constant 0 : i32
          %dma_start3A_514 = tpu.memref_slice %arg5[%add3A_507, %scan3A_57, %dma_start3A_513] : memref<32x5x64xi32, #tpu.memory_space<vmem>> -> memref<1x1x64xi32, #tpu.memory_space<vmem>>
          %dma_start3A_515 = tpu.memref_squeeze %dma_start3A_514 : memref<1x1x64xi32, #tpu.memory_space<vmem>> -> memref<64xi32, #tpu.memory_space<vmem>>
          %dma_start3A_516 = arith.constant 0 : i32
          %dma_start3A_517 = arith.constant 0 : i32
          %dma_start3A_518 = tpu.memref_slice %arg3[%dma_start3A_516, %dma_start3A_517] : memref<10240x128xf32, #tpu.memory_space<hbm>> -> memref<10240x128xf32, #tpu.memory_space<hbm>>
          tpu.enqueue_indirect_dma source(%dma_start3A_518 : memref<10240x128xf32, #tpu.memory_space<hbm>>) target(%dma_start3A_512 : memref<64x128xf32, #tpu.memory_space<vmem>>) offsets(%dma_start3A_515 : memref<64xi32, #tpu.memory_space<vmem>>) semaphore(%arg9 : memref<!tpu.dma_semaphore, #tpu.memory_space<semaphore_mem>>)
        } else {
        }
        %mul3A_361 = arith.constant 4 : i32
        %mul3A_362 = arith.muli %mul3A_361, %scan3A_314 : i32
        %add3A_363 = arith.constant 1 : i32
        %add3A_364 = arith.addi %mul3A_362, %add3A_363 : i32
        %dma_wait3A_365 = arith.constant 0 : i32
        %dma_wait3A_366 = arith.constant 0 : i32
        %dma_wait3A_367 = arith.constant 1 : i32
        %dma_wait3A_368 = arith.constant 0 : i32
        %dma_wait3A_369 = arith.constant 0 : i32
        %dma_wait3A_370 = tpu.memref_slice %arg6[%dma_wait3A_367, %dma_wait3A_368, %dma_wait3A_369] : memref<4x64x128xf32, #tpu.memory_space<vmem>> -> memref<1x64x128xf32, #tpu.memory_space<vmem>>
        %dma_wait3A_371 = tpu.memref_squeeze %dma_wait3A_370 : memref<1x64x128xf32, #tpu.memory_space<vmem>> -> memref<64x128xf32, #tpu.memory_space<vmem>>
        %dma_wait3A_372 = arith.constant 0 : i32
        %dma_wait3A_373 = tpu.memref_slice %arg5[%dma_wait3A_365, %dma_wait3A_366, %dma_wait3A_372] : memref<32x5x64xi32, #tpu.memory_space<vmem>> -> memref<1x1x64xi32, #tpu.memory_space<vmem>>
        %dma_wait3A_374 = tpu.memref_squeeze %dma_wait3A_373 : memref<1x1x64xi32, #tpu.memory_space<vmem>> -> memref<64xi32, #tpu.memory_space<vmem>>
        %dma_wait3A_375 = arith.constant 0 : i32
        %dma_wait3A_376 = arith.constant 0 : i32
        %dma_wait3A_377 = tpu.memref_slice %arg3[%dma_wait3A_375, %dma_wait3A_376] : memref<10240x128xf32, #tpu.memory_space<hbm>> -> memref<10240x128xf32, #tpu.memory_space<hbm>>
        tpu.wait_indirect_dma semaphore(%arg10 : memref<!tpu.dma_semaphore, #tpu.memory_space<semaphore_mem>>) src(%dma_wait3A_377 : memref<10240x128xf32, #tpu.memory_space<hbm>>) dst(%dma_wait3A_371 : memref<64x128xf32, #tpu.memory_space<vmem>>)
        %dma_start3A_378 = arith.constant 1 : i32
        %dma_start3A_379 = arith.constant 0 : i32
        %dma_start3A_380 = arith.constant 0 : i32
        %dma_start3A_381 = arith.constant 0 : i32
        %dma_start3A_382 = tpu.memref_slice %arg6[%dma_start3A_378, %dma_start3A_380, %dma_start3A_381] : memref<4x64x128xf32, #tpu.memory_space<vmem>> -> memref<1x64x128xf32, #tpu.memory_space<vmem>>
        %dma_start3A_383 = tpu.memref_squeeze %dma_start3A_382 : memref<1x64x128xf32, #tpu.memory_space<vmem>> -> memref<64x128xf32, #tpu.memory_space<vmem>>
        %dma_start3A_384 = arith.constant 0 : i32
        %dma_start3A_385 = tpu.memref_slice %arg7[%dma_start3A_379, %dma_start3A_384] : memref<1x64xi32, #tpu.memory_space<vmem>> -> memref<1x64xi32, #tpu.memory_space<vmem>>
        %dma_start3A_386 = tpu.memref_squeeze %dma_start3A_385 : memref<1x64xi32, #tpu.memory_space<vmem>> -> memref<64xi32, #tpu.memory_space<vmem>>
        %dma_start3A_387 = arith.constant 0 : i32
        %dma_start3A_388 = arith.constant 0 : i32
        %dma_start3A_389 = tpu.memref_slice %arg8[%dma_start3A_387, %dma_start3A_388] : memref<1024x128xf32, #tpu.memory_space<vmem_shared>> -> memref<1024x128xf32, #tpu.memory_space<vmem_shared>>
        tpu.enqueue_indirect_dma source(%dma_start3A_383 : memref<64x128xf32, #tpu.memory_space<vmem>>) target(%dma_start3A_389 : memref<1024x128xf32, #tpu.memory_space<vmem_shared>>) offsets(%dma_start3A_386 : memref<64xi32, #tpu.memory_space<vmem>>) semaphore(%arg14 : memref<!tpu.dma_semaphore, #tpu.memory_space<semaphore_mem>>) {add = true}
        %dma_wait3A_390 = arith.constant 1 : i32
        %dma_wait3A_391 = arith.constant 0 : i32
        %dma_wait3A_392 = arith.constant 0 : i32
        %dma_wait3A_393 = arith.constant 0 : i32
        %dma_wait3A_394 = tpu.memref_slice %arg6[%dma_wait3A_390, %dma_wait3A_392, %dma_wait3A_393] : memref<4x64x128xf32, #tpu.memory_space<vmem>> -> memref<1x64x128xf32, #tpu.memory_space<vmem>>
        %dma_wait3A_395 = tpu.memref_squeeze %dma_wait3A_394 : memref<1x64x128xf32, #tpu.memory_space<vmem>> -> memref<64x128xf32, #tpu.memory_space<vmem>>
        %dma_wait3A_396 = arith.constant 0 : i32
        %dma_wait3A_397 = tpu.memref_slice %arg7[%dma_wait3A_391, %dma_wait3A_396] : memref<1x64xi32, #tpu.memory_space<vmem>> -> memref<1x64xi32, #tpu.memory_space<vmem>>
        %dma_wait3A_398 = tpu.memref_squeeze %dma_wait3A_397 : memref<1x64xi32, #tpu.memory_space<vmem>> -> memref<64xi32, #tpu.memory_space<vmem>>
        %dma_wait3A_399 = arith.constant 0 : i32
        %dma_wait3A_400 = arith.constant 0 : i32
        %dma_wait3A_401 = tpu.memref_slice %arg8[%dma_wait3A_399, %dma_wait3A_400] : memref<1024x128xf32, #tpu.memory_space<vmem_shared>> -> memref<1024x128xf32, #tpu.memory_space<vmem_shared>>
        tpu.wait_indirect_dma semaphore(%arg14 : memref<!tpu.dma_semaphore, #tpu.memory_space<semaphore_mem>>) src(%dma_wait3A_395 : memref<64x128xf32, #tpu.memory_space<vmem>>) dst(%dma_wait3A_401 : memref<1024x128xf32, #tpu.memory_space<vmem_shared>>)
        %add3A_402 = arith.constant 4 : i32
        %add3A_403 = arith.addi %add3A_364, %add3A_402 : i32
        %lt3A_404 = arith.constant 32 : i32
        %lt3A_405 = arith.cmpi slt, %add3A_403, %lt3A_404 : i32
        %convert_element_type3A_406 = arith.extui %lt3A_405 : i1 to i32
        %cond3A_407 = arith.constant 0 : i32
        %cond3A_408 = arith.cmpi ne, %convert_element_type3A_406, %cond3A_407 : i32
        scf.if %cond3A_408 {
          %add3A_506 = arith.constant 4 : i32
          %add3A_507 = arith.addi %add3A_364, %add3A_506 : i32
          %dma_start3A_508 = arith.constant 1 : i32
          %dma_start3A_509 = arith.constant 0 : i32
          %dma_start3A_510 = arith.constant 0 : i32
          %dma_start3A_511 = tpu.memref_slice %arg6[%dma_start3A_508, %dma_start3A_509, %dma_start3A_510] : memref<4x64x128xf32, #tpu.memory_space<vmem>> -> memref<1x64x128xf32, #tpu.memory_space<vmem>>
          %dma_start3A_512 = tpu.memref_squeeze %dma_start3A_511 : memref<1x64x128xf32, #tpu.memory_space<vmem>> -> memref<64x128xf32, #tpu.memory_space<vmem>>
          %dma_start3A_513 = arith.constant 0 : i32
          %dma_start3A_514 = tpu.memref_slice %arg5[%add3A_507, %scan3A_57, %dma_start3A_513] : memref<32x5x64xi32, #tpu.memory_space<vmem>> -> memref<1x1x64xi32, #tpu.memory_space<vmem>>
          %dma_start3A_515 = tpu.memref_squeeze %dma_start3A_514 : memref<1x1x64xi32, #tpu.memory_space<vmem>> -> memref<64xi32, #tpu.memory_space<vmem>>
          %dma_start3A_516 = arith.constant 0 : i32
          %dma_start3A_517 = arith.constant 0 : i32
          %dma_start3A_518 = tpu.memref_slice %arg3[%dma_start3A_516, %dma_start3A_517] : memref<10240x128xf32, #tpu.memory_space<hbm>> -> memref<10240x128xf32, #tpu.memory_space<hbm>>
          tpu.enqueue_indirect_dma source(%dma_start3A_518 : memref<10240x128xf32, #tpu.memory_space<hbm>>) target(%dma_start3A_512 : memref<64x128xf32, #tpu.memory_space<vmem>>) offsets(%dma_start3A_515 : memref<64xi32, #tpu.memory_space<vmem>>) semaphore(%arg10 : memref<!tpu.dma_semaphore, #tpu.memory_space<semaphore_mem>>)
        } else {
        }
        %mul3A_409 = arith.constant 4 : i32
        %mul3A_410 = arith.muli %mul3A_409, %scan3A_314 : i32
        %add3A_411 = arith.constant 2 : i32
        %add3A_412 = arith.addi %mul3A_410, %add3A_411 : i32
        %dma_wait3A_413 = arith.constant 0 : i32
        %dma_wait3A_414 = arith.constant 0 : i32
        %dma_wait3A_415 = arith.constant 2 : i32
        %dma_wait3A_416 = arith.constant 0 : i32
        %dma_wait3A_417 = arith.constant 0 : i32
        %dma_wait3A_418 = tpu.memref_slice %arg6[%dma_wait3A_415, %dma_wait3A_416, %dma_wait3A_417] : memref<4x64x128xf32, #tpu.memory_space<vmem>> -> memref<1x64x128xf32, #tpu.memory_space<vmem>>
        %dma_wait3A_419 = tpu.memref_squeeze %dma_wait3A_418 : memref<1x64x128xf32, #tpu.memory_space<vmem>> -> memref<64x128xf32, #tpu.memory_space<vmem>>
        %dma_wait3A_420 = arith.constant 0 : i32
        %dma_wait3A_421 = tpu.memref_slice %arg5[%dma_wait3A_413, %dma_wait3A_414, %dma_wait3A_420] : memref<32x5x64xi32, #tpu.memory_space<vmem>> -> memref<1x1x64xi32, #tpu.memory_space<vmem>>
        %dma_wait3A_422 = tpu.memref_squeeze %dma_wait3A_421 : memref<1x1x64xi32, #tpu.memory_space<vmem>> -> memref<64xi32, #tpu.memory_space<vmem>>
        %dma_wait3A_423 = arith.constant 0 : i32
        %dma_wait3A_424 = arith.constant 0 : i32
        %dma_wait3A_425 = tpu.memref_slice %arg3[%dma_wait3A_423, %dma_wait3A_424] : memref<10240x128xf32, #tpu.memory_space<hbm>> -> memref<10240x128xf32, #tpu.memory_space<hbm>>
        tpu.wait_indirect_dma semaphore(%arg11 : memref<!tpu.dma_semaphore, #tpu.memory_space<semaphore_mem>>) src(%dma_wait3A_425 : memref<10240x128xf32, #tpu.memory_space<hbm>>) dst(%dma_wait3A_419 : memref<64x128xf32, #tpu.memory_space<vmem>>)
        %dma_start3A_426 = arith.constant 2 : i32
        %dma_start3A_427 = arith.constant 0 : i32
        %dma_start3A_428 = arith.constant 0 : i32
        %dma_start3A_429 = arith.constant 0 : i32
        %dma_start3A_430 = tpu.memref_slice %arg6[%dma_start3A_426, %dma_start3A_428, %dma_start3A_429] : memref<4x64x128xf32, #tpu.memory_space<vmem>> -> memref<1x64x128xf32, #tpu.memory_space<vmem>>
        %dma_start3A_431 = tpu.memref_squeeze %dma_start3A_430 : memref<1x64x128xf32, #tpu.memory_space<vmem>> -> memref<64x128xf32, #tpu.memory_space<vmem>>
        %dma_start3A_432 = arith.constant 0 : i32
        %dma_start3A_433 = tpu.memref_slice %arg7[%dma_start3A_427, %dma_start3A_432] : memref<1x64xi32, #tpu.memory_space<vmem>> -> memref<1x64xi32, #tpu.memory_space<vmem>>
        %dma_start3A_434 = tpu.memref_squeeze %dma_start3A_433 : memref<1x64xi32, #tpu.memory_space<vmem>> -> memref<64xi32, #tpu.memory_space<vmem>>
        %dma_start3A_435 = arith.constant 0 : i32
        %dma_start3A_436 = arith.constant 0 : i32
        %dma_start3A_437 = tpu.memref_slice %arg8[%dma_start3A_435, %dma_start3A_436] : memref<1024x128xf32, #tpu.memory_space<vmem_shared>> -> memref<1024x128xf32, #tpu.memory_space<vmem_shared>>
        tpu.enqueue_indirect_dma source(%dma_start3A_431 : memref<64x128xf32, #tpu.memory_space<vmem>>) target(%dma_start3A_437 : memref<1024x128xf32, #tpu.memory_space<vmem_shared>>) offsets(%dma_start3A_434 : memref<64xi32, #tpu.memory_space<vmem>>) semaphore(%arg15 : memref<!tpu.dma_semaphore, #tpu.memory_space<semaphore_mem>>) {add = true}
        %dma_wait3A_438 = arith.constant 2 : i32
        %dma_wait3A_439 = arith.constant 0 : i32
        %dma_wait3A_440 = arith.constant 0 : i32
        %dma_wait3A_441 = arith.constant 0 : i32
        %dma_wait3A_442 = tpu.memref_slice %arg6[%dma_wait3A_438, %dma_wait3A_440, %dma_wait3A_441] : memref<4x64x128xf32, #tpu.memory_space<vmem>> -> memref<1x64x128xf32, #tpu.memory_space<vmem>>
        %dma_wait3A_443 = tpu.memref_squeeze %dma_wait3A_442 : memref<1x64x128xf32, #tpu.memory_space<vmem>> -> memref<64x128xf32, #tpu.memory_space<vmem>>
        %dma_wait3A_444 = arith.constant 0 : i32
        %dma_wait3A_445 = tpu.memref_slice %arg7[%dma_wait3A_439, %dma_wait3A_444] : memref<1x64xi32, #tpu.memory_space<vmem>> -> memref<1x64xi32, #tpu.memory_space<vmem>>
        %dma_wait3A_446 = tpu.memref_squeeze %dma_wait3A_445 : memref<1x64xi32, #tpu.memory_space<vmem>> -> memref<64xi32, #tpu.memory_space<vmem>>
        %dma_wait3A_447 = arith.constant 0 : i32
        %dma_wait3A_448 = arith.constant 0 : i32
        %dma_wait3A_449 = tpu.memref_slice %arg8[%dma_wait3A_447, %dma_wait3A_448] : memref<1024x128xf32, #tpu.memory_space<vmem_shared>> -> memref<1024x128xf32, #tpu.memory_space<vmem_shared>>
        tpu.wait_indirect_dma semaphore(%arg15 : memref<!tpu.dma_semaphore, #tpu.memory_space<semaphore_mem>>) src(%dma_wait3A_443 : memref<64x128xf32, #tpu.memory_space<vmem>>) dst(%dma_wait3A_449 : memref<1024x128xf32, #tpu.memory_space<vmem_shared>>)
        %add3A_450 = arith.constant 4 : i32
        %add3A_451 = arith.addi %add3A_412, %add3A_450 : i32
        %lt3A_452 = arith.constant 32 : i32
        %lt3A_453 = arith.cmpi slt, %add3A_451, %lt3A_452 : i32
        %convert_element_type3A_454 = arith.extui %lt3A_453 : i1 to i32
        %cond3A_455 = arith.constant 0 : i32
        %cond3A_456 = arith.cmpi ne, %convert_element_type3A_454, %cond3A_455 : i32
        scf.if %cond3A_456 {
          %add3A_506 = arith.constant 4 : i32
          %add3A_507 = arith.addi %add3A_412, %add3A_506 : i32
          %dma_start3A_508 = arith.constant 2 : i32
          %dma_start3A_509 = arith.constant 0 : i32
          %dma_start3A_510 = arith.constant 0 : i32
          %dma_start3A_511 = tpu.memref_slice %arg6[%dma_start3A_508, %dma_start3A_509, %dma_start3A_510] : memref<4x64x128xf32, #tpu.memory_space<vmem>> -> memref<1x64x128xf32, #tpu.memory_space<vmem>>
          %dma_start3A_512 = tpu.memref_squeeze %dma_start3A_511 : memref<1x64x128xf32, #tpu.memory_space<vmem>> -> memref<64x128xf32, #tpu.memory_space<vmem>>
          %dma_start3A_513 = arith.constant 0 : i32
          %dma_start3A_514 = tpu.memref_slice %arg5[%add3A_507, %scan3A_57, %dma_start3A_513] : memref<32x5x64xi32, #tpu.memory_space<vmem>> -> memref<1x1x64xi32, #tpu.memory_space<vmem>>
          %dma_start3A_515 = tpu.memref_squeeze %dma_start3A_514 : memref<1x1x64xi32, #tpu.memory_space<vmem>> -> memref<64xi32, #tpu.memory_space<vmem>>
          %dma_start3A_516 = arith.constant 0 : i32
          %dma_start3A_517 = arith.constant 0 : i32
          %dma_start3A_518 = tpu.memref_slice %arg3[%dma_start3A_516, %dma_start3A_517] : memref<10240x128xf32, #tpu.memory_space<hbm>> -> memref<10240x128xf32, #tpu.memory_space<hbm>>
          tpu.enqueue_indirect_dma source(%dma_start3A_518 : memref<10240x128xf32, #tpu.memory_space<hbm>>) target(%dma_start3A_512 : memref<64x128xf32, #tpu.memory_space<vmem>>) offsets(%dma_start3A_515 : memref<64xi32, #tpu.memory_space<vmem>>) semaphore(%arg11 : memref<!tpu.dma_semaphore, #tpu.memory_space<semaphore_mem>>)
        } else {
        }
        %mul3A_457 = arith.constant 4 : i32
        %mul3A_458 = arith.muli %mul3A_457, %scan3A_314 : i32
        %add3A_459 = arith.constant 3 : i32
        %add3A_460 = arith.addi %mul3A_458, %add3A_459 : i32
        %dma_wait3A_461 = arith.constant 0 : i32
        %dma_wait3A_462 = arith.constant 0 : i32
        %dma_wait3A_463 = arith.constant 3 : i32
        %dma_wait3A_464 = arith.constant 0 : i32
        %dma_wait3A_465 = arith.constant 0 : i32
        %dma_wait3A_466 = tpu.memref_slice %arg6[%dma_wait3A_463, %dma_wait3A_464, %dma_wait3A_465] : memref<4x64x128xf32, #tpu.memory_space<vmem>> -> memref<1x64x128xf32, #tpu.memory_space<vmem>>
        %dma_wait3A_467 = tpu.memref_squeeze %dma_wait3A_466 : memref<1x64x128xf32, #tpu.memory_space<vmem>> -> memref<64x128xf32, #tpu.memory_space<vmem>>
        %dma_wait3A_468 = arith.constant 0 : i32
        %dma_wait3A_469 = tpu.memref_slice %arg5[%dma_wait3A_461, %dma_wait3A_462, %dma_wait3A_468] : memref<32x5x64xi32, #tpu.memory_space<vmem>> -> memref<1x1x64xi32, #tpu.memory_space<vmem>>
        %dma_wait3A_470 = tpu.memref_squeeze %dma_wait3A_469 : memref<1x1x64xi32, #tpu.memory_space<vmem>> -> memref<64xi32, #tpu.memory_space<vmem>>
        %dma_wait3A_471 = arith.constant 0 : i32
        %dma_wait3A_472 = arith.constant 0 : i32
        %dma_wait3A_473 = tpu.memref_slice %arg3[%dma_wait3A_471, %dma_wait3A_472] : memref<10240x128xf32, #tpu.memory_space<hbm>> -> memref<10240x128xf32, #tpu.memory_space<hbm>>
        tpu.wait_indirect_dma semaphore(%arg12 : memref<!tpu.dma_semaphore, #tpu.memory_space<semaphore_mem>>) src(%dma_wait3A_473 : memref<10240x128xf32, #tpu.memory_space<hbm>>) dst(%dma_wait3A_467 : memref<64x128xf32, #tpu.memory_space<vmem>>)
        %dma_start3A_474 = arith.constant 3 : i32
        %dma_start3A_475 = arith.constant 0 : i32
        %dma_start3A_476 = arith.constant 0 : i32
        %dma_start3A_477 = arith.constant 0 : i32
        %dma_start3A_478 = tpu.memref_slice %arg6[%dma_start3A_474, %dma_start3A_476, %dma_start3A_477] : memref<4x64x128xf32, #tpu.memory_space<vmem>> -> memref<1x64x128xf32, #tpu.memory_space<vmem>>
        %dma_start3A_479 = tpu.memref_squeeze %dma_start3A_478 : memref<1x64x128xf32, #tpu.memory_space<vmem>> -> memref<64x128xf32, #tpu.memory_space<vmem>>
        %dma_start3A_480 = arith.constant 0 : i32
        %dma_start3A_481 = tpu.memref_slice %arg7[%dma_start3A_475, %dma_start3A_480] : memref<1x64xi32, #tpu.memory_space<vmem>> -> memref<1x64xi32, #tpu.memory_space<vmem>>
        %dma_start3A_482 = tpu.memref_squeeze %dma_start3A_481 : memref<1x64xi32, #tpu.memory_space<vmem>> -> memref<64xi32, #tpu.memory_space<vmem>>
        %dma_start3A_483 = arith.constant 0 : i32
        %dma_start3A_484 = arith.constant 0 : i32
        %dma_start3A_485 = tpu.memref_slice %arg8[%dma_start3A_483, %dma_start3A_484] : memref<1024x128xf32, #tpu.memory_space<vmem_shared>> -> memref<1024x128xf32, #tpu.memory_space<vmem_shared>>
        tpu.enqueue_indirect_dma source(%dma_start3A_479 : memref<64x128xf32, #tpu.memory_space<vmem>>) target(%dma_start3A_485 : memref<1024x128xf32, #tpu.memory_space<vmem_shared>>) offsets(%dma_start3A_482 : memref<64xi32, #tpu.memory_space<vmem>>) semaphore(%arg16 : memref<!tpu.dma_semaphore, #tpu.memory_space<semaphore_mem>>) {add = true}
        %dma_wait3A_486 = arith.constant 3 : i32
        %dma_wait3A_487 = arith.constant 0 : i32
        %dma_wait3A_488 = arith.constant 0 : i32
        %dma_wait3A_489 = arith.constant 0 : i32
        %dma_wait3A_490 = tpu.memref_slice %arg6[%dma_wait3A_486, %dma_wait3A_488, %dma_wait3A_489] : memref<4x64x128xf32, #tpu.memory_space<vmem>> -> memref<1x64x128xf32, #tpu.memory_space<vmem>>
        %dma_wait3A_491 = tpu.memref_squeeze %dma_wait3A_490 : memref<1x64x128xf32, #tpu.memory_space<vmem>> -> memref<64x128xf32, #tpu.memory_space<vmem>>
        %dma_wait3A_492 = arith.constant 0 : i32
        %dma_wait3A_493 = tpu.memref_slice %arg7[%dma_wait3A_487, %dma_wait3A_492] : memref<1x64xi32, #tpu.memory_space<vmem>> -> memref<1x64xi32, #tpu.memory_space<vmem>>
        %dma_wait3A_494 = tpu.memref_squeeze %dma_wait3A_493 : memref<1x64xi32, #tpu.memory_space<vmem>> -> memref<64xi32, #tpu.memory_space<vmem>>
        %dma_wait3A_495 = arith.constant 0 : i32
        %dma_wait3A_496 = arith.constant 0 : i32
        %dma_wait3A_497 = tpu.memref_slice %arg8[%dma_wait3A_495, %dma_wait3A_496] : memref<1024x128xf32, #tpu.memory_space<vmem_shared>> -> memref<1024x128xf32, #tpu.memory_space<vmem_shared>>
        tpu.wait_indirect_dma semaphore(%arg16 : memref<!tpu.dma_semaphore, #tpu.memory_space<semaphore_mem>>) src(%dma_wait3A_491 : memref<64x128xf32, #tpu.memory_space<vmem>>) dst(%dma_wait3A_497 : memref<1024x128xf32, #tpu.memory_space<vmem_shared>>)
        %add3A_498 = arith.constant 4 : i32
        %add3A_499 = arith.addi %add3A_460, %add3A_498 : i32
        %lt3A_500 = arith.constant 32 : i32
        %lt3A_501 = arith.cmpi slt, %add3A_499, %lt3A_500 : i32
        %convert_element_type3A_502 = arith.extui %lt3A_501 : i1 to i32
        %cond3A_503 = arith.constant 0 : i32
        %cond3A_504 = arith.cmpi ne, %convert_element_type3A_502, %cond3A_503 : i32
        scf.if %cond3A_504 {
          %add3A_506 = arith.constant 4 : i32
          %add3A_507 = arith.addi %add3A_460, %add3A_506 : i32
          %dma_start3A_508 = arith.constant 3 : i32
          %dma_start3A_509 = arith.constant 0 : i32
          %dma_start3A_510 = arith.constant 0 : i32
          %dma_start3A_511 = tpu.memref_slice %arg6[%dma_start3A_508, %dma_start3A_509, %dma_start3A_510] : memref<4x64x128xf32, #tpu.memory_space<vmem>> -> memref<1x64x128xf32, #tpu.memory_space<vmem>>
          %dma_start3A_512 = tpu.memref_squeeze %dma_start3A_511 : memref<1x64x128xf32, #tpu.memory_space<vmem>> -> memref<64x128xf32, #tpu.memory_space<vmem>>
          %dma_start3A_513 = arith.constant 0 : i32
          %dma_start3A_514 = tpu.memref_slice %arg5[%add3A_507, %scan3A_57, %dma_start3A_513] : memref<32x5x64xi32, #tpu.memory_space<vmem>> -> memref<1x1x64xi32, #tpu.memory_space<vmem>>
          %dma_start3A_515 = tpu.memref_squeeze %dma_start3A_514 : memref<1x1x64xi32, #tpu.memory_space<vmem>> -> memref<64xi32, #tpu.memory_space<vmem>>
          %dma_start3A_516 = arith.constant 0 : i32
          %dma_start3A_517 = arith.constant 0 : i32
          %dma_start3A_518 = tpu.memref_slice %arg3[%dma_start3A_516, %dma_start3A_517] : memref<10240x128xf32, #tpu.memory_space<hbm>> -> memref<10240x128xf32, #tpu.memory_space<hbm>>
          tpu.enqueue_indirect_dma source(%dma_start3A_518 : memref<10240x128xf32, #tpu.memory_space<hbm>>) target(%dma_start3A_512 : memref<64x128xf32, #tpu.memory_space<vmem>>) offsets(%dma_start3A_515 : memref<64xi32, #tpu.memory_space<vmem>>) semaphore(%arg12 : memref<!tpu.dma_semaphore, #tpu.memory_space<semaphore_mem>>)
        } else {
        }
        %scan3A_505 = arith.constant 0 : i32
        scf.yield %scan3A_505 : i32
      }
      %scan3A_309 = arith.constant 7 : i32
      %mul3A_310 = arith.constant 64 : i32
      %mul3A_311 = arith.muli %scan3A_57, %mul3A_310 : i32
      %add3A_312 = arith.addi %mul3A_2, %mul3A_311 : i32
      "tpu.region"() ({
        %run_scoped3A = tpu.sem_alloc : memref<!tpu.dma_semaphore, #tpu.memory_space<semaphore_mem>>
        %dma_start3A_314 = arith.constant 0 : i32
        %dma_start3A_315 = tpu.memref_slice %arg4[%add3A_312, %dma_start3A_314] : memref<10240x128xf32, #tpu.memory_space<hbm>> -> memref<64x128xf32, #tpu.memory_space<hbm>>
        %dma_start3A_316 = arith.constant 0 : i32
        %dma_start3A_317 = tpu.memref_slice %arg8[%mul3A_4, %dma_start3A_316] : memref<1024x128xf32, #tpu.memory_space<vmem_shared>> -> memref<64x128xf32, #tpu.memory_space<vmem_shared>>
        tpu.enqueue_dma source(%dma_start3A_317 : memref<64x128xf32, #tpu.memory_space<vmem_shared>>) target(%dma_start3A_315 : memref<64x128xf32, #tpu.memory_space<hbm>>) target_semaphore(%run_scoped3A : memref<!tpu.dma_semaphore, #tpu.memory_space<semaphore_mem>>)
        %dma_wait3A_318 = arith.constant 0 : i32
        %dma_wait3A_319 = tpu.memref_slice %arg4[%add3A_312, %dma_wait3A_318] : memref<10240x128xf32, #tpu.memory_space<hbm>> -> memref<64x128xf32, #tpu.memory_space<hbm>>
        %dma_wait3A_320 = arith.constant 0 : i32
        %dma_wait3A_321 = tpu.memref_slice %arg8[%mul3A_4, %dma_wait3A_320] : memref<1024x128xf32, #tpu.memory_space<vmem_shared>> -> memref<64x128xf32, #tpu.memory_space<vmem_shared>>
        tpu.wait_dma2 semaphore(%run_scoped3A : memref<!tpu.dma_semaphore, #tpu.memory_space<semaphore_mem>>) src(%dma_wait3A_321 : memref<64x128xf32, #tpu.memory_space<vmem_shared>>) dst(%dma_wait3A_319 : memref<64x128xf32, #tpu.memory_space<hbm>>)
        tpu.yield
      }) : () -> ()
      %scan3A_313 = arith.constant 0 : i32
      scf.yield %scan3A_313 : i32
    }
    %scan3A_56 = arith.constant 5 : i32
    return
  }
}

module attributes {stable_mosaic.version = 14 : i64} {
  func.func @body(%arg0: i32, %arg1: memref<1024x128xf32, #tpu.memory_space<vmem>>, %arg2: memref<128x128xf32, #tpu.memory_space<vmem>>, %arg3: memref<1024x128xf32, #tpu.memory_space<vmem>>) attributes {dimension_semantics = [#tpu.dimension_semantics<arbitrary>], iteration_bounds = array<i64: 10>, scalar_prefetch = 0 : i64, scratch_operands = 0 : i64, tpu.core_type = #tpu.core_type<tc>, window_params = [{transform_indices = @transform_0, window_bounds = array<i64: 1024, 128>}, {pipeline_mode = #tpu.pipeline_mode<synchronous>, transform_indices = @transform_1, window_bounds = array<i64: 128, 128>}, {transform_indices = @transform_2, window_bounds = array<i64: 1024, 128>}]} {
    %get3A = arith.constant 0 : index
    %get3A_0 = arith.constant 0 : index
    %get3A_1 = vector.load %arg1[%get3A, %get3A_0] : memref<1024x128xf32, #tpu.memory_space<vmem>>, vector<1024x128xf32>
    %get3A_2 = arith.constant 0 : index
    %get3A_3 = arith.constant 0 : index
    %get3A_4 = vector.load %arg2[%get3A_2, %get3A_3] : memref<128x128xf32, #tpu.memory_space<vmem>>, vector<128x128xf32>
    %dot_general3A = arith.constant dense<0.000000e+00> : vector<1024x128xf32>
    %dot_general3A_5 = tpu.matmul %get3A_1, %get3A_4, %dot_general3A {dimension_numbers = #tpu.dot_dimension_numbers<[1], [0], [0], [1], [0, 0, 1, 1], [], []>, transpose_lhs_hint = false} : vector<1024x128xf32>, vector<128x128xf32>, vector<1024x128xf32> -> vector<1024x128xf32>
    %max3A = arith.constant 0.000000e+00 : f32
    %max3A_6 = vector.broadcast %max3A : f32 to vector<1024x128xf32>
    %max3A_7 = arith.maximumf %dot_general3A_5, %max3A_6 : vector<1024x128xf32>
    %swap3A = arith.constant 0 : index
    %swap3A_8 = arith.constant 0 : index
    %swap3A_9 = vector.load %arg3[%swap3A, %swap3A_8] : memref<1024x128xf32, #tpu.memory_space<vmem>>, vector<1024x128xf32>
    tpu.vector_store %arg3[%swap3A, %swap3A_8], %max3A_7 {strides = array<i32>} : memref<1024x128xf32, #tpu.memory_space<vmem>>, vector<1024x128xf32>,
    return
  }
  func.func @transform_0(%arg0: i32) -> (i32, i32) {
    %c0_i32 = arith.constant 0 : i32
    %c0_i32_0 = arith.constant 0 : i32
    return %arg0, %c0_i32 : i32, i32
  }
  func.func @transform_1(%arg0: i32) -> (i32, i32) {
    %c0_i32 = arith.constant 0 : i32
    %c0_i32_0 = arith.constant 0 : i32
    %c0_i32_1 = arith.constant 0 : i32
    return %c0_i32, %c0_i32_0 : i32, i32
  }
  func.func @transform_2(%arg0: i32) -> (i32, i32) {
    %c0_i32 = arith.constant 0 : i32
    %c0_i32_0 = arith.constant 0 : i32
    return %arg0, %c0_i32 : i32, i32
  }
}

</mosaic_0001>

<sc_bundles>
// kernel: kernel.13.cloned.1.call-start
scs
__scs_entry_jumppad:
0x0: {  	(pc) =	sbr.rel $0x88, $3  }
0x1: {  	(tag) =	ssettag $0x0;
	lr =	simm.s32 $0x1  }
0x2: {  	[smem:$0x3F9D] =	sst lr;
	_ =	strace $0xD0000000  }
0x3: {  	_ = 	snop  }
0x4: {  	_ = 	snop  }
0x5: {  	_ = 	snop  }
0x6: {  	_ = 	snop  }
0x7: {  	_ = 	snop  }
__scs_overlays_trampoline_lowered:
0x8: {  	[smem:$0x3FAC] =	sst s0  }
0x9: {  	[smem:$0x3FAD] =	sst s1  }
0xa: {  	[smem:$0x3FAE] =	sst s2  }
0xb: {  	[smem:$0x3FAF] =	sst s3  }
0xc: {  	[smem:$0x3FB0] =	sst s4  }
0xd: {  	[smem:$0x3FB1] =	sst s5  }
0xe: {  	[smem:$0x3FB2] =	sst s6  }
0xf: {  	[smem:$0x3FB3] =	sst s7  }
0x10: {  	[smem:$0x3FB4] =	sst s8  }
0x11: {  	[smem:$0x3FB5] =	sst s9;
	s0 =	simm.s32 @!p0 $0x0  }
0x12: {  	s1 =	sld [smem:$0x3F9B];
	s0 =	simm.s32 @p0 $0x1  }
0x13: {  	[smem:$0x3FB6] =	sst s0;
	s0 =	simm.s32 @!p1 $0x0  }
0x14: {  	s2 =	sld [smem:$0x3F9A];
	s0 =	simm.s32 @p1 $0x1  }
0x15: {  	[smem:$0x3FB7] =	sst s0;
	s0 =	simm.s32 @!p2 $0x0  }
0x16: {  	s3 =	sld [smem:$0x3FDB];
	s0 =	simm.s32 @p2 $0x1  }
0x17: {  	s4 =	simm.s32 $0x1BF5;
	[smem:$0x3FB9] =	sst s0  }
0x18: {  	s0 =	sld [smem:$0x3F9C];
	_ =	swait.ge [sflag:s4], $0x0  }
0x19: {  	s7 =	sld [smem:$0x3F9D]  }
0x1a: {  	s8 =	sadd.s32 $0xFFFFE003, lr  }
0x1b: {  	s9 =	sadd.s32 $0xFFFFFEF7, lr;
	s5 =	simm.s32 $0xFFFFFFFF;
	p2 =	slt.u32 s8, $0xFFFFF086  }
0x1c: {  	p1 =	slt.u32 s9, $0xF7A;
	s5 =	simm.s32 @!p2 $0x0  }
0x1d: {  	s5 =	simm.s32 @p1 $0x1;
	p0 =	seq.s32 s7, s2  }
0x1e: {  	s7 =	smul.u32 @!p0 $0xF7A, s2;
	p2 =	seq.s32 @!p0 s5, $0x0  }
0x1f: {  	s9 =	smul.u32 $0xF7A, s1;
	s8 =	simm.s32 @!p0 $0x1BF5;
	p2 =	por !p2, p0  }
0x20: {  	[sflag:s8] =	ssyncset.s32 @!p0 $0xFFFFF086;
	s6 =	sadd.s32 @!p0 s3, s7;
	s7 =	simm.s32 @!p0 $0x108  }
0x21: {  	s3 =	sadd.s32 s3, s9;
	s6 =	sadd.s32 @!p0 $0x88, s6;
	s7 =	simm.s32 @p2 $0x1082  }
0x22: {  	[simem:s7], [sflag:s8] =	dma.local @!p0 [hbm:s6], $0xF7A  }
0x23: {  	s9 =	sor.u32 $0xD0000000, s2;
	s6 =	simm.s32 $0x108;
	_ =	swait.ge @!p0 [sflag:s8], $0x0  }
0x24: {  	s3 =	sadd.s32 $0x88, s3;
	s6 =	simm.s32 @!p1 $0x1082;
	[sflag:s4] =	ssyncset.s32 $0xFFFFF086  }
0x25: {  	[simem:s6], [sflag:s4] =	dma.local [hbm:s3], $0xF7A  }
0x26: {  	[smem:$0x3F9D] =	sst s1;
	(tag) =	ssettag s2;
	_ =	strace s9  }
0x27: {  	s1 =	sld [smem:$0x3FAD]  }
0x28: {  	s2 =	sld [smem:$0x3FAE]  }
0x29: {  	s4 =	sld [smem:$0x3FB0]  }
0x2a: {  	p0 =	seq.s32 s5, $0x0;
	s5 =	sld [smem:$0x3FB1]  }
0x2b: {  	s6 =	sld [smem:$0x3FB2]  }
0x2c: {  	s7 =	sld [smem:$0x3FB3]  }
0x2d: {  	s3 =	simm.s32 $0x108;
	s8 =	sld [smem:$0x3FB4]  }
0x2e: {  	s3 =	simm.s32 @!p0 $0x1082;
	s9 =	sld [smem:$0x3FB5]  }
0x2f: {  	lr =	sadd.s32 s0, s3;
	s0 =	sld [smem:$0x3FAC]  }
0x30: {  	s3 =	sld [smem:$0x3FAF]  }
0x31: {  	[smem:$0x3FB8] =	sst s10  }
0x32: {  	s10 =	sld [smem:$0x3FB6];
	_ =	sdelay $0x3  }
0x33: {  	p0 =	seq.s32 s10, $0x1;
	s10 =	sld [smem:$0x3FB8];
	_ =	sdelay $0x3  }
0x34: {  	[smem:$0x3FB8] =	sst s10  }
0x35: {  	s10 =	sld [smem:$0x3FB7];
	_ =	sdelay $0x3  }
0x36: {  	p1 =	seq.s32 s10, $0x1;
	s10 =	sld [smem:$0x3FB8];
	_ =	sdelay $0x3  }
0x37: {  	[smem:$0x3FB8] =	sst s10  }
0x38: {  	s10 =	sld [smem:$0x3FB9]  }
0x39: {  	_ = 	snop;
	(pc) =	sbr.ind lr, $3  }
0x3a: {  	_ = 	snop  }
0x3b: {  	_ = 	snop  }
0x3c: {  	p2 =	seq.s32 s10, $0x1;
	s10 =	sld [smem:$0x3FB8]  }
0x3d: {  	_ =	shalt  }
0x3e: {  	_ =	shalt  }
0x3f: {  	_ =	shalt  }
0x40: {  	_ =	shalt  }
0x41: {  	_ =	shalt  }
0x42: {  	_ =	shalt  }
0x43: {  	_ =	shalt  }
0x44: {  	_ =	shalt  }
0x45: {  	_ =	shalt  }
0x46: {  	_ =	shalt  }
0x47: {  	_ =	shalt  }
0x48: {  	_ =	shalt  }
0x49: {  	_ =	shalt  }
0x4a: {  	_ =	shalt  }
0x4b: {  	_ =	shalt  }
0x4c: {  	_ =	shalt  }
0x4d: {  	_ =	shalt  }
0x4e: {  	_ =	shalt  }
0x4f: {  	_ =	shalt  }
0x50: {  	_ =	shalt  }
0x51: {  	_ =	shalt  }
0x52: {  	_ =	shalt  }
0x53: {  	_ =	shalt  }
0x54: {  	_ =	shalt  }
0x55: {  	_ =	shalt  }
0x56: {  	_ =	shalt  }
0x57: {  	_ =	shalt  }
0x58: {  	_ =	shalt  }
0x59: {  	_ =	shalt  }
0x5a: {  	_ =	shalt  }
0x5b: {  	_ =	shalt  }
0x5c: {  	_ =	shalt  }
0x5d: {  	_ =	shalt  }
0x5e: {  	_ =	shalt  }
0x5f: {  	_ =	shalt  }
0x60: {  	_ =	shalt  }
0x61: {  	_ =	shalt  }
0x62: {  	_ =	shalt  }
0x63: {  	_ =	shalt  }
0x64: {  	_ =	shalt  }
0x65: {  	_ =	shalt  }
0x66: {  	_ =	shalt  }
0x67: {  	_ =	shalt  }
0x68: {  	_ =	shalt  }
0x69: {  	_ =	shalt  }
0x6a: {  	_ =	shalt  }
0x6b: {  	_ =	shalt  }
0x6c: {  	_ =	shalt  }
0x6d: {  	_ =	shalt  }
0x6e: {  	_ =	shalt  }
0x6f: {  	_ =	shalt  }
0x70: {  	_ =	shalt  }
0x71: {  	_ =	shalt  }
0x72: {  	_ =	shalt  }
0x73: {  	_ =	shalt  }
0x74: {  	_ =	shalt  }
0x75: {  	_ =	shalt  }
0x76: {  	_ =	shalt  }
0x77: {  	_ =	shalt  }
0x78: {  	_ =	shalt  }
0x79: {  	_ =	shalt  }
0x7a: {  	_ =	shalt  }
0x7b: {  	_ =	shalt  }
0x7c: {  	_ =	shalt  }
0x7d: {  	_ =	shalt  }
0x7e: {  	_ =	shalt  }
0x7f: {  	_ =	shalt  }
0x80: {  	_ =	shalt  }
0x81: {  	_ =	shalt  }
0x82: {  	_ =	shalt  }
0x83: {  	_ =	shalt  }
0x84: {  	_ =	shalt  }
0x85: {  	_ =	shalt  }
0x86: {  	_ =	shalt  }
0x87: {  	_ =	shalt  }
.Lfunc_end0:
.L_simem_size_0:
called_computation_lowered:
.L_overlay_start_0:
0x88: {  	s2 =	sld [smem:$0x3FD9]  }
0x89: {  	s3 =	sld [smem:$0x3FFE];
	_ =	sdelay $0x1  }
0x8a: {  	s1 =	srdreg.scid  }
0x8b: {  	s0 =	sand.u32 $0x1, s1  }
0x8c: {  	s17 =	sshll.u32 s0, $0xA;
	s2 =	sadd.s32 s3, s2  }
0x8d: {  	s2 =	sadd.s32 s2, s17  }
0x8e: {  	[smem:$0x3FC4] =	sst s2  }
0x8f: {  	_ = 	snop  }
0x90: {  	s2 =	sld [smem:$0x3FD0];
	(tm) =	ssettm $0x1  }
0x91: {  	s18 =	sld [smem:$0x3FFB];
	_ =	sdelay $0x3  }
0x92: {  	_ =	strace s18  }
0x93: {  	s3 =	sld [smem:$0x3FFC];
	_ =	sdelay $0x3  }
0x94: {  	_ =	strace s3  }
0x95: {  	s3 =	sld [smem:$0x3FFD];
	_ =	sdelay $0x3  }
0x96: {  	_ =	strace s3  }
0x97: {  	_ =	strace $0x8FFFFFFF  }
0x98: {  	s19 =	sld [smem:$0x3FDB];
	_ =	sdelay $0x1  }
0x99: {  	s4 =	simm.s32 $_scs_section_size  }
0x9a: {  	s5 =	simm.s32 $_size__tile_overlayer_lowered;
	s6 =	simm.s32 $_tile_overlayer_lowered  }
0x9b: {  	s22 =	simm.s32 $0x1BFF;
	s21 =	sshll.u32 s6, $0x1;
	s3 =	sadd.s32 s4, s19  }
0x9c: {  	s7 =	simm.s32 $0x0;
	s20 =	sshll.u32 s5, $0x1;
	s5 =	sadd.s32 s21, s3  }
0x9d: {  	[timem:s7], [sflag:s22] =	dma.local [hbm:s5], s20  }
0x9e: {  	_ =	swait.ge [sflag:s22], s20  }
0x9f: {  	s4 =	ssub.s32 $0x0, s20;
	[sflag:s22] =	ssyncset.done $0x0  }
0xa0: {  	[sflag:s22] =	ssyncadd.s32 s4;
	_ =	sdelay $0x1  }
0xa1: {  	s23 =	simm.s32 $0x1B8B  }
0xa2: {  	_ =	swait.ge [sflag:s23], $0x1  }
0xa3: {  	[sflag:s23] =	ssyncset.done $0x0  }
0xa4: {  	s25 =	simm.s32 $0x1B8E;
	s24 =	sld [smem:$0x3FFE];
	[sflag:s23] =	ssyncadd.s32 $0xFFFFFFFF  }
0xa5: {  	s26 =	simm.s32 $execute0_lowered;
	[smem:$0x3FD2] =	sst s25  }
0xa6: {  	s5 =	sshll.u32 s26, $0x1;
	_ =	strace $0x80000046;
	[dreg:$0x1] =	wrdreg $0xFFFFFFFF  }
0xa7: {  	s28 =	simm.s32 $_size_execute0_lowered;
	s3 =	sadd.s32 s3, s5;
	[dreg:$0x0] =	wrdreg $0x0  }
0xa8: {  	s5 =	sshll.u32 s28, $0x1;
	[dreg:$0x2] =	wrdreg s3  }
0xa9: {  	[dreg:$0x3] =	wrdreg s5  }
0xaa: {  	[dreg:$0x4] =	wrdreg $0xC0  }
0xab: {  	_ =	task [dreg:s7], $0x5FFFF  }
0xac: {  	[dreg:$0x1] =	wrdreg $0xFFFFFFFF  }
0xad: {  	[dreg:$0x0] =	wrdreg $0x60  }
0xae: {  	[dreg:$0x2] =	wrdreg s2  }
0xaf: {  	[dreg:$0x3] =	wrdreg s24  }
0xb0: {  	[dreg:$0x4] =	wrdreg $0x100800  }
0xb1: {  	[dreg:$0x5] =	wrdreg $0x9  }
0xb2: {  	_ =	task.clear_ibuf [dreg:s7], $0x6FFFF;
	_ =	strace $0x90000046  }
0xb3: {  	s29 =	simm.s32 $0x9;
	_ =	strace $0x80000048  }
0xb4: {  	_ =	swait.ge [sflag:s29], $0x1  }
0xb5: {  	[sflag:s29] =	ssyncadd.s32 $0xFFFFFFFF  }
0xb6: {  	_ =	strace $0x90000048  }
0xb7: {  	_ =	sfence  }
0xb8: {  	s30 =	sld [smem:$0x0];
	_ =	sdelay $0x2  }
0xb9: {  	s31 =	sshll.u32 s1, $0xD;
	s1 =	sshrl.u32 s1, $0x2  }
0xba: {  	s3 =	sand.u32 $0x4000, s31;
	s1 =	sadd.s32 s1, s30  }
0xbb: {  	s0 =	sor.u32 s3, s0;
	s1 =	sshll.u32 s1, $0x11  }
0xbc: {  	s0 =	sor.u32 s1, s0  }
0xbd: {  	s0 =	sadd.s32 $0x8F2B, s0  }
0xbe: {  	[sflag:s0] =	ssyncadd.remote.s32 $0x1  }
0xbf: {  	_ =	sfence.sel $0xFFFF  }
0xc0: {  	[dreg:$0x0] =	wrdreg $0xFFFFFFFF;
	(pc) =	sbr.abs _section_cstart, $3  }
0xc1: {  	[dreg:$0x1] =	wrdreg $0xFFFFFFFF  }
0xc2: {  	_ =	task.clear_ibuf [dreg:s7], $0x2FFFF;
	_ =	strace $0x9FFFFFFF  }
0xc3: {  	(tm) =	ssettm $0x7FFFFFFF  }
tec
execute0_lowered:
.L_overlay_start_1:
0x0: {  	(tag) =	ssettag $0x1  }
0x1: {  	s7 =	rddreg [dreg:$0x0]  }
0x2: {  	s5 =	rddreg [dreg:$0x1]  }
0x3: {  	s1 =	rddreg [dreg:$0x2]  }
0x4: {  	s2 =	simm.s32 $0x0;
	s3 =	srdreg.scid;
	s12 =	simm.s32 $0x40  }
0x5: {  	s13 =	simm.s32 $0x8000;
	s14 =	simm.s32 $0xA000;
	s15 =	simm.s32 $0xC000  }
0x6: {  	s16 =	simm.s32 $0xE000;
	s17 =	simm.s32 $0x1;
	s18 =	simm.s32 $0x5  }
0x7: {  	s19 =	simm.s32 $0x2;
	s20 =	simm.s32 $0x10000;
	s21 =	simm.s32 $0x6  }
0x8: {  	s22 =	simm.s32 $0x3;
	s23 =	simm.s32 $0x7;
	s24 =	simm.s32 $0x4  }
0x9: {  	s25 =	simm.s32 $0x8;
	s26 =	simm.s32 $0x0;
	[smem:$0x7FF] =	sst s2  }
0xa: {  	s4 =	sadd.s32 $0x3400, s5;
	s6 =	sand.u32 $0x1, s3;
	s3 =	stileid.u32  }
0xb: {  	s5 =	sadd.s32 $0x2B400, s5;
	_ =	strace $0x80000047;
	s8 =	ssub.s32 $0x2, s6  }
0xc: {  	v1 =	vlaneseq.u32;
	s6 =	sshll.u32 s6, $0x4;
	s31 =	sshll.u32 s3, $0xD;
	s9 =	sshrl.u32 s8, $0x1  }
0xd: {  	v2 =	vor.u32 $0x10, v1;
	s10 =	sor.u32 s3, s6;
	s6 =	sshll.u32 s3, $0x6;
	s11 =	ssub.s32 s8, s9  }
0xe: {  	v3 =	vor.u32 $0x20, v1;
	v4 =	vor.u32 $0x30, v1;
	s30 =	sshll.u32 s10, $0xC;
	s8 =	sadd.s32 s31, s1;
	s9 =	smul.u32 $0xA000, s10;
	v0 =	vor.u32 s6, v1  }
0xf: {  	v1 =	vor.u32 s6, v2;
	v2 =	vor.u32 s6, v3;
	v3 =	vor.u32 s6, v4;
	s7 =	sadd.s32 s7, s30;
	s10 =	smax.u32 s11, $0x1;
	s11 =	simm.s32 $0x9  }
.LBB2_1:
0x10: {  	[tilespmem:$0x10000] =	vst v0  }
0x11: {  	[tilespmem:$0x10010] =	vst v1  }
0x12: {  	[tilespmem:$0x10020] =	vst v2;
	s28 =	simm.s32 $0x80  }
0x13: {  	[tilespmem:$0x10030] =	vst v3;
	s31 =	sadd.s32 $0x0, s7;
	s29 =	simm.s32 $0x400;
	s30 =	simm.s32 $0x0  }
.LBB2_2:
0x14: {  	[tilespmem:s30], [sflag:$0x9] =	stream.linear.gather [hbm4b:s31+s2], $0x280, $0x38;
	[tilespmem:$0x12080] =	vst v63  }
0x15: {  	s31 =	smov.u32 s28;
	s30 =	smov.u32 s29;
	p0 =	sne.s32 s28, $0xF80  }
.Ltmp0:
0x16: {  	s28 =	sadd.s32 $0x80, s28;
	(pc) =	sbr.rel @p0 .LBB2_2-.Ltmp0, $2  }
0x17: {  	_ =	sdelay $0x2  }
0x18: {  	s29 =	sadd.s32 $0x400, s29;
	s31 =	sadd.s32 s31, s7  }
0x19: {  	[tilespmem:s30], [sflag:$0x9] =	stream.linear.gather [hbm4b:s31+s2], $0x280, $0x38;
	[tilespmem:$0x12080] =	vst v63  }
0x1a: {  	_ =	swait.ge [sflag:s11], $0x5000  }
0x1b: {  	[sflag:s11] =	ssyncset.done $0x0  }
0x1c: {  	s28 =	simm.s32 $0x0;
	s29 =	simm.s32 $0x0;
	[sflag:s11] =	ssyncadd.s32 $0xFFFFB000  }
.LBB2_4:
0x1d: {  	s30 =	sshll.u32 s29, $0x7  }
0x1e: {  	[tilespmem:s13], [sflag:$0x1] =	stream.indirect.gather [hbm4b:s4+s12], $0x80, s30, s12, $0xb8;
	[tilespmem:$0x12080] =	vst v63  }
0x1f: {  	s31 =	sadd.s32 $0x400, s30  }
0x20: {  	[tilespmem:s14], [sflag:$0x2] =	stream.indirect.gather [hbm4b:s4+s12], $0x80, s31, s12, $0xb8;
	[tilespmem:$0x12080] =	vst v63  }
0x21: {  	s31 =	sadd.s32 $0x800, s30  }
0x22: {  	[tilespmem:s15], [sflag:$0x3] =	stream.indirect.gather [hbm4b:s4+s12], $0x80, s31, s12, $0xb8;
	[tilespmem:$0x12080] =	vst v63  }
0x23: {  	s31 =	sadd.s32 $0xC00, s30  }
0x24: {  	[tilespmem:s16], [sflag:$0x4] =	stream.indirect.gather [hbm4b:s4+s12], $0x80, s31, s12, $0xb8;
	[tilespmem:$0x12080] =	vst v63  }
0x25: {  	_ =	swait.ge [sflag:s17], $0x2000  }
0x26: {  	[sflag:s17] =	ssyncset.done $0x0  }
0x27: {  	[sflag:s17] =	ssyncadd.s32 $0xFFFFE000  }
0x28: {  	[spmem:s8] =	stream.linear.scatter [tilespmem:s13], [sflag:$0x5], $0x2000, $0x38;
	[tilespmem:$0x12080] =	vst v63  }
0x29: {  	_ =	swait.ge [sflag:s18], $0x2000  }
0x2a: {  	[sflag:s18] =	ssyncset.done $0x0  }
0x2b: {  	s31 =	sadd.s32 $0x1000, s30;
	[sflag:s18] =	ssyncadd.s32 $0xFFFFE000  }
0x2c: {  	[tilespmem:s13], [sflag:$0x1] =	stream.indirect.gather [hbm4b:s4+s12], $0x80, s31, s12, $0xb8;
	[tilespmem:$0x12080] =	vst v63  }
0x2d: {  	_ =	swait.ge [sflag:s19], $0x2000  }
0x2e: {  	[sflag:s19] =	ssyncset.done $0x0  }
0x2f: {  	[sflag:s19] =	ssyncadd.s32 $0xFFFFE000  }
0x30: {  	[spmem:s1] =	stream.indirect.scatter.add.f32 [tilespmem:s14], [sflag:$0x6], $0x80, s20, s12, $0xb8;
	[tilespmem:$0x12080] =	vst v63  }
0x31: {  	_ =	swait.ge [sflag:s21], $0x2000  }
0x32: {  	[sflag:s21] =	ssyncset.done $0x0  }
0x33: {  	s31 =	sadd.s32 $0x1400, s30;
	[sflag:s21] =	ssyncadd.s32 $0xFFFFE000  }
0x34: {  	[tilespmem:s14], [sflag:$0x2] =	stream.indirect.gather [hbm4b:s4+s12], $0x80, s31, s12, $0xb8;
	[tilespmem:$0x12080] =	vst v63  }
0x35: {  	_ =	swait.ge [sflag:s22], $0x2000  }
0x36: {  	[sflag:s22] =	ssyncset.done $0x0  }
0x37: {  	[sflag:s22] =	ssyncadd.s32 $0xFFFFE000  }
0x38: {  	[spmem:s1] =	stream.indirect.scatter.add.f32 [tilespmem:s15], [sflag:$0x7], $0x80, s20, s12, $0xb8;
	[tilespmem:$0x12080] =	vst v63  }
0x39: {  	_ =	swait.ge [sflag:s23], $0x2000  }
0x3a: {  	[sflag:s23] =	ssyncset.done $0x0  }
0x3b: {  	s31 =	sadd.s32 $0x1800, s30;
	[sflag:s23] =	ssyncadd.s32 $0xFFFFE000  }
0x3c: {  	[tilespmem:s15], [sflag:$0x3] =	stream.indirect.gather [hbm4b:s4+s12], $0x80, s31, s12, $0xb8;
	[tilespmem:$0x12080] =	vst v63  }
0x3d: {  	_ =	swait.ge [sflag:s24], $0x2000  }
0x3e: {  	[sflag:s24] =	ssyncset.done $0x0  }
0x3f: {  	[sflag:s24] =	ssyncadd.s32 $0xFFFFE000  }
0x40: {  	[spmem:s1] =	stream.indirect.scatter.add.f32 [tilespmem:s16], [sflag:$0x8], $0x80, s20, s12, $0xb8;
	[tilespmem:$0x12080] =	vst v63  }
0x41: {  	_ =	swait.ge [sflag:s25], $0x2000  }
0x42: {  	[sflag:s25] =	ssyncset.done $0x0  }
0x43: {  	s30 =	sadd.s32 $0x1C00, s30;
	[sflag:s25] =	ssyncadd.s32 $0xFFFFE000  }
0x44: {  	[tilespmem:s16], [sflag:$0x4] =	stream.indirect.gather [hbm4b:s4+s12], $0x80, s30, s12, $0xb8;
	[tilespmem:$0x12080] =	vst v63  }
0x45: {  	_ =	swait.ge [sflag:s17], $0x2000  }
0x46: {  	[sflag:s17] =	ssyncset.done $0x0  }
0x47: {  	[sflag:s17] =	ssyncadd.s32 $0xFFFFE000  }
0x48: {  	[spmem:s1] =	stream.indirect.scatter.add.f32 [tilespmem:s13], [sflag:$0x5], $0x80, s20, s12, $0xb8;
	[tilespmem:$0x12080] =	vst v63  }
0x49: {  	_ =	swait.ge [sflag:s18], $0x2000  }
0x4a: {  	s31 =	sadd.s32 $0xFFFFA000, s28;
	[sflag:s18] =	ssyncset.done $0x0  }
0x4b: {  	s30 =	sadd.s32 $0x8000, s31;
	[sflag:s18] =	ssyncadd.s32 $0xFFFFE000  }
0x4c: {  	[tilespmem:s13], [sflag:$0x1] =	stream.indirect.gather [hbm4b:s4+s12], $0x80, s30, s12, $0xb8;
	[tilespmem:$0x12080] =	vst v63  }
0x4d: {  	_ =	swait.ge [sflag:s19], $0x2000  }
0x4e: {  	[sflag:s19] =	ssyncset.done $0x0  }
0x4f: {  	[sflag:s19] =	ssyncadd.s32 $0xFFFFE000  }
0x50: {  	[spmem:s1] =	stream.indirect.scatter.add.f32 [tilespmem:s14], [sflag:$0x6], $0x80, s20, s12, $0xb8;
	[tilespmem:$0x12080] =	vst v63  }
0x51: {  	_ =	swait.ge [sflag:s21], $0x2000  }
0x52: {  	[sflag:s21] =	ssyncset.done $0x0  }
0x53: {  	s30 =	sadd.s32 $0x8400, s31;
	[sflag:s21] =	ssyncadd.s32 $0xFFFFE000  }
0x54: {  	[tilespmem:s14], [sflag:$0x2] =	stream.indirect.gather [hbm4b:s4+s12], $0x80, s30, s12, $0xb8;
	[tilespmem:$0x12080] =	vst v63  }
0x55: {  	_ =	swait.ge [sflag:s22], $0x2000  }
0x56: {  	[sflag:s22] =	ssyncset.done $0x0  }
0x57: {  	[sflag:s22] =	ssyncadd.s32 $0xFFFFE000  }
0x58: {  	[spmem:s1] =	stream.indirect.scatter.add.f32 [tilespmem:s15], [sflag:$0x7], $0x80, s20, s12, $0xb8;
	[tilespmem:$0x12080] =	vst v63  }
0x59: {  	_ =	swait.ge [sflag:s23], $0x2000  }
0x5a: {  	[sflag:s23] =	ssyncset.done $0x0  }
0x5b: {  	s30 =	sadd.s32 $0x8800, s31;
	[sflag:s23] =	ssyncadd.s32 $0xFFFFE000  }
0x5c: {  	[tilespmem:s15], [sflag:$0x3] =	stream.indirect.gather [hbm4b:s4+s12], $0x80, s30, s12, $0xb8;
	[tilespmem:$0x12080] =	vst v63  }
0x5d: {  	_ =	swait.ge [sflag:s24], $0x2000  }
0x5e: {  	[sflag:s24] =	ssyncset.done $0x0  }
0x5f: {  	[sflag:s24] =	ssyncadd.s32 $0xFFFFE000  }
0x60: {  	[spmem:s1] =	stream.indirect.scatter.add.f32 [tilespmem:s16], [sflag:$0x8], $0x80, s20, s12, $0xb8;
	[tilespmem:$0x12080] =	vst v63  }
0x61: {  	_ =	swait.ge [sflag:s25], $0x2000  }
0x62: {  	[sflag:s25] =	ssyncset.done $0x0  }
0x63: {  	s31 =	sadd.s32 $0x8C00, s31;
	s30 =	simm.s32 $0xFFFEC000;
	[sflag:s25] =	ssyncadd.s32 $0xFFFFE000  }
.LBB2_5:
0x64: {  	[tilespmem:s16], [sflag:$0x4] =	stream.indirect.gather [hbm4b:s4+s12], $0x80, s31, s12, $0xb8;
	[tilespmem:$0x12080] =	vst v63  }
0x65: {  	s31 =	smov.u32 s30  }
0x66: {  	p0 =	sne.s32 s30, $0xFFFFC000;
	s30 =	sadd.s32 $0x4000, s30;
	_ =	swait.ge [sflag:s17], $0x2000  }
0x67: {  	[sflag:s17] =	ssyncset.done $0x0  }
0x68: {  	[sflag:s17] =	ssyncadd.s32 $0xFFFFE000  }
0x69: {  	[spmem:s1] =	stream.indirect.scatter.add.f32 [tilespmem:s13], [sflag:$0x5], $0x80, s20, s12, $0xb8;
	[tilespmem:$0x12080] =	vst v63  }
0x6a: {  	s31 =	sshra.s32 s31, $0x2;
	_ =	swait.ge [sflag:s18], $0x2000  }
0x6b: {  	s31 =	sadd.s32 s31, s28;
	[sflag:s18] =	ssyncset.done $0x0  }
0x6c: {  	s0 =	sadd.s32 $0x8000, s31;
	[sflag:s18] =	ssyncadd.s32 $0xFFFFE000  }
0x6d: {  	[tilespmem:s13], [sflag:$0x1] =	stream.indirect.gather [hbm4b:s4+s12], $0x80, s0, s12, $0xb8;
	[tilespmem:$0x12080] =	vst v63  }
0x6e: {  	_ =	swait.ge [sflag:s19], $0x2000  }
0x6f: {  	[sflag:s19] =	ssyncset.done $0x0  }
0x70: {  	[sflag:s19] =	ssyncadd.s32 $0xFFFFE000  }
0x71: {  	[spmem:s1] =	stream.indirect.scatter.add.f32 [tilespmem:s14], [sflag:$0x6], $0x80, s20, s12, $0xb8;
	[tilespmem:$0x12080] =	vst v63  }
0x72: {  	_ =	swait.ge [sflag:s21], $0x2000  }
0x73: {  	[sflag:s21] =	ssyncset.done $0x0  }
0x74: {  	s0 =	sadd.s32 $0x8400, s31;
	[sflag:s21] =	ssyncadd.s32 $0xFFFFE000  }
0x75: {  	[tilespmem:s14], [sflag:$0x2] =	stream.indirect.gather [hbm4b:s4+s12], $0x80, s0, s12, $0xb8;
	[tilespmem:$0x12080] =	vst v63  }
0x76: {  	_ =	swait.ge [sflag:s22], $0x2000  }
0x77: {  	[sflag:s22] =	ssyncset.done $0x0  }
0x78: {  	[sflag:s22] =	ssyncadd.s32 $0xFFFFE000  }
0x79: {  	[spmem:s1] =	stream.indirect.scatter.add.f32 [tilespmem:s15], [sflag:$0x7], $0x80, s20, s12, $0xb8;
	[tilespmem:$0x12080] =	vst v63  }
0x7a: {  	_ =	swait.ge [sflag:s23], $0x2000  }
0x7b: {  	[sflag:s23] =	ssyncset.done $0x0  }
0x7c: {  	s0 =	sadd.s32 $0x8800, s31;
	[sflag:s23] =	ssyncadd.s32 $0xFFFFE000  }
0x7d: {  	[tilespmem:s15], [sflag:$0x3] =	stream.indirect.gather [hbm4b:s4+s12], $0x80, s0, s12, $0xb8;
	[tilespmem:$0x12080] =	vst v63  }
0x7e: {  	_ =	swait.ge [sflag:s24], $0x2000  }
0x7f: {  	[sflag:s24] =	ssyncset.done $0x0  }
.Ltmp1:
0x80: {  	[sflag:s24] =	ssyncadd.s32 $0xFFFFE000;
	(pc) =	sbr.rel @p0 .LBB2_5-.Ltmp1, $4  }
0x81: {  	[spmem:s1] =	stream.indirect.scatter.add.f32 [tilespmem:s16], [sflag:$0x8], $0x80, s20, s12, $0xb8;
	[tilespmem:$0x12080] =	vst v63  }
0x82: {  	_ =	swait.ge [sflag:s25], $0x2000  }
0x83: {  	[sflag:s25] =	ssyncset.done $0x0  }
0x84: {  	s31 =	sadd.s32 $0x8C00, s31;
	[sflag:s25] =	ssyncadd.s32 $0xFFFFE000  }
0x85: {  	[tilespmem:s16], [sflag:$0x4] =	stream.indirect.gather [hbm4b:s4+s12], $0x80, s31, s12, $0xb8;
	[tilespmem:$0x12080] =	vst v63  }
0x86: {  	_ =	swait.ge [sflag:s17], $0x2000  }
0x87: {  	[sflag:s17] =	ssyncset.done $0x0  }
0x88: {  	[sflag:s17] =	ssyncadd.s32 $0xFFFFE000  }
0x89: {  	[spmem:s1] =	stream.indirect.scatter.add.f32 [tilespmem:s13], [sflag:$0x5], $0x80, s20, s12, $0xb8;
	[tilespmem:$0x12080] =	vst v63  }
0x8a: {  	_ =	swait.ge [sflag:s18], $0x2000  }
0x8b: {  	[sflag:s18] =	ssyncset.done $0x0  }
0x8c: {  	[sflag:s18] =	ssyncadd.s32 $0xFFFFE000  }
0x8d: {  	_ =	swait.ge [sflag:s19], $0x2000  }
0x8e: {  	[sflag:s19] =	ssyncset.done $0x0  }
0x8f: {  	[sflag:s19] =	ssyncadd.s32 $0xFFFFE000  }
0x90: {  	[spmem:s1] =	stream.indirect.scatter.add.f32 [tilespmem:s14], [sflag:$0x6], $0x80, s20, s12, $0xb8;
	[tilespmem:$0x12080] =	vst v63  }
0x91: {  	_ =	swait.ge [sflag:s21], $0x2000  }
0x92: {  	[sflag:s21] =	ssyncset.done $0x0  }
0x93: {  	[sflag:s21] =	ssyncadd.s32 $0xFFFFE000  }
0x94: {  	_ =	swait.ge [sflag:s22], $0x2000  }
0x95: {  	[sflag:s22] =	ssyncset.done $0x0  }
0x96: {  	[sflag:s22] =	ssyncadd.s32 $0xFFFFE000  }
0x97: {  	[spmem:s1] =	stream.indirect.scatter.add.f32 [tilespmem:s15], [sflag:$0x7], $0x80, s20, s12, $0xb8;
	[tilespmem:$0x12080] =	vst v63  }
0x98: {  	_ =	swait.ge [sflag:s23], $0x2000  }
0x99: {  	[sflag:s23] =	ssyncset.done $0x0  }
0x9a: {  	[sflag:s23] =	ssyncadd.s32 $0xFFFFE000  }
0x9b: {  	_ =	swait.ge [sflag:s24], $0x2000  }
0x9c: {  	s0 =	sshll.u32 s29, $0xD;
	[sflag:s24] =	ssyncset.done $0x0  }
0x9d: {  	s30 =	sor.u32 $0x1C09, s6;
	s31 =	sshrl.u32 s8, $0x3;
	[sflag:s24] =	ssyncadd.s32 $0xFFFFE000  }
0x9e: {  	[spmem:s1] =	stream.indirect.scatter.add.f32 [tilespmem:s16], [sflag:$0x8], $0x80, s20, s12, $0xb8;
	[tilespmem:$0x12080] =	vst v63  }
0x9f: {  	s29 =	sadd.s32 $0x1, s29;
	s0 =	sadd.s32 s9, s0;
	_ =	swait.ge [sflag:s25], $0x2000  }
0xa0: {  	p0 =	sne.s32 s29, $0x5;
	s0 =	sshrl.u32 s0, $0x3;
	[sflag:s25] =	ssyncset.done $0x0  }
.Ltmp2:
0xa1: {  	s0 =	sadd.s32 s5, s0;
	[sflag:s25] =	ssyncadd.s32 $0xFFFFE000;
	(pc) =	sbr.rel @p0 .LBB2_4-.Ltmp2, $4  }
0xa2: {  	[hbm:s0], [sflag:s30] =	dma.local [spmem:s31], $0x400  }
0xa3: {  	_ =	swait.ge [sflag:s11], $0x400  }
0xa4: {  	[sflag:s11] =	ssyncset.done $0x0  }
0xa5: {  	s28 =	sadd.s32 $0x80, s28;
	[sflag:s11] =	ssyncadd.s32 $0xFFFFFC00  }
0xa6: {  	s26 =	sadd.s32 $0x1, s26  }
0xa7: {  	p0 =	sne.s32 s26, s10  }
.Ltmp3:
0xa8: {  	_ = 	snop;
	(pc) =	sbr.rel @p0 .LBB2_1-.Ltmp3, $1  }
0xa9: {  	_ =	sdelay $0x3  }
0xaa: {  	_ =	sfence.sel $0x180000  }
0xab: {  	[bflag:$0x0] =	sbarrier.arrive $0xFFFF  }
0xac: {  	_ =	strace $0x90000047  }
0xad: {  	[bflag:$0x2] =	sbarrier.arrive $0xFFFF  }
0xae: {  	p0 =	sne.s32 s3, $0x0;
	s0 =	rddreg [dreg:$0x3]  }
0xaf: {  	s0 =	sadd.s32 @!p0 $0x100000, s0  }
0xb0: {  	[sflag:s0] =	ssyncadd.tile.s32 @!p0 $0x1;
	_ =	shalt  }
.Lfunc_end2:
_tile_overlayer_lowered:
.L_overlay_start_2:
0xb1: {  	(tag) =	ssettag $0x2  }
0xb2: {  	s0 =	rddreg [dreg:$0x0];
	s2 =	stileid.u32  }
0xb3: {  	s1 =	rddreg [dreg:$0x1];
	p0 =	sne.s32 s2, $0x0  }
0xb4: {  	s3 =	rddreg [dreg:$0x2];
	[bflag:$0x3] =	sbarrier.arrive $0xFFFF;
	s2 =	simm.s32 @!p0 $0x1C09  }
0xb5: {  	[timem:s3], [sflag:s2] =	dma.local @!p0 [hbm:s0], s1  }
0xb6: {  	s0 =	simm.s32 @!p0 $0x9  }
0xb7: {  	_ =	swait.ge @!p0 [sflag:s0], s1  }
0xb8: {  	s1 =	ssub.s32 @!p0 $0x0, s1;
	[sflag:s0] =	ssyncset.done @!p0 $0x0  }
0xb9: {  	[sflag:s0] =	ssyncadd.s32 @!p0 s1  }
0xba: {  	[bflag:$0x3] =	sbarrier.arrive $0xFFFF  }
0xbb: {  	_ =	shalt  }

// kernel: kernel.16.cloned.1.call-start
scs
__scs_entry_jumppad:
0x0: {  	(pc) =	sbr.rel $0x88, $3  }
0x1: {  	(tag) =	ssettag $0x0;
	lr =	simm.s32 $0x1  }
0x2: {  	[smem:$0x3F9D] =	sst lr;
	_ =	strace $0xD0000000  }
0x3: {  	_ = 	snop  }
0x4: {  	_ = 	snop  }
0x5: {  	_ = 	snop  }
0x6: {  	_ = 	snop  }
0x7: {  	_ = 	snop  }
__scs_overlays_trampoline_lowered:
0x8: {  	[smem:$0x3FAC] =	sst s0  }
0x9: {  	[smem:$0x3FAD] =	sst s1  }
0xa: {  	[smem:$0x3FAE] =	sst s2  }
0xb: {  	[smem:$0x3FAF] =	sst s3  }
0xc: {  	[smem:$0x3FB0] =	sst s4  }
0xd: {  	[smem:$0x3FB1] =	sst s5  }
0xe: {  	[smem:$0x3FB2] =	sst s6  }
0xf: {  	[smem:$0x3FB3] =	sst s7  }
0x10: {  	[smem:$0x3FB4] =	sst s8  }
0x11: {  	[smem:$0x3FB5] =	sst s9;
	s0 =	simm.s32 @!p0 $0x0  }
0x12: {  	s1 =	sld [smem:$0x3F9B];
	s0 =	simm.s32 @p0 $0x1  }
0x13: {  	[smem:$0x3FB6] =	sst s0;
	s0 =	simm.s32 @!p1 $0x0  }
0x14: {  	s2 =	sld [smem:$0x3F9A];
	s0 =	simm.s32 @p1 $0x1  }
0x15: {  	[smem:$0x3FB7] =	sst s0;
	s0 =	simm.s32 @!p2 $0x0  }
0x16: {  	s3 =	sld [smem:$0x3FDB];
	s0 =	simm.s32 @p2 $0x1  }
0x17: {  	s4 =	simm.s32 $0x1BF5;
	[smem:$0x3FB9] =	sst s0  }
0x18: {  	s0 =	sld [smem:$0x3F9C];
	_ =	swait.ge [sflag:s4], $0x0  }
0x19: {  	s7 =	sld [smem:$0x3F9D]  }
0x1a: {  	s8 =	sadd.s32 $0xFFFFE003, lr  }
0x1b: {  	s9 =	sadd.s32 $0xFFFFFEF7, lr;
	s5 =	simm.s32 $0xFFFFFFFF;
	p2 =	slt.u32 s8, $0xFFFFF086  }
0x1c: {  	p1 =	slt.u32 s9, $0xF7A;
	s5 =	simm.s32 @!p2 $0x0  }
0x1d: {  	s5 =	simm.s32 @p1 $0x1;
	p0 =	seq.s32 s7, s2  }
0x1e: {  	s7 =	smul.u32 @!p0 $0xF7A, s2;
	p2 =	seq.s32 @!p0 s5, $0x0  }
0x1f: {  	s9 =	smul.u32 $0xF7A, s1;
	s8 =	simm.s32 @!p0 $0x1BF5;
	p2 =	por !p2, p0  }
0x20: {  	[sflag:s8] =	ssyncset.s32 @!p0 $0xFFFFF086;
	s6 =	sadd.s32 @!p0 s3, s7;
	s7 =	simm.s32 @!p0 $0x108  }
0x21: {  	s3 =	sadd.s32 s3, s9;
	s6 =	sadd.s32 @!p0 $0x88, s6;
	s7 =	simm.s32 @p2 $0x1082  }
0x22: {  	[simem:s7], [sflag:s8] =	dma.local @!p0 [hbm:s6], $0xF7A  }
0x23: {  	s9 =	sor.u32 $0xD0000000, s2;
	s6 =	simm.s32 $0x108;
	_ =	swait.ge @!p0 [sflag:s8], $0x0  }
0x24: {  	s3 =	sadd.s32 $0x88, s3;
	s6 =	simm.s32 @!p1 $0x1082;
	[sflag:s4] =	ssyncset.s32 $0xFFFFF086  }
0x25: {  	[simem:s6], [sflag:s4] =	dma.local [hbm:s3], $0xF7A  }
0x26: {  	[smem:$0x3F9D] =	sst s1;
	(tag) =	ssettag s2;
	_ =	strace s9  }
0x27: {  	s1 =	sld [smem:$0x3FAD]  }
0x28: {  	s2 =	sld [smem:$0x3FAE]  }
0x29: {  	s4 =	sld [smem:$0x3FB0]  }
0x2a: {  	p0 =	seq.s32 s5, $0x0;
	s5 =	sld [smem:$0x3FB1]  }
0x2b: {  	s6 =	sld [smem:$0x3FB2]  }
0x2c: {  	s7 =	sld [smem:$0x3FB3]  }
0x2d: {  	s3 =	simm.s32 $0x108;
	s8 =	sld [smem:$0x3FB4]  }
0x2e: {  	s3 =	simm.s32 @!p0 $0x1082;
	s9 =	sld [smem:$0x3FB5]  }
0x2f: {  	lr =	sadd.s32 s0, s3;
	s0 =	sld [smem:$0x3FAC]  }
0x30: {  	s3 =	sld [smem:$0x3FAF]  }
0x31: {  	[smem:$0x3FB8] =	sst s10  }
0x32: {  	s10 =	sld [smem:$0x3FB6];
	_ =	sdelay $0x3  }
0x33: {  	p0 =	seq.s32 s10, $0x1;
	s10 =	sld [smem:$0x3FB8];
	_ =	sdelay $0x3  }
0x34: {  	[smem:$0x3FB8] =	sst s10  }
0x35: {  	s10 =	sld [smem:$0x3FB7];
	_ =	sdelay $0x3  }
0x36: {  	p1 =	seq.s32 s10, $0x1;
	s10 =	sld [smem:$0x3FB8];
	_ =	sdelay $0x3  }
0x37: {  	[smem:$0x3FB8] =	sst s10  }
0x38: {  	s10 =	sld [smem:$0x3FB9]  }
0x39: {  	_ = 	snop;
	(pc) =	sbr.ind lr, $3  }
0x3a: {  	_ = 	snop  }
0x3b: {  	_ = 	snop  }
0x3c: {  	p2 =	seq.s32 s10, $0x1;
	s10 =	sld [smem:$0x3FB8]  }
0x3d: {  	_ =	shalt  }
0x3e: {  	_ =	shalt  }
0x3f: {  	_ =	shalt  }
0x40: {  	_ =	shalt  }
0x41: {  	_ =	shalt  }
0x42: {  	_ =	shalt  }
0x43: {  	_ =	shalt  }
0x44: {  	_ =	shalt  }
0x45: {  	_ =	shalt  }
0x46: {  	_ =	shalt  }
0x47: {  	_ =	shalt  }
0x48: {  	_ =	shalt  }
0x49: {  	_ =	shalt  }
0x4a: {  	_ =	shalt  }
0x4b: {  	_ =	shalt  }
0x4c: {  	_ =	shalt  }
0x4d: {  	_ =	shalt  }
0x4e: {  	_ =	shalt  }
0x4f: {  	_ =	shalt  }
0x50: {  	_ =	shalt  }
0x51: {  	_ =	shalt  }
0x52: {  	_ =	shalt  }
0x53: {  	_ =	shalt  }
0x54: {  	_ =	shalt  }
0x55: {  	_ =	shalt  }
0x56: {  	_ =	shalt  }
0x57: {  	_ =	shalt  }
0x58: {  	_ =	shalt  }
0x59: {  	_ =	shalt  }
0x5a: {  	_ =	shalt  }
0x5b: {  	_ =	shalt  }
0x5c: {  	_ =	shalt  }
0x5d: {  	_ =	shalt  }
0x5e: {  	_ =	shalt  }
0x5f: {  	_ =	shalt  }
0x60: {  	_ =	shalt  }
0x61: {  	_ =	shalt  }
0x62: {  	_ =	shalt  }
0x63: {  	_ =	shalt  }
0x64: {  	_ =	shalt  }
0x65: {  	_ =	shalt  }
0x66: {  	_ =	shalt  }
0x67: {  	_ =	shalt  }
0x68: {  	_ =	shalt  }
0x69: {  	_ =	shalt  }
0x6a: {  	_ =	shalt  }
0x6b: {  	_ =	shalt  }
0x6c: {  	_ =	shalt  }
0x6d: {  	_ =	shalt  }
0x6e: {  	_ =	shalt  }
0x6f: {  	_ =	shalt  }
0x70: {  	_ =	shalt  }
0x71: {  	_ =	shalt  }
0x72: {  	_ =	shalt  }
0x73: {  	_ =	shalt  }
0x74: {  	_ =	shalt  }
0x75: {  	_ =	shalt  }
0x76: {  	_ =	shalt  }
0x77: {  	_ =	shalt  }
0x78: {  	_ =	shalt  }
0x79: {  	_ =	shalt  }
0x7a: {  	_ =	shalt  }
0x7b: {  	_ =	shalt  }
0x7c: {  	_ =	shalt  }
0x7d: {  	_ =	shalt  }
0x7e: {  	_ =	shalt  }
0x7f: {  	_ =	shalt  }
0x80: {  	_ =	shalt  }
0x81: {  	_ =	shalt  }
0x82: {  	_ =	shalt  }
0x83: {  	_ =	shalt  }
0x84: {  	_ =	shalt  }
0x85: {  	_ =	shalt  }
0x86: {  	_ =	shalt  }
0x87: {  	_ =	shalt  }
.Lfunc_end0:
.L_simem_size_0:
called_computation.1_lowered:
.L_overlay_start_0:
0x88: {  	s2 =	sld [smem:$0x3FD9]  }
0x89: {  	s3 =	sld [smem:$0x3FFE];
	_ =	sdelay $0x1  }
0x8a: {  	s1 =	srdreg.scid  }
0x8b: {  	s0 =	sand.u32 $0x1, s1  }
0x8c: {  	s17 =	sshll.u32 s0, $0xA;
	s2 =	sadd.s32 s3, s2  }
0x8d: {  	s2 =	sadd.s32 s2, s17  }
0x8e: {  	[smem:$0x3FC4] =	sst s2  }
0x8f: {  	_ = 	snop  }
0x90: {  	s2 =	sld [smem:$0x3FD0];
	(tm) =	ssettm $0x1  }
0x91: {  	s18 =	sld [smem:$0x3FFB];
	_ =	sdelay $0x3  }
0x92: {  	_ =	strace s18  }
0x93: {  	s3 =	sld [smem:$0x3FFC];
	_ =	sdelay $0x3  }
0x94: {  	_ =	strace s3  }
0x95: {  	s3 =	sld [smem:$0x3FFD];
	_ =	sdelay $0x3  }
0x96: {  	_ =	strace s3  }
0x97: {  	_ =	strace $0x8FFFFFFF  }
0x98: {  	s19 =	sld [smem:$0x3FDB];
	_ =	sdelay $0x1  }
0x99: {  	s4 =	simm.s32 $_scs_section_size  }
0x9a: {  	s5 =	simm.s32 $_size__tile_overlayer_lowered;
	s6 =	simm.s32 $_tile_overlayer_lowered  }
0x9b: {  	s22 =	simm.s32 $0x1BFF;
	s21 =	sshll.u32 s6, $0x1;
	s3 =	sadd.s32 s4, s19  }
0x9c: {  	s7 =	simm.s32 $0x0;
	s20 =	sshll.u32 s5, $0x1;
	s5 =	sadd.s32 s21, s3  }
0x9d: {  	[timem:s7], [sflag:s22] =	dma.local [hbm:s5], s20  }
0x9e: {  	_ =	swait.ge [sflag:s22], s20  }
0x9f: {  	s4 =	ssub.s32 $0x0, s20;
	[sflag:s22] =	ssyncset.done $0x0  }
0xa0: {  	[sflag:s22] =	ssyncadd.s32 s4;
	_ =	sdelay $0x1  }
0xa1: {  	s23 =	simm.s32 $0x1B8B  }
0xa2: {  	_ =	swait.ge [sflag:s23], $0x1  }
0xa3: {  	[sflag:s23] =	ssyncset.done $0x0  }
0xa4: {  	s25 =	simm.s32 $0x1B8E;
	s24 =	sld [smem:$0x3FFE];
	[sflag:s23] =	ssyncadd.s32 $0xFFFFFFFF  }
0xa5: {  	s26 =	simm.s32 $execute0_lowered;
	[smem:$0x3FD2] =	sst s25  }
0xa6: {  	s5 =	sshll.u32 s26, $0x1;
	_ =	strace $0x80000049;
	[dreg:$0x1] =	wrdreg $0xFFFFFFFF  }
0xa7: {  	s28 =	simm.s32 $_size_execute0_lowered;
	s3 =	sadd.s32 s3, s5;
	[dreg:$0x0] =	wrdreg $0x0  }
0xa8: {  	s5 =	sshll.u32 s28, $0x1;
	[dreg:$0x2] =	wrdreg s3  }
0xa9: {  	[dreg:$0x3] =	wrdreg s5  }
0xaa: {  	[dreg:$0x4] =	wrdreg $0xC0  }
0xab: {  	_ =	task [dreg:s7], $0x5FFFF  }
0xac: {  	[dreg:$0x1] =	wrdreg $0xFFFFFFFF  }
0xad: {  	[dreg:$0x0] =	wrdreg $0x60  }
0xae: {  	[dreg:$0x2] =	wrdreg s2  }
0xaf: {  	[dreg:$0x3] =	wrdreg s24  }
0xb0: {  	[dreg:$0x4] =	wrdreg $0x100800  }
0xb1: {  	[dreg:$0x5] =	wrdreg $0x9  }
0xb2: {  	_ =	task.clear_ibuf [dreg:s7], $0x6FFFF;
	_ =	strace $0x90000049  }
0xb3: {  	s29 =	simm.s32 $0x9;
	_ =	strace $0x8000004B  }
0xb4: {  	_ =	swait.ge [sflag:s29], $0x1  }
0xb5: {  	[sflag:s29] =	ssyncadd.s32 $0xFFFFFFFF  }
0xb6: {  	_ =	strace $0x9000004B  }
0xb7: {  	_ =	sfence  }
0xb8: {  	s30 =	sld [smem:$0x0];
	_ =	sdelay $0x2  }
0xb9: {  	s31 =	sshll.u32 s1, $0xD;
	s1 =	sshrl.u32 s1, $0x2  }
0xba: {  	s3 =	sand.u32 $0x4000, s31;
	s1 =	sadd.s32 s1, s30  }
0xbb: {  	s0 =	sor.u32 s3, s0;
	s1 =	sshll.u32 s1, $0x11  }
0xbc: {  	s0 =	sor.u32 s1, s0  }
0xbd: {  	s0 =	sadd.s32 $0x8F2B, s0  }
0xbe: {  	[sflag:s0] =	ssyncadd.remote.s32 $0x1  }
0xbf: {  	_ =	sfence.sel $0xFFFF  }
0xc0: {  	[dreg:$0x0] =	wrdreg $0xFFFFFFFF;
	(pc) =	sbr.abs _section_cstart, $3  }
0xc1: {  	[dreg:$0x1] =	wrdreg $0xFFFFFFFF  }
0xc2: {  	_ =	task.clear_ibuf [dreg:s7], $0x2FFFF;
	_ =	strace $0x9FFFFFFF  }
0xc3: {  	(tm) =	ssettm $0x7FFFFFFF  }
tec
execute0_lowered:
.L_overlay_start_1:
0x0: {  	(tag) =	ssettag $0x1  }
0x1: {  	s7 =	rddreg [dreg:$0x0]  }
0x2: {  	s5 =	rddreg [dreg:$0x1]  }
0x3: {  	s1 =	rddreg [dreg:$0x2]  }
0x4: {  	s2 =	simm.s32 $0x0;
	s3 =	srdreg.scid;
	s12 =	simm.s32 $0x40  }
0x5: {  	s13 =	simm.s32 $0x8000;
	s14 =	simm.s32 $0xA000;
	s15 =	simm.s32 $0xC000  }
0x6: {  	s16 =	simm.s32 $0xE000;
	s17 =	simm.s32 $0x1;
	s18 =	simm.s32 $0x5  }
0x7: {  	s19 =	simm.s32 $0x2;
	s20 =	simm.s32 $0x10000;
	s21 =	simm.s32 $0x6  }
0x8: {  	s22 =	simm.s32 $0x3;
	s23 =	simm.s32 $0x7;
	s24 =	simm.s32 $0x4  }
0x9: {  	s25 =	simm.s32 $0x8;
	s26 =	simm.s32 $0x0;
	[smem:$0x7FF] =	sst s2  }
0xa: {  	s4 =	sadd.s32 $0x3400, s5;
	s6 =	sand.u32 $0x1, s3;
	s3 =	stileid.u32  }
0xb: {  	s5 =	sadd.s32 $0x2B400, s5;
	_ =	strace $0x8000004A;
	s8 =	ssub.s32 $0x2, s6  }
0xc: {  	v1 =	vlaneseq.u32;
	s6 =	sshll.u32 s6, $0x4;
	s31 =	sshll.u32 s3, $0xD;
	s9 =	sshrl.u32 s8, $0x1  }
0xd: {  	v2 =	vor.u32 $0x10, v1;
	s10 =	sor.u32 s3, s6;
	s6 =	sshll.u32 s3, $0x6;
	s11 =	ssub.s32 s8, s9  }
0xe: {  	v3 =	vor.u32 $0x20, v1;
	v4 =	vor.u32 $0x30, v1;
	s30 =	sshll.u32 s10, $0xC;
	s8 =	sadd.s32 s31, s1;
	s9 =	smul.u32 $0xA000, s10;
	v0 =	vor.u32 s6, v1  }
0xf: {  	v1 =	vor.u32 s6, v2;
	v2 =	vor.u32 s6, v3;
	v3 =	vor.u32 s6, v4;
	s7 =	sadd.s32 s7, s30;
	s10 =	smax.u32 s11, $0x1;
	s11 =	simm.s32 $0x9  }
.LBB2_1:
0x10: {  	[tilespmem:$0x10000] =	vst v0  }
0x11: {  	[tilespmem:$0x10010] =	vst v1  }
0x12: {  	[tilespmem:$0x10020] =	vst v2;
	s28 =	simm.s32 $0x80  }
0x13: {  	[tilespmem:$0x10030] =	vst v3;
	s31 =	sadd.s32 $0x0, s7;
	s29 =	simm.s32 $0x400;
	s30 =	simm.s32 $0x0  }
.LBB2_2:
0x14: {  	[tilespmem:s30], [sflag:$0x9] =	stream.linear.gather [hbm4b:s31+s2], $0x280, $0x38;
	[tilespmem:$0x12080] =	vst v63  }
0x15: {  	s31 =	smov.u32 s28;
	s30 =	smov.u32 s29;
	p0 =	sne.s32 s28, $0xF80  }
.Ltmp0:
0x16: {  	s28 =	sadd.s32 $0x80, s28;
	(pc) =	sbr.rel @p0 .LBB2_2-.Ltmp0, $2  }
0x17: {  	_ =	sdelay $0x2  }
0x18: {  	s29 =	sadd.s32 $0x400, s29;
	s31 =	sadd.s32 s31, s7  }
0x19: {  	[tilespmem:s30], [sflag:$0x9] =	stream.linear.gather [hbm4b:s31+s2], $0x280, $0x38;
	[tilespmem:$0x12080] =	vst v63  }
0x1a: {  	_ =	swait.ge [sflag:s11], $0x5000  }
0x1b: {  	[sflag:s11] =	ssyncset.done $0x0  }
0x1c: {  	s28 =	simm.s32 $0x0;
	s29 =	simm.s32 $0x0;
	[sflag:s11] =	ssyncadd.s32 $0xFFFFB000  }
.LBB2_4:
0x1d: {  	s30 =	sshll.u32 s29, $0x7  }
0x1e: {  	[tilespmem:s13], [sflag:$0x1] =	stream.indirect.gather [hbm4b:s4+s12], $0x80, s30, s12, $0xb8;
	[tilespmem:$0x12080] =	vst v63  }
0x1f: {  	s31 =	sadd.s32 $0x400, s30  }
0x20: {  	[tilespmem:s14], [sflag:$0x2] =	stream.indirect.gather [hbm4b:s4+s12], $0x80, s31, s12, $0xb8;
	[tilespmem:$0x12080] =	vst v63  }
0x21: {  	s31 =	sadd.s32 $0x800, s30  }
0x22: {  	[tilespmem:s15], [sflag:$0x3] =	stream.indirect.gather [hbm4b:s4+s12], $0x80, s31, s12, $0xb8;
	[tilespmem:$0x12080] =	vst v63  }
0x23: {  	s31 =	sadd.s32 $0xC00, s30  }
0x24: {  	[tilespmem:s16], [sflag:$0x4] =	stream.indirect.gather [hbm4b:s4+s12], $0x80, s31, s12, $0xb8;
	[tilespmem:$0x12080] =	vst v63  }
0x25: {  	_ =	swait.ge [sflag:s17], $0x2000  }
0x26: {  	[sflag:s17] =	ssyncset.done $0x0  }
0x27: {  	[sflag:s17] =	ssyncadd.s32 $0xFFFFE000  }
0x28: {  	[spmem:s8] =	stream.linear.scatter [tilespmem:s13], [sflag:$0x5], $0x2000, $0x38;
	[tilespmem:$0x12080] =	vst v63  }
0x29: {  	_ =	swait.ge [sflag:s18], $0x2000  }
0x2a: {  	[sflag:s18] =	ssyncset.done $0x0  }
0x2b: {  	s31 =	sadd.s32 $0x1000, s30;
	[sflag:s18] =	ssyncadd.s32 $0xFFFFE000  }
0x2c: {  	[tilespmem:s13], [sflag:$0x1] =	stream.indirect.gather [hbm4b:s4+s12], $0x80, s31, s12, $0xb8;
	[tilespmem:$0x12080] =	vst v63  }
0x2d: {  	_ =	swait.ge [sflag:s19], $0x2000  }
0x2e: {  	[sflag:s19] =	ssyncset.done $0x0  }
0x2f: {  	[sflag:s19] =	ssyncadd.s32 $0xFFFFE000  }
0x30: {  	[spmem:s1] =	stream.indirect.scatter.add.f32 [tilespmem:s14], [sflag:$0x6], $0x80, s20, s12, $0xb8;
	[tilespmem:$0x12080] =	vst v63  }
0x31: {  	_ =	swait.ge [sflag:s21], $0x2000  }
0x32: {  	[sflag:s21] =	ssyncset.done $0x0  }
0x33: {  	s31 =	sadd.s32 $0x1400, s30;
	[sflag:s21] =	ssyncadd.s32 $0xFFFFE000  }
0x34: {  	[tilespmem:s14], [sflag:$0x2] =	stream.indirect.gather [hbm4b:s4+s12], $0x80, s31, s12, $0xb8;
	[tilespmem:$0x12080] =	vst v63  }
0x35: {  	_ =	swait.ge [sflag:s22], $0x2000  }
0x36: {  	[sflag:s22] =	ssyncset.done $0x0  }
0x37: {  	[sflag:s22] =	ssyncadd.s32 $0xFFFFE000  }
0x38: {  	[spmem:s1] =	stream.indirect.scatter.add.f32 [tilespmem:s15], [sflag:$0x7], $0x80, s20, s12, $0xb8;
	[tilespmem:$0x12080] =	vst v63  }
0x39: {  	_ =	swait.ge [sflag:s23], $0x2000  }
0x3a: {  	[sflag:s23] =	ssyncset.done $0x0  }
0x3b: {  	s31 =	sadd.s32 $0x1800, s30;
	[sflag:s23] =	ssyncadd.s32 $0xFFFFE000  }
0x3c: {  	[tilespmem:s15], [sflag:$0x3] =	stream.indirect.gather [hbm4b:s4+s12], $0x80, s31, s12, $0xb8;
	[tilespmem:$0x12080] =	vst v63  }
0x3d: {  	_ =	swait.ge [sflag:s24], $0x2000  }
0x3e: {  	[sflag:s24] =	ssyncset.done $0x0  }
0x3f: {  	[sflag:s24] =	ssyncadd.s32 $0xFFFFE000  }
0x40: {  	[spmem:s1] =	stream.indirect.scatter.add.f32 [tilespmem:s16], [sflag:$0x8], $0x80, s20, s12, $0xb8;
	[tilespmem:$0x12080] =	vst v63  }
0x41: {  	_ =	swait.ge [sflag:s25], $0x2000  }
0x42: {  	[sflag:s25] =	ssyncset.done $0x0  }
0x43: {  	s30 =	sadd.s32 $0x1C00, s30;
	[sflag:s25] =	ssyncadd.s32 $0xFFFFE000  }
0x44: {  	[tilespmem:s16], [sflag:$0x4] =	stream.indirect.gather [hbm4b:s4+s12], $0x80, s30, s12, $0xb8;
	[tilespmem:$0x12080] =	vst v63  }
0x45: {  	_ =	swait.ge [sflag:s17], $0x2000  }
0x46: {  	[sflag:s17] =	ssyncset.done $0x0  }
0x47: {  	[sflag:s17] =	ssyncadd.s32 $0xFFFFE000  }
0x48: {  	[spmem:s1] =	stream.indirect.scatter.add.f32 [tilespmem:s13], [sflag:$0x5], $0x80, s20, s12, $0xb8;
	[tilespmem:$0x12080] =	vst v63  }
0x49: {  	_ =	swait.ge [sflag:s18], $0x2000  }
0x4a: {  	s31 =	sadd.s32 $0xFFFFA000, s28;
	[sflag:s18] =	ssyncset.done $0x0  }
0x4b: {  	s30 =	sadd.s32 $0x8000, s31;
	[sflag:s18] =	ssyncadd.s32 $0xFFFFE000  }
0x4c: {  	[tilespmem:s13], [sflag:$0x1] =	stream.indirect.gather [hbm4b:s4+s12], $0x80, s30, s12, $0xb8;
	[tilespmem:$0x12080] =	vst v63  }
0x4d: {  	_ =	swait.ge [sflag:s19], $0x2000  }
0x4e: {  	[sflag:s19] =	ssyncset.done $0x0  }
0x4f: {  	[sflag:s19] =	ssyncadd.s32 $0xFFFFE000  }
0x50: {  	[spmem:s1] =	stream.indirect.scatter.add.f32 [tilespmem:s14], [sflag:$0x6], $0x80, s20, s12, $0xb8;
	[tilespmem:$0x12080] =	vst v63  }
0x51: {  	_ =	swait.ge [sflag:s21], $0x2000  }
0x52: {  	[sflag:s21] =	ssyncset.done $0x0  }
0x53: {  	s30 =	sadd.s32 $0x8400, s31;
	[sflag:s21] =	ssyncadd.s32 $0xFFFFE000  }
0x54: {  	[tilespmem:s14], [sflag:$0x2] =	stream.indirect.gather [hbm4b:s4+s12], $0x80, s30, s12, $0xb8;
	[tilespmem:$0x12080] =	vst v63  }
0x55: {  	_ =	swait.ge [sflag:s22], $0x2000  }
0x56: {  	[sflag:s22] =	ssyncset.done $0x0  }
0x57: {  	[sflag:s22] =	ssyncadd.s32 $0xFFFFE000  }
0x58: {  	[spmem:s1] =	stream.indirect.scatter.add.f32 [tilespmem:s15], [sflag:$0x7], $0x80, s20, s12, $0xb8;
	[tilespmem:$0x12080] =	vst v63  }
0x59: {  	_ =	swait.ge [sflag:s23], $0x2000  }
0x5a: {  	[sflag:s23] =	ssyncset.done $0x0  }
0x5b: {  	s30 =	sadd.s32 $0x8800, s31;
	[sflag:s23] =	ssyncadd.s32 $0xFFFFE000  }
0x5c: {  	[tilespmem:s15], [sflag:$0x3] =	stream.indirect.gather [hbm4b:s4+s12], $0x80, s30, s12, $0xb8;
	[tilespmem:$0x12080] =	vst v63  }
0x5d: {  	_ =	swait.ge [sflag:s24], $0x2000  }
0x5e: {  	[sflag:s24] =	ssyncset.done $0x0  }
0x5f: {  	[sflag:s24] =	ssyncadd.s32 $0xFFFFE000  }
0x60: {  	[spmem:s1] =	stream.indirect.scatter.add.f32 [tilespmem:s16], [sflag:$0x8], $0x80, s20, s12, $0xb8;
	[tilespmem:$0x12080] =	vst v63  }
0x61: {  	_ =	swait.ge [sflag:s25], $0x2000  }
0x62: {  	[sflag:s25] =	ssyncset.done $0x0  }
0x63: {  	s31 =	sadd.s32 $0x8C00, s31;
	s30 =	simm.s32 $0xFFFEC000;
	[sflag:s25] =	ssyncadd.s32 $0xFFFFE000  }
.LBB2_5:
0x64: {  	[tilespmem:s16], [sflag:$0x4] =	stream.indirect.gather [hbm4b:s4+s12], $0x80, s31, s12, $0xb8;
	[tilespmem:$0x12080] =	vst v63  }
0x65: {  	s31 =	smov.u32 s30  }
0x66: {  	p0 =	sne.s32 s30, $0xFFFFC000;
	s30 =	sadd.s32 $0x4000, s30;
	_ =	swait.ge [sflag:s17], $0x2000  }
0x67: {  	[sflag:s17] =	ssyncset.done $0x0  }
0x68: {  	[sflag:s17] =	ssyncadd.s32 $0xFFFFE000  }
0x69: {  	[spmem:s1] =	stream.indirect.scatter.add.f32 [tilespmem:s13], [sflag:$0x5], $0x80, s20, s12, $0xb8;
	[tilespmem:$0x12080] =	vst v63  }
0x6a: {  	s31 =	sshra.s32 s31, $0x2;
	_ =	swait.ge [sflag:s18], $0x2000  }
0x6b: {  	s31 =	sadd.s32 s31, s28;
	[sflag:s18] =	ssyncset.done $0x0  }
0x6c: {  	s0 =	sadd.s32 $0x8000, s31;
	[sflag:s18] =	ssyncadd.s32 $0xFFFFE000  }
0x6d: {  	[tilespmem:s13], [sflag:$0x1] =	stream.indirect.gather [hbm4b:s4+s12], $0x80, s0, s12, $0xb8;
	[tilespmem:$0x12080] =	vst v63  }
0x6e: {  	_ =	swait.ge [sflag:s19], $0x2000  }
0x6f: {  	[sflag:s19] =	ssyncset.done $0x0  }
0x70: {  	[sflag:s19] =	ssyncadd.s32 $0xFFFFE000  }
0x71: {  	[spmem:s1] =	stream.indirect.scatter.add.f32 [tilespmem:s14], [sflag:$0x6], $0x80, s20, s12, $0xb8;
	[tilespmem:$0x12080] =	vst v63  }
0x72: {  	_ =	swait.ge [sflag:s21], $0x2000  }
0x73: {  	[sflag:s21] =	ssyncset.done $0x0  }
0x74: {  	s0 =	sadd.s32 $0x8400, s31;
	[sflag:s21] =	ssyncadd.s32 $0xFFFFE000  }
0x75: {  	[tilespmem:s14], [sflag:$0x2] =	stream.indirect.gather [hbm4b:s4+s12], $0x80, s0, s12, $0xb8;
	[tilespmem:$0x12080] =	vst v63  }
0x76: {  	_ =	swait.ge [sflag:s22], $0x2000  }
0x77: {  	[sflag:s22] =	ssyncset.done $0x0  }
0x78: {  	[sflag:s22] =	ssyncadd.s32 $0xFFFFE000  }
0x79: {  	[spmem:s1] =	stream.indirect.scatter.add.f32 [tilespmem:s15], [sflag:$0x7], $0x80, s20, s12, $0xb8;
	[tilespmem:$0x12080] =	vst v63  }
0x7a: {  	_ =	swait.ge [sflag:s23], $0x2000  }
0x7b: {  	[sflag:s23] =	ssyncset.done $0x0  }
0x7c: {  	s0 =	sadd.s32 $0x8800, s31;
	[sflag:s23] =	ssyncadd.s32 $0xFFFFE000  }
0x7d: {  	[tilespmem:s15], [sflag:$0x3] =	stream.indirect.gather [hbm4b:s4+s12], $0x80, s0, s12, $0xb8;
	[tilespmem:$0x12080] =	vst v63  }
0x7e: {  	_ =	swait.ge [sflag:s24], $0x2000  }
0x7f: {  	[sflag:s24] =	ssyncset.done $0x0  }
.Ltmp1:
0x80: {  	[sflag:s24] =	ssyncadd.s32 $0xFFFFE000;
	(pc) =	sbr.rel @p0 .LBB2_5-.Ltmp1, $4  }
0x81: {  	[spmem:s1] =	stream.indirect.scatter.add.f32 [tilespmem:s16], [sflag:$0x8], $0x80, s20, s12, $0xb8;
	[tilespmem:$0x12080] =	vst v63  }
0x82: {  	_ =	swait.ge [sflag:s25], $0x2000  }
0x83: {  	[sflag:s25] =	ssyncset.done $0x0  }
0x84: {  	s31 =	sadd.s32 $0x8C00, s31;
	[sflag:s25] =	ssyncadd.s32 $0xFFFFE000  }
0x85: {  	[tilespmem:s16], [sflag:$0x4] =	stream.indirect.gather [hbm4b:s4+s12], $0x80, s31, s12, $0xb8;
	[tilespmem:$0x12080] =	vst v63  }
0x86: {  	_ =	swait.ge [sflag:s17], $0x2000  }
0x87: {  	[sflag:s17] =	ssyncset.done $0x0  }
0x88: {  	[sflag:s17] =	ssyncadd.s32 $0xFFFFE000  }
0x89: {  	[spmem:s1] =	stream.indirect.scatter.add.f32 [tilespmem:s13], [sflag:$0x5], $0x80, s20, s12, $0xb8;
	[tilespmem:$0x12080] =	vst v63  }
0x8a: {  	_ =	swait.ge [sflag:s18], $0x2000  }
0x8b: {  	[sflag:s18] =	ssyncset.done $0x0  }
0x8c: {  	[sflag:s18] =	ssyncadd.s32 $0xFFFFE000  }
0x8d: {  	_ =	swait.ge [sflag:s19], $0x2000  }
0x8e: {  	[sflag:s19] =	ssyncset.done $0x0  }
0x8f: {  	[sflag:s19] =	ssyncadd.s32 $0xFFFFE000  }
0x90: {  	[spmem:s1] =	stream.indirect.scatter.add.f32 [tilespmem:s14], [sflag:$0x6], $0x80, s20, s12, $0xb8;
	[tilespmem:$0x12080] =	vst v63  }
0x91: {  	_ =	swait.ge [sflag:s21], $0x2000  }
0x92: {  	[sflag:s21] =	ssyncset.done $0x0  }
0x93: {  	[sflag:s21] =	ssyncadd.s32 $0xFFFFE000  }
0x94: {  	_ =	swait.ge [sflag:s22], $0x2000  }
0x95: {  	[sflag:s22] =	ssyncset.done $0x0  }
0x96: {  	[sflag:s22] =	ssyncadd.s32 $0xFFFFE000  }
0x97: {  	[spmem:s1] =	stream.indirect.scatter.add.f32 [tilespmem:s15], [sflag:$0x7], $0x80, s20, s12, $0xb8;
	[tilespmem:$0x12080] =	vst v63  }
0x98: {  	_ =	swait.ge [sflag:s23], $0x2000  }
0x99: {  	[sflag:s23] =	ssyncset.done $0x0  }
0x9a: {  	[sflag:s23] =	ssyncadd.s32 $0xFFFFE000  }
0x9b: {  	_ =	swait.ge [sflag:s24], $0x2000  }
0x9c: {  	s0 =	sshll.u32 s29, $0xD;
	[sflag:s24] =	ssyncset.done $0x0  }
0x9d: {  	s30 =	sor.u32 $0x1C09, s6;
	s31 =	sshrl.u32 s8, $0x3;
	[sflag:s24] =	ssyncadd.s32 $0xFFFFE000  }
0x9e: {  	[spmem:s1] =	stream.indirect.scatter.add.f32 [tilespmem:s16], [sflag:$0x8], $0x80, s20, s12, $0xb8;
	[tilespmem:$0x12080] =	vst v63  }
0x9f: {  	s29 =	sadd.s32 $0x1, s29;
	s0 =	sadd.s32 s9, s0;
	_ =	swait.ge [sflag:s25], $0x2000  }
0xa0: {  	p0 =	sne.s32 s29, $0x5;
	s0 =	sshrl.u32 s0, $0x3;
	[sflag:s25] =	ssyncset.done $0x0  }
.Ltmp2:
0xa1: {  	s0 =	sadd.s32 s5, s0;
	[sflag:s25] =	ssyncadd.s32 $0xFFFFE000;
	(pc) =	sbr.rel @p0 .LBB2_4-.Ltmp2, $4  }
0xa2: {  	[hbm:s0], [sflag:s30] =	dma.local [spmem:s31], $0x400  }
0xa3: {  	_ =	swait.ge [sflag:s11], $0x400  }
0xa4: {  	[sflag:s11] =	ssyncset.done $0x0  }
0xa5: {  	s28 =	sadd.s32 $0x80, s28;
	[sflag:s11] =	ssyncadd.s32 $0xFFFFFC00  }
0xa6: {  	s26 =	sadd.s32 $0x1, s26  }
0xa7: {  	p0 =	sne.s32 s26, s10  }
.Ltmp3:
0xa8: {  	_ = 	snop;
	(pc) =	sbr.rel @p0 .LBB2_1-.Ltmp3, $1  }
0xa9: {  	_ =	sdelay $0x3  }
0xaa: {  	_ =	sfence.sel $0x180000  }
0xab: {  	[bflag:$0x0] =	sbarrier.arrive $0xFFFF  }
0xac: {  	_ =	strace $0x9000004A  }
0xad: {  	[bflag:$0x2] =	sbarrier.arrive $0xFFFF  }
0xae: {  	p0 =	sne.s32 s3, $0x0;
	s0 =	rddreg [dreg:$0x3]  }
0xaf: {  	s0 =	sadd.s32 @!p0 $0x100000, s0  }
0xb0: {  	[sflag:s0] =	ssyncadd.tile.s32 @!p0 $0x1;
	_ =	shalt  }
.Lfunc_end2:
_tile_overlayer_lowered:
.L_overlay_start_2:
0xb1: {  	(tag) =	ssettag $0x2  }
0xb2: {  	s0 =	rddreg [dreg:$0x0];
	s2 =	stileid.u32  }
0xb3: {  	s1 =	rddreg [dreg:$0x1];
	p0 =	sne.s32 s2, $0x0  }
0xb4: {  	s3 =	rddreg [dreg:$0x2];
	[bflag:$0x3] =	sbarrier.arrive $0xFFFF;
	s2 =	simm.s32 @!p0 $0x1C09  }
0xb5: {  	[timem:s3], [sflag:s2] =	dma.local @!p0 [hbm:s0], s1  }
0xb6: {  	s0 =	simm.s32 @!p0 $0x9  }
0xb7: {  	_ =	swait.ge @!p0 [sflag:s0], s1  }
0xb8: {  	s1 =	ssub.s32 @!p0 $0x0, s1;
	[sflag:s0] =	ssyncset.done @!p0 $0x0  }
0xb9: {  	[sflag:s0] =	ssyncadd.s32 @!p0 s1  }
0xba: {  	[bflag:$0x3] =	sbarrier.arrive $0xFFFF  }
0xbb: {  	_ =	shalt  }

// kernel: kernel.19.cloned.1.call-start
scs
__scs_entry_jumppad:
0x0: {  	(pc) =	sbr.rel $0x88, $3  }
0x1: {  	(tag) =	ssettag $0x0;
	lr =	simm.s32 $0x1  }
0x2: {  	[smem:$0x3F9D] =	sst lr;
	_ =	strace $0xD0000000  }
0x3: {  	_ = 	snop  }
0x4: {  	_ = 	snop  }
0x5: {  	_ = 	snop  }
0x6: {  	_ = 	snop  }
0x7: {  	_ = 	snop  }
__scs_overlays_trampoline_lowered:
0x8: {  	[smem:$0x3FAC] =	sst s0  }
0x9: {  	[smem:$0x3FAD] =	sst s1  }
0xa: {  	[smem:$0x3FAE] =	sst s2  }
0xb: {  	[smem:$0x3FAF] =	sst s3  }
0xc: {  	[smem:$0x3FB0] =	sst s4  }
0xd: {  	[smem:$0x3FB1] =	sst s5  }
0xe: {  	[smem:$0x3FB2] =	sst s6  }
0xf: {  	[smem:$0x3FB3] =	sst s7  }
0x10: {  	[smem:$0x3FB4] =	sst s8  }
0x11: {  	[smem:$0x3FB5] =	sst s9;
	s0 =	simm.s32 @!p0 $0x0  }
0x12: {  	s1 =	sld [smem:$0x3F9B];
	s0 =	simm.s32 @p0 $0x1  }
0x13: {  	[smem:$0x3FB6] =	sst s0;
	s0 =	simm.s32 @!p1 $0x0  }
0x14: {  	s2 =	sld [smem:$0x3F9A];
	s0 =	simm.s32 @p1 $0x1  }
0x15: {  	[smem:$0x3FB7] =	sst s0;
	s0 =	simm.s32 @!p2 $0x0  }
0x16: {  	s3 =	sld [smem:$0x3FDB];
	s0 =	simm.s32 @p2 $0x1  }
0x17: {  	s4 =	simm.s32 $0x1BF5;
	[smem:$0x3FB9] =	sst s0  }
0x18: {  	s0 =	sld [smem:$0x3F9C];
	_ =	swait.ge [sflag:s4], $0x0  }
0x19: {  	s7 =	sld [smem:$0x3F9D]  }
0x1a: {  	s8 =	sadd.s32 $0xFFFFE003, lr  }
0x1b: {  	s9 =	sadd.s32 $0xFFFFFEF7, lr;
	s5 =	simm.s32 $0xFFFFFFFF;
	p2 =	slt.u32 s8, $0xFFFFF086  }
0x1c: {  	p1 =	slt.u32 s9, $0xF7A;
	s5 =	simm.s32 @!p2 $0x0  }
0x1d: {  	s5 =	simm.s32 @p1 $0x1;
	p0 =	seq.s32 s7, s2  }
0x1e: {  	s7 =	smul.u32 @!p0 $0xF7A, s2;
	p2 =	seq.s32 @!p0 s5, $0x0  }
0x1f: {  	s9 =	smul.u32 $0xF7A, s1;
	s8 =	simm.s32 @!p0 $0x1BF5;
	p2 =	por !p2, p0  }
0x20: {  	[sflag:s8] =	ssyncset.s32 @!p0 $0xFFFFF086;
	s6 =	sadd.s32 @!p0 s3, s7;
	s7 =	simm.s32 @!p0 $0x108  }
0x21: {  	s3 =	sadd.s32 s3, s9;
	s6 =	sadd.s32 @!p0 $0x88, s6;
	s7 =	simm.s32 @p2 $0x1082  }
0x22: {  	[simem:s7], [sflag:s8] =	dma.local @!p0 [hbm:s6], $0xF7A  }
0x23: {  	s9 =	sor.u32 $0xD0000000, s2;
	s6 =	simm.s32 $0x108;
	_ =	swait.ge @!p0 [sflag:s8], $0x0  }
0x24: {  	s3 =	sadd.s32 $0x88, s3;
	s6 =	simm.s32 @!p1 $0x1082;
	[sflag:s4] =	ssyncset.s32 $0xFFFFF086  }
0x25: {  	[simem:s6], [sflag:s4] =	dma.local [hbm:s3], $0xF7A  }
0x26: {  	[smem:$0x3F9D] =	sst s1;
	(tag) =	ssettag s2;
	_ =	strace s9  }
0x27: {  	s1 =	sld [smem:$0x3FAD]  }
0x28: {  	s2 =	sld [smem:$0x3FAE]  }
0x29: {  	s4 =	sld [smem:$0x3FB0]  }
0x2a: {  	p0 =	seq.s32 s5, $0x0;
	s5 =	sld [smem:$0x3FB1]  }
0x2b: {  	s6 =	sld [smem:$0x3FB2]  }
0x2c: {  	s7 =	sld [smem:$0x3FB3]  }
0x2d: {  	s3 =	simm.s32 $0x108;
	s8 =	sld [smem:$0x3FB4]  }
0x2e: {  	s3 =	simm.s32 @!p0 $0x1082;
	s9 =	sld [smem:$0x3FB5]  }
0x2f: {  	lr =	sadd.s32 s0, s3;
	s0 =	sld [smem:$0x3FAC]  }
0x30: {  	s3 =	sld [smem:$0x3FAF]  }
0x31: {  	[smem:$0x3FB8] =	sst s10  }
0x32: {  	s10 =	sld [smem:$0x3FB6];
	_ =	sdelay $0x3  }
0x33: {  	p0 =	seq.s32 s10, $0x1;
	s10 =	sld [smem:$0x3FB8];
	_ =	sdelay $0x3  }
0x34: {  	[smem:$0x3FB8] =	sst s10  }
0x35: {  	s10 =	sld [smem:$0x3FB7];
	_ =	sdelay $0x3  }
0x36: {  	p1 =	seq.s32 s10, $0x1;
	s10 =	sld [smem:$0x3FB8];
	_ =	sdelay $0x3  }
0x37: {  	[smem:$0x3FB8] =	sst s10  }
0x38: {  	s10 =	sld [smem:$0x3FB9]  }
0x39: {  	_ = 	snop;
	(pc) =	sbr.ind lr, $3  }
0x3a: {  	_ = 	snop  }
0x3b: {  	_ = 	snop  }
0x3c: {  	p2 =	seq.s32 s10, $0x1;
	s10 =	sld [smem:$0x3FB8]  }
0x3d: {  	_ =	shalt  }
0x3e: {  	_ =	shalt  }
0x3f: {  	_ =	shalt  }
0x40: {  	_ =	shalt  }
0x41: {  	_ =	shalt  }
0x42: {  	_ =	shalt  }
0x43: {  	_ =	shalt  }
0x44: {  	_ =	shalt  }
0x45: {  	_ =	shalt  }
0x46: {  	_ =	shalt  }
0x47: {  	_ =	shalt  }
0x48: {  	_ =	shalt  }
0x49: {  	_ =	shalt  }
0x4a: {  	_ =	shalt  }
0x4b: {  	_ =	shalt  }
0x4c: {  	_ =	shalt  }
0x4d: {  	_ =	shalt  }
0x4e: {  	_ =	shalt  }
0x4f: {  	_ =	shalt  }
0x50: {  	_ =	shalt  }
0x51: {  	_ =	shalt  }
0x52: {  	_ =	shalt  }
0x53: {  	_ =	shalt  }
0x54: {  	_ =	shalt  }
0x55: {  	_ =	shalt  }
0x56: {  	_ =	shalt  }
0x57: {  	_ =	shalt  }
0x58: {  	_ =	shalt  }
0x59: {  	_ =	shalt  }
0x5a: {  	_ =	shalt  }
0x5b: {  	_ =	shalt  }
0x5c: {  	_ =	shalt  }
0x5d: {  	_ =	shalt  }
0x5e: {  	_ =	shalt  }
0x5f: {  	_ =	shalt  }
0x60: {  	_ =	shalt  }
0x61: {  	_ =	shalt  }
0x62: {  	_ =	shalt  }
0x63: {  	_ =	shalt  }
0x64: {  	_ =	shalt  }
0x65: {  	_ =	shalt  }
0x66: {  	_ =	shalt  }
0x67: {  	_ =	shalt  }
0x68: {  	_ =	shalt  }
0x69: {  	_ =	shalt  }
0x6a: {  	_ =	shalt  }
0x6b: {  	_ =	shalt  }
0x6c: {  	_ =	shalt  }
0x6d: {  	_ =	shalt  }
0x6e: {  	_ =	shalt  }
0x6f: {  	_ =	shalt  }
0x70: {  	_ =	shalt  }
0x71: {  	_ =	shalt  }
0x72: {  	_ =	shalt  }
0x73: {  	_ =	shalt  }
0x74: {  	_ =	shalt  }
0x75: {  	_ =	shalt  }
0x76: {  	_ =	shalt  }
0x77: {  	_ =	shalt  }
0x78: {  	_ =	shalt  }
0x79: {  	_ =	shalt  }
0x7a: {  	_ =	shalt  }
0x7b: {  	_ =	shalt  }
0x7c: {  	_ =	shalt  }
0x7d: {  	_ =	shalt  }
0x7e: {  	_ =	shalt  }
0x7f: {  	_ =	shalt  }
0x80: {  	_ =	shalt  }
0x81: {  	_ =	shalt  }
0x82: {  	_ =	shalt  }
0x83: {  	_ =	shalt  }
0x84: {  	_ =	shalt  }
0x85: {  	_ =	shalt  }
0x86: {  	_ =	shalt  }
0x87: {  	_ =	shalt  }
.Lfunc_end0:
.L_simem_size_0:
called_computation.2_lowered:
.L_overlay_start_0:
0x88: {  	s2 =	sld [smem:$0x3FD9]  }
0x89: {  	s3 =	sld [smem:$0x3FFE];
	_ =	sdelay $0x1  }
0x8a: {  	s1 =	srdreg.scid  }
0x8b: {  	s0 =	sand.u32 $0x1, s1  }
0x8c: {  	s17 =	sshll.u32 s0, $0xA;
	s2 =	sadd.s32 s3, s2  }
0x8d: {  	s2 =	sadd.s32 s2, s17  }
0x8e: {  	[smem:$0x3FC4] =	sst s2  }
0x8f: {  	_ = 	snop  }
0x90: {  	s2 =	sld [smem:$0x3FD0];
	(tm) =	ssettm $0x1  }
0x91: {  	s18 =	sld [smem:$0x3FFB];
	_ =	sdelay $0x3  }
0x92: {  	_ =	strace s18  }
0x93: {  	s3 =	sld [smem:$0x3FFC];
	_ =	sdelay $0x3  }
0x94: {  	_ =	strace s3  }
0x95: {  	s3 =	sld [smem:$0x3FFD];
	_ =	sdelay $0x3  }
0x96: {  	_ =	strace s3  }
0x97: {  	_ =	strace $0x8FFFFFFF  }
0x98: {  	s19 =	sld [smem:$0x3FDB];
	_ =	sdelay $0x1  }
0x99: {  	s4 =	simm.s32 $_scs_section_size  }
0x9a: {  	s5 =	simm.s32 $_size__tile_overlayer_lowered;
	s6 =	simm.s32 $_tile_overlayer_lowered  }
0x9b: {  	s22 =	simm.s32 $0x1BFF;
	s21 =	sshll.u32 s6, $0x1;
	s3 =	sadd.s32 s4, s19  }
0x9c: {  	s7 =	simm.s32 $0x0;
	s20 =	sshll.u32 s5, $0x1;
	s5 =	sadd.s32 s21, s3  }
0x9d: {  	[timem:s7], [sflag:s22] =	dma.local [hbm:s5], s20  }
0x9e: {  	_ =	swait.ge [sflag:s22], s20  }
0x9f: {  	s4 =	ssub.s32 $0x0, s20;
	[sflag:s22] =	ssyncset.done $0x0  }
0xa0: {  	[sflag:s22] =	ssyncadd.s32 s4;
	_ =	sdelay $0x1  }
0xa1: {  	s23 =	simm.s32 $0x1B8B  }
0xa2: {  	_ =	swait.ge [sflag:s23], $0x1  }
0xa3: {  	[sflag:s23] =	ssyncset.done $0x0  }
0xa4: {  	s25 =	simm.s32 $0x1B8E;
	s24 =	sld [smem:$0x3FFE];
	[sflag:s23] =	ssyncadd.s32 $0xFFFFFFFF  }
0xa5: {  	s26 =	simm.s32 $execute0_lowered;
	[smem:$0x3FD2] =	sst s25  }
0xa6: {  	s5 =	sshll.u32 s26, $0x1;
	_ =	strace $0x8000004C;
	[dreg:$0x1] =	wrdreg $0xFFFFFFFF  }
0xa7: {  	s28 =	simm.s32 $_size_execute0_lowered;
	s3 =	sadd.s32 s3, s5;
	[dreg:$0x0] =	wrdreg $0x0  }
0xa8: {  	s5 =	sshll.u32 s28, $0x1;
	[dreg:$0x2] =	wrdreg s3  }
0xa9: {  	[dreg:$0x3] =	wrdreg s5  }
0xaa: {  	[dreg:$0x4] =	wrdreg $0xC0  }
0xab: {  	_ =	task [dreg:s7], $0x5FFFF  }
0xac: {  	[dreg:$0x1] =	wrdreg $0xFFFFFFFF  }
0xad: {  	[dreg:$0x0] =	wrdreg $0x60  }
0xae: {  	[dreg:$0x2] =	wrdreg s2  }
0xaf: {  	[dreg:$0x3] =	wrdreg s24  }
0xb0: {  	[dreg:$0x4] =	wrdreg $0x100800  }
0xb1: {  	[dreg:$0x5] =	wrdreg $0x9  }
0xb2: {  	_ =	task.clear_ibuf [dreg:s7], $0x6FFFF;
	_ =	strace $0x9000004C  }
0xb3: {  	s29 =	simm.s32 $0x9;
	_ =	strace $0x8000004E  }
0xb4: {  	_ =	swait.ge [sflag:s29], $0x1  }
0xb5: {  	[sflag:s29] =	ssyncadd.s32 $0xFFFFFFFF  }
0xb6: {  	_ =	strace $0x9000004E  }
0xb7: {  	_ =	sfence  }
0xb8: {  	s30 =	sld [smem:$0x0];
	_ =	sdelay $0x2  }
0xb9: {  	s31 =	sshll.u32 s1, $0xD;
	s1 =	sshrl.u32 s1, $0x2  }
0xba: {  	s3 =	sand.u32 $0x4000, s31;
	s1 =	sadd.s32 s1, s30  }
0xbb: {  	s0 =	sor.u32 s3, s0;
	s1 =	sshll.u32 s1, $0x11  }
0xbc: {  	s0 =	sor.u32 s1, s0  }
0xbd: {  	s0 =	sadd.s32 $0x8F2B, s0  }
0xbe: {  	[sflag:s0] =	ssyncadd.remote.s32 $0x1  }
0xbf: {  	_ =	sfence.sel $0xFFFF  }
0xc0: {  	[dreg:$0x0] =	wrdreg $0xFFFFFFFF;
	(pc) =	sbr.abs _section_cstart, $3  }
0xc1: {  	[dreg:$0x1] =	wrdreg $0xFFFFFFFF  }
0xc2: {  	_ =	task.clear_ibuf [dreg:s7], $0x2FFFF;
	_ =	strace $0x9FFFFFFF  }
0xc3: {  	(tm) =	ssettm $0x7FFFFFFF  }
tec
execute0_lowered:
.L_overlay_start_1:
0x0: {  	(tag) =	ssettag $0x1  }
0x1: {  	s7 =	rddreg [dreg:$0x0]  }
0x2: {  	s5 =	rddreg [dreg:$0x1]  }
0x3: {  	s1 =	rddreg [dreg:$0x2]  }
0x4: {  	s2 =	simm.s32 $0x0;
	s3 =	srdreg.scid;
	s12 =	simm.s32 $0x40  }
0x5: {  	s13 =	simm.s32 $0x8000;
	s14 =	simm.s32 $0xA000;
	s15 =	simm.s32 $0xC000  }
0x6: {  	s16 =	simm.s32 $0xE000;
	s17 =	simm.s32 $0x1;
	s18 =	simm.s32 $0x5  }
0x7: {  	s19 =	simm.s32 $0x2;
	s20 =	simm.s32 $0x10000;
	s21 =	simm.s32 $0x6  }
0x8: {  	s22 =	simm.s32 $0x3;
	s23 =	simm.s32 $0x7;
	s24 =	simm.s32 $0x4  }
0x9: {  	s25 =	simm.s32 $0x8;
	s26 =	simm.s32 $0x0;
	[smem:$0x7FF] =	sst s2  }
0xa: {  	s4 =	sadd.s32 $0x3400, s5;
	s6 =	sand.u32 $0x1, s3;
	s3 =	stileid.u32  }
0xb: {  	s5 =	sadd.s32 $0x2B400, s5;
	_ =	strace $0x8000004D;
	s8 =	ssub.s32 $0x2, s6  }
0xc: {  	v1 =	vlaneseq.u32;
	s6 =	sshll.u32 s6, $0x4;
	s31 =	sshll.u32 s3, $0xD;
	s9 =	sshrl.u32 s8, $0x1  }
0xd: {  	v2 =	vor.u32 $0x10, v1;
	s10 =	sor.u32 s3, s6;
	s6 =	sshll.u32 s3, $0x6;
	s11 =	ssub.s32 s8, s9  }
0xe: {  	v3 =	vor.u32 $0x20, v1;
	v4 =	vor.u32 $0x30, v1;
	s30 =	sshll.u32 s10, $0xC;
	s8 =	sadd.s32 s31, s1;
	s9 =	smul.u32 $0xA000, s10;
	v0 =	vor.u32 s6, v1  }
0xf: {  	v1 =	vor.u32 s6, v2;
	v2 =	vor.u32 s6, v3;
	v3 =	vor.u32 s6, v4;
	s7 =	sadd.s32 s7, s30;
	s10 =	smax.u32 s11, $0x1;
	s11 =	simm.s32 $0x9  }
.LBB2_1:
0x10: {  	[tilespmem:$0x10000] =	vst v0  }
0x11: {  	[tilespmem:$0x10010] =	vst v1  }
0x12: {  	[tilespmem:$0x10020] =	vst v2;
	s28 =	simm.s32 $0x80  }
0x13: {  	[tilespmem:$0x10030] =	vst v3;
	s31 =	sadd.s32 $0x0, s7;
	s29 =	simm.s32 $0x400;
	s30 =	simm.s32 $0x0  }
.LBB2_2:
0x14: {  	[tilespmem:s30], [sflag:$0x9] =	stream.linear.gather [hbm4b:s31+s2], $0x280, $0x38;
	[tilespmem:$0x12080] =	vst v63  }
0x15: {  	s31 =	smov.u32 s28;
	s30 =	smov.u32 s29;
	p0 =	sne.s32 s28, $0xF80  }
.Ltmp0:
0x16: {  	s28 =	sadd.s32 $0x80, s28;
	(pc) =	sbr.rel @p0 .LBB2_2-.Ltmp0, $2  }
0x17: {  	_ =	sdelay $0x2  }
0x18: {  	s29 =	sadd.s32 $0x400, s29;
	s31 =	sadd.s32 s31, s7  }
0x19: {  	[tilespmem:s30], [sflag:$0x9] =	stream.linear.gather [hbm4b:s31+s2], $0x280, $0x38;
	[tilespmem:$0x12080] =	vst v63  }
0x1a: {  	_ =	swait.ge [sflag:s11], $0x5000  }
0x1b: {  	[sflag:s11] =	ssyncset.done $0x0  }
0x1c: {  	s28 =	simm.s32 $0x0;
	s29 =	simm.s32 $0x0;
	[sflag:s11] =	ssyncadd.s32 $0xFFFFB000  }
.LBB2_4:
0x1d: {  	s30 =	sshll.u32 s29, $0x7  }
0x1e: {  	[tilespmem:s13], [sflag:$0x1] =	stream.indirect.gather [hbm4b:s4+s12], $0x80, s30, s12, $0xb8;
	[tilespmem:$0x12080] =	vst v63  }
0x1f: {  	s31 =	sadd.s32 $0x400, s30  }
0x20: {  	[tilespmem:s14], [sflag:$0x2] =	stream.indirect.gather [hbm4b:s4+s12], $0x80, s31, s12, $0xb8;
	[tilespmem:$0x12080] =	vst v63  }
0x21: {  	s31 =	sadd.s32 $0x800, s30  }
0x22: {  	[tilespmem:s15], [sflag:$0x3] =	stream.indirect.gather [hbm4b:s4+s12], $0x80, s31, s12, $0xb8;
	[tilespmem:$0x12080] =	vst v63  }
0x23: {  	s31 =	sadd.s32 $0xC00, s30  }
0x24: {  	[tilespmem:s16], [sflag:$0x4] =	stream.indirect.gather [hbm4b:s4+s12], $0x80, s31, s12, $0xb8;
	[tilespmem:$0x12080] =	vst v63  }
0x25: {  	_ =	swait.ge [sflag:s17], $0x2000  }
0x26: {  	[sflag:s17] =	ssyncset.done $0x0  }
0x27: {  	[sflag:s17] =	ssyncadd.s32 $0xFFFFE000  }
0x28: {  	[spmem:s8] =	stream.linear.scatter [tilespmem:s13], [sflag:$0x5], $0x2000, $0x38;
	[tilespmem:$0x12080] =	vst v63  }
0x29: {  	_ =	swait.ge [sflag:s18], $0x2000  }
0x2a: {  	[sflag:s18] =	ssyncset.done $0x0  }
0x2b: {  	s31 =	sadd.s32 $0x1000, s30;
	[sflag:s18] =	ssyncadd.s32 $0xFFFFE000  }
0x2c: {  	[tilespmem:s13], [sflag:$0x1] =	stream.indirect.gather [hbm4b:s4+s12], $0x80, s31, s12, $0xb8;
	[tilespmem:$0x12080] =	vst v63  }
0x2d: {  	_ =	swait.ge [sflag:s19], $0x2000  }
0x2e: {  	[sflag:s19] =	ssyncset.done $0x0  }
0x2f: {  	[sflag:s19] =	ssyncadd.s32 $0xFFFFE000  }
0x30: {  	[spmem:s1] =	stream.indirect.scatter.add.f32 [tilespmem:s14], [sflag:$0x6], $0x80, s20, s12, $0xb8;
	[tilespmem:$0x12080] =	vst v63  }
0x31: {  	_ =	swait.ge [sflag:s21], $0x2000  }
0x32: {  	[sflag:s21] =	ssyncset.done $0x0  }
0x33: {  	s31 =	sadd.s32 $0x1400, s30;
	[sflag:s21] =	ssyncadd.s32 $0xFFFFE000  }
0x34: {  	[tilespmem:s14], [sflag:$0x2] =	stream.indirect.gather [hbm4b:s4+s12], $0x80, s31, s12, $0xb8;
	[tilespmem:$0x12080] =	vst v63  }
0x35: {  	_ =	swait.ge [sflag:s22], $0x2000  }
0x36: {  	[sflag:s22] =	ssyncset.done $0x0  }
0x37: {  	[sflag:s22] =	ssyncadd.s32 $0xFFFFE000  }
0x38: {  	[spmem:s1] =	stream.indirect.scatter.add.f32 [tilespmem:s15], [sflag:$0x7], $0x80, s20, s12, $0xb8;
	[tilespmem:$0x12080] =	vst v63  }
0x39: {  	_ =	swait.ge [sflag:s23], $0x2000  }
0x3a: {  	[sflag:s23] =	ssyncset.done $0x0  }
0x3b: {  	s31 =	sadd.s32 $0x1800, s30;
	[sflag:s23] =	ssyncadd.s32 $0xFFFFE000  }
0x3c: {  	[tilespmem:s15], [sflag:$0x3] =	stream.indirect.gather [hbm4b:s4+s12], $0x80, s31, s12, $0xb8;
	[tilespmem:$0x12080] =	vst v63  }
0x3d: {  	_ =	swait.ge [sflag:s24], $0x2000  }
0x3e: {  	[sflag:s24] =	ssyncset.done $0x0  }
0x3f: {  	[sflag:s24] =	ssyncadd.s32 $0xFFFFE000  }
0x40: {  	[spmem:s1] =	stream.indirect.scatter.add.f32 [tilespmem:s16], [sflag:$0x8], $0x80, s20, s12, $0xb8;
	[tilespmem:$0x12080] =	vst v63  }
0x41: {  	_ =	swait.ge [sflag:s25], $0x2000  }
0x42: {  	[sflag:s25] =	ssyncset.done $0x0  }
0x43: {  	s30 =	sadd.s32 $0x1C00, s30;
	[sflag:s25] =	ssyncadd.s32 $0xFFFFE000  }
0x44: {  	[tilespmem:s16], [sflag:$0x4] =	stream.indirect.gather [hbm4b:s4+s12], $0x80, s30, s12, $0xb8;
	[tilespmem:$0x12080] =	vst v63  }
0x45: {  	_ =	swait.ge [sflag:s17], $0x2000  }
0x46: {  	[sflag:s17] =	ssyncset.done $0x0  }
0x47: {  	[sflag:s17] =	ssyncadd.s32 $0xFFFFE000  }
0x48: {  	[spmem:s1] =	stream.indirect.scatter.add.f32 [tilespmem:s13], [sflag:$0x5], $0x80, s20, s12, $0xb8;
	[tilespmem:$0x12080] =	vst v63  }
0x49: {  	_ =	swait.ge [sflag:s18], $0x2000  }
0x4a: {  	s31 =	sadd.s32 $0xFFFFA000, s28;
	[sflag:s18] =	ssyncset.done $0x0  }
0x4b: {  	s30 =	sadd.s32 $0x8000, s31;
	[sflag:s18] =	ssyncadd.s32 $0xFFFFE000  }
0x4c: {  	[tilespmem:s13], [sflag:$0x1] =	stream.indirect.gather [hbm4b:s4+s12], $0x80, s30, s12, $0xb8;
	[tilespmem:$0x12080] =	vst v63  }
0x4d: {  	_ =	swait.ge [sflag:s19], $0x2000  }
0x4e: {  	[sflag:s19] =	ssyncset.done $0x0  }
0x4f: {  	[sflag:s19] =	ssyncadd.s32 $0xFFFFE000  }
0x50: {  	[spmem:s1] =	stream.indirect.scatter.add.f32 [tilespmem:s14], [sflag:$0x6], $0x80, s20, s12, $0xb8;
	[tilespmem:$0x12080] =	vst v63  }
0x51: {  	_ =	swait.ge [sflag:s21], $0x2000  }
0x52: {  	[sflag:s21] =	ssyncset.done $0x0  }
0x53: {  	s30 =	sadd.s32 $0x8400, s31;
	[sflag:s21] =	ssyncadd.s32 $0xFFFFE000  }
0x54: {  	[tilespmem:s14], [sflag:$0x2] =	stream.indirect.gather [hbm4b:s4+s12], $0x80, s30, s12, $0xb8;
	[tilespmem:$0x12080] =	vst v63  }
0x55: {  	_ =	swait.ge [sflag:s22], $0x2000  }
0x56: {  	[sflag:s22] =	ssyncset.done $0x0  }
0x57: {  	[sflag:s22] =	ssyncadd.s32 $0xFFFFE000  }
0x58: {  	[spmem:s1] =	stream.indirect.scatter.add.f32 [tilespmem:s15], [sflag:$0x7], $0x80, s20, s12, $0xb8;
	[tilespmem:$0x12080] =	vst v63  }
0x59: {  	_ =	swait.ge [sflag:s23], $0x2000  }
0x5a: {  	[sflag:s23] =	ssyncset.done $0x0  }
0x5b: {  	s30 =	sadd.s32 $0x8800, s31;
	[sflag:s23] =	ssyncadd.s32 $0xFFFFE000  }
0x5c: {  	[tilespmem:s15], [sflag:$0x3] =	stream.indirect.gather [hbm4b:s4+s12], $0x80, s30, s12, $0xb8;
	[tilespmem:$0x12080] =	vst v63  }
0x5d: {  	_ =	swait.ge [sflag:s24], $0x2000  }
0x5e: {  	[sflag:s24] =	ssyncset.done $0x0  }
0x5f: {  	[sflag:s24] =	ssyncadd.s32 $0xFFFFE000  }
0x60: {  	[spmem:s1] =	stream.indirect.scatter.add.f32 [tilespmem:s16], [sflag:$0x8], $0x80, s20, s12, $0xb8;
	[tilespmem:$0x12080] =	vst v63  }
0x61: {  	_ =	swait.ge [sflag:s25], $0x2000  }
0x62: {  	[sflag:s25] =	ssyncset.done $0x0  }
0x63: {  	s31 =	sadd.s32 $0x8C00, s31;
	s30 =	simm.s32 $0xFFFEC000;
	[sflag:s25] =	ssyncadd.s32 $0xFFFFE000  }
.LBB2_5:
0x64: {  	[tilespmem:s16], [sflag:$0x4] =	stream.indirect.gather [hbm4b:s4+s12], $0x80, s31, s12, $0xb8;
	[tilespmem:$0x12080] =	vst v63  }
0x65: {  	s31 =	smov.u32 s30  }
0x66: {  	p0 =	sne.s32 s30, $0xFFFFC000;
	s30 =	sadd.s32 $0x4000, s30;
	_ =	swait.ge [sflag:s17], $0x2000  }
0x67: {  	[sflag:s17] =	ssyncset.done $0x0  }
0x68: {  	[sflag:s17] =	ssyncadd.s32 $0xFFFFE000  }
0x69: {  	[spmem:s1] =	stream.indirect.scatter.add.f32 [tilespmem:s13], [sflag:$0x5], $0x80, s20, s12, $0xb8;
	[tilespmem:$0x12080] =	vst v63  }
0x6a: {  	s31 =	sshra.s32 s31, $0x2;
	_ =	swait.ge [sflag:s18], $0x2000  }
0x6b: {  	s31 =	sadd.s32 s31, s28;
	[sflag:s18] =	ssyncset.done $0x0  }
0x6c: {  	s0 =	sadd.s32 $0x8000, s31;
	[sflag:s18] =	ssyncadd.s32 $0xFFFFE000  }
0x6d: {  	[tilespmem:s13], [sflag:$0x1] =	stream.indirect.gather [hbm4b:s4+s12], $0x80, s0, s12, $0xb8;
	[tilespmem:$0x12080] =	vst v63  }
0x6e: {  	_ =	swait.ge [sflag:s19], $0x2000  }
0x6f: {  	[sflag:s19] =	ssyncset.done $0x0  }
0x70: {  	[sflag:s19] =	ssyncadd.s32 $0xFFFFE000  }
0x71: {  	[spmem:s1] =	stream.indirect.scatter.add.f32 [tilespmem:s14], [sflag:$0x6], $0x80, s20, s12, $0xb8;
	[tilespmem:$0x12080] =	vst v63  }
0x72: {  	_ =	swait.ge [sflag:s21], $0x2000  }
0x73: {  	[sflag:s21] =	ssyncset.done $0x0  }
0x74: {  	s0 =	sadd.s32 $0x8400, s31;
	[sflag:s21] =	ssyncadd.s32 $0xFFFFE000  }
0x75: {  	[tilespmem:s14], [sflag:$0x2] =	stream.indirect.gather [hbm4b:s4+s12], $0x80, s0, s12, $0xb8;
	[tilespmem:$0x12080] =	vst v63  }
0x76: {  	_ =	swait.ge [sflag:s22], $0x2000  }
0x77: {  	[sflag:s22] =	ssyncset.done $0x0  }
0x78: {  	[sflag:s22] =	ssyncadd.s32 $0xFFFFE000  }
0x79: {  	[spmem:s1] =	stream.indirect.scatter.add.f32 [tilespmem:s15], [sflag:$0x7], $0x80, s20, s12, $0xb8;
	[tilespmem:$0x12080] =	vst v63  }
0x7a: {  	_ =	swait.ge [sflag:s23], $0x2000  }
0x7b: {  	[sflag:s23] =	ssyncset.done $0x0  }
0x7c: {  	s0 =	sadd.s32 $0x8800, s31;
	[sflag:s23] =	ssyncadd.s32 $0xFFFFE000  }
0x7d: {  	[tilespmem:s15], [sflag:$0x3] =	stream.indirect.gather [hbm4b:s4+s12], $0x80, s0, s12, $0xb8;
	[tilespmem:$0x12080] =	vst v63  }
0x7e: {  	_ =	swait.ge [sflag:s24], $0x2000  }
0x7f: {  	[sflag:s24] =	ssyncset.done $0x0  }
.Ltmp1:
0x80: {  	[sflag:s24] =	ssyncadd.s32 $0xFFFFE000;
	(pc) =	sbr.rel @p0 .LBB2_5-.Ltmp1, $4  }
0x81: {  	[spmem:s1] =	stream.indirect.scatter.add.f32 [tilespmem:s16], [sflag:$0x8], $0x80, s20, s12, $0xb8;
	[tilespmem:$0x12080] =	vst v63  }
0x82: {  	_ =	swait.ge [sflag:s25], $0x2000  }
0x83: {  	[sflag:s25] =	ssyncset.done $0x0  }
0x84: {  	s31 =	sadd.s32 $0x8C00, s31;
	[sflag:s25] =	ssyncadd.s32 $0xFFFFE000  }
0x85: {  	[tilespmem:s16], [sflag:$0x4] =	stream.indirect.gather [hbm4b:s4+s12], $0x80, s31, s12, $0xb8;
	[tilespmem:$0x12080] =	vst v63  }
0x86: {  	_ =	swait.ge [sflag:s17], $0x2000  }
0x87: {  	[sflag:s17] =	ssyncset.done $0x0  }
0x88: {  	[sflag:s17] =	ssyncadd.s32 $0xFFFFE000  }
0x89: {  	[spmem:s1] =	stream.indirect.scatter.add.f32 [tilespmem:s13], [sflag:$0x5], $0x80, s20, s12, $0xb8;
	[tilespmem:$0x12080] =	vst v63  }
0x8a: {  	_ =	swait.ge [sflag:s18], $0x2000  }
0x8b: {  	[sflag:s18] =	ssyncset.done $0x0  }
0x8c: {  	[sflag:s18] =	ssyncadd.s32 $0xFFFFE000  }
0x8d: {  	_ =	swait.ge [sflag:s19], $0x2000  }
0x8e: {  	[sflag:s19] =	ssyncset.done $0x0  }
0x8f: {  	[sflag:s19] =	ssyncadd.s32 $0xFFFFE000  }
0x90: {  	[spmem:s1] =	stream.indirect.scatter.add.f32 [tilespmem:s14], [sflag:$0x6], $0x80, s20, s12, $0xb8;
	[tilespmem:$0x12080] =	vst v63  }
0x91: {  	_ =	swait.ge [sflag:s21], $0x2000  }
0x92: {  	[sflag:s21] =	ssyncset.done $0x0  }
0x93: {  	[sflag:s21] =	ssyncadd.s32 $0xFFFFE000  }
0x94: {  	_ =	swait.ge [sflag:s22], $0x2000  }
0x95: {  	[sflag:s22] =	ssyncset.done $0x0  }
0x96: {  	[sflag:s22] =	ssyncadd.s32 $0xFFFFE000  }
0x97: {  	[spmem:s1] =	stream.indirect.scatter.add.f32 [tilespmem:s15], [sflag:$0x7], $0x80, s20, s12, $0xb8;
	[tilespmem:$0x12080] =	vst v63  }
0x98: {  	_ =	swait.ge [sflag:s23], $0x2000  }
0x99: {  	[sflag:s23] =	ssyncset.done $0x0  }
0x9a: {  	[sflag:s23] =	ssyncadd.s32 $0xFFFFE000  }
0x9b: {  	_ =	swait.ge [sflag:s24], $0x2000  }
0x9c: {  	s0 =	sshll.u32 s29, $0xD;
	[sflag:s24] =	ssyncset.done $0x0  }
0x9d: {  	s30 =	sor.u32 $0x1C09, s6;
	s31 =	sshrl.u32 s8, $0x3;
	[sflag:s24] =	ssyncadd.s32 $0xFFFFE000  }
0x9e: {  	[spmem:s1] =	stream.indirect.scatter.add.f32 [tilespmem:s16], [sflag:$0x8], $0x80, s20, s12, $0xb8;
	[tilespmem:$0x12080] =	vst v63  }
0x9f: {  	s29 =	sadd.s32 $0x1, s29;
	s0 =	sadd.s32 s9, s0;
	_ =	swait.ge [sflag:s25], $0x2000  }
0xa0: {  	p0 =	sne.s32 s29, $0x5;
	s0 =	sshrl.u32 s0, $0x3;
	[sflag:s25] =	ssyncset.done $0x0  }
.Ltmp2:
0xa1: {  	s0 =	sadd.s32 s5, s0;
	[sflag:s25] =	ssyncadd.s32 $0xFFFFE000;
	(pc) =	sbr.rel @p0 .LBB2_4-.Ltmp2, $4  }
0xa2: {  	[hbm:s0], [sflag:s30] =	dma.local [spmem:s31], $0x400  }
0xa3: {  	_ =	swait.ge [sflag:s11], $0x400  }
0xa4: {  	[sflag:s11] =	ssyncset.done $0x0  }
0xa5: {  	s28 =	sadd.s32 $0x80, s28;
	[sflag:s11] =	ssyncadd.s32 $0xFFFFFC00  }
0xa6: {  	s26 =	sadd.s32 $0x1, s26  }
0xa7: {  	p0 =	sne.s32 s26, s10  }
.Ltmp3:
0xa8: {  	_ = 	snop;
	(pc) =	sbr.rel @p0 .LBB2_1-.Ltmp3, $1  }
0xa9: {  	_ =	sdelay $0x3  }
0xaa: {  	_ =	sfence.sel $0x180000  }
0xab: {  	[bflag:$0x0] =	sbarrier.arrive $0xFFFF  }
0xac: {  	_ =	strace $0x9000004D  }
0xad: {  	[bflag:$0x2] =	sbarrier.arrive $0xFFFF  }
0xae: {  	p0 =	sne.s32 s3, $0x0;
	s0 =	rddreg [dreg:$0x3]  }
0xaf: {  	s0 =	sadd.s32 @!p0 $0x100000, s0  }
0xb0: {  	[sflag:s0] =	ssyncadd.tile.s32 @!p0 $0x1;
	_ =	shalt  }
.Lfunc_end2:
_tile_overlayer_lowered:
.L_overlay_start_2:
0xb1: {  	(tag) =	ssettag $0x2  }
0xb2: {  	s0 =	rddreg [dreg:$0x0];
	s2 =	stileid.u32  }
0xb3: {  	s1 =	rddreg [dreg:$0x1];
	p0 =	sne.s32 s2, $0x0  }
0xb4: {  	s3 =	rddreg [dreg:$0x2];
	[bflag:$0x3] =	sbarrier.arrive $0xFFFF;
	s2 =	simm.s32 @!p0 $0x1C09  }
0xb5: {  	[timem:s3], [sflag:s2] =	dma.local @!p0 [hbm:s0], s1  }
0xb6: {  	s0 =	simm.s32 @!p0 $0x9  }
0xb7: {  	_ =	swait.ge @!p0 [sflag:s0], s1  }
0xb8: {  	s1 =	ssub.s32 @!p0 $0x0, s1;
	[sflag:s0] =	ssyncset.done @!p0 $0x0  }
0xb9: {  	[sflag:s0] =	ssyncadd.s32 @!p0 s1  }
0xba: {  	[bflag:$0x3] =	sbarrier.arrive $0xFFFF  }
0xbb: {  	_ =	shalt  }

// kernel: kernel.22.cloned.1.call-start
scs
__scs_entry_jumppad:
0x0: {  	(pc) =	sbr.rel $0x88, $3  }
0x1: {  	(tag) =	ssettag $0x0;
	lr =	simm.s32 $0x1  }
0x2: {  	[smem:$0x3F9D] =	sst lr;
	_ =	strace $0xD0000000  }
0x3: {  	_ = 	snop  }
0x4: {  	_ = 	snop  }
0x5: {  	_ = 	snop  }
0x6: {  	_ = 	snop  }
0x7: {  	_ = 	snop  }
__scs_overlays_trampoline_lowered:
0x8: {  	[smem:$0x3FAC] =	sst s0  }
0x9: {  	[smem:$0x3FAD] =	sst s1  }
0xa: {  	[smem:$0x3FAE] =	sst s2  }
0xb: {  	[smem:$0x3FAF] =	sst s3  }
0xc: {  	[smem:$0x3FB0] =	sst s4  }
0xd: {  	[smem:$0x3FB1] =	sst s5  }
0xe: {  	[smem:$0x3FB2] =	sst s6  }
0xf: {  	[smem:$0x3FB3] =	sst s7  }
0x10: {  	[smem:$0x3FB4] =	sst s8  }
0x11: {  	[smem:$0x3FB5] =	sst s9;
	s0 =	simm.s32 @!p0 $0x0  }
0x12: {  	s1 =	sld [smem:$0x3F9B];
	s0 =	simm.s32 @p0 $0x1  }
0x13: {  	[smem:$0x3FB6] =	sst s0;
	s0 =	simm.s32 @!p1 $0x0  }
0x14: {  	s2 =	sld [smem:$0x3F9A];
	s0 =	simm.s32 @p1 $0x1  }
0x15: {  	[smem:$0x3FB7] =	sst s0;
	s0 =	simm.s32 @!p2 $0x0  }
0x16: {  	s3 =	sld [smem:$0x3FDB];
	s0 =	simm.s32 @p2 $0x1  }
0x17: {  	s4 =	simm.s32 $0x1BF5;
	[smem:$0x3FB9] =	sst s0  }
0x18: {  	s0 =	sld [smem:$0x3F9C];
	_ =	swait.ge [sflag:s4], $0x0  }
0x19: {  	s7 =	sld [smem:$0x3F9D]  }
0x1a: {  	s8 =	sadd.s32 $0xFFFFE003, lr  }
0x1b: {  	s9 =	sadd.s32 $0xFFFFFEF7, lr;
	s5 =	simm.s32 $0xFFFFFFFF;
	p2 =	slt.u32 s8, $0xFFFFF086  }
0x1c: {  	p1 =	slt.u32 s9, $0xF7A;
	s5 =	simm.s32 @!p2 $0x0  }
0x1d: {  	s5 =	simm.s32 @p1 $0x1;
	p0 =	seq.s32 s7, s2  }
0x1e: {  	s7 =	smul.u32 @!p0 $0xF7A, s2;
	p2 =	seq.s32 @!p0 s5, $0x0  }
0x1f: {  	s9 =	smul.u32 $0xF7A, s1;
	s8 =	simm.s32 @!p0 $0x1BF5;
	p2 =	por !p2, p0  }
0x20: {  	[sflag:s8] =	ssyncset.s32 @!p0 $0xFFFFF086;
	s6 =	sadd.s32 @!p0 s3, s7;
	s7 =	simm.s32 @!p0 $0x108  }
0x21: {  	s3 =	sadd.s32 s3, s9;
	s6 =	sadd.s32 @!p0 $0x88, s6;
	s7 =	simm.s32 @p2 $0x1082  }
0x22: {  	[simem:s7], [sflag:s8] =	dma.local @!p0 [hbm:s6], $0xF7A  }
0x23: {  	s9 =	sor.u32 $0xD0000000, s2;
	s6 =	simm.s32 $0x108;
	_ =	swait.ge @!p0 [sflag:s8], $0x0  }
0x24: {  	s3 =	sadd.s32 $0x88, s3;
	s6 =	simm.s32 @!p1 $0x1082;
	[sflag:s4] =	ssyncset.s32 $0xFFFFF086  }
0x25: {  	[simem:s6], [sflag:s4] =	dma.local [hbm:s3], $0xF7A  }
0x26: {  	[smem:$0x3F9D] =	sst s1;
	(tag) =	ssettag s2;
	_ =	strace s9  }
0x27: {  	s1 =	sld [smem:$0x3FAD]  }
0x28: {  	s2 =	sld [smem:$0x3FAE]  }
0x29: {  	s4 =	sld [smem:$0x3FB0]  }
0x2a: {  	p0 =	seq.s32 s5, $0x0;
	s5 =	sld [smem:$0x3FB1]  }
0x2b: {  	s6 =	sld [smem:$0x3FB2]  }
0x2c: {  	s7 =	sld [smem:$0x3FB3]  }
0x2d: {  	s3 =	simm.s32 $0x108;
	s8 =	sld [smem:$0x3FB4]  }
0x2e: {  	s3 =	simm.s32 @!p0 $0x1082;
	s9 =	sld [smem:$0x3FB5]  }
0x2f: {  	lr =	sadd.s32 s0, s3;
	s0 =	sld [smem:$0x3FAC]  }
0x30: {  	s3 =	sld [smem:$0x3FAF]  }
0x31: {  	[smem:$0x3FB8] =	sst s10  }
0x32: {  	s10 =	sld [smem:$0x3FB6];
	_ =	sdelay $0x3  }
0x33: {  	p0 =	seq.s32 s10, $0x1;
	s10 =	sld [smem:$0x3FB8];
	_ =	sdelay $0x3  }
0x34: {  	[smem:$0x3FB8] =	sst s10  }
0x35: {  	s10 =	sld [smem:$0x3FB7];
	_ =	sdelay $0x3  }
0x36: {  	p1 =	seq.s32 s10, $0x1;
	s10 =	sld [smem:$0x3FB8];
	_ =	sdelay $0x3  }
0x37: {  	[smem:$0x3FB8] =	sst s10  }
0x38: {  	s10 =	sld [smem:$0x3FB9]  }
0x39: {  	_ = 	snop;
	(pc) =	sbr.ind lr, $3  }
0x3a: {  	_ = 	snop  }
0x3b: {  	_ = 	snop  }
0x3c: {  	p2 =	seq.s32 s10, $0x1;
	s10 =	sld [smem:$0x3FB8]  }
0x3d: {  	_ =	shalt  }
0x3e: {  	_ =	shalt  }
0x3f: {  	_ =	shalt  }
0x40: {  	_ =	shalt  }
0x41: {  	_ =	shalt  }
0x42: {  	_ =	shalt  }
0x43: {  	_ =	shalt  }
0x44: {  	_ =	shalt  }
0x45: {  	_ =	shalt  }
0x46: {  	_ =	shalt  }
0x47: {  	_ =	shalt  }
0x48: {  	_ =	shalt  }
0x49: {  	_ =	shalt  }
0x4a: {  	_ =	shalt  }
0x4b: {  	_ =	shalt  }
0x4c: {  	_ =	shalt  }
0x4d: {  	_ =	shalt  }
0x4e: {  	_ =	shalt  }
0x4f: {  	_ =	shalt  }
0x50: {  	_ =	shalt  }
0x51: {  	_ =	shalt  }
0x52: {  	_ =	shalt  }
0x53: {  	_ =	shalt  }
0x54: {  	_ =	shalt  }
0x55: {  	_ =	shalt  }
0x56: {  	_ =	shalt  }
0x57: {  	_ =	shalt  }
0x58: {  	_ =	shalt  }
0x59: {  	_ =	shalt  }
0x5a: {  	_ =	shalt  }
0x5b: {  	_ =	shalt  }
0x5c: {  	_ =	shalt  }
0x5d: {  	_ =	shalt  }
0x5e: {  	_ =	shalt  }
0x5f: {  	_ =	shalt  }
0x60: {  	_ =	shalt  }
0x61: {  	_ =	shalt  }
0x62: {  	_ =	shalt  }
0x63: {  	_ =	shalt  }
0x64: {  	_ =	shalt  }
0x65: {  	_ =	shalt  }
0x66: {  	_ =	shalt  }
0x67: {  	_ =	shalt  }
0x68: {  	_ =	shalt  }
0x69: {  	_ =	shalt  }
0x6a: {  	_ =	shalt  }
0x6b: {  	_ =	shalt  }
0x6c: {  	_ =	shalt  }
0x6d: {  	_ =	shalt  }
0x6e: {  	_ =	shalt  }
0x6f: {  	_ =	shalt  }
0x70: {  	_ =	shalt  }
0x71: {  	_ =	shalt  }
0x72: {  	_ =	shalt  }
0x73: {  	_ =	shalt  }
0x74: {  	_ =	shalt  }
0x75: {  	_ =	shalt  }
0x76: {  	_ =	shalt  }
0x77: {  	_ =	shalt  }
0x78: {  	_ =	shalt  }
0x79: {  	_ =	shalt  }
0x7a: {  	_ =	shalt  }
0x7b: {  	_ =	shalt  }
0x7c: {  	_ =	shalt  }
0x7d: {  	_ =	shalt  }
0x7e: {  	_ =	shalt  }
0x7f: {  	_ =	shalt  }
0x80: {  	_ =	shalt  }
0x81: {  	_ =	shalt  }
0x82: {  	_ =	shalt  }
0x83: {  	_ =	shalt  }
0x84: {  	_ =	shalt  }
0x85: {  	_ =	shalt  }
0x86: {  	_ =	shalt  }
0x87: {  	_ =	shalt  }
.Lfunc_end0:
.L_simem_size_0:
called_computation.3_lowered:
.L_overlay_start_0:
0x88: {  	s2 =	sld [smem:$0x3FD9]  }
0x89: {  	s3 =	sld [smem:$0x3FFE];
	_ =	sdelay $0x1  }
0x8a: {  	s1 =	srdreg.scid  }
0x8b: {  	s0 =	sand.u32 $0x1, s1  }
0x8c: {  	s17 =	sshll.u32 s0, $0xA;
	s2 =	sadd.s32 s3, s2  }
0x8d: {  	s2 =	sadd.s32 s2, s17  }
0x8e: {  	[smem:$0x3FC4] =	sst s2  }
0x8f: {  	_ = 	snop  }
0x90: {  	s2 =	sld [smem:$0x3FD0];
	(tm) =	ssettm $0x1  }
0x91: {  	s18 =	sld [smem:$0x3FFB];
	_ =	sdelay $0x3  }
0x92: {  	_ =	strace s18  }
0x93: {  	s3 =	sld [smem:$0x3FFC];
	_ =	sdelay $0x3  }
0x94: {  	_ =	strace s3  }
0x95: {  	s3 =	sld [smem:$0x3FFD];
	_ =	sdelay $0x3  }
0x96: {  	_ =	strace s3  }
0x97: {  	_ =	strace $0x8FFFFFFF  }
0x98: {  	s19 =	sld [smem:$0x3FDB];
	_ =	sdelay $0x1  }
0x99: {  	s4 =	simm.s32 $_scs_section_size  }
0x9a: {  	s5 =	simm.s32 $_size__tile_overlayer_lowered;
	s6 =	simm.s32 $_tile_overlayer_lowered  }
0x9b: {  	s22 =	simm.s32 $0x1BFF;
	s21 =	sshll.u32 s6, $0x1;
	s3 =	sadd.s32 s4, s19  }
0x9c: {  	s7 =	simm.s32 $0x0;
	s20 =	sshll.u32 s5, $0x1;
	s5 =	sadd.s32 s21, s3  }
0x9d: {  	[timem:s7], [sflag:s22] =	dma.local [hbm:s5], s20  }
0x9e: {  	_ =	swait.ge [sflag:s22], s20  }
0x9f: {  	s4 =	ssub.s32 $0x0, s20;
	[sflag:s22] =	ssyncset.done $0x0  }
0xa0: {  	[sflag:s22] =	ssyncadd.s32 s4;
	_ =	sdelay $0x1  }
0xa1: {  	s23 =	simm.s32 $0x1B8B  }
0xa2: {  	_ =	swait.ge [sflag:s23], $0x1  }
0xa3: {  	[sflag:s23] =	ssyncset.done $0x0  }
0xa4: {  	s25 =	simm.s32 $0x1B8E;
	s24 =	sld [smem:$0x3FFE];
	[sflag:s23] =	ssyncadd.s32 $0xFFFFFFFF  }
0xa5: {  	s26 =	simm.s32 $execute0_lowered;
	[smem:$0x3FD2] =	sst s25  }
0xa6: {  	s5 =	sshll.u32 s26, $0x1;
	_ =	strace $0x8000004F;
	[dreg:$0x1] =	wrdreg $0xFFFFFFFF  }
0xa7: {  	s28 =	simm.s32 $_size_execute0_lowered;
	s3 =	sadd.s32 s3, s5;
	[dreg:$0x0] =	wrdreg $0x0  }
0xa8: {  	s5 =	sshll.u32 s28, $0x1;
	[dreg:$0x2] =	wrdreg s3  }
0xa9: {  	[dreg:$0x3] =	wrdreg s5  }
0xaa: {  	[dreg:$0x4] =	wrdreg $0xC0  }
0xab: {  	_ =	task [dreg:s7], $0x5FFFF  }
0xac: {  	[dreg:$0x1] =	wrdreg $0xFFFFFFFF  }
0xad: {  	[dreg:$0x0] =	wrdreg $0x60  }
0xae: {  	[dreg:$0x2] =	wrdreg s2  }
0xaf: {  	[dreg:$0x3] =	wrdreg s24  }
0xb0: {  	[dreg:$0x4] =	wrdreg $0x100800  }
0xb1: {  	[dreg:$0x5] =	wrdreg $0x9  }
0xb2: {  	_ =	task.clear_ibuf [dreg:s7], $0x6FFFF;
	_ =	strace $0x9000004F  }
0xb3: {  	s29 =	simm.s32 $0x9;
	_ =	strace $0x80000051  }
0xb4: {  	_ =	swait.ge [sflag:s29], $0x1  }
0xb5: {  	[sflag:s29] =	ssyncadd.s32 $0xFFFFFFFF  }
0xb6: {  	_ =	strace $0x90000051  }
0xb7: {  	_ =	sfence  }
0xb8: {  	s30 =	sld [smem:$0x0];
	_ =	sdelay $0x2  }
0xb9: {  	s31 =	sshll.u32 s1, $0xD;
	s1 =	sshrl.u32 s1, $0x2  }
0xba: {  	s3 =	sand.u32 $0x4000, s31;
	s1 =	sadd.s32 s1, s30  }
0xbb: {  	s0 =	sor.u32 s3, s0;
	s1 =	sshll.u32 s1, $0x11  }
0xbc: {  	s0 =	sor.u32 s1, s0  }
0xbd: {  	s0 =	sadd.s32 $0x8F2B, s0  }
0xbe: {  	[sflag:s0] =	ssyncadd.remote.s32 $0x1  }
0xbf: {  	_ =	sfence.sel $0xFFFF  }
0xc0: {  	[dreg:$0x0] =	wrdreg $0xFFFFFFFF;
	(pc) =	sbr.abs _section_cstart, $3  }
0xc1: {  	[dreg:$0x1] =	wrdreg $0xFFFFFFFF  }
0xc2: {  	_ =	task.clear_ibuf [dreg:s7], $0x2FFFF;
	_ =	strace $0x9FFFFFFF  }
0xc3: {  	(tm) =	ssettm $0x7FFFFFFF  }
tec
execute0_lowered:
.L_overlay_start_1:
0x0: {  	(tag) =	ssettag $0x1  }
0x1: {  	s7 =	rddreg [dreg:$0x0]  }
0x2: {  	s5 =	rddreg [dreg:$0x1]  }
0x3: {  	s1 =	rddreg [dreg:$0x2]  }
0x4: {  	s2 =	simm.s32 $0x0;
	s3 =	srdreg.scid;
	s12 =	simm.s32 $0x40  }
0x5: {  	s13 =	simm.s32 $0x8000;
	s14 =	simm.s32 $0xA000;
	s15 =	simm.s32 $0xC000  }
0x6: {  	s16 =	simm.s32 $0xE000;
	s17 =	simm.s32 $0x1;
	s18 =	simm.s32 $0x5  }
0x7: {  	s19 =	simm.s32 $0x2;
	s20 =	simm.s32 $0x10000;
	s21 =	simm.s32 $0x6  }
0x8: {  	s22 =	simm.s32 $0x3;
	s23 =	simm.s32 $0x7;
	s24 =	simm.s32 $0x4  }
0x9: {  	s25 =	simm.s32 $0x8;
	s26 =	simm.s32 $0x0;
	[smem:$0x7FF] =	sst s2  }
0xa: {  	s4 =	sadd.s32 $0x3400, s5;
	s6 =	sand.u32 $0x1, s3;
	s3 =	stileid.u32  }
0xb: {  	s5 =	sadd.s32 $0x2B400, s5;
	_ =	strace $0x80000050;
	s8 =	ssub.s32 $0x2, s6  }
0xc: {  	v1 =	vlaneseq.u32;
	s6 =	sshll.u32 s6, $0x4;
	s31 =	sshll.u32 s3, $0xD;
	s9 =	sshrl.u32 s8, $0x1  }
0xd: {  	v2 =	vor.u32 $0x10, v1;
	s10 =	sor.u32 s3, s6;
	s6 =	sshll.u32 s3, $0x6;
	s11 =	ssub.s32 s8, s9  }
0xe: {  	v3 =	vor.u32 $0x20, v1;
	v4 =	vor.u32 $0x30, v1;
	s30 =	sshll.u32 s10, $0xC;
	s8 =	sadd.s32 s31, s1;
	s9 =	smul.u32 $0xA000, s10;
	v0 =	vor.u32 s6, v1  }
0xf: {  	v1 =	vor.u32 s6, v2;
	v2 =	vor.u32 s6, v3;
	v3 =	vor.u32 s6, v4;
	s7 =	sadd.s32 s7, s30;
	s10 =	smax.u32 s11, $0x1;
	s11 =	simm.s32 $0x9  }
.LBB2_1:
0x10: {  	[tilespmem:$0x10000] =	vst v0  }
0x11: {  	[tilespmem:$0x10010] =	vst v1  }
0x12: {  	[tilespmem:$0x10020] =	vst v2;
	s28 =	simm.s32 $0x80  }
0x13: {  	[tilespmem:$0x10030] =	vst v3;
	s31 =	sadd.s32 $0x0, s7;
	s29 =	simm.s32 $0x400;
	s30 =	simm.s32 $0x0  }
.LBB2_2:
0x14: {  	[tilespmem:s30], [sflag:$0x9] =	stream.linear.gather [hbm4b:s31+s2], $0x280, $0x38;
	[tilespmem:$0x12080] =	vst v63  }
0x15: {  	s31 =	smov.u32 s28;
	s30 =	smov.u32 s29;
	p0 =	sne.s32 s28, $0xF80  }
.Ltmp0:
0x16: {  	s28 =	sadd.s32 $0x80, s28;
	(pc) =	sbr.rel @p0 .LBB2_2-.Ltmp0, $2  }
0x17: {  	_ =	sdelay $0x2  }
0x18: {  	s29 =	sadd.s32 $0x400, s29;
	s31 =	sadd.s32 s31, s7  }
0x19: {  	[tilespmem:s30], [sflag:$0x9] =	stream.linear.gather [hbm4b:s31+s2], $0x280, $0x38;
	[tilespmem:$0x12080] =	vst v63  }
0x1a: {  	_ =	swait.ge [sflag:s11], $0x5000  }
0x1b: {  	[sflag:s11] =	ssyncset.done $0x0  }
0x1c: {  	s28 =	simm.s32 $0x0;
	s29 =	simm.s32 $0x0;
	[sflag:s11] =	ssyncadd.s32 $0xFFFFB000  }
.LBB2_4:
0x1d: {  	s30 =	sshll.u32 s29, $0x7  }
0x1e: {  	[tilespmem:s13], [sflag:$0x1] =	stream.indirect.gather [hbm4b:s4+s12], $0x80, s30, s12, $0xb8;
	[tilespmem:$0x12080] =	vst v63  }
0x1f: {  	s31 =	sadd.s32 $0x400, s30  }
0x20: {  	[tilespmem:s14], [sflag:$0x2] =	stream.indirect.gather [hbm4b:s4+s12], $0x80, s31, s12, $0xb8;
	[tilespmem:$0x12080] =	vst v63  }
0x21: {  	s31 =	sadd.s32 $0x800, s30  }
0x22: {  	[tilespmem:s15], [sflag:$0x3] =	stream.indirect.gather [hbm4b:s4+s12], $0x80, s31, s12, $0xb8;
	[tilespmem:$0x12080] =	vst v63  }
0x23: {  	s31 =	sadd.s32 $0xC00, s30  }
0x24: {  	[tilespmem:s16], [sflag:$0x4] =	stream.indirect.gather [hbm4b:s4+s12], $0x80, s31, s12, $0xb8;
	[tilespmem:$0x12080] =	vst v63  }
0x25: {  	_ =	swait.ge [sflag:s17], $0x2000  }
0x26: {  	[sflag:s17] =	ssyncset.done $0x0  }
0x27: {  	[sflag:s17] =	ssyncadd.s32 $0xFFFFE000  }
0x28: {  	[spmem:s8] =	stream.linear.scatter [tilespmem:s13], [sflag:$0x5], $0x2000, $0x38;
	[tilespmem:$0x12080] =	vst v63  }
0x29: {  	_ =	swait.ge [sflag:s18], $0x2000  }
0x2a: {  	[sflag:s18] =	ssyncset.done $0x0  }
0x2b: {  	s31 =	sadd.s32 $0x1000, s30;
	[sflag:s18] =	ssyncadd.s32 $0xFFFFE000  }
0x2c: {  	[tilespmem:s13], [sflag:$0x1] =	stream.indirect.gather [hbm4b:s4+s12], $0x80, s31, s12, $0xb8;
	[tilespmem:$0x12080] =	vst v63  }
0x2d: {  	_ =	swait.ge [sflag:s19], $0x2000  }
0x2e: {  	[sflag:s19] =	ssyncset.done $0x0  }
0x2f: {  	[sflag:s19] =	ssyncadd.s32 $0xFFFFE000  }
0x30: {  	[spmem:s1] =	stream.indirect.scatter.add.f32 [tilespmem:s14], [sflag:$0x6], $0x80, s20, s12, $0xb8;
	[tilespmem:$0x12080] =	vst v63  }
0x31: {  	_ =	swait.ge [sflag:s21], $0x2000  }
0x32: {  	[sflag:s21] =	ssyncset.done $0x0  }
0x33: {  	s31 =	sadd.s32 $0x1400, s30;
	[sflag:s21] =	ssyncadd.s32 $0xFFFFE000  }
0x34: {  	[tilespmem:s14], [sflag:$0x2] =	stream.indirect.gather [hbm4b:s4+s12], $0x80, s31, s12, $0xb8;
	[tilespmem:$0x12080] =	vst v63  }
0x35: {  	_ =	swait.ge [sflag:s22], $0x2000  }
0x36: {  	[sflag:s22] =	ssyncset.done $0x0  }
0x37: {  	[sflag:s22] =	ssyncadd.s32 $0xFFFFE000  }
0x38: {  	[spmem:s1] =	stream.indirect.scatter.add.f32 [tilespmem:s15], [sflag:$0x7], $0x80, s20, s12, $0xb8;
	[tilespmem:$0x12080] =	vst v63  }
0x39: {  	_ =	swait.ge [sflag:s23], $0x2000  }
0x3a: {  	[sflag:s23] =	ssyncset.done $0x0  }
0x3b: {  	s31 =	sadd.s32 $0x1800, s30;
	[sflag:s23] =	ssyncadd.s32 $0xFFFFE000  }
0x3c: {  	[tilespmem:s15], [sflag:$0x3] =	stream.indirect.gather [hbm4b:s4+s12], $0x80, s31, s12, $0xb8;
	[tilespmem:$0x12080] =	vst v63  }
0x3d: {  	_ =	swait.ge [sflag:s24], $0x2000  }
0x3e: {  	[sflag:s24] =	ssyncset.done $0x0  }
0x3f: {  	[sflag:s24] =	ssyncadd.s32 $0xFFFFE000  }
0x40: {  	[spmem:s1] =	stream.indirect.scatter.add.f32 [tilespmem:s16], [sflag:$0x8], $0x80, s20, s12, $0xb8;
	[tilespmem:$0x12080] =	vst v63  }
0x41: {  	_ =	swait.ge [sflag:s25], $0x2000  }
0x42: {  	[sflag:s25] =	ssyncset.done $0x0  }
0x43: {  	s30 =	sadd.s32 $0x1C00, s30;
	[sflag:s25] =	ssyncadd.s32 $0xFFFFE000  }
0x44: {  	[tilespmem:s16], [sflag:$0x4] =	stream.indirect.gather [hbm4b:s4+s12], $0x80, s30, s12, $0xb8;
	[tilespmem:$0x12080] =	vst v63  }
0x45: {  	_ =	swait.ge [sflag:s17], $0x2000  }
0x46: {  	[sflag:s17] =	ssyncset.done $0x0  }
0x47: {  	[sflag:s17] =	ssyncadd.s32 $0xFFFFE000  }
0x48: {  	[spmem:s1] =	stream.indirect.scatter.add.f32 [tilespmem:s13], [sflag:$0x5], $0x80, s20, s12, $0xb8;
	[tilespmem:$0x12080] =	vst v63  }
0x49: {  	_ =	swait.ge [sflag:s18], $0x2000  }
0x4a: {  	s31 =	sadd.s32 $0xFFFFA000, s28;
	[sflag:s18] =	ssyncset.done $0x0  }
0x4b: {  	s30 =	sadd.s32 $0x8000, s31;
	[sflag:s18] =	ssyncadd.s32 $0xFFFFE000  }
0x4c: {  	[tilespmem:s13], [sflag:$0x1] =	stream.indirect.gather [hbm4b:s4+s12], $0x80, s30, s12, $0xb8;
	[tilespmem:$0x12080] =	vst v63  }
0x4d: {  	_ =	swait.ge [sflag:s19], $0x2000  }
0x4e: {  	[sflag:s19] =	ssyncset.done $0x0  }
0x4f: {  	[sflag:s19] =	ssyncadd.s32 $0xFFFFE000  }
0x50: {  	[spmem:s1] =	stream.indirect.scatter.add.f32 [tilespmem:s14], [sflag:$0x6], $0x80, s20, s12, $0xb8;
	[tilespmem:$0x12080] =	vst v63  }
0x51: {  	_ =	swait.ge [sflag:s21], $0x2000  }
0x52: {  	[sflag:s21] =	ssyncset.done $0x0  }
0x53: {  	s30 =	sadd.s32 $0x8400, s31;
	[sflag:s21] =	ssyncadd.s32 $0xFFFFE000  }
0x54: {  	[tilespmem:s14], [sflag:$0x2] =	stream.indirect.gather [hbm4b:s4+s12], $0x80, s30, s12, $0xb8;
	[tilespmem:$0x12080] =	vst v63  }
0x55: {  	_ =	swait.ge [sflag:s22], $0x2000  }
0x56: {  	[sflag:s22] =	ssyncset.done $0x0  }
0x57: {  	[sflag:s22] =	ssyncadd.s32 $0xFFFFE000  }
0x58: {  	[spmem:s1] =	stream.indirect.scatter.add.f32 [tilespmem:s15], [sflag:$0x7], $0x80, s20, s12, $0xb8;
	[tilespmem:$0x12080] =	vst v63  }
0x59: {  	_ =	swait.ge [sflag:s23], $0x2000  }
0x5a: {  	[sflag:s23] =	ssyncset.done $0x0  }
0x5b: {  	s30 =	sadd.s32 $0x8800, s31;
	[sflag:s23] =	ssyncadd.s32 $0xFFFFE000  }
0x5c: {  	[tilespmem:s15], [sflag:$0x3] =	stream.indirect.gather [hbm4b:s4+s12], $0x80, s30, s12, $0xb8;
	[tilespmem:$0x12080] =	vst v63  }
0x5d: {  	_ =	swait.ge [sflag:s24], $0x2000  }
0x5e: {  	[sflag:s24] =	ssyncset.done $0x0  }
0x5f: {  	[sflag:s24] =	ssyncadd.s32 $0xFFFFE000  }
0x60: {  	[spmem:s1] =	stream.indirect.scatter.add.f32 [tilespmem:s16], [sflag:$0x8], $0x80, s20, s12, $0xb8;
	[tilespmem:$0x12080] =	vst v63  }
0x61: {  	_ =	swait.ge [sflag:s25], $0x2000  }
0x62: {  	[sflag:s25] =	ssyncset.done $0x0  }
0x63: {  	s31 =	sadd.s32 $0x8C00, s31;
	s30 =	simm.s32 $0xFFFEC000;
	[sflag:s25] =	ssyncadd.s32 $0xFFFFE000  }
.LBB2_5:
0x64: {  	[tilespmem:s16], [sflag:$0x4] =	stream.indirect.gather [hbm4b:s4+s12], $0x80, s31, s12, $0xb8;
	[tilespmem:$0x12080] =	vst v63  }
0x65: {  	s31 =	smov.u32 s30  }
0x66: {  	p0 =	sne.s32 s30, $0xFFFFC000;
	s30 =	sadd.s32 $0x4000, s30;
	_ =	swait.ge [sflag:s17], $0x2000  }
0x67: {  	[sflag:s17] =	ssyncset.done $0x0  }
0x68: {  	[sflag:s17] =	ssyncadd.s32 $0xFFFFE000  }
0x69: {  	[spmem:s1] =	stream.indirect.scatter.add.f32 [tilespmem:s13], [sflag:$0x5], $0x80, s20, s12, $0xb8;
	[tilespmem:$0x12080] =	vst v63  }
0x6a: {  	s31 =	sshra.s32 s31, $0x2;
	_ =	swait.ge [sflag:s18], $0x2000  }
0x6b: {  	s31 =	sadd.s32 s31, s28;
	[sflag:s18] =	ssyncset.done $0x0  }
0x6c: {  	s0 =	sadd.s32 $0x8000, s31;
	[sflag:s18] =	ssyncadd.s32 $0xFFFFE000  }
0x6d: {  	[tilespmem:s13], [sflag:$0x1] =	stream.indirect.gather [hbm4b:s4+s12], $0x80, s0, s12, $0xb8;
	[tilespmem:$0x12080] =	vst v63  }
0x6e: {  	_ =	swait.ge [sflag:s19], $0x2000  }
0x6f: {  	[sflag:s19] =	ssyncset.done $0x0  }
0x70: {  	[sflag:s19] =	ssyncadd.s32 $0xFFFFE000  }
0x71: {  	[spmem:s1] =	stream.indirect.scatter.add.f32 [tilespmem:s14], [sflag:$0x6], $0x80, s20, s12, $0xb8;
	[tilespmem:$0x12080] =	vst v63  }
0x72: {  	_ =	swait.ge [sflag:s21], $0x2000  }
0x73: {  	[sflag:s21] =	ssyncset.done $0x0  }
0x74: {  	s0 =	sadd.s32 $0x8400, s31;
	[sflag:s21] =	ssyncadd.s32 $0xFFFFE000  }
0x75: {  	[tilespmem:s14], [sflag:$0x2] =	stream.indirect.gather [hbm4b:s4+s12], $0x80, s0, s12, $0xb8;
	[tilespmem:$0x12080] =	vst v63  }
0x76: {  	_ =	swait.ge [sflag:s22], $0x2000  }
0x77: {  	[sflag:s22] =	ssyncset.done $0x0  }
0x78: {  	[sflag:s22] =	ssyncadd.s32 $0xFFFFE000  }
0x79: {  	[spmem:s1] =	stream.indirect.scatter.add.f32 [tilespmem:s15], [sflag:$0x7], $0x80, s20, s12, $0xb8;
	[tilespmem:$0x12080] =	vst v63  }
0x7a: {  	_ =	swait.ge [sflag:s23], $0x2000  }
0x7b: {  	[sflag:s23] =	ssyncset.done $0x0  }
0x7c: {  	s0 =	sadd.s32 $0x8800, s31;
	[sflag:s23] =	ssyncadd.s32 $0xFFFFE000  }
0x7d: {  	[tilespmem:s15], [sflag:$0x3] =	stream.indirect.gather [hbm4b:s4+s12], $0x80, s0, s12, $0xb8;
	[tilespmem:$0x12080] =	vst v63  }
0x7e: {  	_ =	swait.ge [sflag:s24], $0x2000  }
0x7f: {  	[sflag:s24] =	ssyncset.done $0x0  }
.Ltmp1:
0x80: {  	[sflag:s24] =	ssyncadd.s32 $0xFFFFE000;
	(pc) =	sbr.rel @p0 .LBB2_5-.Ltmp1, $4  }
0x81: {  	[spmem:s1] =	stream.indirect.scatter.add.f32 [tilespmem:s16], [sflag:$0x8], $0x80, s20, s12, $0xb8;
	[tilespmem:$0x12080] =	vst v63  }
0x82: {  	_ =	swait.ge [sflag:s25], $0x2000  }
0x83: {  	[sflag:s25] =	ssyncset.done $0x0  }
0x84: {  	s31 =	sadd.s32 $0x8C00, s31;
	[sflag:s25] =	ssyncadd.s32 $0xFFFFE000  }
0x85: {  	[tilespmem:s16], [sflag:$0x4] =	stream.indirect.gather [hbm4b:s4+s12], $0x80, s31, s12, $0xb8;
	[tilespmem:$0x12080] =	vst v63  }
0x86: {  	_ =	swait.ge [sflag:s17], $0x2000  }
0x87: {  	[sflag:s17] =	ssyncset.done $0x0  }
0x88: {  	[sflag:s17] =	ssyncadd.s32 $0xFFFFE000  }
0x89: {  	[spmem:s1] =	stream.indirect.scatter.add.f32 [tilespmem:s13], [sflag:$0x5], $0x80, s20, s12, $0xb8;
	[tilespmem:$0x12080] =	vst v63  }
0x8a: {  	_ =	swait.ge [sflag:s18], $0x2000  }
0x8b: {  	[sflag:s18] =	ssyncset.done $0x0  }
0x8c: {  	[sflag:s18] =	ssyncadd.s32 $0xFFFFE000  }
0x8d: {  	_ =	swait.ge [sflag:s19], $0x2000  }
0x8e: {  	[sflag:s19] =	ssyncset.done $0x0  }
0x8f: {  	[sflag:s19] =	ssyncadd.s32 $0xFFFFE000  }
0x90: {  	[spmem:s1] =	stream.indirect.scatter.add.f32 [tilespmem:s14], [sflag:$0x6], $0x80, s20, s12, $0xb8;
	[tilespmem:$0x12080] =	vst v63  }
0x91: {  	_ =	swait.ge [sflag:s21], $0x2000  }
0x92: {  	[sflag:s21] =	ssyncset.done $0x0  }
0x93: {  	[sflag:s21] =	ssyncadd.s32 $0xFFFFE000  }
0x94: {  	_ =	swait.ge [sflag:s22], $0x2000  }
0x95: {  	[sflag:s22] =	ssyncset.done $0x0  }
0x96: {  	[sflag:s22] =	ssyncadd.s32 $0xFFFFE000  }
0x97: {  	[spmem:s1] =	stream.indirect.scatter.add.f32 [tilespmem:s15], [sflag:$0x7], $0x80, s20, s12, $0xb8;
	[tilespmem:$0x12080] =	vst v63  }
0x98: {  	_ =	swait.ge [sflag:s23], $0x2000  }
0x99: {  	[sflag:s23] =	ssyncset.done $0x0  }
0x9a: {  	[sflag:s23] =	ssyncadd.s32 $0xFFFFE000  }
0x9b: {  	_ =	swait.ge [sflag:s24], $0x2000  }
0x9c: {  	s0 =	sshll.u32 s29, $0xD;
	[sflag:s24] =	ssyncset.done $0x0  }
0x9d: {  	s30 =	sor.u32 $0x1C09, s6;
	s31 =	sshrl.u32 s8, $0x3;
	[sflag:s24] =	ssyncadd.s32 $0xFFFFE000  }
0x9e: {  	[spmem:s1] =	stream.indirect.scatter.add.f32 [tilespmem:s16], [sflag:$0x8], $0x80, s20, s12, $0xb8;
	[tilespmem:$0x12080] =	vst v63  }
0x9f: {  	s29 =	sadd.s32 $0x1, s29;
	s0 =	sadd.s32 s9, s0;
	_ =	swait.ge [sflag:s25], $0x2000  }
0xa0: {  	p0 =	sne.s32 s29, $0x5;
	s0 =	sshrl.u32 s0, $0x3;
	[sflag:s25] =	ssyncset.done $0x0  }
.Ltmp2:
0xa1: {  	s0 =	sadd.s32 s5, s0;
	[sflag:s25] =	ssyncadd.s32 $0xFFFFE000;
	(pc) =	sbr.rel @p0 .LBB2_4-.Ltmp2, $4  }
0xa2: {  	[hbm:s0], [sflag:s30] =	dma.local [spmem:s31], $0x400  }
0xa3: {  	_ =	swait.ge [sflag:s11], $0x400  }
0xa4: {  	[sflag:s11] =	ssyncset.done $0x0  }
0xa5: {  	s28 =	sadd.s32 $0x80, s28;
	[sflag:s11] =	ssyncadd.s32 $0xFFFFFC00  }
0xa6: {  	s26 =	sadd.s32 $0x1, s26  }
0xa7: {  	p0 =	sne.s32 s26, s10  }
.Ltmp3:
0xa8: {  	_ = 	snop;
	(pc) =	sbr.rel @p0 .LBB2_1-.Ltmp3, $1  }
0xa9: {  	_ =	sdelay $0x3  }
0xaa: {  	_ =	sfence.sel $0x180000  }
0xab: {  	[bflag:$0x0] =	sbarrier.arrive $0xFFFF  }
0xac: {  	_ =	strace $0x90000050  }
0xad: {  	[bflag:$0x2] =	sbarrier.arrive $0xFFFF  }
0xae: {  	p0 =	sne.s32 s3, $0x0;
	s0 =	rddreg [dreg:$0x3]  }
0xaf: {  	s0 =	sadd.s32 @!p0 $0x100000, s0  }
0xb0: {  	[sflag:s0] =	ssyncadd.tile.s32 @!p0 $0x1;
	_ =	shalt  }
.Lfunc_end2:
_tile_overlayer_lowered:
.L_overlay_start_2:
0xb1: {  	(tag) =	ssettag $0x2  }
0xb2: {  	s0 =	rddreg [dreg:$0x0];
	s2 =	stileid.u32  }
0xb3: {  	s1 =	rddreg [dreg:$0x1];
	p0 =	sne.s32 s2, $0x0  }
0xb4: {  	s3 =	rddreg [dreg:$0x2];
	[bflag:$0x3] =	sbarrier.arrive $0xFFFF;
	s2 =	simm.s32 @!p0 $0x1C09  }
0xb5: {  	[timem:s3], [sflag:s2] =	dma.local @!p0 [hbm:s0], s1  }
0xb6: {  	s0 =	simm.s32 @!p0 $0x9  }
0xb7: {  	_ =	swait.ge @!p0 [sflag:s0], s1  }
0xb8: {  	s1 =	ssub.s32 @!p0 $0x0, s1;
	[sflag:s0] =	ssyncset.done @!p0 $0x0  }
0xb9: {  	[sflag:s0] =	ssyncadd.s32 @!p0 s1  }
0xba: {  	[bflag:$0x3] =	sbarrier.arrive $0xFFFF  }
0xbb: {  	_ =	shalt  }

// kernel: kernel.25.cloned.1.call-start
scs
__scs_entry_jumppad:
0x0: {  	(pc) =	sbr.rel $0x88, $3  }
0x1: {  	(tag) =	ssettag $0x0;
	lr =	simm.s32 $0x1  }
0x2: {  	[smem:$0x3F9D] =	sst lr;
	_ =	strace $0xD0000000  }
0x3: {  	_ = 	snop  }
0x4: {  	_ = 	snop  }
0x5: {  	_ = 	snop  }
0x6: {  	_ = 	snop  }
0x7: {  	_ = 	snop  }
__scs_overlays_trampoline_lowered:
0x8: {  	[smem:$0x3FAC] =	sst s0  }
0x9: {  	[smem:$0x3FAD] =	sst s1  }
0xa: {  	[smem:$0x3FAE] =	sst s2  }
0xb: {  	[smem:$0x3FAF] =	sst s3  }
0xc: {  	[smem:$0x3FB0] =	sst s4  }
0xd: {  	[smem:$0x3FB1] =	sst s5  }
0xe: {  	[smem:$0x3FB2] =	sst s6  }
0xf: {  	[smem:$0x3FB3] =	sst s7  }
0x10: {  	[smem:$0x3FB4] =	sst s8  }
0x11: {  	[smem:$0x3FB5] =	sst s9;
	s0 =	simm.s32 @!p0 $0x0  }
0x12: {  	s1 =	sld [smem:$0x3F9B];
	s0 =	simm.s32 @p0 $0x1  }
0x13: {  	[smem:$0x3FB6] =	sst s0;
	s0 =	simm.s32 @!p1 $0x0  }
0x14: {  	s2 =	sld [smem:$0x3F9A];
	s0 =	simm.s32 @p1 $0x1  }
0x15: {  	[smem:$0x3FB7] =	sst s0;
	s0 =	simm.s32 @!p2 $0x0  }
0x16: {  	s3 =	sld [smem:$0x3FDB];
	s0 =	simm.s32 @p2 $0x1  }
0x17: {  	s4 =	simm.s32 $0x1BF5;
	[smem:$0x3FB9] =	sst s0  }
0x18: {  	s0 =	sld [smem:$0x3F9C];
	_ =	swait.ge [sflag:s4], $0x0  }
0x19: {  	s7 =	sld [smem:$0x3F9D]  }
0x1a: {  	s8 =	sadd.s32 $0xFFFFE003, lr  }
0x1b: {  	s9 =	sadd.s32 $0xFFFFFEF7, lr;
	s5 =	simm.s32 $0xFFFFFFFF;
	p2 =	slt.u32 s8, $0xFFFFF086  }
0x1c: {  	p1 =	slt.u32 s9, $0xF7A;
	s5 =	simm.s32 @!p2 $0x0  }
0x1d: {  	s5 =	simm.s32 @p1 $0x1;
	p0 =	seq.s32 s7, s2  }
0x1e: {  	s7 =	smul.u32 @!p0 $0xF7A, s2;
	p2 =	seq.s32 @!p0 s5, $0x0  }
0x1f: {  	s9 =	smul.u32 $0xF7A, s1;
	s8 =	simm.s32 @!p0 $0x1BF5;
	p2 =	por !p2, p0  }
0x20: {  	[sflag:s8] =	ssyncset.s32 @!p0 $0xFFFFF086;
	s6 =	sadd.s32 @!p0 s3, s7;
	s7 =	simm.s32 @!p0 $0x108  }
0x21: {  	s3 =	sadd.s32 s3, s9;
	s6 =	sadd.s32 @!p0 $0x88, s6;
	s7 =	simm.s32 @p2 $0x1082  }
0x22: {  	[simem:s7], [sflag:s8] =	dma.local @!p0 [hbm:s6], $0xF7A  }
0x23: {  	s9 =	sor.u32 $0xD0000000, s2;
	s6 =	simm.s32 $0x108;
	_ =	swait.ge @!p0 [sflag:s8], $0x0  }
0x24: {  	s3 =	sadd.s32 $0x88, s3;
	s6 =	simm.s32 @!p1 $0x1082;
	[sflag:s4] =	ssyncset.s32 $0xFFFFF086  }
0x25: {  	[simem:s6], [sflag:s4] =	dma.local [hbm:s3], $0xF7A  }
0x26: {  	[smem:$0x3F9D] =	sst s1;
	(tag) =	ssettag s2;
	_ =	strace s9  }
0x27: {  	s1 =	sld [smem:$0x3FAD]  }
0x28: {  	s2 =	sld [smem:$0x3FAE]  }
0x29: {  	s4 =	sld [smem:$0x3FB0]  }
0x2a: {  	p0 =	seq.s32 s5, $0x0;
	s5 =	sld [smem:$0x3FB1]  }
0x2b: {  	s6 =	sld [smem:$0x3FB2]  }
0x2c: {  	s7 =	sld [smem:$0x3FB3]  }
0x2d: {  	s3 =	simm.s32 $0x108;
	s8 =	sld [smem:$0x3FB4]  }
0x2e: {  	s3 =	simm.s32 @!p0 $0x1082;
	s9 =	sld [smem:$0x3FB5]  }
0x2f: {  	lr =	sadd.s32 s0, s3;
	s0 =	sld [smem:$0x3FAC]  }
0x30: {  	s3 =	sld [smem:$0x3FAF]  }
0x31: {  	[smem:$0x3FB8] =	sst s10  }
0x32: {  	s10 =	sld [smem:$0x3FB6];
	_ =	sdelay $0x3  }
0x33: {  	p0 =	seq.s32 s10, $0x1;
	s10 =	sld [smem:$0x3FB8];
	_ =	sdelay $0x3  }
0x34: {  	[smem:$0x3FB8] =	sst s10  }
0x35: {  	s10 =	sld [smem:$0x3FB7];
	_ =	sdelay $0x3  }
0x36: {  	p1 =	seq.s32 s10, $0x1;
	s10 =	sld [smem:$0x3FB8];
	_ =	sdelay $0x3  }
0x37: {  	[smem:$0x3FB8] =	sst s10  }
0x38: {  	s10 =	sld [smem:$0x3FB9]  }
0x39: {  	_ = 	snop;
	(pc) =	sbr.ind lr, $3  }
0x3a: {  	_ = 	snop  }
0x3b: {  	_ = 	snop  }
0x3c: {  	p2 =	seq.s32 s10, $0x1;
	s10 =	sld [smem:$0x3FB8]  }
0x3d: {  	_ =	shalt  }
0x3e: {  	_ =	shalt  }
0x3f: {  	_ =	shalt  }
0x40: {  	_ =	shalt  }
0x41: {  	_ =	shalt  }
0x42: {  	_ =	shalt  }
0x43: {  	_ =	shalt  }
0x44: {  	_ =	shalt  }
0x45: {  	_ =	shalt  }
0x46: {  	_ =	shalt  }
0x47: {  	_ =	shalt  }
0x48: {  	_ =	shalt  }
0x49: {  	_ =	shalt  }
0x4a: {  	_ =	shalt  }
0x4b: {  	_ =	shalt  }
0x4c: {  	_ =	shalt  }
0x4d: {  	_ =	shalt  }
0x4e: {  	_ =	shalt  }
0x4f: {  	_ =	shalt  }
0x50: {  	_ =	shalt  }
0x51: {  	_ =	shalt  }
0x52: {  	_ =	shalt  }
0x53: {  	_ =	shalt  }
0x54: {  	_ =	shalt  }
0x55: {  	_ =	shalt  }
0x56: {  	_ =	shalt  }
0x57: {  	_ =	shalt  }
0x58: {  	_ =	shalt  }
0x59: {  	_ =	shalt  }
0x5a: {  	_ =	shalt  }
0x5b: {  	_ =	shalt  }
0x5c: {  	_ =	shalt  }
0x5d: {  	_ =	shalt  }
0x5e: {  	_ =	shalt  }
0x5f: {  	_ =	shalt  }
0x60: {  	_ =	shalt  }
0x61: {  	_ =	shalt  }
0x62: {  	_ =	shalt  }
0x63: {  	_ =	shalt  }
0x64: {  	_ =	shalt  }
0x65: {  	_ =	shalt  }
0x66: {  	_ =	shalt  }
0x67: {  	_ =	shalt  }
0x68: {  	_ =	shalt  }
0x69: {  	_ =	shalt  }
0x6a: {  	_ =	shalt  }
0x6b: {  	_ =	shalt  }
0x6c: {  	_ =	shalt  }
0x6d: {  	_ =	shalt  }
0x6e: {  	_ =	shalt  }
0x6f: {  	_ =	shalt  }
0x70: {  	_ =	shalt  }
0x71: {  	_ =	shalt  }
0x72: {  	_ =	shalt  }
0x73: {  	_ =	shalt  }
0x74: {  	_ =	shalt  }
0x75: {  	_ =	shalt  }
0x76: {  	_ =	shalt  }
0x77: {  	_ =	shalt  }
0x78: {  	_ =	shalt  }
0x79: {  	_ =	shalt  }
0x7a: {  	_ =	shalt  }
0x7b: {  	_ =	shalt  }
0x7c: {  	_ =	shalt  }
0x7d: {  	_ =	shalt  }
0x7e: {  	_ =	shalt  }
0x7f: {  	_ =	shalt  }
0x80: {  	_ =	shalt  }
0x81: {  	_ =	shalt  }
0x82: {  	_ =	shalt  }
0x83: {  	_ =	shalt  }
0x84: {  	_ =	shalt  }
0x85: {  	_ =	shalt  }
0x86: {  	_ =	shalt  }
0x87: {  	_ =	shalt  }
.Lfunc_end0:
.L_simem_size_0:
called_computation.4_lowered:
.L_overlay_start_0:
0x88: {  	s2 =	sld [smem:$0x3FD9]  }
0x89: {  	s3 =	sld [smem:$0x3FFE];
	_ =	sdelay $0x1  }
0x8a: {  	s1 =	srdreg.scid  }
0x8b: {  	s0 =	sand.u32 $0x1, s1  }
0x8c: {  	s17 =	sshll.u32 s0, $0xA;
	s2 =	sadd.s32 s3, s2  }
0x8d: {  	s2 =	sadd.s32 s2, s17  }
0x8e: {  	[smem:$0x3FC4] =	sst s2  }
0x8f: {  	_ = 	snop  }
0x90: {  	s2 =	sld [smem:$0x3FD0];
	(tm) =	ssettm $0x1  }
0x91: {  	s18 =	sld [smem:$0x3FFB];
	_ =	sdelay $0x3  }
0x92: {  	_ =	strace s18  }
0x93: {  	s3 =	sld [smem:$0x3FFC];
	_ =	sdelay $0x3  }
0x94: {  	_ =	strace s3  }
0x95: {  	s3 =	sld [smem:$0x3FFD];
	_ =	sdelay $0x3  }
0x96: {  	_ =	strace s3  }
0x97: {  	_ =	strace $0x8FFFFFFF  }
0x98: {  	s19 =	sld [smem:$0x3FDB];
	_ =	sdelay $0x1  }
0x99: {  	s4 =	simm.s32 $_scs_section_size  }
0x9a: {  	s5 =	simm.s32 $_size__tile_overlayer_lowered;
	s6 =	simm.s32 $_tile_overlayer_lowered  }
0x9b: {  	s22 =	simm.s32 $0x1BFF;
	s21 =	sshll.u32 s6, $0x1;
	s3 =	sadd.s32 s4, s19  }
0x9c: {  	s7 =	simm.s32 $0x0;
	s20 =	sshll.u32 s5, $0x1;
	s5 =	sadd.s32 s21, s3  }
0x9d: {  	[timem:s7], [sflag:s22] =	dma.local [hbm:s5], s20  }
0x9e: {  	_ =	swait.ge [sflag:s22], s20  }
0x9f: {  	s4 =	ssub.s32 $0x0, s20;
	[sflag:s22] =	ssyncset.done $0x0  }
0xa0: {  	[sflag:s22] =	ssyncadd.s32 s4;
	_ =	sdelay $0x1  }
0xa1: {  	s23 =	simm.s32 $0x1B8B  }
0xa2: {  	_ =	swait.ge [sflag:s23], $0x1  }
0xa3: {  	[sflag:s23] =	ssyncset.done $0x0  }
0xa4: {  	s25 =	simm.s32 $0x1B8E;
	s24 =	sld [smem:$0x3FFE];
	[sflag:s23] =	ssyncadd.s32 $0xFFFFFFFF  }
0xa5: {  	s26 =	simm.s32 $execute0_lowered;
	[smem:$0x3FD2] =	sst s25  }
0xa6: {  	s5 =	sshll.u32 s26, $0x1;
	_ =	strace $0x80000052;
	[dreg:$0x1] =	wrdreg $0xFFFFFFFF  }
0xa7: {  	s28 =	simm.s32 $_size_execute0_lowered;
	s3 =	sadd.s32 s3, s5;
	[dreg:$0x0] =	wrdreg $0x0  }
0xa8: {  	s5 =	sshll.u32 s28, $0x1;
	[dreg:$0x2] =	wrdreg s3  }
0xa9: {  	[dreg:$0x3] =	wrdreg s5  }
0xaa: {  	[dreg:$0x4] =	wrdreg $0xC0  }
0xab: {  	_ =	task [dreg:s7], $0x5FFFF  }
0xac: {  	[dreg:$0x1] =	wrdreg $0xFFFFFFFF  }
0xad: {  	[dreg:$0x0] =	wrdreg $0x60  }
0xae: {  	[dreg:$0x2] =	wrdreg s2  }
0xaf: {  	[dreg:$0x3] =	wrdreg s24  }
0xb0: {  	[dreg:$0x4] =	wrdreg $0x100800  }
0xb1: {  	[dreg:$0x5] =	wrdreg $0x9  }
0xb2: {  	_ =	task.clear_ibuf [dreg:s7], $0x6FFFF;
	_ =	strace $0x90000052  }
0xb3: {  	s29 =	simm.s32 $0x9;
	_ =	strace $0x80000054  }
0xb4: {  	_ =	swait.ge [sflag:s29], $0x1  }
0xb5: {  	[sflag:s29] =	ssyncadd.s32 $0xFFFFFFFF  }
0xb6: {  	_ =	strace $0x90000054  }
0xb7: {  	_ =	sfence  }
0xb8: {  	s30 =	sld [smem:$0x0];
	_ =	sdelay $0x2  }
0xb9: {  	s31 =	sshll.u32 s1, $0xD;
	s1 =	sshrl.u32 s1, $0x2  }
0xba: {  	s3 =	sand.u32 $0x4000, s31;
	s1 =	sadd.s32 s1, s30  }
0xbb: {  	s0 =	sor.u32 s3, s0;
	s1 =	sshll.u32 s1, $0x11  }
0xbc: {  	s0 =	sor.u32 s1, s0  }
0xbd: {  	s0 =	sadd.s32 $0x8F2B, s0  }
0xbe: {  	[sflag:s0] =	ssyncadd.remote.s32 $0x1  }
0xbf: {  	_ =	sfence.sel $0xFFFF  }
0xc0: {  	[dreg:$0x0] =	wrdreg $0xFFFFFFFF;
	(pc) =	sbr.abs _section_cstart, $3  }
0xc1: {  	[dreg:$0x1] =	wrdreg $0xFFFFFFFF  }
0xc2: {  	_ =	task.clear_ibuf [dreg:s7], $0x2FFFF;
	_ =	strace $0x9FFFFFFF  }
0xc3: {  	(tm) =	ssettm $0x7FFFFFFF  }
tec
execute0_lowered:
.L_overlay_start_1:
0x0: {  	(tag) =	ssettag $0x1  }
0x1: {  	s7 =	rddreg [dreg:$0x0]  }
0x2: {  	s5 =	rddreg [dreg:$0x1]  }
0x3: {  	s1 =	rddreg [dreg:$0x2]  }
0x4: {  	s2 =	simm.s32 $0x0;
	s3 =	srdreg.scid;
	s12 =	simm.s32 $0x40  }
0x5: {  	s13 =	simm.s32 $0x8000;
	s14 =	simm.s32 $0xA000;
	s15 =	simm.s32 $0xC000  }
0x6: {  	s16 =	simm.s32 $0xE000;
	s17 =	simm.s32 $0x1;
	s18 =	simm.s32 $0x5  }
0x7: {  	s19 =	simm.s32 $0x2;
	s20 =	simm.s32 $0x10000;
	s21 =	simm.s32 $0x6  }
0x8: {  	s22 =	simm.s32 $0x3;
	s23 =	simm.s32 $0x7;
	s24 =	simm.s32 $0x4  }
0x9: {  	s25 =	simm.s32 $0x8;
	s26 =	simm.s32 $0x0;
	[smem:$0x7FF] =	sst s2  }
0xa: {  	s4 =	sadd.s32 $0x3400, s5;
	s6 =	sand.u32 $0x1, s3;
	s3 =	stileid.u32  }
0xb: {  	s5 =	sadd.s32 $0x2B400, s5;
	_ =	strace $0x80000053;
	s8 =	ssub.s32 $0x2, s6  }
0xc: {  	v1 =	vlaneseq.u32;
	s6 =	sshll.u32 s6, $0x4;
	s31 =	sshll.u32 s3, $0xD;
	s9 =	sshrl.u32 s8, $0x1  }
0xd: {  	v2 =	vor.u32 $0x10, v1;
	s10 =	sor.u32 s3, s6;
	s6 =	sshll.u32 s3, $0x6;
	s11 =	ssub.s32 s8, s9  }
0xe: {  	v3 =	vor.u32 $0x20, v1;
	v4 =	vor.u32 $0x30, v1;
	s30 =	sshll.u32 s10, $0xC;
	s8 =	sadd.s32 s31, s1;
	s9 =	smul.u32 $0xA000, s10;
	v0 =	vor.u32 s6, v1  }
0xf: {  	v1 =	vor.u32 s6, v2;
	v2 =	vor.u32 s6, v3;
	v3 =	vor.u32 s6, v4;
	s7 =	sadd.s32 s7, s30;
	s10 =	smax.u32 s11, $0x1;
	s11 =	simm.s32 $0x9  }
.LBB2_1:
0x10: {  	[tilespmem:$0x10000] =	vst v0  }
0x11: {  	[tilespmem:$0x10010] =	vst v1  }
0x12: {  	[tilespmem:$0x10020] =	vst v2;
	s28 =	simm.s32 $0x80  }
0x13: {  	[tilespmem:$0x10030] =	vst v3;
	s31 =	sadd.s32 $0x0, s7;
	s29 =	simm.s32 $0x400;
	s30 =	simm.s32 $0x0  }
.LBB2_2:
0x14: {  	[tilespmem:s30], [sflag:$0x9] =	stream.linear.gather [hbm4b:s31+s2], $0x280, $0x38;
	[tilespmem:$0x12080] =	vst v63  }
0x15: {  	s31 =	smov.u32 s28;
	s30 =	smov.u32 s29;
	p0 =	sne.s32 s28, $0xF80  }
.Ltmp0:
0x16: {  	s28 =	sadd.s32 $0x80, s28;
	(pc) =	sbr.rel @p0 .LBB2_2-.Ltmp0, $2  }
0x17: {  	_ =	sdelay $0x2  }
0x18: {  	s29 =	sadd.s32 $0x400, s29;
	s31 =	sadd.s32 s31, s7  }
0x19: {  	[tilespmem:s30], [sflag:$0x9] =	stream.linear.gather [hbm4b:s31+s2], $0x280, $0x38;
	[tilespmem:$0x12080] =	vst v63  }
0x1a: {  	_ =	swait.ge [sflag:s11], $0x5000  }
0x1b: {  	[sflag:s11] =	ssyncset.done $0x0  }
0x1c: {  	s28 =	simm.s32 $0x0;
	s29 =	simm.s32 $0x0;
	[sflag:s11] =	ssyncadd.s32 $0xFFFFB000  }
.LBB2_4:
0x1d: {  	s30 =	sshll.u32 s29, $0x7  }
0x1e: {  	[tilespmem:s13], [sflag:$0x1] =	stream.indirect.gather [hbm4b:s4+s12], $0x80, s30, s12, $0xb8;
	[tilespmem:$0x12080] =	vst v63  }
0x1f: {  	s31 =	sadd.s32 $0x400, s30  }
0x20: {  	[tilespmem:s14], [sflag:$0x2] =	stream.indirect.gather [hbm4b:s4+s12], $0x80, s31, s12, $0xb8;
	[tilespmem:$0x12080] =	vst v63  }
0x21: {  	s31 =	sadd.s32 $0x800, s30  }
0x22: {  	[tilespmem:s15], [sflag:$0x3] =	stream.indirect.gather [hbm4b:s4+s12], $0x80, s31, s12, $0xb8;
	[tilespmem:$0x12080] =	vst v63  }
0x23: {  	s31 =	sadd.s32 $0xC00, s30  }
0x24: {  	[tilespmem:s16], [sflag:$0x4] =	stream.indirect.gather [hbm4b:s4+s12], $0x80, s31, s12, $0xb8;
	[tilespmem:$0x12080] =	vst v63  }
0x25: {  	_ =	swait.ge [sflag:s17], $0x2000  }
0x26: {  	[sflag:s17] =	ssyncset.done $0x0  }
0x27: {  	[sflag:s17] =	ssyncadd.s32 $0xFFFFE000  }
0x28: {  	[spmem:s8] =	stream.linear.scatter [tilespmem:s13], [sflag:$0x5], $0x2000, $0x38;
	[tilespmem:$0x12080] =	vst v63  }
0x29: {  	_ =	swait.ge [sflag:s18], $0x2000  }
0x2a: {  	[sflag:s18] =	ssyncset.done $0x0  }
0x2b: {  	s31 =	sadd.s32 $0x1000, s30;
	[sflag:s18] =	ssyncadd.s32 $0xFFFFE000  }
0x2c: {  	[tilespmem:s13], [sflag:$0x1] =	stream.indirect.gather [hbm4b:s4+s12], $0x80, s31, s12, $0xb8;
	[tilespmem:$0x12080] =	vst v63  }
0x2d: {  	_ =	swait.ge [sflag:s19], $0x2000  }
0x2e: {  	[sflag:s19] =	ssyncset.done $0x0  }
0x2f: {  	[sflag:s19] =	ssyncadd.s32 $0xFFFFE000  }
0x30: {  	[spmem:s1] =	stream.indirect.scatter.add.f32 [tilespmem:s14], [sflag:$0x6], $0x80, s20, s12, $0xb8;
	[tilespmem:$0x12080] =	vst v63  }
0x31: {  	_ =	swait.ge [sflag:s21], $0x2000  }
0x32: {  	[sflag:s21] =	ssyncset.done $0x0  }
0x33: {  	s31 =	sadd.s32 $0x1400, s30;
	[sflag:s21] =	ssyncadd.s32 $0xFFFFE000  }
0x34: {  	[tilespmem:s14], [sflag:$0x2] =	stream.indirect.gather [hbm4b:s4+s12], $0x80, s31, s12, $0xb8;
	[tilespmem:$0x12080] =	vst v63  }
0x35: {  	_ =	swait.ge [sflag:s22], $0x2000  }
0x36: {  	[sflag:s22] =	ssyncset.done $0x0  }
0x37: {  	[sflag:s22] =	ssyncadd.s32 $0xFFFFE000  }
0x38: {  	[spmem:s1] =	stream.indirect.scatter.add.f32 [tilespmem:s15], [sflag:$0x7], $0x80, s20, s12, $0xb8;
	[tilespmem:$0x12080] =	vst v63  }
0x39: {  	_ =	swait.ge [sflag:s23], $0x2000  }
0x3a: {  	[sflag:s23] =	ssyncset.done $0x0  }
0x3b: {  	s31 =	sadd.s32 $0x1800, s30;
	[sflag:s23] =	ssyncadd.s32 $0xFFFFE000  }
0x3c: {  	[tilespmem:s15], [sflag:$0x3] =	stream.indirect.gather [hbm4b:s4+s12], $0x80, s31, s12, $0xb8;
	[tilespmem:$0x12080] =	vst v63  }
0x3d: {  	_ =	swait.ge [sflag:s24], $0x2000  }
0x3e: {  	[sflag:s24] =	ssyncset.done $0x0  }
0x3f: {  	[sflag:s24] =	ssyncadd.s32 $0xFFFFE000  }
0x40: {  	[spmem:s1] =	stream.indirect.scatter.add.f32 [tilespmem:s16], [sflag:$0x8], $0x80, s20, s12, $0xb8;
	[tilespmem:$0x12080] =	vst v63  }
0x41: {  	_ =	swait.ge [sflag:s25], $0x2000  }
0x42: {  	[sflag:s25] =	ssyncset.done $0x0  }
0x43: {  	s30 =	sadd.s32 $0x1C00, s30;
	[sflag:s25] =	ssyncadd.s32 $0xFFFFE000  }
0x44: {  	[tilespmem:s16], [sflag:$0x4] =	stream.indirect.gather [hbm4b:s4+s12], $0x80, s30, s12, $0xb8;
	[tilespmem:$0x12080] =	vst v63  }
0x45: {  	_ =	swait.ge [sflag:s17], $0x2000  }
0x46: {  	[sflag:s17] =	ssyncset.done $0x0  }
0x47: {  	[sflag:s17] =	ssyncadd.s32 $0xFFFFE000  }
0x48: {  	[spmem:s1] =	stream.indirect.scatter.add.f32 [tilespmem:s13], [sflag:$0x5], $0x80, s20, s12, $0xb8;
	[tilespmem:$0x12080] =	vst v63  }
0x49: {  	_ =	swait.ge [sflag:s18], $0x2000  }
0x4a: {  	s31 =	sadd.s32 $0xFFFFA000, s28;
	[sflag:s18] =	ssyncset.done $0x0  }
0x4b: {  	s30 =	sadd.s32 $0x8000, s31;
	[sflag:s18] =	ssyncadd.s32 $0xFFFFE000  }
0x4c: {  	[tilespmem:s13], [sflag:$0x1] =	stream.indirect.gather [hbm4b:s4+s12], $0x80, s30, s12, $0xb8;
	[tilespmem:$0x12080] =	vst v63  }
0x4d: {  	_ =	swait.ge [sflag:s19], $0x2000  }
0x4e: {  	[sflag:s19] =	ssyncset.done $0x0  }
0x4f: {  	[sflag:s19] =	ssyncadd.s32 $0xFFFFE000  }
0x50: {  	[spmem:s1] =	stream.indirect.scatter.add.f32 [tilespmem:s14], [sflag:$0x6], $0x80, s20, s12, $0xb8;
	[tilespmem:$0x12080] =	vst v63  }
0x51: {  	_ =	swait.ge [sflag:s21], $0x2000  }
0x52: {  	[sflag:s21] =	ssyncset.done $0x0  }
0x53: {  	s30 =	sadd.s32 $0x8400, s31;
	[sflag:s21] =	ssyncadd.s32 $0xFFFFE000  }
0x54: {  	[tilespmem:s14], [sflag:$0x2] =	stream.indirect.gather [hbm4b:s4+s12], $0x80, s30, s12, $0xb8;
	[tilespmem:$0x12080] =	vst v63  }
0x55: {  	_ =	swait.ge [sflag:s22], $0x2000  }
0x56: {  	[sflag:s22] =	ssyncset.done $0x0  }
0x57: {  	[sflag:s22] =	ssyncadd.s32 $0xFFFFE000  }
0x58: {  	[spmem:s1] =	stream.indirect.scatter.add.f32 [tilespmem:s15], [sflag:$0x7], $0x80, s20, s12, $0xb8;
	[tilespmem:$0x12080] =	vst v63  }
0x59: {  	_ =	swait.ge [sflag:s23], $0x2000  }
0x5a: {  	[sflag:s23] =	ssyncset.done $0x0  }
0x5b: {  	s30 =	sadd.s32 $0x8800, s31;
	[sflag:s23] =	ssyncadd.s32 $0xFFFFE000  }
0x5c: {  	[tilespmem:s15], [sflag:$0x3] =	stream.indirect.gather [hbm4b:s4+s12], $0x80, s30, s12, $0xb8;
	[tilespmem:$0x12080] =	vst v63  }
0x5d: {  	_ =	swait.ge [sflag:s24], $0x2000  }
0x5e: {  	[sflag:s24] =	ssyncset.done $0x0  }
0x5f: {  	[sflag:s24] =	ssyncadd.s32 $0xFFFFE000  }
0x60: {  	[spmem:s1] =	stream.indirect.scatter.add.f32 [tilespmem:s16], [sflag:$0x8], $0x80, s20, s12, $0xb8;
	[tilespmem:$0x12080] =	vst v63  }
0x61: {  	_ =	swait.ge [sflag:s25], $0x2000  }
0x62: {  	[sflag:s25] =	ssyncset.done $0x0  }
0x63: {  	s31 =	sadd.s32 $0x8C00, s31;
	s30 =	simm.s32 $0xFFFEC000;
	[sflag:s25] =	ssyncadd.s32 $0xFFFFE000  }
.LBB2_5:
0x64: {  	[tilespmem:s16], [sflag:$0x4] =	stream.indirect.gather [hbm4b:s4+s12], $0x80, s31, s12, $0xb8;
	[tilespmem:$0x12080] =	vst v63  }
0x65: {  	s31 =	smov.u32 s30  }
0x66: {  	p0 =	sne.s32 s30, $0xFFFFC000;
	s30 =	sadd.s32 $0x4000, s30;
	_ =	swait.ge [sflag:s17], $0x2000  }
0x67: {  	[sflag:s17] =	ssyncset.done $0x0  }
0x68: {  	[sflag:s17] =	ssyncadd.s32 $0xFFFFE000  }
0x69: {  	[spmem:s1] =	stream.indirect.scatter.add.f32 [tilespmem:s13], [sflag:$0x5], $0x80, s20, s12, $0xb8;
	[tilespmem:$0x12080] =	vst v63  }
0x6a: {  	s31 =	sshra.s32 s31, $0x2;
	_ =	swait.ge [sflag:s18], $0x2000  }
0x6b: {  	s31 =	sadd.s32 s31, s28;
	[sflag:s18] =	ssyncset.done $0x0  }
0x6c: {  	s0 =	sadd.s32 $0x8000, s31;
	[sflag:s18] =	ssyncadd.s32 $0xFFFFE000  }
0x6d: {  	[tilespmem:s13], [sflag:$0x1] =	stream.indirect.gather [hbm4b:s4+s12], $0x80, s0, s12, $0xb8;
	[tilespmem:$0x12080] =	vst v63  }
0x6e: {  	_ =	swait.ge [sflag:s19], $0x2000  }
0x6f: {  	[sflag:s19] =	ssyncset.done $0x0  }
0x70: {  	[sflag:s19] =	ssyncadd.s32 $0xFFFFE000  }
0x71: {  	[spmem:s1] =	stream.indirect.scatter.add.f32 [tilespmem:s14], [sflag:$0x6], $0x80, s20, s12, $0xb8;
	[tilespmem:$0x12080] =	vst v63  }
0x72: {  	_ =	swait.ge [sflag:s21], $0x2000  }
0x73: {  	[sflag:s21] =	ssyncset.done $0x0  }
0x74: {  	s0 =	sadd.s32 $0x8400, s31;
	[sflag:s21] =	ssyncadd.s32 $0xFFFFE000  }
0x75: {  	[tilespmem:s14], [sflag:$0x2] =	stream.indirect.gather [hbm4b:s4+s12], $0x80, s0, s12, $0xb8;
	[tilespmem:$0x12080] =	vst v63  }
0x76: {  	_ =	swait.ge [sflag:s22], $0x2000  }
0x77: {  	[sflag:s22] =	ssyncset.done $0x0  }
0x78: {  	[sflag:s22] =	ssyncadd.s32 $0xFFFFE000  }
0x79: {  	[spmem:s1] =	stream.indirect.scatter.add.f32 [tilespmem:s15], [sflag:$0x7], $0x80, s20, s12, $0xb8;
	[tilespmem:$0x12080] =	vst v63  }
0x7a: {  	_ =	swait.ge [sflag:s23], $0x2000  }
0x7b: {  	[sflag:s23] =	ssyncset.done $0x0  }
0x7c: {  	s0 =	sadd.s32 $0x8800, s31;
	[sflag:s23] =	ssyncadd.s32 $0xFFFFE000  }
0x7d: {  	[tilespmem:s15], [sflag:$0x3] =	stream.indirect.gather [hbm4b:s4+s12], $0x80, s0, s12, $0xb8;
	[tilespmem:$0x12080] =	vst v63  }
0x7e: {  	_ =	swait.ge [sflag:s24], $0x2000  }
0x7f: {  	[sflag:s24] =	ssyncset.done $0x0  }
.Ltmp1:
0x80: {  	[sflag:s24] =	ssyncadd.s32 $0xFFFFE000;
	(pc) =	sbr.rel @p0 .LBB2_5-.Ltmp1, $4  }
0x81: {  	[spmem:s1] =	stream.indirect.scatter.add.f32 [tilespmem:s16], [sflag:$0x8], $0x80, s20, s12, $0xb8;
	[tilespmem:$0x12080] =	vst v63  }
0x82: {  	_ =	swait.ge [sflag:s25], $0x2000  }
0x83: {  	[sflag:s25] =	ssyncset.done $0x0  }
0x84: {  	s31 =	sadd.s32 $0x8C00, s31;
	[sflag:s25] =	ssyncadd.s32 $0xFFFFE000  }
0x85: {  	[tilespmem:s16], [sflag:$0x4] =	stream.indirect.gather [hbm4b:s4+s12], $0x80, s31, s12, $0xb8;
	[tilespmem:$0x12080] =	vst v63  }
0x86: {  	_ =	swait.ge [sflag:s17], $0x2000  }
0x87: {  	[sflag:s17] =	ssyncset.done $0x0  }
0x88: {  	[sflag:s17] =	ssyncadd.s32 $0xFFFFE000  }
0x89: {  	[spmem:s1] =	stream.indirect.scatter.add.f32 [tilespmem:s13], [sflag:$0x5], $0x80, s20, s12, $0xb8;
	[tilespmem:$0x12080] =	vst v63  }
0x8a: {  	_ =	swait.ge [sflag:s18], $0x2000  }
0x8b: {  	[sflag:s18] =	ssyncset.done $0x0  }
0x8c: {  	[sflag:s18] =	ssyncadd.s32 $0xFFFFE000  }
0x8d: {  	_ =	swait.ge [sflag:s19], $0x2000  }
0x8e: {  	[sflag:s19] =	ssyncset.done $0x0  }
0x8f: {  	[sflag:s19] =	ssyncadd.s32 $0xFFFFE000  }
0x90: {  	[spmem:s1] =	stream.indirect.scatter.add.f32 [tilespmem:s14], [sflag:$0x6], $0x80, s20, s12, $0xb8;
	[tilespmem:$0x12080] =	vst v63  }
0x91: {  	_ =	swait.ge [sflag:s21], $0x2000  }
0x92: {  	[sflag:s21] =	ssyncset.done $0x0  }
0x93: {  	[sflag:s21] =	ssyncadd.s32 $0xFFFFE000  }
0x94: {  	_ =	swait.ge [sflag:s22], $0x2000  }
0x95: {  	[sflag:s22] =	ssyncset.done $0x0  }
0x96: {  	[sflag:s22] =	ssyncadd.s32 $0xFFFFE000  }
0x97: {  	[spmem:s1] =	stream.indirect.scatter.add.f32 [tilespmem:s15], [sflag:$0x7], $0x80, s20, s12, $0xb8;
	[tilespmem:$0x12080] =	vst v63  }
0x98: {  	_ =	swait.ge [sflag:s23], $0x2000  }
0x99: {  	[sflag:s23] =	ssyncset.done $0x0  }
0x9a: {  	[sflag:s23] =	ssyncadd.s32 $0xFFFFE000  }
0x9b: {  	_ =	swait.ge [sflag:s24], $0x2000  }
0x9c: {  	s0 =	sshll.u32 s29, $0xD;
	[sflag:s24] =	ssyncset.done $0x0  }
0x9d: {  	s30 =	sor.u32 $0x1C09, s6;
	s31 =	sshrl.u32 s8, $0x3;
	[sflag:s24] =	ssyncadd.s32 $0xFFFFE000  }
0x9e: {  	[spmem:s1] =	stream.indirect.scatter.add.f32 [tilespmem:s16], [sflag:$0x8], $0x80, s20, s12, $0xb8;
	[tilespmem:$0x12080] =	vst v63  }
0x9f: {  	s29 =	sadd.s32 $0x1, s29;
	s0 =	sadd.s32 s9, s0;
	_ =	swait.ge [sflag:s25], $0x2000  }
0xa0: {  	p0 =	sne.s32 s29, $0x5;
	s0 =	sshrl.u32 s0, $0x3;
	[sflag:s25] =	ssyncset.done $0x0  }
.Ltmp2:
0xa1: {  	s0 =	sadd.s32 s5, s0;
	[sflag:s25] =	ssyncadd.s32 $0xFFFFE000;
	(pc) =	sbr.rel @p0 .LBB2_4-.Ltmp2, $4  }
0xa2: {  	[hbm:s0], [sflag:s30] =	dma.local [spmem:s31], $0x400  }
0xa3: {  	_ =	swait.ge [sflag:s11], $0x400  }
0xa4: {  	[sflag:s11] =	ssyncset.done $0x0  }
0xa5: {  	s28 =	sadd.s32 $0x80, s28;
	[sflag:s11] =	ssyncadd.s32 $0xFFFFFC00  }
0xa6: {  	s26 =	sadd.s32 $0x1, s26  }
0xa7: {  	p0 =	sne.s32 s26, s10  }
.Ltmp3:
0xa8: {  	_ = 	snop;
	(pc) =	sbr.rel @p0 .LBB2_1-.Ltmp3, $1  }
0xa9: {  	_ =	sdelay $0x3  }
0xaa: {  	_ =	sfence.sel $0x180000  }
0xab: {  	[bflag:$0x0] =	sbarrier.arrive $0xFFFF  }
0xac: {  	_ =	strace $0x90000053  }
0xad: {  	[bflag:$0x2] =	sbarrier.arrive $0xFFFF  }
0xae: {  	p0 =	sne.s32 s3, $0x0;
	s0 =	rddreg [dreg:$0x3]  }
0xaf: {  	s0 =	sadd.s32 @!p0 $0x100000, s0  }
0xb0: {  	[sflag:s0] =	ssyncadd.tile.s32 @!p0 $0x1;
	_ =	shalt  }
.Lfunc_end2:
_tile_overlayer_lowered:
.L_overlay_start_2:
0xb1: {  	(tag) =	ssettag $0x2  }
0xb2: {  	s0 =	rddreg [dreg:$0x0];
	s2 =	stileid.u32  }
0xb3: {  	s1 =	rddreg [dreg:$0x1];
	p0 =	sne.s32 s2, $0x0  }
0xb4: {  	s3 =	rddreg [dreg:$0x2];
	[bflag:$0x3] =	sbarrier.arrive $0xFFFF;
	s2 =	simm.s32 @!p0 $0x1C09  }
0xb5: {  	[timem:s3], [sflag:s2] =	dma.local @!p0 [hbm:s0], s1  }
0xb6: {  	s0 =	simm.s32 @!p0 $0x9  }
0xb7: {  	_ =	swait.ge @!p0 [sflag:s0], s1  }
0xb8: {  	s1 =	ssub.s32 @!p0 $0x0, s1;
	[sflag:s0] =	ssyncset.done @!p0 $0x0  }
0xb9: {  	[sflag:s0] =	ssyncadd.s32 @!p0 s1  }
0xba: {  	[bflag:$0x3] =	sbarrier.arrive $0xFFFF  }
0xbb: {  	_ =	shalt  }

</sc_bundles>
